<compile_context>
chip_gen: v7x
topology: tpu7x:2x2x1
jax: 0.10.2.dev20260603
libtpu: 0.0.44.dev20260713+nightly
codegen_flags: <defaults>
</compile_context>

<pallas_src>
import jax
import jax.numpy as jnp
from jax import lax
from jax.experimental import pallas as pl
from jax.experimental.pallas import tpu as pltpu
from jax.experimental.pallas import tpu_sc as plsc

H = 224
NB = 1536
NW = 32
BPW = NB // NW


def _sc_body(x_hbm, idx_hbm, out_hbm, idx_v, shared, g0, g1, s0, s1):
    sid = lax.axis_index("s")
    wid = sid * 2 + lax.axis_index("c")
    base = wid * BPW
    pltpu.sync_copy(idx_hbm.at[pl.ds(base, BPW)], idx_v)

    gsems = (g0, g1)
    ssems = (s0, s1)

    def src_row(i):
        return idx_v[pl.ds((i // 16) * 16, 16)][i % 16]

    def buf(i):
        return shared.at[sid, i % 2]

    def start_gather(i):
        pltpu.async_copy(x_hbm.at[pl.ds(src_row(i), 1)], buf(i), gsems[i % 2])

    def wait_gather(i):
        pltpu.make_async_copy(
            x_hbm.at[pl.ds(0, 1)], buf(i), gsems[i % 2]
        ).wait()

    def start_store(i):
        pltpu.async_copy(buf(i), out_hbm.at[pl.ds(base + i, 1)], ssems[i % 2])

    def wait_store(i):
        pltpu.make_async_copy(
            buf(i), out_hbm.at[pl.ds(base + i, 1)], ssems[i % 2]
        ).wait()

    start_gather(0)
    start_gather(1)
    for i in range(BPW):
        wait_gather(i)
        start_store(i)
        if i + 2 < BPW:
            wait_store(i)
            start_gather(i + 2)
    wait_store(BPW - 2)
    wait_store(BPW - 1)


def kernel(x, permutation):
    b, c, h, w = x.shape
    xr = x.reshape(NB, H, H)
    idx = (
        jnp.arange(b, dtype=jnp.int32)[:, None] * c
        + permutation.astype(jnp.int32)[None, :]
    ).reshape(NB)
    mesh = plsc.VectorSubcoreMesh(core_axis_name="c", subcore_axis_name="s")
    out = pl.kernel(
        _sc_body,
        mesh=mesh,
        out_type=jax.ShapeDtypeStruct((NB, H, H), x.dtype),
        scratch_types=[
            pltpu.VMEM((BPW,), jnp.int32),
            pltpu.VMEM_SHARED((16, 2, 1, H, H), jnp.float32),
            pltpu.SemaphoreType.DMA,
            pltpu.SemaphoreType.DMA,
            pltpu.SemaphoreType.DMA,
            pltpu.SemaphoreType.DMA,
        ],
    )(xr, idx)
    return out.reshape(b, c, h, w)

# --- scband reference (transcript-rebuilt; emitter-appended) ---
"""Pipeline reference for scband-channel-permute-3204045603007 (READ-ONLY COPY).

The authoritative reference and input builder live on the scoring server;
editing this copy changes nothing except your own understanding.
"""

import jax, jax.numpy as jnp
import numpy as np

NUM_CHANNELS = 192

def setup_inputs(seed: int = 0) -> dict:
    key = jax.random.key(seed)
    k1, k2 = jax.random.split(key)
    x = jax.random.normal(k1, (8, NUM_CHANNELS, 224, 224), dtype=jnp.float32)
    # buffer created at module init: torch.randperm(num_channels)
    permutation = jax.random.permutation(k2, NUM_CHANNELS)
    return {"x": x, "permutation": permutation}

def reference(x, permutation):
    # forward: x[:, self.permutation, :, :]  -> gather along channel axis
    return jnp.take(x, permutation, axis=1)

if __name__ == "__main__":
    import jax
    _d = setup_inputs()
    print(jax.jit(kernel)(*tuple(_d.values())))

</pallas_src>

<mosaic_0001>
#map = affine_map<(d0, d1) -> (0, 0, 0)>
#map1 = affine_map<(d0, d1) -> (0)>
module attributes {stable_mosaic.version = 14 : i64} {
  func.func @_sc_body(%arg0: i32, %arg1: i32, %arg2: memref<1536x224x224xf32, #tpu.memory_space<hbm>>, %arg3: memref<1536xi32, #tpu.memory_space<hbm>>, %arg4: memref<1536x224x224xf32, #tpu.memory_space<hbm>>, %arg5: memref<48xi32, #tpu.memory_space<vmem>>, %arg6: memref<16x2x1x224x224xf32, #tpu.memory_space<vmem_shared>>, %arg7: memref<!tpu.dma_semaphore, #tpu.memory_space<semaphore_mem>>, %arg8: memref<!tpu.dma_semaphore, #tpu.memory_space<semaphore_mem>>, %arg9: memref<!tpu.dma_semaphore, #tpu.memory_space<semaphore_mem>>, %arg10: memref<!tpu.dma_semaphore, #tpu.memory_space<semaphore_mem>>) attributes {dimension_semantics = [#tpu.dimension_semantics<core_parallel>, #tpu.dimension_semantics<subcore_parallel>], iteration_bounds = array<i64: 2, 16>, scalar_prefetch = 0 : i64, scratch_operands = 6 : i64, tpu.core_type = #tpu.core_type<sc_vector_subcore>, window_params = [{transform_indices = #map}, {transform_indices = #map1}, {transform_indices = #map}]} {
    %mul3A = arith.constant 2 : i32
    %mul3A_0 = arith.muli %arg1, %mul3A : i32
    %add3A = arith.addi %mul3A_0, %arg0 : i32
    %mul3A_1 = arith.constant 48 : i32
    %mul3A_2 = arith.muli %add3A, %mul3A_1 : i32
    "tpu.region"() ({
      %run_scoped3A = tpu.sem_alloc : memref<!tpu.dma_semaphore, #tpu.memory_space<semaphore_mem>>
      %dma_start3A_2206 = tpu.memref_slice %arg3[%mul3A_2] : memref<1536xi32, #tpu.memory_space<hbm>> -> memref<48xi32, #tpu.memory_space<hbm>>
      %dma_start3A_2207 = tpu.memref_slice %arg3[%mul3A_2] : memref<1536xi32, #tpu.memory_space<hbm>> -> memref<48xi32, #tpu.memory_space<hbm>>
      tpu.enqueue_dma source(%dma_start3A_2207 : memref<48xi32, #tpu.memory_space<hbm>>) target(%arg5 : memref<48xi32, #tpu.memory_space<vmem>>) target_semaphore(%run_scoped3A : memref<!tpu.dma_semaphore, #tpu.memory_space<semaphore_mem>>)
      %dma_wait3A_2208 = tpu.memref_slice %arg3[%mul3A_2] : memref<1536xi32, #tpu.memory_space<hbm>> -> memref<48xi32, #tpu.memory_space<hbm>>
      %dma_wait3A_2209 = tpu.memref_slice %arg3[%mul3A_2] : memref<1536xi32, #tpu.memory_space<hbm>> -> memref<48xi32, #tpu.memory_space<hbm>>
      tpu.wait_dma2 semaphore(%run_scoped3A : memref<!tpu.dma_semaphore, #tpu.memory_space<semaphore_mem>>) src(%dma_wait3A_2209 : memref<48xi32, #tpu.memory_space<hbm>>) dst(%arg5 : memref<48xi32, #tpu.memory_space<vmem>>)
      tpu.yield
    }) : () -> ()
    %get3A = arith.constant 0 : index
    %get3A_3 = tpu.vector_load %arg5[%get3A] {strides = array<i32>} : memref<48xi32, #tpu.memory_space<vmem>>, vector<16xi32>,
    %get3A_4 = vector.shape_cast %get3A_3 : vector<16xi32> to vector<16xi32>
    %slice3A = vector.extract_strided_slice %get3A_4 {offsets = [0], sizes = [1], strides = [1]} : vector<16xi32> to vector<1xi32>
    %squeeze3A = vector.extract %slice3A[0] : i32 from vector<1xi32>
    %dma_start3A = arith.constant 0 : i32
    %dma_start3A_5 = arith.constant 0 : i32
    %dma_start3A_6 = arith.constant 0 : i32
    %dma_start3A_7 = arith.constant 0 : i32
    %dma_start3A_8 = tpu.memref_slice %arg6[%arg1, %dma_start3A, %dma_start3A_5, %dma_start3A_6, %dma_start3A_7] : memref<16x2x1x224x224xf32, #tpu.memory_space<vmem_shared>> -> memref<1x1x1x224x224xf32, #tpu.memory_space<vmem_shared>>
    %dma_start3A_9 = tpu.memref_squeeze %dma_start3A_8 : memref<1x1x1x224x224xf32, #tpu.memory_space<vmem_shared>> -> memref<1x224x224xf32, #tpu.memory_space<vmem_shared>>
    %dma_start3A_10 = arith.constant 0 : i32
    %dma_start3A_11 = arith.constant 0 : i32
    %dma_start3A_12 = tpu.memref_slice %arg2[%squeeze3A, %dma_start3A_10, %dma_start3A_11] : memref<1536x224x224xf32, #tpu.memory_space<hbm>> -> memref<1x224x224xf32, #tpu.memory_space<hbm>>
    tpu.enqueue_dma source(%dma_start3A_12 : memref<1x224x224xf32, #tpu.memory_space<hbm>>) target(%dma_start3A_9 : memref<1x224x224xf32, #tpu.memory_space<vmem_shared>>) target_semaphore(%arg7 : memref<!tpu.dma_semaphore, #tpu.memory_space<semaphore_mem>>)
    %get3A_13 = arith.constant 0 : index
    %get3A_14 = tpu.vector_load %arg5[%get3A_13] {strides = array<i32>} : memref<48xi32, #tpu.memory_space<vmem>>, vector<16xi32>,
    %get3A_15 = vector.shape_cast %get3A_14 : vector<16xi32> to vector<16xi32>
    %slice3A_16 = vector.extract_strided_slice %get3A_15 {offsets = [1], sizes = [1], strides = [1]} : vector<16xi32> to vector<1xi32>
    %squeeze3A_17 = vector.extract %slice3A_16[0] : i32 from vector<1xi32>
    %dma_start3A_18 = arith.constant 1 : i32
    %dma_start3A_19 = arith.constant 0 : i32
    %dma_start3A_20 = arith.constant 0 : i32
    %dma_start3A_21 = arith.constant 0 : i32
    %dma_start3A_22 = tpu.memref_slice %arg6[%arg1, %dma_start3A_18, %dma_start3A_19, %dma_start3A_20, %dma_start3A_21] : memref<16x2x1x224x224xf32, #tpu.memory_space<vmem_shared>> -> memref<1x1x1x224x224xf32, #tpu.memory_space<vmem_shared>>
    %dma_start3A_23 = tpu.memref_squeeze %dma_start3A_22 : memref<1x1x1x224x224xf32, #tpu.memory_space<vmem_shared>> -> memref<1x224x224xf32, #tpu.memory_space<vmem_shared>>
    %dma_start3A_24 = arith.constant 0 : i32
    %dma_start3A_25 = arith.constant 0 : i32
    %dma_start3A_26 = tpu.memref_slice %arg2[%squeeze3A_17, %dma_start3A_24, %dma_start3A_25] : memref<1536x224x224xf32, #tpu.memory_space<hbm>> -> memref<1x224x224xf32, #tpu.memory_space<hbm>>
    tpu.enqueue_dma source(%dma_start3A_26 : memref<1x224x224xf32, #tpu.memory_space<hbm>>) target(%dma_start3A_23 : memref<1x224x224xf32, #tpu.memory_space<vmem_shared>>) target_semaphore(%arg8 : memref<!tpu.dma_semaphore, #tpu.memory_space<semaphore_mem>>)
    %dma_wait3A = arith.constant 0 : i32
    %dma_wait3A_27 = arith.constant 0 : i32
    %dma_wait3A_28 = arith.constant 0 : i32
    %dma_wait3A_29 = arith.constant 0 : i32
    %dma_wait3A_30 = tpu.memref_slice %arg6[%arg1, %dma_wait3A, %dma_wait3A_27, %dma_wait3A_28, %dma_wait3A_29] : memref<16x2x1x224x224xf32, #tpu.memory_space<vmem_shared>> -> memref<1x1x1x224x224xf32, #tpu.memory_space<vmem_shared>>
    %dma_wait3A_31 = tpu.memref_squeeze %dma_wait3A_30 : memref<1x1x1x224x224xf32, #tpu.memory_space<vmem_shared>> -> memref<1x224x224xf32, #tpu.memory_space<vmem_shared>>
    %dma_wait3A_32 = arith.constant 0 : i32
    %dma_wait3A_33 = arith.constant 0 : i32
    %dma_wait3A_34 = arith.constant 0 : i32
    %dma_wait3A_35 = tpu.memref_slice %arg2[%dma_wait3A_32, %dma_wait3A_33, %dma_wait3A_34] : memref<1536x224x224xf32, #tpu.memory_space<hbm>> -> memref<1x224x224xf32, #tpu.memory_space<hbm>>
    tpu.wait_dma2 semaphore(%arg7 : memref<!tpu.dma_semaphore, #tpu.memory_space<semaphore_mem>>) src(%dma_wait3A_35 : memref<1x224x224xf32, #tpu.memory_space<hbm>>) dst(%dma_wait3A_31 : memref<1x224x224xf32, #tpu.memory_space<vmem_shared>>)
    %add3A_36 = arith.constant 0 : i32
    %add3A_37 = arith.addi %mul3A_2, %add3A_36 : i32
    %dma_start3A_38 = arith.constant 0 : i32
    %dma_start3A_39 = arith.constant 0 : i32
    %dma_start3A_40 = arith.constant 0 : i32
    %dma_start3A_41 = tpu.memref_slice %arg4[%add3A_37, %dma_start3A_39, %dma_start3A_40] : memref<1536x224x224xf32, #tpu.memory_space<hbm>> -> memref<1x224x224xf32, #tpu.memory_space<hbm>>
    %dma_start3A_42 = arith.constant 0 : i32
    %dma_start3A_43 = arith.constant 0 : i32
    %dma_start3A_44 = arith.constant 0 : i32
    %dma_start3A_45 = tpu.memref_slice %arg6[%arg1, %dma_start3A_38, %dma_start3A_42, %dma_start3A_43, %dma_start3A_44] : memref<16x2x1x224x224xf32, #tpu.memory_space<vmem_shared>> -> memref<1x1x1x224x224xf32, #tpu.memory_space<vmem_shared>>
    %dma_start3A_46 = tpu.memref_squeeze %dma_start3A_45 : memref<1x1x1x224x224xf32, #tpu.memory_space<vmem_shared>> -> memref<1x224x224xf32, #tpu.memory_space<vmem_shared>>
    tpu.enqueue_dma source(%dma_start3A_46 : memref<1x224x224xf32, #tpu.memory_space<vmem_shared>>) target(%dma_start3A_41 : memref<1x224x224xf32, #tpu.memory_space<hbm>>) target_semaphore(%arg9 : memref<!tpu.dma_semaphore, #tpu.memory_space<semaphore_mem>>)
    %add3A_47 = arith.constant 0 : i32
    %add3A_48 = arith.addi %mul3A_2, %add3A_47 : i32
    %dma_wait3A_49 = arith.constant 0 : i32
    %dma_wait3A_50 = arith.constant 0 : i32
    %dma_wait3A_51 = arith.constant 0 : i32
    %dma_wait3A_52 = tpu.memref_slice %arg4[%add3A_48, %dma_wait3A_50, %dma_wait3A_51] : memref<1536x224x224xf32, #tpu.memory_space<hbm>> -> memref<1x224x224xf32, #tpu.memory_space<hbm>>
    %dma_wait3A_53 = arith.constant 0 : i32
    %dma_wait3A_54 = arith.constant 0 : i32
    %dma_wait3A_55 = arith.constant 0 : i32
    %dma_wait3A_56 = tpu.memref_slice %arg6[%arg1, %dma_wait3A_49, %dma_wait3A_53, %dma_wait3A_54, %dma_wait3A_55] : memref<16x2x1x224x224xf32, #tpu.memory_space<vmem_shared>> -> memref<1x1x1x224x224xf32, #tpu.memory_space<vmem_shared>>
    %dma_wait3A_57 = tpu.memref_squeeze %dma_wait3A_56 : memref<1x1x1x224x224xf32, #tpu.memory_space<vmem_shared>> -> memref<1x224x224xf32, #tpu.memory_space<vmem_shared>>
    tpu.wait_dma2 semaphore(%arg9 : memref<!tpu.dma_semaphore, #tpu.memory_space<semaphore_mem>>) src(%dma_wait3A_57 : memref<1x224x224xf32, #tpu.memory_space<vmem_shared>>) dst(%dma_wait3A_52 : memref<1x224x224xf32, #tpu.memory_space<hbm>>)
    %get3A_58 = arith.constant 0 : index
    %get3A_59 = tpu.vector_load %arg5[%get3A_58] {strides = array<i32>} : memref<48xi32, #tpu.memory_space<vmem>>, vector<16xi32>,
    %get3A_60 = vector.shape_cast %get3A_59 : vector<16xi32> to vector<16xi32>
    %slice3A_61 = vector.extract_strided_slice %get3A_60 {offsets = [2], sizes = [1], strides = [1]} : vector<16xi32> to vector<1xi32>
    %squeeze3A_62 = vector.extract %slice3A_61[0] : i32 from vector<1xi32>
    %dma_start3A_63 = arith.constant 0 : i32
    %dma_start3A_64 = arith.constant 0 : i32
    %dma_start3A_65 = arith.constant 0 : i32
    %dma_start3A_66 = arith.constant 0 : i32
    %dma_start3A_67 = tpu.memref_slice %arg6[%arg1, %dma_start3A_63, %dma_start3A_64, %dma_start3A_65, %dma_start3A_66] : memref<16x2x1x224x224xf32, #tpu.memory_space<vmem_shared>> -> memref<1x1x1x224x224xf32, #tpu.memory_space<vmem_shared>>
    %dma_start3A_68 = tpu.memref_squeeze %dma_start3A_67 : memref<1x1x1x224x224xf32, #tpu.memory_space<vmem_shared>> -> memref<1x224x224xf32, #tpu.memory_space<vmem_shared>>
    %dma_start3A_69 = arith.constant 0 : i32
    %dma_start3A_70 = arith.constant 0 : i32
    %dma_start3A_71 = tpu.memref_slice %arg2[%squeeze3A_62, %dma_start3A_69, %dma_start3A_70] : memref<1536x224x224xf32, #tpu.memory_space<hbm>> -> memref<1x224x224xf32, #tpu.memory_space<hbm>>
    tpu.enqueue_dma source(%dma_start3A_71 : memref<1x224x224xf32, #tpu.memory_space<hbm>>) target(%dma_start3A_68 : memref<1x224x224xf32, #tpu.memory_space<vmem_shared>>) target_semaphore(%arg7 : memref<!tpu.dma_semaphore, #tpu.memory_space<semaphore_mem>>)
    %dma_wait3A_72 = arith.constant 1 : i32
    %dma_wait3A_73 = arith.constant 0 : i32
    %dma_wait3A_74 = arith.constant 0 : i32
    %dma_wait3A_75 = arith.constant 0 : i32
    %dma_wait3A_76 = tpu.memref_slice %arg6[%arg1, %dma_wait3A_72, %dma_wait3A_73, %dma_wait3A_74, %dma_wait3A_75] : memref<16x2x1x224x224xf32, #tpu.memory_space<vmem_shared>> -> memref<1x1x1x224x224xf32, #tpu.memory_space<vmem_shared>>
    %dma_wait3A_77 = tpu.memref_squeeze %dma_wait3A_76 : memref<1x1x1x224x224xf32, #tpu.memory_space<vmem_shared>> -> memref<1x224x224xf32, #tpu.memory_space<vmem_shared>>
    %dma_wait3A_78 = arith.constant 0 : i32
    %dma_wait3A_79 = arith.constant 0 : i32
    %dma_wait3A_80 = arith.constant 0 : i32
    %dma_wait3A_81 = tpu.memref_slice %arg2[%dma_wait3A_78, %dma_wait3A_79, %dma_wait3A_80] : memref<1536x224x224xf32, #tpu.memory_space<hbm>> -> memref<1x224x224xf32, #tpu.memory_space<hbm>>
    tpu.wait_dma2 semaphore(%arg8 : memref<!tpu.dma_semaphore, #tpu.memory_space<semaphore_mem>>) src(%dma_wait3A_81 : memref<1x224x224xf32, #tpu.memory_space<hbm>>) dst(%dma_wait3A_77 : memref<1x224x224xf32, #tpu.memory_space<vmem_shared>>)
    %add3A_82 = arith.constant 1 : i32
    %add3A_83 = arith.addi %mul3A_2, %add3A_82 : i32
    %dma_start3A_84 = arith.constant 1 : i32
    %dma_start3A_85 = arith.constant 0 : i32
    %dma_start3A_86 = arith.constant 0 : i32
    %dma_start3A_87 = tpu.memref_slice %arg4[%add3A_83, %dma_start3A_85, %dma_start3A_86] : memref<1536x224x224xf32, #tpu.memory_space<hbm>> -> memref<1x224x224xf32, #tpu.memory_space<hbm>>
    %dma_start3A_88 = arith.constant 0 : i32
    %dma_start3A_89 = arith.constant 0 : i32
    %dma_start3A_90 = arith.constant 0 : i32
    %dma_start3A_91 = tpu.memref_slice %arg6[%arg1, %dma_start3A_84, %dma_start3A_88, %dma_start3A_89, %dma_start3A_90] : memref<16x2x1x224x224xf32, #tpu.memory_space<vmem_shared>> -> memref<1x1x1x224x224xf32, #tpu.memory_space<vmem_shared>>
    %dma_start3A_92 = tpu.memref_squeeze %dma_start3A_91 : memref<1x1x1x224x224xf32, #tpu.memory_space<vmem_shared>> -> memref<1x224x224xf32, #tpu.memory_space<vmem_shared>>
    tpu.enqueue_dma source(%dma_start3A_92 : memref<1x224x224xf32, #tpu.memory_space<vmem_shared>>) target(%dma_start3A_87 : memref<1x224x224xf32, #tpu.memory_space<hbm>>) target_semaphore(%arg10 : memref<!tpu.dma_semaphore, #tpu.memory_space<semaphore_mem>>)
    %add3A_93 = arith.constant 1 : i32
    %add3A_94 = arith.addi %mul3A_2, %add3A_93 : i32
    %dma_wait3A_95 = arith.constant 1 : i32
    %dma_wait3A_96 = arith.constant 0 : i32
    %dma_wait3A_97 = arith.constant 0 : i32
    %dma_wait3A_98 = tpu.memref_slice %arg4[%add3A_94, %dma_wait3A_96, %dma_wait3A_97] : memref<1536x224x224xf32, #tpu.memory_space<hbm>> -> memref<1x224x224xf32, #tpu.memory_space<hbm>>
    %dma_wait3A_99 = arith.constant 0 : i32
    %dma_wait3A_100 = arith.constant 0 : i32
    %dma_wait3A_101 = arith.constant 0 : i32
    %dma_wait3A_102 = tpu.memref_slice %arg6[%arg1, %dma_wait3A_95, %dma_wait3A_99, %dma_wait3A_100, %dma_wait3A_101] : memref<16x2x1x224x224xf32, #tpu.memory_space<vmem_shared>> -> memref<1x1x1x224x224xf32, #tpu.memory_space<vmem_shared>>
    %dma_wait3A_103 = tpu.memref_squeeze %dma_wait3A_102 : memref<1x1x1x224x224xf32, #tpu.memory_space<vmem_shared>> -> memref<1x224x224xf32, #tpu.memory_space<vmem_shared>>
    tpu.wait_dma2 semaphore(%arg10 : memref<!tpu.dma_semaphore, #tpu.memory_space<semaphore_mem>>) src(%dma_wait3A_103 : memref<1x224x224xf32, #tpu.memory_space<vmem_shared>>) dst(%dma_wait3A_98 : memref<1x224x224xf32, #tpu.memory_space<hbm>>)
    %get3A_104 = arith.constant 0 : index
    %get3A_105 = tpu.vector_load %arg5[%get3A_104] {strides = array<i32>} : memref<48xi32, #tpu.memory_space<vmem>>, vector<16xi32>,
    %get3A_106 = vector.shape_cast %get3A_105 : vector<16xi32> to vector<16xi32>
    %slice3A_107 = vector.extract_strided_slice %get3A_106 {offsets = [3], sizes = [1], strides = [1]} : vector<16xi32> to vector<1xi32>
    %squeeze3A_108 = vector.extract %slice3A_107[0] : i32 from vector<1xi32>
    %dma_start3A_109 = arith.constant 1 : i32
    %dma_start3A_110 = arith.constant 0 : i32
    %dma_start3A_111 = arith.constant 0 : i32
    %dma_start3A_112 = arith.constant 0 : i32
    %dma_start3A_113 = tpu.memref_slice %arg6[%arg1, %dma_start3A_109, %dma_start3A_110, %dma_start3A_111, %dma_start3A_112] : memref<16x2x1x224x224xf32, #tpu.memory_space<vmem_shared>> -> memref<1x1x1x224x224xf32, #tpu.memory_space<vmem_shared>>
    %dma_start3A_114 = tpu.memref_squeeze %dma_start3A_113 : memref<1x1x1x224x224xf32, #tpu.memory_space<vmem_shared>> -> memref<1x224x224xf32, #tpu.memory_space<vmem_shared>>
    %dma_start3A_115 = arith.constant 0 : i32
    %dma_start3A_116 = arith.constant 0 : i32
    %dma_start3A_117 = tpu.memref_slice %arg2[%squeeze3A_108, %dma_start3A_115, %dma_start3A_116] : memref<1536x224x224xf32, #tpu.memory_space<hbm>> -> memref<1x224x224xf32, #tpu.memory_space<hbm>>
    tpu.enqueue_dma source(%dma_start3A_117 : memref<1x224x224xf32, #tpu.memory_space<hbm>>) target(%dma_start3A_114 : memref<1x224x224xf32, #tpu.memory_space<vmem_shared>>) target_semaphore(%arg8 : memref<!tpu.dma_semaphore, #tpu.memory_space<semaphore_mem>>)
    %dma_wait3A_118 = arith.constant 0 : i32
    %dma_wait3A_119 = arith.constant 0 : i32
    %dma_wait3A_120 = arith.constant 0 : i32
    %dma_wait3A_121 = arith.constant 0 : i32
    %dma_wait3A_122 = tpu.memref_slice %arg6[%arg1, %dma_wait3A_118, %dma_wait3A_119, %dma_wait3A_120, %dma_wait3A_121] : memref<16x2x1x224x224xf32, #tpu.memory_space<vmem_shared>> -> memref<1x1x1x224x224xf32, #tpu.memory_space<vmem_shared>>
    %dma_wait3A_123 = tpu.memref_squeeze %dma_wait3A_122 : memref<1x1x1x224x224xf32, #tpu.memory_space<vmem_shared>> -> memref<1x224x224xf32, #tpu.memory_space<vmem_shared>>
    %dma_wait3A_124 = arith.constant 0 : i32
    %dma_wait3A_125 = arith.constant 0 : i32
    %dma_wait3A_126 = arith.constant 0 : i32
    %dma_wait3A_127 = tpu.memref_slice %arg2[%dma_wait3A_124, %dma_wait3A_125, %dma_wait3A_126] : memref<1536x224x224xf32, #tpu.memory_space<hbm>> -> memref<1x224x224xf32, #tpu.memory_space<hbm>>
    tpu.wait_dma2 semaphore(%arg7 : memref<!tpu.dma_semaphore, #tpu.memory_space<semaphore_mem>>) src(%dma_wait3A_127 : memref<1x224x224xf32, #tpu.memory_space<hbm>>) dst(%dma_wait3A_123 : memref<1x224x224xf32, #tpu.memory_space<vmem_shared>>)
    %add3A_128 = arith.constant 2 : i32
    %add3A_129 = arith.addi %mul3A_2, %add3A_128 : i32
    %dma_start3A_130 = arith.constant 0 : i32
    %dma_start3A_131 = arith.constant 0 : i32
    %dma_start3A_132 = arith.constant 0 : i32
    %dma_start3A_133 = tpu.memref_slice %arg4[%add3A_129, %dma_start3A_131, %dma_start3A_132] : memref<1536x224x224xf32, #tpu.memory_space<hbm>> -> memref<1x224x224xf32, #tpu.memory_space<hbm>>
    %dma_start3A_134 = arith.constant 0 : i32
    %dma_start3A_135 = arith.constant 0 : i32
    %dma_start3A_136 = arith.constant 0 : i32
    %dma_start3A_137 = tpu.memref_slice %arg6[%arg1, %dma_start3A_130, %dma_start3A_134, %dma_start3A_135, %dma_start3A_136] : memref<16x2x1x224x224xf32, #tpu.memory_space<vmem_shared>> -> memref<1x1x1x224x224xf32, #tpu.memory_space<vmem_shared>>
    %dma_start3A_138 = tpu.memref_squeeze %dma_start3A_137 : memref<1x1x1x224x224xf32, #tpu.memory_space<vmem_shared>> -> memref<1x224x224xf32, #tpu.memory_space<vmem_shared>>
    tpu.enqueue_dma source(%dma_start3A_138 : memref<1x224x224xf32, #tpu.memory_space<vmem_shared>>) target(%dma_start3A_133 : memref<1x224x224xf32, #tpu.memory_space<hbm>>) target_semaphore(%arg9 : memref<!tpu.dma_semaphore, #tpu.memory_space<semaphore_mem>>)
    %add3A_139 = arith.constant 2 : i32
    %add3A_140 = arith.addi %mul3A_2, %add3A_139 : i32
    %dma_wait3A_141 = arith.constant 0 : i32
    %dma_wait3A_142 = arith.constant 0 : i32
    %dma_wait3A_143 = arith.constant 0 : i32
    %dma_wait3A_144 = tpu.memref_slice %arg4[%add3A_140, %dma_wait3A_142, %dma_wait3A_143] : memref<1536x224x224xf32, #tpu.memory_space<hbm>> -> memref<1x224x224xf32, #tpu.memory_space<hbm>>
    %dma_wait3A_145 = arith.constant 0 : i32
    %dma_wait3A_146 = arith.constant 0 : i32
    %dma_wait3A_147 = arith.constant 0 : i32
    %dma_wait3A_148 = tpu.memref_slice %arg6[%arg1, %dma_wait3A_141, %dma_wait3A_145, %dma_wait3A_146, %dma_wait3A_147] : memref<16x2x1x224x224xf32, #tpu.memory_space<vmem_shared>> -> memref<1x1x1x224x224xf32, #tpu.memory_space<vmem_shared>>
    %dma_wait3A_149 = tpu.memref_squeeze %dma_wait3A_148 : memref<1x1x1x224x224xf32, #tpu.memory_space<vmem_shared>> -> memref<1x224x224xf32, #tpu.memory_space<vmem_shared>>
    tpu.wait_dma2 semaphore(%arg9 : memref<!tpu.dma_semaphore, #tpu.memory_space<semaphore_mem>>) src(%dma_wait3A_149 : memref<1x224x224xf32, #tpu.memory_space<vmem_shared>>) dst(%dma_wait3A_144 : memref<1x224x224xf32, #tpu.memory_space<hbm>>)
    %get3A_150 = arith.constant 0 : index
    %get3A_151 = tpu.vector_load %arg5[%get3A_150] {strides = array<i32>} : memref<48xi32, #tpu.memory_space<vmem>>, vector<16xi32>,
    %get3A_152 = vector.shape_cast %get3A_151 : vector<16xi32> to vector<16xi32>
    %slice3A_153 = vector.extract_strided_slice %get3A_152 {offsets = [4], sizes = [1], strides = [1]} : vector<16xi32> to vector<1xi32>
    %squeeze3A_154 = vector.extract %slice3A_153[0] : i32 from vector<1xi32>
    %dma_start3A_155 = arith.constant 0 : i32
    %dma_start3A_156 = arith.constant 0 : i32
    %dma_start3A_157 = arith.constant 0 : i32
    %dma_start3A_158 = arith.constant 0 : i32
    %dma_start3A_159 = tpu.memref_slice %arg6[%arg1, %dma_start3A_155, %dma_start3A_156, %dma_start3A_157, %dma_start3A_158] : memref<16x2x1x224x224xf32, #tpu.memory_space<vmem_shared>> -> memref<1x1x1x224x224xf32, #tpu.memory_space<vmem_shared>>
    %dma_start3A_160 = tpu.memref_squeeze %dma_start3A_159 : memref<1x1x1x224x224xf32, #tpu.memory_space<vmem_shared>> -> memref<1x224x224xf32, #tpu.memory_space<vmem_shared>>
    %dma_start3A_161 = arith.constant 0 : i32
    %dma_start3A_162 = arith.constant 0 : i32
    %dma_start3A_163 = tpu.memref_slice %arg2[%squeeze3A_154, %dma_start3A_161, %dma_start3A_162] : memref<1536x224x224xf32, #tpu.memory_space<hbm>> -> memref<1x224x224xf32, #tpu.memory_space<hbm>>
    tpu.enqueue_dma source(%dma_start3A_163 : memref<1x224x224xf32, #tpu.memory_space<hbm>>) target(%dma_start3A_160 : memref<1x224x224xf32, #tpu.memory_space<vmem_shared>>) target_semaphore(%arg7 : memref<!tpu.dma_semaphore, #tpu.memory_space<semaphore_mem>>)
    %dma_wait3A_164 = arith.constant 1 : i32
    %dma_wait3A_165 = arith.constant 0 : i32
    %dma_wait3A_166 = arith.constant 0 : i32
    %dma_wait3A_167 = arith.constant 0 : i32
    %dma_wait3A_168 = tpu.memref_slice %arg6[%arg1, %dma_wait3A_164, %dma_wait3A_165, %dma_wait3A_166, %dma_wait3A_167] : memref<16x2x1x224x224xf32, #tpu.memory_space<vmem_shared>> -> memref<1x1x1x224x224xf32, #tpu.memory_space<vmem_shared>>
    %dma_wait3A_169 = tpu.memref_squeeze %dma_wait3A_168 : memref<1x1x1x224x224xf32, #tpu.memory_space<vmem_shared>> -> memref<1x224x224xf32, #tpu.memory_space<vmem_shared>>
    %dma_wait3A_170 = arith.constant 0 : i32
    %dma_wait3A_171 = arith.constant 0 : i32
    %dma_wait3A_172 = arith.constant 0 : i32
    %dma_wait3A_173 = tpu.memref_slice %arg2[%dma_wait3A_170, %dma_wait3A_171, %dma_wait3A_172] : memref<1536x224x224xf32, #tpu.memory_space<hbm>> -> memref<1x224x224xf32, #tpu.memory_space<hbm>>
    tpu.wait_dma2 semaphore(%arg8 : memref<!tpu.dma_semaphore, #tpu.memory_space<semaphore_mem>>) src(%dma_wait3A_173 : memref<1x224x224xf32, #tpu.memory_space<hbm>>) dst(%dma_wait3A_169 : memref<1x224x224xf32, #tpu.memory_space<vmem_shared>>)
    %add3A_174 = arith.constant 3 : i32
    %add3A_175 = arith.addi %mul3A_2, %add3A_174 : i32
    %dma_start3A_176 = arith.constant 1 : i32
    %dma_start3A_177 = arith.constant 0 : i32
    %dma_start3A_178 = arith.constant 0 : i32
    %dma_start3A_179 = tpu.memref_slice %arg4[%add3A_175, %dma_start3A_177, %dma_start3A_178] : memref<1536x224x224xf32, #tpu.memory_space<hbm>> -> memref<1x224x224xf32, #tpu.memory_space<hbm>>
    %dma_start3A_180 = arith.constant 0 : i32
    %dma_start3A_181 = arith.constant 0 : i32
    %dma_start3A_182 = arith.constant 0 : i32
    %dma_start3A_183 = tpu.memref_slice %arg6[%arg1, %dma_start3A_176, %dma_start3A_180, %dma_start3A_181, %dma_start3A_182] : memref<16x2x1x224x224xf32, #tpu.memory_space<vmem_shared>> -> memref<1x1x1x224x224xf32, #tpu.memory_space<vmem_shared>>
    %dma_start3A_184 = tpu.memref_squeeze %dma_start3A_183 : memref<1x1x1x224x224xf32, #tpu.memory_space<vmem_shared>> -> memref<1x224x224xf32, #tpu.memory_space<vmem_shared>>
    tpu.enqueue_dma source(%dma_start3A_184 : memref<1x224x224xf32, #tpu.memory_space<vmem_shared>>) target(%dma_start3A_179 : memref<1x224x224xf32, #tpu.memory_space<hbm>>) target_semaphore(%arg10 : memref<!tpu.dma_semaphore, #tpu.memory_space<semaphore_mem>>)
    %add3A_185 = arith.constant 3 : i32
    %add3A_186 = arith.addi %mul3A_2, %add3A_185 : i32
    %dma_wait3A_187 = arith.constant 1 : i32
    %dma_wait3A_188 = arith.constant 0 : i32
    %dma_wait3A_189 = arith.constant 0 : i32
    %dma_wait3A_190 = tpu.memref_slice %arg4[%add3A_186, %dma_wait3A_188, %dma_wait3A_189] : memref<1536x224x224xf32, #tpu.memory_space<hbm>> -> memref<1x224x224xf32, #tpu.memory_space<hbm>>
    %dma_wait3A_191 = arith.constant 0 : i32
    %dma_wait3A_192 = arith.constant 0 : i32
    %dma_wait3A_193 = arith.constant 0 : i32
    %dma_wait3A_194 = tpu.memref_slice %arg6[%arg1, %dma_wait3A_187, %dma_wait3A_191, %dma_wait3A_192, %dma_wait3A_193] : memref<16x2x1x224x224xf32, #tpu.memory_space<vmem_shared>> -> memref<1x1x1x224x224xf32, #tpu.memory_space<vmem_shared>>
    %dma_wait3A_195 = tpu.memref_squeeze %dma_wait3A_194 : memref<1x1x1x224x224xf32, #tpu.memory_space<vmem_shared>> -> memref<1x224x224xf32, #tpu.memory_space<vmem_shared>>
    tpu.wait_dma2 semaphore(%arg10 : memref<!tpu.dma_semaphore, #tpu.memory_space<semaphore_mem>>) src(%dma_wait3A_195 : memref<1x224x224xf32, #tpu.memory_space<vmem_shared>>) dst(%dma_wait3A_190 : memref<1x224x224xf32, #tpu.memory_space<hbm>>)
    %get3A_196 = arith.constant 0 : index
    %get3A_197 = tpu.vector_load %arg5[%get3A_196] {strides = array<i32>} : memref<48xi32, #tpu.memory_space<vmem>>, vector<16xi32>,
    %get3A_198 = vector.shape_cast %get3A_197 : vector<16xi32> to vector<16xi32>
    %slice3A_199 = vector.extract_strided_slice %get3A_198 {offsets = [5], sizes = [1], strides = [1]} : vector<16xi32> to vector<1xi32>
    %squeeze3A_200 = vector.extract %slice3A_199[0] : i32 from vector<1xi32>
    %dma_start3A_201 = arith.constant 1 : i32
    %dma_start3A_202 = arith.constant 0 : i32
    %dma_start3A_203 = arith.constant 0 : i32
    %dma_start3A_204 = arith.constant 0 : i32
    %dma_start3A_205 = tpu.memref_slice %arg6[%arg1, %dma_start3A_201, %dma_start3A_202, %dma_start3A_203, %dma_start3A_204] : memref<16x2x1x224x224xf32, #tpu.memory_space<vmem_shared>> -> memref<1x1x1x224x224xf32, #tpu.memory_space<vmem_shared>>
    %dma_start3A_206 = tpu.memref_squeeze %dma_start3A_205 : memref<1x1x1x224x224xf32, #tpu.memory_space<vmem_shared>> -> memref<1x224x224xf32, #tpu.memory_space<vmem_shared>>
    %dma_start3A_207 = arith.constant 0 : i32
    %dma_start3A_208 = arith.constant 0 : i32
    %dma_start3A_209 = tpu.memref_slice %arg2[%squeeze3A_200, %dma_start3A_207, %dma_start3A_208] : memref<1536x224x224xf32, #tpu.memory_space<hbm>> -> memref<1x224x224xf32, #tpu.memory_space<hbm>>
    tpu.enqueue_dma source(%dma_start3A_209 : memref<1x224x224xf32, #tpu.memory_space<hbm>>) target(%dma_start3A_206 : memref<1x224x224xf32, #tpu.memory_space<vmem_shared>>) target_semaphore(%arg8 : memref<!tpu.dma_semaphore, #tpu.memory_space<semaphore_mem>>)
    %dma_wait3A_210 = arith.constant 0 : i32
    %dma_wait3A_211 = arith.constant 0 : i32
    %dma_wait3A_212 = arith.constant 0 : i32
    %dma_wait3A_213 = arith.constant 0 : i32
    %dma_wait3A_214 = tpu.memref_slice %arg6[%arg1, %dma_wait3A_210, %dma_wait3A_211, %dma_wait3A_212, %dma_wait3A_213] : memref<16x2x1x224x224xf32, #tpu.memory_space<vmem_shared>> -> memref<1x1x1x224x224xf32, #tpu.memory_space<vmem_shared>>
    %dma_wait3A_215 = tpu.memref_squeeze %dma_wait3A_214 : memref<1x1x1x224x224xf32, #tpu.memory_space<vmem_shared>> -> memref<1x224x224xf32, #tpu.memory_space<vmem_shared>>
    %dma_wait3A_216 = arith.constant 0 : i32
    %dma_wait3A_217 = arith.constant 0 : i32
    %dma_wait3A_218 = arith.constant 0 : i32
    %dma_wait3A_219 = tpu.memref_slice %arg2[%dma_wait3A_216, %dma_wait3A_217, %dma_wait3A_218] : memref<1536x224x224xf32, #tpu.memory_space<hbm>> -> memref<1x224x224xf32, #tpu.memory_space<hbm>>
    tpu.wait_dma2 semaphore(%arg7 : memref<!tpu.dma_semaphore, #tpu.memory_space<semaphore_mem>>) src(%dma_wait3A_219 : memref<1x224x224xf32, #tpu.memory_space<hbm>>) dst(%dma_wait3A_215 : memref<1x224x224xf32, #tpu.memory_space<vmem_shared>>)
    %add3A_220 = arith.constant 4 : i32
    %add3A_221 = arith.addi %mul3A_2, %add3A_220 : i32
    %dma_start3A_222 = arith.constant 0 : i32
    %dma_start3A_223 = arith.constant 0 : i32
    %dma_start3A_224 = arith.constant 0 : i32
    %dma_start3A_225 = tpu.memref_slice %arg4[%add3A_221, %dma_start3A_223, %dma_start3A_224] : memref<1536x224x224xf32, #tpu.memory_space<hbm>> -> memref<1x224x224xf32, #tpu.memory_space<hbm>>
    %dma_start3A_226 = arith.constant 0 : i32
    %dma_start3A_227 = arith.constant 0 : i32
    %dma_start3A_228 = arith.constant 0 : i32
    %dma_start3A_229 = tpu.memref_slice %arg6[%arg1, %dma_start3A_222, %dma_start3A_226, %dma_start3A_227, %dma_start3A_228] : memref<16x2x1x224x224xf32, #tpu.memory_space<vmem_shared>> -> memref<1x1x1x224x224xf32, #tpu.memory_space<vmem_shared>>
    %dma_start3A_230 = tpu.memref_squeeze %dma_start3A_229 : memref<1x1x1x224x224xf32, #tpu.memory_space<vmem_shared>> -> memref<1x224x224xf32, #tpu.memory_space<vmem_shared>>
    tpu.enqueue_dma source(%dma_start3A_230 : memref<1x224x224xf32, #tpu.memory_space<vmem_shared>>) target(%dma_start3A_225 : memref<1x224x224xf32, #tpu.memory_space<hbm>>) target_semaphore(%arg9 : memref<!tpu.dma_semaphore, #tpu.memory_space<semaphore_mem>>)
    %add3A_231 = arith.constant 4 : i32
    %add3A_232 = arith.addi %mul3A_2, %add3A_231 : i32
    %dma_wait3A_233 = arith.constant 0 : i32
    %dma_wait3A_234 = arith.constant 0 : i32
    %dma_wait3A_235 = arith.constant 0 : i32
    %dma_wait3A_236 = tpu.memref_slice %arg4[%add3A_232, %dma_wait3A_234, %dma_wait3A_235] : memref<1536x224x224xf32, #tpu.memory_space<hbm>> -> memref<1x224x224xf32, #tpu.memory_space<hbm>>
    %dma_wait3A_237 = arith.constant 0 : i32
    %dma_wait3A_238 = arith.constant 0 : i32
    %dma_wait3A_239 = arith.constant 0 : i32
    %dma_wait3A_240 = tpu.memref_slice %arg6[%arg1, %dma_wait3A_233, %dma_wait3A_237, %dma_wait3A_238, %dma_wait3A_239] : memref<16x2x1x224x224xf32, #tpu.memory_space<vmem_shared>> -> memref<1x1x1x224x224xf32, #tpu.memory_space<vmem_shared>>
    %dma_wait3A_241 = tpu.memref_squeeze %dma_wait3A_240 : memref<1x1x1x224x224xf32, #tpu.memory_space<vmem_shared>> -> memref<1x224x224xf32, #tpu.memory_space<vmem_shared>>
    tpu.wait_dma2 semaphore(%arg9 : memref<!tpu.dma_semaphore, #tpu.memory_space<semaphore_mem>>) src(%dma_wait3A_241 : memref<1x224x224xf32, #tpu.memory_space<vmem_shared>>) dst(%dma_wait3A_236 : memref<1x224x224xf32, #tpu.memory_space<hbm>>)
    %get3A_242 = arith.constant 0 : index
    %get3A_243 = tpu.vector_load %arg5[%get3A_242] {strides = array<i32>} : memref<48xi32, #tpu.memory_space<vmem>>, vector<16xi32>,
    %get3A_244 = vector.shape_cast %get3A_243 : vector<16xi32> to vector<16xi32>
    %slice3A_245 = vector.extract_strided_slice %get3A_244 {offsets = [6], sizes = [1], strides = [1]} : vector<16xi32> to vector<1xi32>
    %squeeze3A_246 = vector.extract %slice3A_245[0] : i32 from vector<1xi32>
    %dma_start3A_247 = arith.constant 0 : i32
    %dma_start3A_248 = arith.constant 0 : i32
    %dma_start3A_249 = arith.constant 0 : i32
    %dma_start3A_250 = arith.constant 0 : i32
    %dma_start3A_251 = tpu.memref_slice %arg6[%arg1, %dma_start3A_247, %dma_start3A_248, %dma_start3A_249, %dma_start3A_250] : memref<16x2x1x224x224xf32, #tpu.memory_space<vmem_shared>> -> memref<1x1x1x224x224xf32, #tpu.memory_space<vmem_shared>>
    %dma_start3A_252 = tpu.memref_squeeze %dma_start3A_251 : memref<1x1x1x224x224xf32, #tpu.memory_space<vmem_shared>> -> memref<1x224x224xf32, #tpu.memory_space<vmem_shared>>
    %dma_start3A_253 = arith.constant 0 : i32
    %dma_start3A_254 = arith.constant 0 : i32
    %dma_start3A_255 = tpu.memref_slice %arg2[%squeeze3A_246, %dma_start3A_253, %dma_start3A_254] : memref<1536x224x224xf32, #tpu.memory_space<hbm>> -> memref<1x224x224xf32, #tpu.memory_space<hbm>>
    tpu.enqueue_dma source(%dma_start3A_255 : memref<1x224x224xf32, #tpu.memory_space<hbm>>) target(%dma_start3A_252 : memref<1x224x224xf32, #tpu.memory_space<vmem_shared>>) target_semaphore(%arg7 : memref<!tpu.dma_semaphore, #tpu.memory_space<semaphore_mem>>)
    %dma_wait3A_256 = arith.constant 1 : i32
    %dma_wait3A_257 = arith.constant 0 : i32
    %dma_wait3A_258 = arith.constant 0 : i32
    %dma_wait3A_259 = arith.constant 0 : i32
    %dma_wait3A_260 = tpu.memref_slice %arg6[%arg1, %dma_wait3A_256, %dma_wait3A_257, %dma_wait3A_258, %dma_wait3A_259] : memref<16x2x1x224x224xf32, #tpu.memory_space<vmem_shared>> -> memref<1x1x1x224x224xf32, #tpu.memory_space<vmem_shared>>
    %dma_wait3A_261 = tpu.memref_squeeze %dma_wait3A_260 : memref<1x1x1x224x224xf32, #tpu.memory_space<vmem_shared>> -> memref<1x224x224xf32, #tpu.memory_space<vmem_shared>>
    %dma_wait3A_262 = arith.constant 0 : i32
    %dma_wait3A_263 = arith.constant 0 : i32
    %dma_wait3A_264 = arith.constant 0 : i32
    %dma_wait3A_265 = tpu.memref_slice %arg2[%dma_wait3A_262, %dma_wait3A_263, %dma_wait3A_264] : memref<1536x224x224xf32, #tpu.memory_space<hbm>> -> memref<1x224x224xf32, #tpu.memory_space<hbm>>
    tpu.wait_dma2 semaphore(%arg8 : memref<!tpu.dma_semaphore, #tpu.memory_space<semaphore_mem>>) src(%dma_wait3A_265 : memref<1x224x224xf32, #tpu.memory_space<hbm>>) dst(%dma_wait3A_261 : memref<1x224x224xf32, #tpu.memory_space<vmem_shared>>)
    %add3A_266 = arith.constant 5 : i32
    %add3A_267 = arith.addi %mul3A_2, %add3A_266 : i32
    %dma_start3A_268 = arith.constant 1 : i32
    %dma_start3A_269 = arith.constant 0 : i32
    %dma_start3A_270 = arith.constant 0 : i32
    %dma_start3A_271 = tpu.memref_slice %arg4[%add3A_267, %dma_start3A_269, %dma_start3A_270] : memref<1536x224x224xf32, #tpu.memory_space<hbm>> -> memref<1x224x224xf32, #tpu.memory_space<hbm>>
    %dma_start3A_272 = arith.constant 0 : i32
    %dma_start3A_273 = arith.constant 0 : i32
    %dma_start3A_274 = arith.constant 0 : i32
    %dma_start3A_275 = tpu.memref_slice %arg6[%arg1, %dma_start3A_268, %dma_start3A_272, %dma_start3A_273, %dma_start3A_274] : memref<16x2x1x224x224xf32, #tpu.memory_space<vmem_shared>> -> memref<1x1x1x224x224xf32, #tpu.memory_space<vmem_shared>>
    %dma_start3A_276 = tpu.memref_squeeze %dma_start3A_275 : memref<1x1x1x224x224xf32, #tpu.memory_space<vmem_shared>> -> memref<1x224x224xf32, #tpu.memory_space<vmem_shared>>
    tpu.enqueue_dma source(%dma_start3A_276 : memref<1x224x224xf32, #tpu.memory_space<vmem_shared>>) target(%dma_start3A_271 : memref<1x224x224xf32, #tpu.memory_space<hbm>>) target_semaphore(%arg10 : memref<!tpu.dma_semaphore, #tpu.memory_space<semaphore_mem>>)
    %add3A_277 = arith.constant 5 : i32
    %add3A_278 = arith.addi %mul3A_2, %add3A_277 : i32
    %dma_wait3A_279 = arith.constant 1 : i32
    %dma_wait3A_280 = arith.constant 0 : i32
    %dma_wait3A_281 = arith.constant 0 : i32
    %dma_wait3A_282 = tpu.memref_slice %arg4[%add3A_278, %dma_wait3A_280, %dma_wait3A_281] : memref<1536x224x224xf32, #tpu.memory_space<hbm>> -> memref<1x224x224xf32, #tpu.memory_space<hbm>>
    %dma_wait3A_283 = arith.constant 0 : i32
    %dma_wait3A_284 = arith.constant 0 : i32
    %dma_wait3A_285 = arith.constant 0 : i32
    %dma_wait3A_286 = tpu.memref_slice %arg6[%arg1, %dma_wait3A_279, %dma_wait3A_283, %dma_wait3A_284, %dma_wait3A_285] : memref<16x2x1x224x224xf32, #tpu.memory_space<vmem_shared>> -> memref<1x1x1x224x224xf32, #tpu.memory_space<vmem_shared>>
    %dma_wait3A_287 = tpu.memref_squeeze %dma_wait3A_286 : memref<1x1x1x224x224xf32, #tpu.memory_space<vmem_shared>> -> memref<1x224x224xf32, #tpu.memory_space<vmem_shared>>
    tpu.wait_dma2 semaphore(%arg10 : memref<!tpu.dma_semaphore, #tpu.memory_space<semaphore_mem>>) src(%dma_wait3A_287 : memref<1x224x224xf32, #tpu.memory_space<vmem_shared>>) dst(%dma_wait3A_282 : memref<1x224x224xf32, #tpu.memory_space<hbm>>)
    %get3A_288 = arith.constant 0 : index
    %get3A_289 = tpu.vector_load %arg5[%get3A_288] {strides = array<i32>} : memref<48xi32, #tpu.memory_space<vmem>>, vector<16xi32>,
    %get3A_290 = vector.shape_cast %get3A_289 : vector<16xi32> to vector<16xi32>
    %slice3A_291 = vector.extract_strided_slice %get3A_290 {offsets = [7], sizes = [1], strides = [1]} : vector<16xi32> to vector<1xi32>
    %squeeze3A_292 = vector.extract %slice3A_291[0] : i32 from vector<1xi32>
    %dma_start3A_293 = arith.constant 1 : i32
    %dma_start3A_294 = arith.constant 0 : i32
    %dma_start3A_295 = arith.constant 0 : i32
    %dma_start3A_296 = arith.constant 0 : i32
    %dma_start3A_297 = tpu.memref_slice %arg6[%arg1, %dma_start3A_293, %dma_start3A_294, %dma_start3A_295, %dma_start3A_296] : memref<16x2x1x224x224xf32, #tpu.memory_space<vmem_shared>> -> memref<1x1x1x224x224xf32, #tpu.memory_space<vmem_shared>>
    %dma_start3A_298 = tpu.memref_squeeze %dma_start3A_297 : memref<1x1x1x224x224xf32, #tpu.memory_space<vmem_shared>> -> memref<1x224x224xf32, #tpu.memory_space<vmem_shared>>
    %dma_start3A_299 = arith.constant 0 : i32
    %dma_start3A_300 = arith.constant 0 : i32
    %dma_start3A_301 = tpu.memref_slice %arg2[%squeeze3A_292, %dma_start3A_299, %dma_start3A_300] : memref<1536x224x224xf32, #tpu.memory_space<hbm>> -> memref<1x224x224xf32, #tpu.memory_space<hbm>>
    tpu.enqueue_dma source(%dma_start3A_301 : memref<1x224x224xf32, #tpu.memory_space<hbm>>) target(%dma_start3A_298 : memref<1x224x224xf32, #tpu.memory_space<vmem_shared>>) target_semaphore(%arg8 : memref<!tpu.dma_semaphore, #tpu.memory_space<semaphore_mem>>)
    %dma_wait3A_302 = arith.constant 0 : i32
    %dma_wait3A_303 = arith.constant 0 : i32
    %dma_wait3A_304 = arith.constant 0 : i32
    %dma_wait3A_305 = arith.constant 0 : i32
    %dma_wait3A_306 = tpu.memref_slice %arg6[%arg1, %dma_wait3A_302, %dma_wait3A_303, %dma_wait3A_304, %dma_wait3A_305] : memref<16x2x1x224x224xf32, #tpu.memory_space<vmem_shared>> -> memref<1x1x1x224x224xf32, #tpu.memory_space<vmem_shared>>
    %dma_wait3A_307 = tpu.memref_squeeze %dma_wait3A_306 : memref<1x1x1x224x224xf32, #tpu.memory_space<vmem_shared>> -> memref<1x224x224xf32, #tpu.memory_space<vmem_shared>>
    %dma_wait3A_308 = arith.constant 0 : i32
    %dma_wait3A_309 = arith.constant 0 : i32
    %dma_wait3A_310 = arith.constant 0 : i32
    %dma_wait3A_311 = tpu.memref_slice %arg2[%dma_wait3A_308, %dma_wait3A_309, %dma_wait3A_310] : memref<1536x224x224xf32, #tpu.memory_space<hbm>> -> memref<1x224x224xf32, #tpu.memory_space<hbm>>
    tpu.wait_dma2 semaphore(%arg7 : memref<!tpu.dma_semaphore, #tpu.memory_space<semaphore_mem>>) src(%dma_wait3A_311 : memref<1x224x224xf32, #tpu.memory_space<hbm>>) dst(%dma_wait3A_307 : memref<1x224x224xf32, #tpu.memory_space<vmem_shared>>)
    %add3A_312 = arith.constant 6 : i32
    %add3A_313 = arith.addi %mul3A_2, %add3A_312 : i32
    %dma_start3A_314 = arith.constant 0 : i32
    %dma_start3A_315 = arith.constant 0 : i32
    %dma_start3A_316 = arith.constant 0 : i32
    %dma_start3A_317 = tpu.memref_slice %arg4[%add3A_313, %dma_start3A_315, %dma_start3A_316] : memref<1536x224x224xf32, #tpu.memory_space<hbm>> -> memref<1x224x224xf32, #tpu.memory_space<hbm>>
    %dma_start3A_318 = arith.constant 0 : i32
    %dma_start3A_319 = arith.constant 0 : i32
    %dma_start3A_320 = arith.constant 0 : i32
    %dma_start3A_321 = tpu.memref_slice %arg6[%arg1, %dma_start3A_314, %dma_start3A_318, %dma_start3A_319, %dma_start3A_320] : memref<16x2x1x224x224xf32, #tpu.memory_space<vmem_shared>> -> memref<1x1x1x224x224xf32, #tpu.memory_space<vmem_shared>>
    %dma_start3A_322 = tpu.memref_squeeze %dma_start3A_321 : memref<1x1x1x224x224xf32, #tpu.memory_space<vmem_shared>> -> memref<1x224x224xf32, #tpu.memory_space<vmem_shared>>
    tpu.enqueue_dma source(%dma_start3A_322 : memref<1x224x224xf32, #tpu.memory_space<vmem_shared>>) target(%dma_start3A_317 : memref<1x224x224xf32, #tpu.memory_space<hbm>>) target_semaphore(%arg9 : memref<!tpu.dma_semaphore, #tpu.memory_space<semaphore_mem>>)
    %add3A_323 = arith.constant 6 : i32
    %add3A_324 = arith.addi %mul3A_2, %add3A_323 : i32
    %dma_wait3A_325 = arith.constant 0 : i32
    %dma_wait3A_326 = arith.constant 0 : i32
    %dma_wait3A_327 = arith.constant 0 : i32
    %dma_wait3A_328 = tpu.memref_slice %arg4[%add3A_324, %dma_wait3A_326, %dma_wait3A_327] : memref<1536x224x224xf32, #tpu.memory_space<hbm>> -> memref<1x224x224xf32, #tpu.memory_space<hbm>>
    %dma_wait3A_329 = arith.constant 0 : i32
    %dma_wait3A_330 = arith.constant 0 : i32
    %dma_wait3A_331 = arith.constant 0 : i32
    %dma_wait3A_332 = tpu.memref_slice %arg6[%arg1, %dma_wait3A_325, %dma_wait3A_329, %dma_wait3A_330, %dma_wait3A_331] : memref<16x2x1x224x224xf32, #tpu.memory_space<vmem_shared>> -> memref<1x1x1x224x224xf32, #tpu.memory_space<vmem_shared>>
    %dma_wait3A_333 = tpu.memref_squeeze %dma_wait3A_332 : memref<1x1x1x224x224xf32, #tpu.memory_space<vmem_shared>> -> memref<1x224x224xf32, #tpu.memory_space<vmem_shared>>
    tpu.wait_dma2 semaphore(%arg9 : memref<!tpu.dma_semaphore, #tpu.memory_space<semaphore_mem>>) src(%dma_wait3A_333 : memref<1x224x224xf32, #tpu.memory_space<vmem_shared>>) dst(%dma_wait3A_328 : memref<1x224x224xf32, #tpu.memory_space<hbm>>)
    %get3A_334 = arith.constant 0 : index
    %get3A_335 = tpu.vector_load %arg5[%get3A_334] {strides = array<i32>} : memref<48xi32, #tpu.memory_space<vmem>>, vector<16xi32>,
    %get3A_336 = vector.shape_cast %get3A_335 : vector<16xi32> to vector<16xi32>
    %slice3A_337 = vector.extract_strided_slice %get3A_336 {offsets = [8], sizes = [1], strides = [1]} : vector<16xi32> to vector<1xi32>
    %squeeze3A_338 = vector.extract %slice3A_337[0] : i32 from vector<1xi32>
    %dma_start3A_339 = arith.constant 0 : i32
    %dma_start3A_340 = arith.constant 0 : i32
    %dma_start3A_341 = arith.constant 0 : i32
    %dma_start3A_342 = arith.constant 0 : i32
    %dma_start3A_343 = tpu.memref_slice %arg6[%arg1, %dma_start3A_339, %dma_start3A_340, %dma_start3A_341, %dma_start3A_342] : memref<16x2x1x224x224xf32, #tpu.memory_space<vmem_shared>> -> memref<1x1x1x224x224xf32, #tpu.memory_space<vmem_shared>>
    %dma_start3A_344 = tpu.memref_squeeze %dma_start3A_343 : memref<1x1x1x224x224xf32, #tpu.memory_space<vmem_shared>> -> memref<1x224x224xf32, #tpu.memory_space<vmem_shared>>
    %dma_start3A_345 = arith.constant 0 : i32
    %dma_start3A_346 = arith.constant 0 : i32
    %dma_start3A_347 = tpu.memref_slice %arg2[%squeeze3A_338, %dma_start3A_345, %dma_start3A_346] : memref<1536x224x224xf32, #tpu.memory_space<hbm>> -> memref<1x224x224xf32, #tpu.memory_space<hbm>>
    tpu.enqueue_dma source(%dma_start3A_347 : memref<1x224x224xf32, #tpu.memory_space<hbm>>) target(%dma_start3A_344 : memref<1x224x224xf32, #tpu.memory_space<vmem_shared>>) target_semaphore(%arg7 : memref<!tpu.dma_semaphore, #tpu.memory_space<semaphore_mem>>)
    %dma_wait3A_348 = arith.constant 1 : i32
    %dma_wait3A_349 = arith.constant 0 : i32
    %dma_wait3A_350 = arith.constant 0 : i32
    %dma_wait3A_351 = arith.constant 0 : i32
    %dma_wait3A_352 = tpu.memref_slice %arg6[%arg1, %dma_wait3A_348, %dma_wait3A_349, %dma_wait3A_350, %dma_wait3A_351] : memref<16x2x1x224x224xf32, #tpu.memory_space<vmem_shared>> -> memref<1x1x1x224x224xf32, #tpu.memory_space<vmem_shared>>
    %dma_wait3A_353 = tpu.memref_squeeze %dma_wait3A_352 : memref<1x1x1x224x224xf32, #tpu.memory_space<vmem_shared>> -> memref<1x224x224xf32, #tpu.memory_space<vmem_shared>>
    %dma_wait3A_354 = arith.constant 0 : i32
    %dma_wait3A_355 = arith.constant 0 : i32
    %dma_wait3A_356 = arith.constant 0 : i32
    %dma_wait3A_357 = tpu.memref_slice %arg2[%dma_wait3A_354, %dma_wait3A_355, %dma_wait3A_356] : memref<1536x224x224xf32, #tpu.memory_space<hbm>> -> memref<1x224x224xf32, #tpu.memory_space<hbm>>
    tpu.wait_dma2 semaphore(%arg8 : memref<!tpu.dma_semaphore, #tpu.memory_space<semaphore_mem>>) src(%dma_wait3A_357 : memref<1x224x224xf32, #tpu.memory_space<hbm>>) dst(%dma_wait3A_353 : memref<1x224x224xf32, #tpu.memory_space<vmem_shared>>)
    %add3A_358 = arith.constant 7 : i32
    %add3A_359 = arith.addi %mul3A_2, %add3A_358 : i32
    %dma_start3A_360 = arith.constant 1 : i32
    %dma_start3A_361 = arith.constant 0 : i32
    %dma_start3A_362 = arith.constant 0 : i32
    %dma_start3A_363 = tpu.memref_slice %arg4[%add3A_359, %dma_start3A_361, %dma_start3A_362] : memref<1536x224x224xf32, #tpu.memory_space<hbm>> -> memref<1x224x224xf32, #tpu.memory_space<hbm>>
    %dma_start3A_364 = arith.constant 0 : i32
    %dma_start3A_365 = arith.constant 0 : i32
    %dma_start3A_366 = arith.constant 0 : i32
    %dma_start3A_367 = tpu.memref_slice %arg6[%arg1, %dma_start3A_360, %dma_start3A_364, %dma_start3A_365, %dma_start3A_366] : memref<16x2x1x224x224xf32, #tpu.memory_space<vmem_shared>> -> memref<1x1x1x224x224xf32, #tpu.memory_space<vmem_shared>>
    %dma_start3A_368 = tpu.memref_squeeze %dma_start3A_367 : memref<1x1x1x224x224xf32, #tpu.memory_space<vmem_shared>> -> memref<1x224x224xf32, #tpu.memory_space<vmem_shared>>
    tpu.enqueue_dma source(%dma_start3A_368 : memref<1x224x224xf32, #tpu.memory_space<vmem_shared>>) target(%dma_start3A_363 : memref<1x224x224xf32, #tpu.memory_space<hbm>>) target_semaphore(%arg10 : memref<!tpu.dma_semaphore, #tpu.memory_space<semaphore_mem>>)
    %add3A_369 = arith.constant 7 : i32
    %add3A_370 = arith.addi %mul3A_2, %add3A_369 : i32
    %dma_wait3A_371 = arith.constant 1 : i32
    %dma_wait3A_372 = arith.constant 0 : i32
    %dma_wait3A_373 = arith.constant 0 : i32
    %dma_wait3A_374 = tpu.memref_slice %arg4[%add3A_370, %dma_wait3A_372, %dma_wait3A_373] : memref<1536x224x224xf32, #tpu.memory_space<hbm>> -> memref<1x224x224xf32, #tpu.memory_space<hbm>>
    %dma_wait3A_375 = arith.constant 0 : i32
    %dma_wait3A_376 = arith.constant 0 : i32
    %dma_wait3A_377 = arith.constant 0 : i32
    %dma_wait3A_378 = tpu.memref_slice %arg6[%arg1, %dma_wait3A_371, %dma_wait3A_375, %dma_wait3A_376, %dma_wait3A_377] : memref<16x2x1x224x224xf32, #tpu.memory_space<vmem_shared>> -> memref<1x1x1x224x224xf32, #tpu.memory_space<vmem_shared>>
    %dma_wait3A_379 = tpu.memref_squeeze %dma_wait3A_378 : memref<1x1x1x224x224xf32, #tpu.memory_space<vmem_shared>> -> memref<1x224x224xf32, #tpu.memory_space<vmem_shared>>
    tpu.wait_dma2 semaphore(%arg10 : memref<!tpu.dma_semaphore, #tpu.memory_space<semaphore_mem>>) src(%dma_wait3A_379 : memref<1x224x224xf32, #tpu.memory_space<vmem_shared>>) dst(%dma_wait3A_374 : memref<1x224x224xf32, #tpu.memory_space<hbm>>)
    %get3A_380 = arith.constant 0 : index
    %get3A_381 = tpu.vector_load %arg5[%get3A_380] {strides = array<i32>} : memref<48xi32, #tpu.memory_space<vmem>>, vector<16xi32>,
    %get3A_382 = vector.shape_cast %get3A_381 : vector<16xi32> to vector<16xi32>
    %slice3A_383 = vector.extract_strided_slice %get3A_382 {offsets = [9], sizes = [1], strides = [1]} : vector<16xi32> to vector<1xi32>
    %squeeze3A_384 = vector.extract %slice3A_383[0] : i32 from vector<1xi32>
    %dma_start3A_385 = arith.constant 1 : i32
    %dma_start3A_386 = arith.constant 0 : i32
    %dma_start3A_387 = arith.constant 0 : i32
    %dma_start3A_388 = arith.constant 0 : i32
    %dma_start3A_389 = tpu.memref_slice %arg6[%arg1, %dma_start3A_385, %dma_start3A_386, %dma_start3A_387, %dma_start3A_388] : memref<16x2x1x224x224xf32, #tpu.memory_space<vmem_shared>> -> memref<1x1x1x224x224xf32, #tpu.memory_space<vmem_shared>>
    %dma_start3A_390 = tpu.memref_squeeze %dma_start3A_389 : memref<1x1x1x224x224xf32, #tpu.memory_space<vmem_shared>> -> memref<1x224x224xf32, #tpu.memory_space<vmem_shared>>
    %dma_start3A_391 = arith.constant 0 : i32
    %dma_start3A_392 = arith.constant 0 : i32
    %dma_start3A_393 = tpu.memref_slice %arg2[%squeeze3A_384, %dma_start3A_391, %dma_start3A_392] : memref<1536x224x224xf32, #tpu.memory_space<hbm>> -> memref<1x224x224xf32, #tpu.memory_space<hbm>>
    tpu.enqueue_dma source(%dma_start3A_393 : memref<1x224x224xf32, #tpu.memory_space<hbm>>) target(%dma_start3A_390 : memref<1x224x224xf32, #tpu.memory_space<vmem_shared>>) target_semaphore(%arg8 : memref<!tpu.dma_semaphore, #tpu.memory_space<semaphore_mem>>)
    %dma_wait3A_394 = arith.constant 0 : i32
    %dma_wait3A_395 = arith.constant 0 : i32
    %dma_wait3A_396 = arith.constant 0 : i32
    %dma_wait3A_397 = arith.constant 0 : i32
    %dma_wait3A_398 = tpu.memref_slice %arg6[%arg1, %dma_wait3A_394, %dma_wait3A_395, %dma_wait3A_396, %dma_wait3A_397] : memref<16x2x1x224x224xf32, #tpu.memory_space<vmem_shared>> -> memref<1x1x1x224x224xf32, #tpu.memory_space<vmem_shared>>
    %dma_wait3A_399 = tpu.memref_squeeze %dma_wait3A_398 : memref<1x1x1x224x224xf32, #tpu.memory_space<vmem_shared>> -> memref<1x224x224xf32, #tpu.memory_space<vmem_shared>>
    %dma_wait3A_400 = arith.constant 0 : i32
    %dma_wait3A_401 = arith.constant 0 : i32
    %dma_wait3A_402 = arith.constant 0 : i32
    %dma_wait3A_403 = tpu.memref_slice %arg2[%dma_wait3A_400, %dma_wait3A_401, %dma_wait3A_402] : memref<1536x224x224xf32, #tpu.memory_space<hbm>> -> memref<1x224x224xf32, #tpu.memory_space<hbm>>
    tpu.wait_dma2 semaphore(%arg7 : memref<!tpu.dma_semaphore, #tpu.memory_space<semaphore_mem>>) src(%dma_wait3A_403 : memref<1x224x224xf32, #tpu.memory_space<hbm>>) dst(%dma_wait3A_399 : memref<1x224x224xf32, #tpu.memory_space<vmem_shared>>)
    %add3A_404 = arith.constant 8 : i32
    %add3A_405 = arith.addi %mul3A_2, %add3A_404 : i32
    %dma_start3A_406 = arith.constant 0 : i32
    %dma_start3A_407 = arith.constant 0 : i32
    %dma_start3A_408 = arith.constant 0 : i32
    %dma_start3A_409 = tpu.memref_slice %arg4[%add3A_405, %dma_start3A_407, %dma_start3A_408] : memref<1536x224x224xf32, #tpu.memory_space<hbm>> -> memref<1x224x224xf32, #tpu.memory_space<hbm>>
    %dma_start3A_410 = arith.constant 0 : i32
    %dma_start3A_411 = arith.constant 0 : i32
    %dma_start3A_412 = arith.constant 0 : i32
    %dma_start3A_413 = tpu.memref_slice %arg6[%arg1, %dma_start3A_406, %dma_start3A_410, %dma_start3A_411, %dma_start3A_412] : memref<16x2x1x224x224xf32, #tpu.memory_space<vmem_shared>> -> memref<1x1x1x224x224xf32, #tpu.memory_space<vmem_shared>>
    %dma_start3A_414 = tpu.memref_squeeze %dma_start3A_413 : memref<1x1x1x224x224xf32, #tpu.memory_space<vmem_shared>> -> memref<1x224x224xf32, #tpu.memory_space<vmem_shared>>
    tpu.enqueue_dma source(%dma_start3A_414 : memref<1x224x224xf32, #tpu.memory_space<vmem_shared>>) target(%dma_start3A_409 : memref<1x224x224xf32, #tpu.memory_space<hbm>>) target_semaphore(%arg9 : memref<!tpu.dma_semaphore, #tpu.memory_space<semaphore_mem>>)
    %add3A_415 = arith.constant 8 : i32
    %add3A_416 = arith.addi %mul3A_2, %add3A_415 : i32
    %dma_wait3A_417 = arith.constant 0 : i32
    %dma_wait3A_418 = arith.constant 0 : i32
    %dma_wait3A_419 = arith.constant 0 : i32
    %dma_wait3A_420 = tpu.memref_slice %arg4[%add3A_416, %dma_wait3A_418, %dma_wait3A_419] : memref<1536x224x224xf32, #tpu.memory_space<hbm>> -> memref<1x224x224xf32, #tpu.memory_space<hbm>>
    %dma_wait3A_421 = arith.constant 0 : i32
    %dma_wait3A_422 = arith.constant 0 : i32
    %dma_wait3A_423 = arith.constant 0 : i32
    %dma_wait3A_424 = tpu.memref_slice %arg6[%arg1, %dma_wait3A_417, %dma_wait3A_421, %dma_wait3A_422, %dma_wait3A_423] : memref<16x2x1x224x224xf32, #tpu.memory_space<vmem_shared>> -> memref<1x1x1x224x224xf32, #tpu.memory_space<vmem_shared>>
    %dma_wait3A_425 = tpu.memref_squeeze %dma_wait3A_424 : memref<1x1x1x224x224xf32, #tpu.memory_space<vmem_shared>> -> memref<1x224x224xf32, #tpu.memory_space<vmem_shared>>
    tpu.wait_dma2 semaphore(%arg9 : memref<!tpu.dma_semaphore, #tpu.memory_space<semaphore_mem>>) src(%dma_wait3A_425 : memref<1x224x224xf32, #tpu.memory_space<vmem_shared>>) dst(%dma_wait3A_420 : memref<1x224x224xf32, #tpu.memory_space<hbm>>)
    %get3A_426 = arith.constant 0 : index
    %get3A_427 = tpu.vector_load %arg5[%get3A_426] {strides = array<i32>} : memref<48xi32, #tpu.memory_space<vmem>>, vector<16xi32>,
    %get3A_428 = vector.shape_cast %get3A_427 : vector<16xi32> to vector<16xi32>
    %slice3A_429 = vector.extract_strided_slice %get3A_428 {offsets = [10], sizes = [1], strides = [1]} : vector<16xi32> to vector<1xi32>
    %squeeze3A_430 = vector.extract %slice3A_429[0] : i32 from vector<1xi32>
    %dma_start3A_431 = arith.constant 0 : i32
    %dma_start3A_432 = arith.constant 0 : i32
    %dma_start3A_433 = arith.constant 0 : i32
    %dma_start3A_434 = arith.constant 0 : i32
    %dma_start3A_435 = tpu.memref_slice %arg6[%arg1, %dma_start3A_431, %dma_start3A_432, %dma_start3A_433, %dma_start3A_434] : memref<16x2x1x224x224xf32, #tpu.memory_space<vmem_shared>> -> memref<1x1x1x224x224xf32, #tpu.memory_space<vmem_shared>>
    %dma_start3A_436 = tpu.memref_squeeze %dma_start3A_435 : memref<1x1x1x224x224xf32, #tpu.memory_space<vmem_shared>> -> memref<1x224x224xf32, #tpu.memory_space<vmem_shared>>
    %dma_start3A_437 = arith.constant 0 : i32
    %dma_start3A_438 = arith.constant 0 : i32
    %dma_start3A_439 = tpu.memref_slice %arg2[%squeeze3A_430, %dma_start3A_437, %dma_start3A_438] : memref<1536x224x224xf32, #tpu.memory_space<hbm>> -> memref<1x224x224xf32, #tpu.memory_space<hbm>>
    tpu.enqueue_dma source(%dma_start3A_439 : memref<1x224x224xf32, #tpu.memory_space<hbm>>) target(%dma_start3A_436 : memref<1x224x224xf32, #tpu.memory_space<vmem_shared>>) target_semaphore(%arg7 : memref<!tpu.dma_semaphore, #tpu.memory_space<semaphore_mem>>)
    %dma_wait3A_440 = arith.constant 1 : i32
    %dma_wait3A_441 = arith.constant 0 : i32
    %dma_wait3A_442 = arith.constant 0 : i32
    %dma_wait3A_443 = arith.constant 0 : i32
    %dma_wait3A_444 = tpu.memref_slice %arg6[%arg1, %dma_wait3A_440, %dma_wait3A_441, %dma_wait3A_442, %dma_wait3A_443] : memref<16x2x1x224x224xf32, #tpu.memory_space<vmem_shared>> -> memref<1x1x1x224x224xf32, #tpu.memory_space<vmem_shared>>
    %dma_wait3A_445 = tpu.memref_squeeze %dma_wait3A_444 : memref<1x1x1x224x224xf32, #tpu.memory_space<vmem_shared>> -> memref<1x224x224xf32, #tpu.memory_space<vmem_shared>>
    %dma_wait3A_446 = arith.constant 0 : i32
    %dma_wait3A_447 = arith.constant 0 : i32
    %dma_wait3A_448 = arith.constant 0 : i32
    %dma_wait3A_449 = tpu.memref_slice %arg2[%dma_wait3A_446, %dma_wait3A_447, %dma_wait3A_448] : memref<1536x224x224xf32, #tpu.memory_space<hbm>> -> memref<1x224x224xf32, #tpu.memory_space<hbm>>
    tpu.wait_dma2 semaphore(%arg8 : memref<!tpu.dma_semaphore, #tpu.memory_space<semaphore_mem>>) src(%dma_wait3A_449 : memref<1x224x224xf32, #tpu.memory_space<hbm>>) dst(%dma_wait3A_445 : memref<1x224x224xf32, #tpu.memory_space<vmem_shared>>)
    %add3A_450 = arith.constant 9 : i32
    %add3A_451 = arith.addi %mul3A_2, %add3A_450 : i32
    %dma_start3A_452 = arith.constant 1 : i32
    %dma_start3A_453 = arith.constant 0 : i32
    %dma_start3A_454 = arith.constant 0 : i32
    %dma_start3A_455 = tpu.memref_slice %arg4[%add3A_451, %dma_start3A_453, %dma_start3A_454] : memref<1536x224x224xf32, #tpu.memory_space<hbm>> -> memref<1x224x224xf32, #tpu.memory_space<hbm>>
    %dma_start3A_456 = arith.constant 0 : i32
    %dma_start3A_457 = arith.constant 0 : i32
    %dma_start3A_458 = arith.constant 0 : i32
    %dma_start3A_459 = tpu.memref_slice %arg6[%arg1, %dma_start3A_452, %dma_start3A_456, %dma_start3A_457, %dma_start3A_458] : memref<16x2x1x224x224xf32, #tpu.memory_space<vmem_shared>> -> memref<1x1x1x224x224xf32, #tpu.memory_space<vmem_shared>>
    %dma_start3A_460 = tpu.memref_squeeze %dma_start3A_459 : memref<1x1x1x224x224xf32, #tpu.memory_space<vmem_shared>> -> memref<1x224x224xf32, #tpu.memory_space<vmem_shared>>
    tpu.enqueue_dma source(%dma_start3A_460 : memref<1x224x224xf32, #tpu.memory_space<vmem_shared>>) target(%dma_start3A_455 : memref<1x224x224xf32, #tpu.memory_space<hbm>>) target_semaphore(%arg10 : memref<!tpu.dma_semaphore, #tpu.memory_space<semaphore_mem>>)
    %add3A_461 = arith.constant 9 : i32
    %add3A_462 = arith.addi %mul3A_2, %add3A_461 : i32
    %dma_wait3A_463 = arith.constant 1 : i32
    %dma_wait3A_464 = arith.constant 0 : i32
    %dma_wait3A_465 = arith.constant 0 : i32
    %dma_wait3A_466 = tpu.memref_slice %arg4[%add3A_462, %dma_wait3A_464, %dma_wait3A_465] : memref<1536x224x224xf32, #tpu.memory_space<hbm>> -> memref<1x224x224xf32, #tpu.memory_space<hbm>>
    %dma_wait3A_467 = arith.constant 0 : i32
    %dma_wait3A_468 = arith.constant 0 : i32
    %dma_wait3A_469 = arith.constant 0 : i32
    %dma_wait3A_470 = tpu.memref_slice %arg6[%arg1, %dma_wait3A_463, %dma_wait3A_467, %dma_wait3A_468, %dma_wait3A_469] : memref<16x2x1x224x224xf32, #tpu.memory_space<vmem_shared>> -> memref<1x1x1x224x224xf32, #tpu.memory_space<vmem_shared>>
    %dma_wait3A_471 = tpu.memref_squeeze %dma_wait3A_470 : memref<1x1x1x224x224xf32, #tpu.memory_space<vmem_shared>> -> memref<1x224x224xf32, #tpu.memory_space<vmem_shared>>
    tpu.wait_dma2 semaphore(%arg10 : memref<!tpu.dma_semaphore, #tpu.memory_space<semaphore_mem>>) src(%dma_wait3A_471 : memref<1x224x224xf32, #tpu.memory_space<vmem_shared>>) dst(%dma_wait3A_466 : memref<1x224x224xf32, #tpu.memory_space<hbm>>)
    %get3A_472 = arith.constant 0 : index
    %get3A_473 = tpu.vector_load %arg5[%get3A_472] {strides = array<i32>} : memref<48xi32, #tpu.memory_space<vmem>>, vector<16xi32>,
    %get3A_474 = vector.shape_cast %get3A_473 : vector<16xi32> to vector<16xi32>
    %slice3A_475 = vector.extract_strided_slice %get3A_474 {offsets = [11], sizes = [1], strides = [1]} : vector<16xi32> to vector<1xi32>
    %squeeze3A_476 = vector.extract %slice3A_475[0] : i32 from vector<1xi32>
    %dma_start3A_477 = arith.constant 1 : i32
    %dma_start3A_478 = arith.constant 0 : i32
    %dma_start3A_479 = arith.constant 0 : i32
    %dma_start3A_480 = arith.constant 0 : i32
    %dma_start3A_481 = tpu.memref_slice %arg6[%arg1, %dma_start3A_477, %dma_start3A_478, %dma_start3A_479, %dma_start3A_480] : memref<16x2x1x224x224xf32, #tpu.memory_space<vmem_shared>> -> memref<1x1x1x224x224xf32, #tpu.memory_space<vmem_shared>>
    %dma_start3A_482 = tpu.memref_squeeze %dma_start3A_481 : memref<1x1x1x224x224xf32, #tpu.memory_space<vmem_shared>> -> memref<1x224x224xf32, #tpu.memory_space<vmem_shared>>
    %dma_start3A_483 = arith.constant 0 : i32
    %dma_start3A_484 = arith.constant 0 : i32
    %dma_start3A_485 = tpu.memref_slice %arg2[%squeeze3A_476, %dma_start3A_483, %dma_start3A_484] : memref<1536x224x224xf32, #tpu.memory_space<hbm>> -> memref<1x224x224xf32, #tpu.memory_space<hbm>>
    tpu.enqueue_dma source(%dma_start3A_485 : memref<1x224x224xf32, #tpu.memory_space<hbm>>) target(%dma_start3A_482 : memref<1x224x224xf32, #tpu.memory_space<vmem_shared>>) target_semaphore(%arg8 : memref<!tpu.dma_semaphore, #tpu.memory_space<semaphore_mem>>)
    %dma_wait3A_486 = arith.constant 0 : i32
    %dma_wait3A_487 = arith.constant 0 : i32
    %dma_wait3A_488 = arith.constant 0 : i32
    %dma_wait3A_489 = arith.constant 0 : i32
    %dma_wait3A_490 = tpu.memref_slice %arg6[%arg1, %dma_wait3A_486, %dma_wait3A_487, %dma_wait3A_488, %dma_wait3A_489] : memref<16x2x1x224x224xf32, #tpu.memory_space<vmem_shared>> -> memref<1x1x1x224x224xf32, #tpu.memory_space<vmem_shared>>
    %dma_wait3A_491 = tpu.memref_squeeze %dma_wait3A_490 : memref<1x1x1x224x224xf32, #tpu.memory_space<vmem_shared>> -> memref<1x224x224xf32, #tpu.memory_space<vmem_shared>>
    %dma_wait3A_492 = arith.constant 0 : i32
    %dma_wait3A_493 = arith.constant 0 : i32
    %dma_wait3A_494 = arith.constant 0 : i32
    %dma_wait3A_495 = tpu.memref_slice %arg2[%dma_wait3A_492, %dma_wait3A_493, %dma_wait3A_494] : memref<1536x224x224xf32, #tpu.memory_space<hbm>> -> memref<1x224x224xf32, #tpu.memory_space<hbm>>
    tpu.wait_dma2 semaphore(%arg7 : memref<!tpu.dma_semaphore, #tpu.memory_space<semaphore_mem>>) src(%dma_wait3A_495 : memref<1x224x224xf32, #tpu.memory_space<hbm>>) dst(%dma_wait3A_491 : memref<1x224x224xf32, #tpu.memory_space<vmem_shared>>)
    %add3A_496 = arith.constant 10 : i32
    %add3A_497 = arith.addi %mul3A_2, %add3A_496 : i32
    %dma_start3A_498 = arith.constant 0 : i32
    %dma_start3A_499 = arith.constant 0 : i32
    %dma_start3A_500 = arith.constant 0 : i32
    %dma_start3A_501 = tpu.memref_slice %arg4[%add3A_497, %dma_start3A_499, %dma_start3A_500] : memref<1536x224x224xf32, #tpu.memory_space<hbm>> -> memref<1x224x224xf32, #tpu.memory_space<hbm>>
    %dma_start3A_502 = arith.constant 0 : i32
    %dma_start3A_503 = arith.constant 0 : i32
    %dma_start3A_504 = arith.constant 0 : i32
    %dma_start3A_505 = tpu.memref_slice %arg6[%arg1, %dma_start3A_498, %dma_start3A_502, %dma_start3A_503, %dma_start3A_504] : memref<16x2x1x224x224xf32, #tpu.memory_space<vmem_shared>> -> memref<1x1x1x224x224xf32, #tpu.memory_space<vmem_shared>>
    %dma_start3A_506 = tpu.memref_squeeze %dma_start3A_505 : memref<1x1x1x224x224xf32, #tpu.memory_space<vmem_shared>> -> memref<1x224x224xf32, #tpu.memory_space<vmem_shared>>
    tpu.enqueue_dma source(%dma_start3A_506 : memref<1x224x224xf32, #tpu.memory_space<vmem_shared>>) target(%dma_start3A_501 : memref<1x224x224xf32, #tpu.memory_space<hbm>>) target_semaphore(%arg9 : memref<!tpu.dma_semaphore, #tpu.memory_space<semaphore_mem>>)
    %add3A_507 = arith.constant 10 : i32
    %add3A_508 = arith.addi %mul3A_2, %add3A_507 : i32
    %dma_wait3A_509 = arith.constant 0 : i32
    %dma_wait3A_510 = arith.constant 0 : i32
    %dma_wait3A_511 = arith.constant 0 : i32
    %dma_wait3A_512 = tpu.memref_slice %arg4[%add3A_508, %dma_wait3A_510, %dma_wait3A_511] : memref<1536x224x224xf32, #tpu.memory_space<hbm>> -> memref<1x224x224xf32, #tpu.memory_space<hbm>>
    %dma_wait3A_513 = arith.constant 0 : i32
    %dma_wait3A_514 = arith.constant 0 : i32
    %dma_wait3A_515 = arith.constant 0 : i32
    %dma_wait3A_516 = tpu.memref_slice %arg6[%arg1, %dma_wait3A_509, %dma_wait3A_513, %dma_wait3A_514, %dma_wait3A_515] : memref<16x2x1x224x224xf32, #tpu.memory_space<vmem_shared>> -> memref<1x1x1x224x224xf32, #tpu.memory_space<vmem_shared>>
    %dma_wait3A_517 = tpu.memref_squeeze %dma_wait3A_516 : memref<1x1x1x224x224xf32, #tpu.memory_space<vmem_shared>> -> memref<1x224x224xf32, #tpu.memory_space<vmem_shared>>
    tpu.wait_dma2 semaphore(%arg9 : memref<!tpu.dma_semaphore, #tpu.memory_space<semaphore_mem>>) src(%dma_wait3A_517 : memref<1x224x224xf32, #tpu.memory_space<vmem_shared>>) dst(%dma_wait3A_512 : memref<1x224x224xf32, #tpu.memory_space<hbm>>)
    %get3A_518 = arith.constant 0 : index
    %get3A_519 = tpu.vector_load %arg5[%get3A_518] {strides = array<i32>} : memref<48xi32, #tpu.memory_space<vmem>>, vector<16xi32>,
    %get3A_520 = vector.shape_cast %get3A_519 : vector<16xi32> to vector<16xi32>
    %slice3A_521 = vector.extract_strided_slice %get3A_520 {offsets = [12], sizes = [1], strides = [1]} : vector<16xi32> to vector<1xi32>
    %squeeze3A_522 = vector.extract %slice3A_521[0] : i32 from vector<1xi32>
    %dma_start3A_523 = arith.constant 0 : i32
    %dma_start3A_524 = arith.constant 0 : i32
    %dma_start3A_525 = arith.constant 0 : i32
    %dma_start3A_526 = arith.constant 0 : i32
    %dma_start3A_527 = tpu.memref_slice %arg6[%arg1, %dma_start3A_523, %dma_start3A_524, %dma_start3A_525, %dma_start3A_526] : memref<16x2x1x224x224xf32, #tpu.memory_space<vmem_shared>> -> memref<1x1x1x224x224xf32, #tpu.memory_space<vmem_shared>>
    %dma_start3A_528 = tpu.memref_squeeze %dma_start3A_527 : memref<1x1x1x224x224xf32, #tpu.memory_space<vmem_shared>> -> memref<1x224x224xf32, #tpu.memory_space<vmem_shared>>
    %dma_start3A_529 = arith.constant 0 : i32
    %dma_start3A_530 = arith.constant 0 : i32
    %dma_start3A_531 = tpu.memref_slice %arg2[%squeeze3A_522, %dma_start3A_529, %dma_start3A_530] : memref<1536x224x224xf32, #tpu.memory_space<hbm>> -> memref<1x224x224xf32, #tpu.memory_space<hbm>>
    tpu.enqueue_dma source(%dma_start3A_531 : memref<1x224x224xf32, #tpu.memory_space<hbm>>) target(%dma_start3A_528 : memref<1x224x224xf32, #tpu.memory_space<vmem_shared>>) target_semaphore(%arg7 : memref<!tpu.dma_semaphore, #tpu.memory_space<semaphore_mem>>)
    %dma_wait3A_532 = arith.constant 1 : i32
    %dma_wait3A_533 = arith.constant 0 : i32
    %dma_wait3A_534 = arith.constant 0 : i32
    %dma_wait3A_535 = arith.constant 0 : i32
    %dma_wait3A_536 = tpu.memref_slice %arg6[%arg1, %dma_wait3A_532, %dma_wait3A_533, %dma_wait3A_534, %dma_wait3A_535] : memref<16x2x1x224x224xf32, #tpu.memory_space<vmem_shared>> -> memref<1x1x1x224x224xf32, #tpu.memory_space<vmem_shared>>
    %dma_wait3A_537 = tpu.memref_squeeze %dma_wait3A_536 : memref<1x1x1x224x224xf32, #tpu.memory_space<vmem_shared>> -> memref<1x224x224xf32, #tpu.memory_space<vmem_shared>>
    %dma_wait3A_538 = arith.constant 0 : i32
    %dma_wait3A_539 = arith.constant 0 : i32
    %dma_wait3A_540 = arith.constant 0 : i32
    %dma_wait3A_541 = tpu.memref_slice %arg2[%dma_wait3A_538, %dma_wait3A_539, %dma_wait3A_540] : memref<1536x224x224xf32, #tpu.memory_space<hbm>> -> memref<1x224x224xf32, #tpu.memory_space<hbm>>
    tpu.wait_dma2 semaphore(%arg8 : memref<!tpu.dma_semaphore, #tpu.memory_space<semaphore_mem>>) src(%dma_wait3A_541 : memref<1x224x224xf32, #tpu.memory_space<hbm>>) dst(%dma_wait3A_537 : memref<1x224x224xf32, #tpu.memory_space<vmem_shared>>)
    %add3A_542 = arith.constant 11 : i32
    %add3A_543 = arith.addi %mul3A_2, %add3A_542 : i32
    %dma_start3A_544 = arith.constant 1 : i32
    %dma_start3A_545 = arith.constant 0 : i32
    %dma_start3A_546 = arith.constant 0 : i32
    %dma_start3A_547 = tpu.memref_slice %arg4[%add3A_543, %dma_start3A_545, %dma_start3A_546] : memref<1536x224x224xf32, #tpu.memory_space<hbm>> -> memref<1x224x224xf32, #tpu.memory_space<hbm>>
    %dma_start3A_548 = arith.constant 0 : i32
    %dma_start3A_549 = arith.constant 0 : i32
    %dma_start3A_550 = arith.constant 0 : i32
    %dma_start3A_551 = tpu.memref_slice %arg6[%arg1, %dma_start3A_544, %dma_start3A_548, %dma_start3A_549, %dma_start3A_550] : memref<16x2x1x224x224xf32, #tpu.memory_space<vmem_shared>> -> memref<1x1x1x224x224xf32, #tpu.memory_space<vmem_shared>>
    %dma_start3A_552 = tpu.memref_squeeze %dma_start3A_551 : memref<1x1x1x224x224xf32, #tpu.memory_space<vmem_shared>> -> memref<1x224x224xf32, #tpu.memory_space<vmem_shared>>
    tpu.enqueue_dma source(%dma_start3A_552 : memref<1x224x224xf32, #tpu.memory_space<vmem_shared>>) target(%dma_start3A_547 : memref<1x224x224xf32, #tpu.memory_space<hbm>>) target_semaphore(%arg10 : memref<!tpu.dma_semaphore, #tpu.memory_space<semaphore_mem>>)
    %add3A_553 = arith.constant 11 : i32
    %add3A_554 = arith.addi %mul3A_2, %add3A_553 : i32
    %dma_wait3A_555 = arith.constant 1 : i32
    %dma_wait3A_556 = arith.constant 0 : i32
    %dma_wait3A_557 = arith.constant 0 : i32
    %dma_wait3A_558 = tpu.memref_slice %arg4[%add3A_554, %dma_wait3A_556, %dma_wait3A_557] : memref<1536x224x224xf32, #tpu.memory_space<hbm>> -> memref<1x224x224xf32, #tpu.memory_space<hbm>>
    %dma_wait3A_559 = arith.constant 0 : i32
    %dma_wait3A_560 = arith.constant 0 : i32
    %dma_wait3A_561 = arith.constant 0 : i32
    %dma_wait3A_562 = tpu.memref_slice %arg6[%arg1, %dma_wait3A_555, %dma_wait3A_559, %dma_wait3A_560, %dma_wait3A_561] : memref<16x2x1x224x224xf32, #tpu.memory_space<vmem_shared>> -> memref<1x1x1x224x224xf32, #tpu.memory_space<vmem_shared>>
    %dma_wait3A_563 = tpu.memref_squeeze %dma_wait3A_562 : memref<1x1x1x224x224xf32, #tpu.memory_space<vmem_shared>> -> memref<1x224x224xf32, #tpu.memory_space<vmem_shared>>
    tpu.wait_dma2 semaphore(%arg10 : memref<!tpu.dma_semaphore, #tpu.memory_space<semaphore_mem>>) src(%dma_wait3A_563 : memref<1x224x224xf32, #tpu.memory_space<vmem_shared>>) dst(%dma_wait3A_558 : memref<1x224x224xf32, #tpu.memory_space<hbm>>)
    %get3A_564 = arith.constant 0 : index
    %get3A_565 = tpu.vector_load %arg5[%get3A_564] {strides = array<i32>} : memref<48xi32, #tpu.memory_space<vmem>>, vector<16xi32>,
    %get3A_566 = vector.shape_cast %get3A_565 : vector<16xi32> to vector<16xi32>
    %slice3A_567 = vector.extract_strided_slice %get3A_566 {offsets = [13], sizes = [1], strides = [1]} : vector<16xi32> to vector<1xi32>
    %squeeze3A_568 = vector.extract %slice3A_567[0] : i32 from vector<1xi32>
    %dma_start3A_569 = arith.constant 1 : i32
    %dma_start3A_570 = arith.constant 0 : i32
    %dma_start3A_571 = arith.constant 0 : i32
    %dma_start3A_572 = arith.constant 0 : i32
    %dma_start3A_573 = tpu.memref_slice %arg6[%arg1, %dma_start3A_569, %dma_start3A_570, %dma_start3A_571, %dma_start3A_572] : memref<16x2x1x224x224xf32, #tpu.memory_space<vmem_shared>> -> memref<1x1x1x224x224xf32, #tpu.memory_space<vmem_shared>>
    %dma_start3A_574 = tpu.memref_squeeze %dma_start3A_573 : memref<1x1x1x224x224xf32, #tpu.memory_space<vmem_shared>> -> memref<1x224x224xf32, #tpu.memory_space<vmem_shared>>
    %dma_start3A_575 = arith.constant 0 : i32
    %dma_start3A_576 = arith.constant 0 : i32
    %dma_start3A_577 = tpu.memref_slice %arg2[%squeeze3A_568, %dma_start3A_575, %dma_start3A_576] : memref<1536x224x224xf32, #tpu.memory_space<hbm>> -> memref<1x224x224xf32, #tpu.memory_space<hbm>>
    tpu.enqueue_dma source(%dma_start3A_577 : memref<1x224x224xf32, #tpu.memory_space<hbm>>) target(%dma_start3A_574 : memref<1x224x224xf32, #tpu.memory_space<vmem_shared>>) target_semaphore(%arg8 : memref<!tpu.dma_semaphore, #tpu.memory_space<semaphore_mem>>)
    %dma_wait3A_578 = arith.constant 0 : i32
    %dma_wait3A_579 = arith.constant 0 : i32
    %dma_wait3A_580 = arith.constant 0 : i32
    %dma_wait3A_581 = arith.constant 0 : i32
    %dma_wait3A_582 = tpu.memref_slice %arg6[%arg1, %dma_wait3A_578, %dma_wait3A_579, %dma_wait3A_580, %dma_wait3A_581] : memref<16x2x1x224x224xf32, #tpu.memory_space<vmem_shared>> -> memref<1x1x1x224x224xf32, #tpu.memory_space<vmem_shared>>
    %dma_wait3A_583 = tpu.memref_squeeze %dma_wait3A_582 : memref<1x1x1x224x224xf32, #tpu.memory_space<vmem_shared>> -> memref<1x224x224xf32, #tpu.memory_space<vmem_shared>>
    %dma_wait3A_584 = arith.constant 0 : i32
    %dma_wait3A_585 = arith.constant 0 : i32
    %dma_wait3A_586 = arith.constant 0 : i32
    %dma_wait3A_587 = tpu.memref_slice %arg2[%dma_wait3A_584, %dma_wait3A_585, %dma_wait3A_586] : memref<1536x224x224xf32, #tpu.memory_space<hbm>> -> memref<1x224x224xf32, #tpu.memory_space<hbm>>
    tpu.wait_dma2 semaphore(%arg7 : memref<!tpu.dma_semaphore, #tpu.memory_space<semaphore_mem>>) src(%dma_wait3A_587 : memref<1x224x224xf32, #tpu.memory_space<hbm>>) dst(%dma_wait3A_583 : memref<1x224x224xf32, #tpu.memory_space<vmem_shared>>)
    %add3A_588 = arith.constant 12 : i32
    %add3A_589 = arith.addi %mul3A_2, %add3A_588 : i32
    %dma_start3A_590 = arith.constant 0 : i32
    %dma_start3A_591 = arith.constant 0 : i32
    %dma_start3A_592 = arith.constant 0 : i32
    %dma_start3A_593 = tpu.memref_slice %arg4[%add3A_589, %dma_start3A_591, %dma_start3A_592] : memref<1536x224x224xf32, #tpu.memory_space<hbm>> -> memref<1x224x224xf32, #tpu.memory_space<hbm>>
    %dma_start3A_594 = arith.constant 0 : i32
    %dma_start3A_595 = arith.constant 0 : i32
    %dma_start3A_596 = arith.constant 0 : i32
    %dma_start3A_597 = tpu.memref_slice %arg6[%arg1, %dma_start3A_590, %dma_start3A_594, %dma_start3A_595, %dma_start3A_596] : memref<16x2x1x224x224xf32, #tpu.memory_space<vmem_shared>> -> memref<1x1x1x224x224xf32, #tpu.memory_space<vmem_shared>>
    %dma_start3A_598 = tpu.memref_squeeze %dma_start3A_597 : memref<1x1x1x224x224xf32, #tpu.memory_space<vmem_shared>> -> memref<1x224x224xf32, #tpu.memory_space<vmem_shared>>
    tpu.enqueue_dma source(%dma_start3A_598 : memref<1x224x224xf32, #tpu.memory_space<vmem_shared>>) target(%dma_start3A_593 : memref<1x224x224xf32, #tpu.memory_space<hbm>>) target_semaphore(%arg9 : memref<!tpu.dma_semaphore, #tpu.memory_space<semaphore_mem>>)
    %add3A_599 = arith.constant 12 : i32
    %add3A_600 = arith.addi %mul3A_2, %add3A_599 : i32
    %dma_wait3A_601 = arith.constant 0 : i32
    %dma_wait3A_602 = arith.constant 0 : i32
    %dma_wait3A_603 = arith.constant 0 : i32
    %dma_wait3A_604 = tpu.memref_slice %arg4[%add3A_600, %dma_wait3A_602, %dma_wait3A_603] : memref<1536x224x224xf32, #tpu.memory_space<hbm>> -> memref<1x224x224xf32, #tpu.memory_space<hbm>>
    %dma_wait3A_605 = arith.constant 0 : i32
    %dma_wait3A_606 = arith.constant 0 : i32
    %dma_wait3A_607 = arith.constant 0 : i32
    %dma_wait3A_608 = tpu.memref_slice %arg6[%arg1, %dma_wait3A_601, %dma_wait3A_605, %dma_wait3A_606, %dma_wait3A_607] : memref<16x2x1x224x224xf32, #tpu.memory_space<vmem_shared>> -> memref<1x1x1x224x224xf32, #tpu.memory_space<vmem_shared>>
    %dma_wait3A_609 = tpu.memref_squeeze %dma_wait3A_608 : memref<1x1x1x224x224xf32, #tpu.memory_space<vmem_shared>> -> memref<1x224x224xf32, #tpu.memory_space<vmem_shared>>
    tpu.wait_dma2 semaphore(%arg9 : memref<!tpu.dma_semaphore, #tpu.memory_space<semaphore_mem>>) src(%dma_wait3A_609 : memref<1x224x224xf32, #tpu.memory_space<vmem_shared>>) dst(%dma_wait3A_604 : memref<1x224x224xf32, #tpu.memory_space<hbm>>)
    %get3A_610 = arith.constant 0 : index
    %get3A_611 = tpu.vector_load %arg5[%get3A_610] {strides = array<i32>} : memref<48xi32, #tpu.memory_space<vmem>>, vector<16xi32>,
    %get3A_612 = vector.shape_cast %get3A_611 : vector<16xi32> to vector<16xi32>
    %slice3A_613 = vector.extract_strided_slice %get3A_612 {offsets = [14], sizes = [1], strides = [1]} : vector<16xi32> to vector<1xi32>
    %squeeze3A_614 = vector.extract %slice3A_613[0] : i32 from vector<1xi32>
    %dma_start3A_615 = arith.constant 0 : i32
    %dma_start3A_616 = arith.constant 0 : i32
    %dma_start3A_617 = arith.constant 0 : i32
    %dma_start3A_618 = arith.constant 0 : i32
    %dma_start3A_619 = tpu.memref_slice %arg6[%arg1, %dma_start3A_615, %dma_start3A_616, %dma_start3A_617, %dma_start3A_618] : memref<16x2x1x224x224xf32, #tpu.memory_space<vmem_shared>> -> memref<1x1x1x224x224xf32, #tpu.memory_space<vmem_shared>>
    %dma_start3A_620 = tpu.memref_squeeze %dma_start3A_619 : memref<1x1x1x224x224xf32, #tpu.memory_space<vmem_shared>> -> memref<1x224x224xf32, #tpu.memory_space<vmem_shared>>
    %dma_start3A_621 = arith.constant 0 : i32
    %dma_start3A_622 = arith.constant 0 : i32
    %dma_start3A_623 = tpu.memref_slice %arg2[%squeeze3A_614, %dma_start3A_621, %dma_start3A_622] : memref<1536x224x224xf32, #tpu.memory_space<hbm>> -> memref<1x224x224xf32, #tpu.memory_space<hbm>>
    tpu.enqueue_dma source(%dma_start3A_623 : memref<1x224x224xf32, #tpu.memory_space<hbm>>) target(%dma_start3A_620 : memref<1x224x224xf32, #tpu.memory_space<vmem_shared>>) target_semaphore(%arg7 : memref<!tpu.dma_semaphore, #tpu.memory_space<semaphore_mem>>)
    %dma_wait3A_624 = arith.constant 1 : i32
    %dma_wait3A_625 = arith.constant 0 : i32
    %dma_wait3A_626 = arith.constant 0 : i32
    %dma_wait3A_627 = arith.constant 0 : i32
    %dma_wait3A_628 = tpu.memref_slice %arg6[%arg1, %dma_wait3A_624, %dma_wait3A_625, %dma_wait3A_626, %dma_wait3A_627] : memref<16x2x1x224x224xf32, #tpu.memory_space<vmem_shared>> -> memref<1x1x1x224x224xf32, #tpu.memory_space<vmem_shared>>
    %dma_wait3A_629 = tpu.memref_squeeze %dma_wait3A_628 : memref<1x1x1x224x224xf32, #tpu.memory_space<vmem_shared>> -> memref<1x224x224xf32, #tpu.memory_space<vmem_shared>>
    %dma_wait3A_630 = arith.constant 0 : i32
    %dma_wait3A_631 = arith.constant 0 : i32
    %dma_wait3A_632 = arith.constant 0 : i32
    %dma_wait3A_633 = tpu.memref_slice %arg2[%dma_wait3A_630, %dma_wait3A_631, %dma_wait3A_632] : memref<1536x224x224xf32, #tpu.memory_space<hbm>> -> memref<1x224x224xf32, #tpu.memory_space<hbm>>
    tpu.wait_dma2 semaphore(%arg8 : memref<!tpu.dma_semaphore, #tpu.memory_space<semaphore_mem>>) src(%dma_wait3A_633 : memref<1x224x224xf32, #tpu.memory_space<hbm>>) dst(%dma_wait3A_629 : memref<1x224x224xf32, #tpu.memory_space<vmem_shared>>)
    %add3A_634 = arith.constant 13 : i32
    %add3A_635 = arith.addi %mul3A_2, %add3A_634 : i32
    %dma_start3A_636 = arith.constant 1 : i32
    %dma_start3A_637 = arith.constant 0 : i32
    %dma_start3A_638 = arith.constant 0 : i32
    %dma_start3A_639 = tpu.memref_slice %arg4[%add3A_635, %dma_start3A_637, %dma_start3A_638] : memref<1536x224x224xf32, #tpu.memory_space<hbm>> -> memref<1x224x224xf32, #tpu.memory_space<hbm>>
    %dma_start3A_640 = arith.constant 0 : i32
    %dma_start3A_641 = arith.constant 0 : i32
    %dma_start3A_642 = arith.constant 0 : i32
    %dma_start3A_643 = tpu.memref_slice %arg6[%arg1, %dma_start3A_636, %dma_start3A_640, %dma_start3A_641, %dma_start3A_642] : memref<16x2x1x224x224xf32, #tpu.memory_space<vmem_shared>> -> memref<1x1x1x224x224xf32, #tpu.memory_space<vmem_shared>>
    %dma_start3A_644 = tpu.memref_squeeze %dma_start3A_643 : memref<1x1x1x224x224xf32, #tpu.memory_space<vmem_shared>> -> memref<1x224x224xf32, #tpu.memory_space<vmem_shared>>
    tpu.enqueue_dma source(%dma_start3A_644 : memref<1x224x224xf32, #tpu.memory_space<vmem_shared>>) target(%dma_start3A_639 : memref<1x224x224xf32, #tpu.memory_space<hbm>>) target_semaphore(%arg10 : memref<!tpu.dma_semaphore, #tpu.memory_space<semaphore_mem>>)
    %add3A_645 = arith.constant 13 : i32
    %add3A_646 = arith.addi %mul3A_2, %add3A_645 : i32
    %dma_wait3A_647 = arith.constant 1 : i32
    %dma_wait3A_648 = arith.constant 0 : i32
    %dma_wait3A_649 = arith.constant 0 : i32
    %dma_wait3A_650 = tpu.memref_slice %arg4[%add3A_646, %dma_wait3A_648, %dma_wait3A_649] : memref<1536x224x224xf32, #tpu.memory_space<hbm>> -> memref<1x224x224xf32, #tpu.memory_space<hbm>>
    %dma_wait3A_651 = arith.constant 0 : i32
    %dma_wait3A_652 = arith.constant 0 : i32
    %dma_wait3A_653 = arith.constant 0 : i32
    %dma_wait3A_654 = tpu.memref_slice %arg6[%arg1, %dma_wait3A_647, %dma_wait3A_651, %dma_wait3A_652, %dma_wait3A_653] : memref<16x2x1x224x224xf32, #tpu.memory_space<vmem_shared>> -> memref<1x1x1x224x224xf32, #tpu.memory_space<vmem_shared>>
    %dma_wait3A_655 = tpu.memref_squeeze %dma_wait3A_654 : memref<1x1x1x224x224xf32, #tpu.memory_space<vmem_shared>> -> memref<1x224x224xf32, #tpu.memory_space<vmem_shared>>
    tpu.wait_dma2 semaphore(%arg10 : memref<!tpu.dma_semaphore, #tpu.memory_space<semaphore_mem>>) src(%dma_wait3A_655 : memref<1x224x224xf32, #tpu.memory_space<vmem_shared>>) dst(%dma_wait3A_650 : memref<1x224x224xf32, #tpu.memory_space<hbm>>)
    %get3A_656 = arith.constant 0 : index
    %get3A_657 = tpu.vector_load %arg5[%get3A_656] {strides = array<i32>} : memref<48xi32, #tpu.memory_space<vmem>>, vector<16xi32>,
    %get3A_658 = vector.shape_cast %get3A_657 : vector<16xi32> to vector<16xi32>
    %slice3A_659 = vector.extract_strided_slice %get3A_658 {offsets = [15], sizes = [1], strides = [1]} : vector<16xi32> to vector<1xi32>
    %squeeze3A_660 = vector.extract %slice3A_659[0] : i32 from vector<1xi32>
    %dma_start3A_661 = arith.constant 1 : i32
    %dma_start3A_662 = arith.constant 0 : i32
    %dma_start3A_663 = arith.constant 0 : i32
    %dma_start3A_664 = arith.constant 0 : i32
    %dma_start3A_665 = tpu.memref_slice %arg6[%arg1, %dma_start3A_661, %dma_start3A_662, %dma_start3A_663, %dma_start3A_664] : memref<16x2x1x224x224xf32, #tpu.memory_space<vmem_shared>> -> memref<1x1x1x224x224xf32, #tpu.memory_space<vmem_shared>>
    %dma_start3A_666 = tpu.memref_squeeze %dma_start3A_665 : memref<1x1x1x224x224xf32, #tpu.memory_space<vmem_shared>> -> memref<1x224x224xf32, #tpu.memory_space<vmem_shared>>
    %dma_start3A_667 = arith.constant 0 : i32
    %dma_start3A_668 = arith.constant 0 : i32
    %dma_start3A_669 = tpu.memref_slice %arg2[%squeeze3A_660, %dma_start3A_667, %dma_start3A_668] : memref<1536x224x224xf32, #tpu.memory_space<hbm>> -> memref<1x224x224xf32, #tpu.memory_space<hbm>>
    tpu.enqueue_dma source(%dma_start3A_669 : memref<1x224x224xf32, #tpu.memory_space<hbm>>) target(%dma_start3A_666 : memref<1x224x224xf32, #tpu.memory_space<vmem_shared>>) target_semaphore(%arg8 : memref<!tpu.dma_semaphore, #tpu.memory_space<semaphore_mem>>)
    %dma_wait3A_670 = arith.constant 0 : i32
    %dma_wait3A_671 = arith.constant 0 : i32
    %dma_wait3A_672 = arith.constant 0 : i32
    %dma_wait3A_673 = arith.constant 0 : i32
    %dma_wait3A_674 = tpu.memref_slice %arg6[%arg1, %dma_wait3A_670, %dma_wait3A_671, %dma_wait3A_672, %dma_wait3A_673] : memref<16x2x1x224x224xf32, #tpu.memory_space<vmem_shared>> -> memref<1x1x1x224x224xf32, #tpu.memory_space<vmem_shared>>
    %dma_wait3A_675 = tpu.memref_squeeze %dma_wait3A_674 : memref<1x1x1x224x224xf32, #tpu.memory_space<vmem_shared>> -> memref<1x224x224xf32, #tpu.memory_space<vmem_shared>>
    %dma_wait3A_676 = arith.constant 0 : i32
    %dma_wait3A_677 = arith.constant 0 : i32
    %dma_wait3A_678 = arith.constant 0 : i32
    %dma_wait3A_679 = tpu.memref_slice %arg2[%dma_wait3A_676, %dma_wait3A_677, %dma_wait3A_678] : memref<1536x224x224xf32, #tpu.memory_space<hbm>> -> memref<1x224x224xf32, #tpu.memory_space<hbm>>
    tpu.wait_dma2 semaphore(%arg7 : memref<!tpu.dma_semaphore, #tpu.memory_space<semaphore_mem>>) src(%dma_wait3A_679 : memref<1x224x224xf32, #tpu.memory_space<hbm>>) dst(%dma_wait3A_675 : memref<1x224x224xf32, #tpu.memory_space<vmem_shared>>)
    %add3A_680 = arith.constant 14 : i32
    %add3A_681 = arith.addi %mul3A_2, %add3A_680 : i32
    %dma_start3A_682 = arith.constant 0 : i32
    %dma_start3A_683 = arith.constant 0 : i32
    %dma_start3A_684 = arith.constant 0 : i32
    %dma_start3A_685 = tpu.memref_slice %arg4[%add3A_681, %dma_start3A_683, %dma_start3A_684] : memref<1536x224x224xf32, #tpu.memory_space<hbm>> -> memref<1x224x224xf32, #tpu.memory_space<hbm>>
    %dma_start3A_686 = arith.constant 0 : i32
    %dma_start3A_687 = arith.constant 0 : i32
    %dma_start3A_688 = arith.constant 0 : i32
    %dma_start3A_689 = tpu.memref_slice %arg6[%arg1, %dma_start3A_682, %dma_start3A_686, %dma_start3A_687, %dma_start3A_688] : memref<16x2x1x224x224xf32, #tpu.memory_space<vmem_shared>> -> memref<1x1x1x224x224xf32, #tpu.memory_space<vmem_shared>>
    %dma_start3A_690 = tpu.memref_squeeze %dma_start3A_689 : memref<1x1x1x224x224xf32, #tpu.memory_space<vmem_shared>> -> memref<1x224x224xf32, #tpu.memory_space<vmem_shared>>
    tpu.enqueue_dma source(%dma_start3A_690 : memref<1x224x224xf32, #tpu.memory_space<vmem_shared>>) target(%dma_start3A_685 : memref<1x224x224xf32, #tpu.memory_space<hbm>>) target_semaphore(%arg9 : memref<!tpu.dma_semaphore, #tpu.memory_space<semaphore_mem>>)
    %add3A_691 = arith.constant 14 : i32
    %add3A_692 = arith.addi %mul3A_2, %add3A_691 : i32
    %dma_wait3A_693 = arith.constant 0 : i32
    %dma_wait3A_694 = arith.constant 0 : i32
    %dma_wait3A_695 = arith.constant 0 : i32
    %dma_wait3A_696 = tpu.memref_slice %arg4[%add3A_692, %dma_wait3A_694, %dma_wait3A_695] : memref<1536x224x224xf32, #tpu.memory_space<hbm>> -> memref<1x224x224xf32, #tpu.memory_space<hbm>>
    %dma_wait3A_697 = arith.constant 0 : i32
    %dma_wait3A_698 = arith.constant 0 : i32
    %dma_wait3A_699 = arith.constant 0 : i32
    %dma_wait3A_700 = tpu.memref_slice %arg6[%arg1, %dma_wait3A_693, %dma_wait3A_697, %dma_wait3A_698, %dma_wait3A_699] : memref<16x2x1x224x224xf32, #tpu.memory_space<vmem_shared>> -> memref<1x1x1x224x224xf32, #tpu.memory_space<vmem_shared>>
    %dma_wait3A_701 = tpu.memref_squeeze %dma_wait3A_700 : memref<1x1x1x224x224xf32, #tpu.memory_space<vmem_shared>> -> memref<1x224x224xf32, #tpu.memory_space<vmem_shared>>
    tpu.wait_dma2 semaphore(%arg9 : memref<!tpu.dma_semaphore, #tpu.memory_space<semaphore_mem>>) src(%dma_wait3A_701 : memref<1x224x224xf32, #tpu.memory_space<vmem_shared>>) dst(%dma_wait3A_696 : memref<1x224x224xf32, #tpu.memory_space<hbm>>)
    %get3A_702 = arith.constant 16 : index
    %get3A_703 = tpu.vector_load %arg5[%get3A_702] {strides = array<i32>} : memref<48xi32, #tpu.memory_space<vmem>>, vector<16xi32>,
    %get3A_704 = vector.shape_cast %get3A_703 : vector<16xi32> to vector<16xi32>
    %slice3A_705 = vector.extract_strided_slice %get3A_704 {offsets = [0], sizes = [1], strides = [1]} : vector<16xi32> to vector<1xi32>
    %squeeze3A_706 = vector.extract %slice3A_705[0] : i32 from vector<1xi32>
    %dma_start3A_707 = arith.constant 0 : i32
    %dma_start3A_708 = arith.constant 0 : i32
    %dma_start3A_709 = arith.constant 0 : i32
    %dma_start3A_710 = arith.constant 0 : i32
    %dma_start3A_711 = tpu.memref_slice %arg6[%arg1, %dma_start3A_707, %dma_start3A_708, %dma_start3A_709, %dma_start3A_710] : memref<16x2x1x224x224xf32, #tpu.memory_space<vmem_shared>> -> memref<1x1x1x224x224xf32, #tpu.memory_space<vmem_shared>>
    %dma_start3A_712 = tpu.memref_squeeze %dma_start3A_711 : memref<1x1x1x224x224xf32, #tpu.memory_space<vmem_shared>> -> memref<1x224x224xf32, #tpu.memory_space<vmem_shared>>
    %dma_start3A_713 = arith.constant 0 : i32
    %dma_start3A_714 = arith.constant 0 : i32
    %dma_start3A_715 = tpu.memref_slice %arg2[%squeeze3A_706, %dma_start3A_713, %dma_start3A_714] : memref<1536x224x224xf32, #tpu.memory_space<hbm>> -> memref<1x224x224xf32, #tpu.memory_space<hbm>>
    tpu.enqueue_dma source(%dma_start3A_715 : memref<1x224x224xf32, #tpu.memory_space<hbm>>) target(%dma_start3A_712 : memref<1x224x224xf32, #tpu.memory_space<vmem_shared>>) target_semaphore(%arg7 : memref<!tpu.dma_semaphore, #tpu.memory_space<semaphore_mem>>)
    %dma_wait3A_716 = arith.constant 1 : i32
    %dma_wait3A_717 = arith.constant 0 : i32
    %dma_wait3A_718 = arith.constant 0 : i32
    %dma_wait3A_719 = arith.constant 0 : i32
    %dma_wait3A_720 = tpu.memref_slice %arg6[%arg1, %dma_wait3A_716, %dma_wait3A_717, %dma_wait3A_718, %dma_wait3A_719] : memref<16x2x1x224x224xf32, #tpu.memory_space<vmem_shared>> -> memref<1x1x1x224x224xf32, #tpu.memory_space<vmem_shared>>
    %dma_wait3A_721 = tpu.memref_squeeze %dma_wait3A_720 : memref<1x1x1x224x224xf32, #tpu.memory_space<vmem_shared>> -> memref<1x224x224xf32, #tpu.memory_space<vmem_shared>>
    %dma_wait3A_722 = arith.constant 0 : i32
    %dma_wait3A_723 = arith.constant 0 : i32
    %dma_wait3A_724 = arith.constant 0 : i32
    %dma_wait3A_725 = tpu.memref_slice %arg2[%dma_wait3A_722, %dma_wait3A_723, %dma_wait3A_724] : memref<1536x224x224xf32, #tpu.memory_space<hbm>> -> memref<1x224x224xf32, #tpu.memory_space<hbm>>
    tpu.wait_dma2 semaphore(%arg8 : memref<!tpu.dma_semaphore, #tpu.memory_space<semaphore_mem>>) src(%dma_wait3A_725 : memref<1x224x224xf32, #tpu.memory_space<hbm>>) dst(%dma_wait3A_721 : memref<1x224x224xf32, #tpu.memory_space<vmem_shared>>)
    %add3A_726 = arith.constant 15 : i32
    %add3A_727 = arith.addi %mul3A_2, %add3A_726 : i32
    %dma_start3A_728 = arith.constant 1 : i32
    %dma_start3A_729 = arith.constant 0 : i32
    %dma_start3A_730 = arith.constant 0 : i32
    %dma_start3A_731 = tpu.memref_slice %arg4[%add3A_727, %dma_start3A_729, %dma_start3A_730] : memref<1536x224x224xf32, #tpu.memory_space<hbm>> -> memref<1x224x224xf32, #tpu.memory_space<hbm>>
    %dma_start3A_732 = arith.constant 0 : i32
    %dma_start3A_733 = arith.constant 0 : i32
    %dma_start3A_734 = arith.constant 0 : i32
    %dma_start3A_735 = tpu.memref_slice %arg6[%arg1, %dma_start3A_728, %dma_start3A_732, %dma_start3A_733, %dma_start3A_734] : memref<16x2x1x224x224xf32, #tpu.memory_space<vmem_shared>> -> memref<1x1x1x224x224xf32, #tpu.memory_space<vmem_shared>>
    %dma_start3A_736 = tpu.memref_squeeze %dma_start3A_735 : memref<1x1x1x224x224xf32, #tpu.memory_space<vmem_shared>> -> memref<1x224x224xf32, #tpu.memory_space<vmem_shared>>
    tpu.enqueue_dma source(%dma_start3A_736 : memref<1x224x224xf32, #tpu.memory_space<vmem_shared>>) target(%dma_start3A_731 : memref<1x224x224xf32, #tpu.memory_space<hbm>>) target_semaphore(%arg10 : memref<!tpu.dma_semaphore, #tpu.memory_space<semaphore_mem>>)
    %add3A_737 = arith.constant 15 : i32
    %add3A_738 = arith.addi %mul3A_2, %add3A_737 : i32
    %dma_wait3A_739 = arith.constant 1 : i32
    %dma_wait3A_740 = arith.constant 0 : i32
    %dma_wait3A_741 = arith.constant 0 : i32
    %dma_wait3A_742 = tpu.memref_slice %arg4[%add3A_738, %dma_wait3A_740, %dma_wait3A_741] : memref<1536x224x224xf32, #tpu.memory_space<hbm>> -> memref<1x224x224xf32, #tpu.memory_space<hbm>>
    %dma_wait3A_743 = arith.constant 0 : i32
    %dma_wait3A_744 = arith.constant 0 : i32
    %dma_wait3A_745 = arith.constant 0 : i32
    %dma_wait3A_746 = tpu.memref_slice %arg6[%arg1, %dma_wait3A_739, %dma_wait3A_743, %dma_wait3A_744, %dma_wait3A_745] : memref<16x2x1x224x224xf32, #tpu.memory_space<vmem_shared>> -> memref<1x1x1x224x224xf32, #tpu.memory_space<vmem_shared>>
    %dma_wait3A_747 = tpu.memref_squeeze %dma_wait3A_746 : memref<1x1x1x224x224xf32, #tpu.memory_space<vmem_shared>> -> memref<1x224x224xf32, #tpu.memory_space<vmem_shared>>
    tpu.wait_dma2 semaphore(%arg10 : memref<!tpu.dma_semaphore, #tpu.memory_space<semaphore_mem>>) src(%dma_wait3A_747 : memref<1x224x224xf32, #tpu.memory_space<vmem_shared>>) dst(%dma_wait3A_742 : memref<1x224x224xf32, #tpu.memory_space<hbm>>)
    %get3A_748 = arith.constant 16 : index
    %get3A_749 = tpu.vector_load %arg5[%get3A_748] {strides = array<i32>} : memref<48xi32, #tpu.memory_space<vmem>>, vector<16xi32>,
    %get3A_750 = vector.shape_cast %get3A_749 : vector<16xi32> to vector<16xi32>
    %slice3A_751 = vector.extract_strided_slice %get3A_750 {offsets = [1], sizes = [1], strides = [1]} : vector<16xi32> to vector<1xi32>
    %squeeze3A_752 = vector.extract %slice3A_751[0] : i32 from vector<1xi32>
    %dma_start3A_753 = arith.constant 1 : i32
    %dma_start3A_754 = arith.constant 0 : i32
    %dma_start3A_755 = arith.constant 0 : i32
    %dma_start3A_756 = arith.constant 0 : i32
    %dma_start3A_757 = tpu.memref_slice %arg6[%arg1, %dma_start3A_753, %dma_start3A_754, %dma_start3A_755, %dma_start3A_756] : memref<16x2x1x224x224xf32, #tpu.memory_space<vmem_shared>> -> memref<1x1x1x224x224xf32, #tpu.memory_space<vmem_shared>>
    %dma_start3A_758 = tpu.memref_squeeze %dma_start3A_757 : memref<1x1x1x224x224xf32, #tpu.memory_space<vmem_shared>> -> memref<1x224x224xf32, #tpu.memory_space<vmem_shared>>
    %dma_start3A_759 = arith.constant 0 : i32
    %dma_start3A_760 = arith.constant 0 : i32
    %dma_start3A_761 = tpu.memref_slice %arg2[%squeeze3A_752, %dma_start3A_759, %dma_start3A_760] : memref<1536x224x224xf32, #tpu.memory_space<hbm>> -> memref<1x224x224xf32, #tpu.memory_space<hbm>>
    tpu.enqueue_dma source(%dma_start3A_761 : memref<1x224x224xf32, #tpu.memory_space<hbm>>) target(%dma_start3A_758 : memref<1x224x224xf32, #tpu.memory_space<vmem_shared>>) target_semaphore(%arg8 : memref<!tpu.dma_semaphore, #tpu.memory_space<semaphore_mem>>)
    %dma_wait3A_762 = arith.constant 0 : i32
    %dma_wait3A_763 = arith.constant 0 : i32
    %dma_wait3A_764 = arith.constant 0 : i32
    %dma_wait3A_765 = arith.constant 0 : i32
    %dma_wait3A_766 = tpu.memref_slice %arg6[%arg1, %dma_wait3A_762, %dma_wait3A_763, %dma_wait3A_764, %dma_wait3A_765] : memref<16x2x1x224x224xf32, #tpu.memory_space<vmem_shared>> -> memref<1x1x1x224x224xf32, #tpu.memory_space<vmem_shared>>
    %dma_wait3A_767 = tpu.memref_squeeze %dma_wait3A_766 : memref<1x1x1x224x224xf32, #tpu.memory_space<vmem_shared>> -> memref<1x224x224xf32, #tpu.memory_space<vmem_shared>>
    %dma_wait3A_768 = arith.constant 0 : i32
    %dma_wait3A_769 = arith.constant 0 : i32
    %dma_wait3A_770 = arith.constant 0 : i32
    %dma_wait3A_771 = tpu.memref_slice %arg2[%dma_wait3A_768, %dma_wait3A_769, %dma_wait3A_770] : memref<1536x224x224xf32, #tpu.memory_space<hbm>> -> memref<1x224x224xf32, #tpu.memory_space<hbm>>
    tpu.wait_dma2 semaphore(%arg7 : memref<!tpu.dma_semaphore, #tpu.memory_space<semaphore_mem>>) src(%dma_wait3A_771 : memref<1x224x224xf32, #tpu.memory_space<hbm>>) dst(%dma_wait3A_767 : memref<1x224x224xf32, #tpu.memory_space<vmem_shared>>)
    %add3A_772 = arith.constant 16 : i32
    %add3A_773 = arith.addi %mul3A_2, %add3A_772 : i32
    %dma_start3A_774 = arith.constant 0 : i32
    %dma_start3A_775 = arith.constant 0 : i32
    %dma_start3A_776 = arith.constant 0 : i32
    %dma_start3A_777 = tpu.memref_slice %arg4[%add3A_773, %dma_start3A_775, %dma_start3A_776] : memref<1536x224x224xf32, #tpu.memory_space<hbm>> -> memref<1x224x224xf32, #tpu.memory_space<hbm>>
    %dma_start3A_778 = arith.constant 0 : i32
    %dma_start3A_779 = arith.constant 0 : i32
    %dma_start3A_780 = arith.constant 0 : i32
    %dma_start3A_781 = tpu.memref_slice %arg6[%arg1, %dma_start3A_774, %dma_start3A_778, %dma_start3A_779, %dma_start3A_780] : memref<16x2x1x224x224xf32, #tpu.memory_space<vmem_shared>> -> memref<1x1x1x224x224xf32, #tpu.memory_space<vmem_shared>>
    %dma_start3A_782 = tpu.memref_squeeze %dma_start3A_781 : memref<1x1x1x224x224xf32, #tpu.memory_space<vmem_shared>> -> memref<1x224x224xf32, #tpu.memory_space<vmem_shared>>
    tpu.enqueue_dma source(%dma_start3A_782 : memref<1x224x224xf32, #tpu.memory_space<vmem_shared>>) target(%dma_start3A_777 : memref<1x224x224xf32, #tpu.memory_space<hbm>>) target_semaphore(%arg9 : memref<!tpu.dma_semaphore, #tpu.memory_space<semaphore_mem>>)
    %add3A_783 = arith.constant 16 : i32
    %add3A_784 = arith.addi %mul3A_2, %add3A_783 : i32
    %dma_wait3A_785 = arith.constant 0 : i32
    %dma_wait3A_786 = arith.constant 0 : i32
    %dma_wait3A_787 = arith.constant 0 : i32
    %dma_wait3A_788 = tpu.memref_slice %arg4[%add3A_784, %dma_wait3A_786, %dma_wait3A_787] : memref<1536x224x224xf32, #tpu.memory_space<hbm>> -> memref<1x224x224xf32, #tpu.memory_space<hbm>>
    %dma_wait3A_789 = arith.constant 0 : i32
    %dma_wait3A_790 = arith.constant 0 : i32
    %dma_wait3A_791 = arith.constant 0 : i32
    %dma_wait3A_792 = tpu.memref_slice %arg6[%arg1, %dma_wait3A_785, %dma_wait3A_789, %dma_wait3A_790, %dma_wait3A_791] : memref<16x2x1x224x224xf32, #tpu.memory_space<vmem_shared>> -> memref<1x1x1x224x224xf32, #tpu.memory_space<vmem_shared>>
    %dma_wait3A_793 = tpu.memref_squeeze %dma_wait3A_792 : memref<1x1x1x224x224xf32, #tpu.memory_space<vmem_shared>> -> memref<1x224x224xf32, #tpu.memory_space<vmem_shared>>
    tpu.wait_dma2 semaphore(%arg9 : memref<!tpu.dma_semaphore, #tpu.memory_space<semaphore_mem>>) src(%dma_wait3A_793 : memref<1x224x224xf32, #tpu.memory_space<vmem_shared>>) dst(%dma_wait3A_788 : memref<1x224x224xf32, #tpu.memory_space<hbm>>)
    %get3A_794 = arith.constant 16 : index
    %get3A_795 = tpu.vector_load %arg5[%get3A_794] {strides = array<i32>} : memref<48xi32, #tpu.memory_space<vmem>>, vector<16xi32>,
    %get3A_796 = vector.shape_cast %get3A_795 : vector<16xi32> to vector<16xi32>
    %slice3A_797 = vector.extract_strided_slice %get3A_796 {offsets = [2], sizes = [1], strides = [1]} : vector<16xi32> to vector<1xi32>
    %squeeze3A_798 = vector.extract %slice3A_797[0] : i32 from vector<1xi32>
    %dma_start3A_799 = arith.constant 0 : i32
    %dma_start3A_800 = arith.constant 0 : i32
    %dma_start3A_801 = arith.constant 0 : i32
    %dma_start3A_802 = arith.constant 0 : i32
    %dma_start3A_803 = tpu.memref_slice %arg6[%arg1, %dma_start3A_799, %dma_start3A_800, %dma_start3A_801, %dma_start3A_802] : memref<16x2x1x224x224xf32, #tpu.memory_space<vmem_shared>> -> memref<1x1x1x224x224xf32, #tpu.memory_space<vmem_shared>>
    %dma_start3A_804 = tpu.memref_squeeze %dma_start3A_803 : memref<1x1x1x224x224xf32, #tpu.memory_space<vmem_shared>> -> memref<1x224x224xf32, #tpu.memory_space<vmem_shared>>
    %dma_start3A_805 = arith.constant 0 : i32
    %dma_start3A_806 = arith.constant 0 : i32
    %dma_start3A_807 = tpu.memref_slice %arg2[%squeeze3A_798, %dma_start3A_805, %dma_start3A_806] : memref<1536x224x224xf32, #tpu.memory_space<hbm>> -> memref<1x224x224xf32, #tpu.memory_space<hbm>>
    tpu.enqueue_dma source(%dma_start3A_807 : memref<1x224x224xf32, #tpu.memory_space<hbm>>) target(%dma_start3A_804 : memref<1x224x224xf32, #tpu.memory_space<vmem_shared>>) target_semaphore(%arg7 : memref<!tpu.dma_semaphore, #tpu.memory_space<semaphore_mem>>)
    %dma_wait3A_808 = arith.constant 1 : i32
    %dma_wait3A_809 = arith.constant 0 : i32
    %dma_wait3A_810 = arith.constant 0 : i32
    %dma_wait3A_811 = arith.constant 0 : i32
    %dma_wait3A_812 = tpu.memref_slice %arg6[%arg1, %dma_wait3A_808, %dma_wait3A_809, %dma_wait3A_810, %dma_wait3A_811] : memref<16x2x1x224x224xf32, #tpu.memory_space<vmem_shared>> -> memref<1x1x1x224x224xf32, #tpu.memory_space<vmem_shared>>
    %dma_wait3A_813 = tpu.memref_squeeze %dma_wait3A_812 : memref<1x1x1x224x224xf32, #tpu.memory_space<vmem_shared>> -> memref<1x224x224xf32, #tpu.memory_space<vmem_shared>>
    %dma_wait3A_814 = arith.constant 0 : i32
    %dma_wait3A_815 = arith.constant 0 : i32
    %dma_wait3A_816 = arith.constant 0 : i32
    %dma_wait3A_817 = tpu.memref_slice %arg2[%dma_wait3A_814, %dma_wait3A_815, %dma_wait3A_816] : memref<1536x224x224xf32, #tpu.memory_space<hbm>> -> memref<1x224x224xf32, #tpu.memory_space<hbm>>
    tpu.wait_dma2 semaphore(%arg8 : memref<!tpu.dma_semaphore, #tpu.memory_space<semaphore_mem>>) src(%dma_wait3A_817 : memref<1x224x224xf32, #tpu.memory_space<hbm>>) dst(%dma_wait3A_813 : memref<1x224x224xf32, #tpu.memory_space<vmem_shared>>)
    %add3A_818 = arith.constant 17 : i32
    %add3A_819 = arith.addi %mul3A_2, %add3A_818 : i32
    %dma_start3A_820 = arith.constant 1 : i32
    %dma_start3A_821 = arith.constant 0 : i32
    %dma_start3A_822 = arith.constant 0 : i32
    %dma_start3A_823 = tpu.memref_slice %arg4[%add3A_819, %dma_start3A_821, %dma_start3A_822] : memref<1536x224x224xf32, #tpu.memory_space<hbm>> -> memref<1x224x224xf32, #tpu.memory_space<hbm>>
    %dma_start3A_824 = arith.constant 0 : i32
    %dma_start3A_825 = arith.constant 0 : i32
    %dma_start3A_826 = arith.constant 0 : i32
    %dma_start3A_827 = tpu.memref_slice %arg6[%arg1, %dma_start3A_820, %dma_start3A_824, %dma_start3A_825, %dma_start3A_826] : memref<16x2x1x224x224xf32, #tpu.memory_space<vmem_shared>> -> memref<1x1x1x224x224xf32, #tpu.memory_space<vmem_shared>>
    %dma_start3A_828 = tpu.memref_squeeze %dma_start3A_827 : memref<1x1x1x224x224xf32, #tpu.memory_space<vmem_shared>> -> memref<1x224x224xf32, #tpu.memory_space<vmem_shared>>
    tpu.enqueue_dma source(%dma_start3A_828 : memref<1x224x224xf32, #tpu.memory_space<vmem_shared>>) target(%dma_start3A_823 : memref<1x224x224xf32, #tpu.memory_space<hbm>>) target_semaphore(%arg10 : memref<!tpu.dma_semaphore, #tpu.memory_space<semaphore_mem>>)
    %add3A_829 = arith.constant 17 : i32
    %add3A_830 = arith.addi %mul3A_2, %add3A_829 : i32
    %dma_wait3A_831 = arith.constant 1 : i32
    %dma_wait3A_832 = arith.constant 0 : i32
    %dma_wait3A_833 = arith.constant 0 : i32
    %dma_wait3A_834 = tpu.memref_slice %arg4[%add3A_830, %dma_wait3A_832, %dma_wait3A_833] : memref<1536x224x224xf32, #tpu.memory_space<hbm>> -> memref<1x224x224xf32, #tpu.memory_space<hbm>>
    %dma_wait3A_835 = arith.constant 0 : i32
    %dma_wait3A_836 = arith.constant 0 : i32
    %dma_wait3A_837 = arith.constant 0 : i32
    %dma_wait3A_838 = tpu.memref_slice %arg6[%arg1, %dma_wait3A_831, %dma_wait3A_835, %dma_wait3A_836, %dma_wait3A_837] : memref<16x2x1x224x224xf32, #tpu.memory_space<vmem_shared>> -> memref<1x1x1x224x224xf32, #tpu.memory_space<vmem_shared>>
    %dma_wait3A_839 = tpu.memref_squeeze %dma_wait3A_838 : memref<1x1x1x224x224xf32, #tpu.memory_space<vmem_shared>> -> memref<1x224x224xf32, #tpu.memory_space<vmem_shared>>
    tpu.wait_dma2 semaphore(%arg10 : memref<!tpu.dma_semaphore, #tpu.memory_space<semaphore_mem>>) src(%dma_wait3A_839 : memref<1x224x224xf32, #tpu.memory_space<vmem_shared>>) dst(%dma_wait3A_834 : memref<1x224x224xf32, #tpu.memory_space<hbm>>)
    %get3A_840 = arith.constant 16 : index
    %get3A_841 = tpu.vector_load %arg5[%get3A_840] {strides = array<i32>} : memref<48xi32, #tpu.memory_space<vmem>>, vector<16xi32>,
    %get3A_842 = vector.shape_cast %get3A_841 : vector<16xi32> to vector<16xi32>
    %slice3A_843 = vector.extract_strided_slice %get3A_842 {offsets = [3], sizes = [1], strides = [1]} : vector<16xi32> to vector<1xi32>
    %squeeze3A_844 = vector.extract %slice3A_843[0] : i32 from vector<1xi32>
    %dma_start3A_845 = arith.constant 1 : i32
    %dma_start3A_846 = arith.constant 0 : i32
    %dma_start3A_847 = arith.constant 0 : i32
    %dma_start3A_848 = arith.constant 0 : i32
    %dma_start3A_849 = tpu.memref_slice %arg6[%arg1, %dma_start3A_845, %dma_start3A_846, %dma_start3A_847, %dma_start3A_848] : memref<16x2x1x224x224xf32, #tpu.memory_space<vmem_shared>> -> memref<1x1x1x224x224xf32, #tpu.memory_space<vmem_shared>>
    %dma_start3A_850 = tpu.memref_squeeze %dma_start3A_849 : memref<1x1x1x224x224xf32, #tpu.memory_space<vmem_shared>> -> memref<1x224x224xf32, #tpu.memory_space<vmem_shared>>
    %dma_start3A_851 = arith.constant 0 : i32
    %dma_start3A_852 = arith.constant 0 : i32
    %dma_start3A_853 = tpu.memref_slice %arg2[%squeeze3A_844, %dma_start3A_851, %dma_start3A_852] : memref<1536x224x224xf32, #tpu.memory_space<hbm>> -> memref<1x224x224xf32, #tpu.memory_space<hbm>>
    tpu.enqueue_dma source(%dma_start3A_853 : memref<1x224x224xf32, #tpu.memory_space<hbm>>) target(%dma_start3A_850 : memref<1x224x224xf32, #tpu.memory_space<vmem_shared>>) target_semaphore(%arg8 : memref<!tpu.dma_semaphore, #tpu.memory_space<semaphore_mem>>)
    %dma_wait3A_854 = arith.constant 0 : i32
    %dma_wait3A_855 = arith.constant 0 : i32
    %dma_wait3A_856 = arith.constant 0 : i32
    %dma_wait3A_857 = arith.constant 0 : i32
    %dma_wait3A_858 = tpu.memref_slice %arg6[%arg1, %dma_wait3A_854, %dma_wait3A_855, %dma_wait3A_856, %dma_wait3A_857] : memref<16x2x1x224x224xf32, #tpu.memory_space<vmem_shared>> -> memref<1x1x1x224x224xf32, #tpu.memory_space<vmem_shared>>
    %dma_wait3A_859 = tpu.memref_squeeze %dma_wait3A_858 : memref<1x1x1x224x224xf32, #tpu.memory_space<vmem_shared>> -> memref<1x224x224xf32, #tpu.memory_space<vmem_shared>>
    %dma_wait3A_860 = arith.constant 0 : i32
    %dma_wait3A_861 = arith.constant 0 : i32
    %dma_wait3A_862 = arith.constant 0 : i32
    %dma_wait3A_863 = tpu.memref_slice %arg2[%dma_wait3A_860, %dma_wait3A_861, %dma_wait3A_862] : memref<1536x224x224xf32, #tpu.memory_space<hbm>> -> memref<1x224x224xf32, #tpu.memory_space<hbm>>
    tpu.wait_dma2 semaphore(%arg7 : memref<!tpu.dma_semaphore, #tpu.memory_space<semaphore_mem>>) src(%dma_wait3A_863 : memref<1x224x224xf32, #tpu.memory_space<hbm>>) dst(%dma_wait3A_859 : memref<1x224x224xf32, #tpu.memory_space<vmem_shared>>)
    %add3A_864 = arith.constant 18 : i32
    %add3A_865 = arith.addi %mul3A_2, %add3A_864 : i32
    %dma_start3A_866 = arith.constant 0 : i32
    %dma_start3A_867 = arith.constant 0 : i32
    %dma_start3A_868 = arith.constant 0 : i32
    %dma_start3A_869 = tpu.memref_slice %arg4[%add3A_865, %dma_start3A_867, %dma_start3A_868] : memref<1536x224x224xf32, #tpu.memory_space<hbm>> -> memref<1x224x224xf32, #tpu.memory_space<hbm>>
    %dma_start3A_870 = arith.constant 0 : i32
    %dma_start3A_871 = arith.constant 0 : i32
    %dma_start3A_872 = arith.constant 0 : i32
    %dma_start3A_873 = tpu.memref_slice %arg6[%arg1, %dma_start3A_866, %dma_start3A_870, %dma_start3A_871, %dma_start3A_872] : memref<16x2x1x224x224xf32, #tpu.memory_space<vmem_shared>> -> memref<1x1x1x224x224xf32, #tpu.memory_space<vmem_shared>>
    %dma_start3A_874 = tpu.memref_squeeze %dma_start3A_873 : memref<1x1x1x224x224xf32, #tpu.memory_space<vmem_shared>> -> memref<1x224x224xf32, #tpu.memory_space<vmem_shared>>
    tpu.enqueue_dma source(%dma_start3A_874 : memref<1x224x224xf32, #tpu.memory_space<vmem_shared>>) target(%dma_start3A_869 : memref<1x224x224xf32, #tpu.memory_space<hbm>>) target_semaphore(%arg9 : memref<!tpu.dma_semaphore, #tpu.memory_space<semaphore_mem>>)
    %add3A_875 = arith.constant 18 : i32
    %add3A_876 = arith.addi %mul3A_2, %add3A_875 : i32
    %dma_wait3A_877 = arith.constant 0 : i32
    %dma_wait3A_878 = arith.constant 0 : i32
    %dma_wait3A_879 = arith.constant 0 : i32
    %dma_wait3A_880 = tpu.memref_slice %arg4[%add3A_876, %dma_wait3A_878, %dma_wait3A_879] : memref<1536x224x224xf32, #tpu.memory_space<hbm>> -> memref<1x224x224xf32, #tpu.memory_space<hbm>>
    %dma_wait3A_881 = arith.constant 0 : i32
    %dma_wait3A_882 = arith.constant 0 : i32
    %dma_wait3A_883 = arith.constant 0 : i32
    %dma_wait3A_884 = tpu.memref_slice %arg6[%arg1, %dma_wait3A_877, %dma_wait3A_881, %dma_wait3A_882, %dma_wait3A_883] : memref<16x2x1x224x224xf32, #tpu.memory_space<vmem_shared>> -> memref<1x1x1x224x224xf32, #tpu.memory_space<vmem_shared>>
    %dma_wait3A_885 = tpu.memref_squeeze %dma_wait3A_884 : memref<1x1x1x224x224xf32, #tpu.memory_space<vmem_shared>> -> memref<1x224x224xf32, #tpu.memory_space<vmem_shared>>
    tpu.wait_dma2 semaphore(%arg9 : memref<!tpu.dma_semaphore, #tpu.memory_space<semaphore_mem>>) src(%dma_wait3A_885 : memref<1x224x224xf32, #tpu.memory_space<vmem_shared>>) dst(%dma_wait3A_880 : memref<1x224x224xf32, #tpu.memory_space<hbm>>)
    %get3A_886 = arith.constant 16 : index
    %get3A_887 = tpu.vector_load %arg5[%get3A_886] {strides = array<i32>} : memref<48xi32, #tpu.memory_space<vmem>>, vector<16xi32>,
    %get3A_888 = vector.shape_cast %get3A_887 : vector<16xi32> to vector<16xi32>
    %slice3A_889 = vector.extract_strided_slice %get3A_888 {offsets = [4], sizes = [1], strides = [1]} : vector<16xi32> to vector<1xi32>
    %squeeze3A_890 = vector.extract %slice3A_889[0] : i32 from vector<1xi32>
    %dma_start3A_891 = arith.constant 0 : i32
    %dma_start3A_892 = arith.constant 0 : i32
    %dma_start3A_893 = arith.constant 0 : i32
    %dma_start3A_894 = arith.constant 0 : i32
    %dma_start3A_895 = tpu.memref_slice %arg6[%arg1, %dma_start3A_891, %dma_start3A_892, %dma_start3A_893, %dma_start3A_894] : memref<16x2x1x224x224xf32, #tpu.memory_space<vmem_shared>> -> memref<1x1x1x224x224xf32, #tpu.memory_space<vmem_shared>>
    %dma_start3A_896 = tpu.memref_squeeze %dma_start3A_895 : memref<1x1x1x224x224xf32, #tpu.memory_space<vmem_shared>> -> memref<1x224x224xf32, #tpu.memory_space<vmem_shared>>
    %dma_start3A_897 = arith.constant 0 : i32
    %dma_start3A_898 = arith.constant 0 : i32
    %dma_start3A_899 = tpu.memref_slice %arg2[%squeeze3A_890, %dma_start3A_897, %dma_start3A_898] : memref<1536x224x224xf32, #tpu.memory_space<hbm>> -> memref<1x224x224xf32, #tpu.memory_space<hbm>>
    tpu.enqueue_dma source(%dma_start3A_899 : memref<1x224x224xf32, #tpu.memory_space<hbm>>) target(%dma_start3A_896 : memref<1x224x224xf32, #tpu.memory_space<vmem_shared>>) target_semaphore(%arg7 : memref<!tpu.dma_semaphore, #tpu.memory_space<semaphore_mem>>)
    %dma_wait3A_900 = arith.constant 1 : i32
    %dma_wait3A_901 = arith.constant 0 : i32
    %dma_wait3A_902 = arith.constant 0 : i32
    %dma_wait3A_903 = arith.constant 0 : i32
    %dma_wait3A_904 = tpu.memref_slice %arg6[%arg1, %dma_wait3A_900, %dma_wait3A_901, %dma_wait3A_902, %dma_wait3A_903] : memref<16x2x1x224x224xf32, #tpu.memory_space<vmem_shared>> -> memref<1x1x1x224x224xf32, #tpu.memory_space<vmem_shared>>
    %dma_wait3A_905 = tpu.memref_squeeze %dma_wait3A_904 : memref<1x1x1x224x224xf32, #tpu.memory_space<vmem_shared>> -> memref<1x224x224xf32, #tpu.memory_space<vmem_shared>>
    %dma_wait3A_906 = arith.constant 0 : i32
    %dma_wait3A_907 = arith.constant 0 : i32
    %dma_wait3A_908 = arith.constant 0 : i32
    %dma_wait3A_909 = tpu.memref_slice %arg2[%dma_wait3A_906, %dma_wait3A_907, %dma_wait3A_908] : memref<1536x224x224xf32, #tpu.memory_space<hbm>> -> memref<1x224x224xf32, #tpu.memory_space<hbm>>
    tpu.wait_dma2 semaphore(%arg8 : memref<!tpu.dma_semaphore, #tpu.memory_space<semaphore_mem>>) src(%dma_wait3A_909 : memref<1x224x224xf32, #tpu.memory_space<hbm>>) dst(%dma_wait3A_905 : memref<1x224x224xf32, #tpu.memory_space<vmem_shared>>)
    %add3A_910 = arith.constant 19 : i32
    %add3A_911 = arith.addi %mul3A_2, %add3A_910 : i32
    %dma_start3A_912 = arith.constant 1 : i32
    %dma_start3A_913 = arith.constant 0 : i32
    %dma_start3A_914 = arith.constant 0 : i32
    %dma_start3A_915 = tpu.memref_slice %arg4[%add3A_911, %dma_start3A_913, %dma_start3A_914] : memref<1536x224x224xf32, #tpu.memory_space<hbm>> -> memref<1x224x224xf32, #tpu.memory_space<hbm>>
    %dma_start3A_916 = arith.constant 0 : i32
    %dma_start3A_917 = arith.constant 0 : i32
    %dma_start3A_918 = arith.constant 0 : i32
    %dma_start3A_919 = tpu.memref_slice %arg6[%arg1, %dma_start3A_912, %dma_start3A_916, %dma_start3A_917, %dma_start3A_918] : memref<16x2x1x224x224xf32, #tpu.memory_space<vmem_shared>> -> memref<1x1x1x224x224xf32, #tpu.memory_space<vmem_shared>>
    %dma_start3A_920 = tpu.memref_squeeze %dma_start3A_919 : memref<1x1x1x224x224xf32, #tpu.memory_space<vmem_shared>> -> memref<1x224x224xf32, #tpu.memory_space<vmem_shared>>
    tpu.enqueue_dma source(%dma_start3A_920 : memref<1x224x224xf32, #tpu.memory_space<vmem_shared>>) target(%dma_start3A_915 : memref<1x224x224xf32, #tpu.memory_space<hbm>>) target_semaphore(%arg10 : memref<!tpu.dma_semaphore, #tpu.memory_space<semaphore_mem>>)
    %add3A_921 = arith.constant 19 : i32
    %add3A_922 = arith.addi %mul3A_2, %add3A_921 : i32
    %dma_wait3A_923 = arith.constant 1 : i32
    %dma_wait3A_924 = arith.constant 0 : i32
    %dma_wait3A_925 = arith.constant 0 : i32
    %dma_wait3A_926 = tpu.memref_slice %arg4[%add3A_922, %dma_wait3A_924, %dma_wait3A_925] : memref<1536x224x224xf32, #tpu.memory_space<hbm>> -> memref<1x224x224xf32, #tpu.memory_space<hbm>>
    %dma_wait3A_927 = arith.constant 0 : i32
    %dma_wait3A_928 = arith.constant 0 : i32
    %dma_wait3A_929 = arith.constant 0 : i32
    %dma_wait3A_930 = tpu.memref_slice %arg6[%arg1, %dma_wait3A_923, %dma_wait3A_927, %dma_wait3A_928, %dma_wait3A_929] : memref<16x2x1x224x224xf32, #tpu.memory_space<vmem_shared>> -> memref<1x1x1x224x224xf32, #tpu.memory_space<vmem_shared>>
    %dma_wait3A_931 = tpu.memref_squeeze %dma_wait3A_930 : memref<1x1x1x224x224xf32, #tpu.memory_space<vmem_shared>> -> memref<1x224x224xf32, #tpu.memory_space<vmem_shared>>
    tpu.wait_dma2 semaphore(%arg10 : memref<!tpu.dma_semaphore, #tpu.memory_space<semaphore_mem>>) src(%dma_wait3A_931 : memref<1x224x224xf32, #tpu.memory_space<vmem_shared>>) dst(%dma_wait3A_926 : memref<1x224x224xf32, #tpu.memory_space<hbm>>)
    %get3A_932 = arith.constant 16 : index
    %get3A_933 = tpu.vector_load %arg5[%get3A_932] {strides = array<i32>} : memref<48xi32, #tpu.memory_space<vmem>>, vector<16xi32>,
    %get3A_934 = vector.shape_cast %get3A_933 : vector<16xi32> to vector<16xi32>
    %slice3A_935 = vector.extract_strided_slice %get3A_934 {offsets = [5], sizes = [1], strides = [1]} : vector<16xi32> to vector<1xi32>
    %squeeze3A_936 = vector.extract %slice3A_935[0] : i32 from vector<1xi32>
    %dma_start3A_937 = arith.constant 1 : i32
    %dma_start3A_938 = arith.constant 0 : i32
    %dma_start3A_939 = arith.constant 0 : i32
    %dma_start3A_940 = arith.constant 0 : i32
    %dma_start3A_941 = tpu.memref_slice %arg6[%arg1, %dma_start3A_937, %dma_start3A_938, %dma_start3A_939, %dma_start3A_940] : memref<16x2x1x224x224xf32, #tpu.memory_space<vmem_shared>> -> memref<1x1x1x224x224xf32, #tpu.memory_space<vmem_shared>>
    %dma_start3A_942 = tpu.memref_squeeze %dma_start3A_941 : memref<1x1x1x224x224xf32, #tpu.memory_space<vmem_shared>> -> memref<1x224x224xf32, #tpu.memory_space<vmem_shared>>
    %dma_start3A_943 = arith.constant 0 : i32
    %dma_start3A_944 = arith.constant 0 : i32
    %dma_start3A_945 = tpu.memref_slice %arg2[%squeeze3A_936, %dma_start3A_943, %dma_start3A_944] : memref<1536x224x224xf32, #tpu.memory_space<hbm>> -> memref<1x224x224xf32, #tpu.memory_space<hbm>>
    tpu.enqueue_dma source(%dma_start3A_945 : memref<1x224x224xf32, #tpu.memory_space<hbm>>) target(%dma_start3A_942 : memref<1x224x224xf32, #tpu.memory_space<vmem_shared>>) target_semaphore(%arg8 : memref<!tpu.dma_semaphore, #tpu.memory_space<semaphore_mem>>)
    %dma_wait3A_946 = arith.constant 0 : i32
    %dma_wait3A_947 = arith.constant 0 : i32
    %dma_wait3A_948 = arith.constant 0 : i32
    %dma_wait3A_949 = arith.constant 0 : i32
    %dma_wait3A_950 = tpu.memref_slice %arg6[%arg1, %dma_wait3A_946, %dma_wait3A_947, %dma_wait3A_948, %dma_wait3A_949] : memref<16x2x1x224x224xf32, #tpu.memory_space<vmem_shared>> -> memref<1x1x1x224x224xf32, #tpu.memory_space<vmem_shared>>
    %dma_wait3A_951 = tpu.memref_squeeze %dma_wait3A_950 : memref<1x1x1x224x224xf32, #tpu.memory_space<vmem_shared>> -> memref<1x224x224xf32, #tpu.memory_space<vmem_shared>>
    %dma_wait3A_952 = arith.constant 0 : i32
    %dma_wait3A_953 = arith.constant 0 : i32
    %dma_wait3A_954 = arith.constant 0 : i32
    %dma_wait3A_955 = tpu.memref_slice %arg2[%dma_wait3A_952, %dma_wait3A_953, %dma_wait3A_954] : memref<1536x224x224xf32, #tpu.memory_space<hbm>> -> memref<1x224x224xf32, #tpu.memory_space<hbm>>
    tpu.wait_dma2 semaphore(%arg7 : memref<!tpu.dma_semaphore, #tpu.memory_space<semaphore_mem>>) src(%dma_wait3A_955 : memref<1x224x224xf32, #tpu.memory_space<hbm>>) dst(%dma_wait3A_951 : memref<1x224x224xf32, #tpu.memory_space<vmem_shared>>)
    %add3A_956 = arith.constant 20 : i32
    %add3A_957 = arith.addi %mul3A_2, %add3A_956 : i32
    %dma_start3A_958 = arith.constant 0 : i32
    %dma_start3A_959 = arith.constant 0 : i32
    %dma_start3A_960 = arith.constant 0 : i32
    %dma_start3A_961 = tpu.memref_slice %arg4[%add3A_957, %dma_start3A_959, %dma_start3A_960] : memref<1536x224x224xf32, #tpu.memory_space<hbm>> -> memref<1x224x224xf32, #tpu.memory_space<hbm>>
    %dma_start3A_962 = arith.constant 0 : i32
    %dma_start3A_963 = arith.constant 0 : i32
    %dma_start3A_964 = arith.constant 0 : i32
    %dma_start3A_965 = tpu.memref_slice %arg6[%arg1, %dma_start3A_958, %dma_start3A_962, %dma_start3A_963, %dma_start3A_964] : memref<16x2x1x224x224xf32, #tpu.memory_space<vmem_shared>> -> memref<1x1x1x224x224xf32, #tpu.memory_space<vmem_shared>>
    %dma_start3A_966 = tpu.memref_squeeze %dma_start3A_965 : memref<1x1x1x224x224xf32, #tpu.memory_space<vmem_shared>> -> memref<1x224x224xf32, #tpu.memory_space<vmem_shared>>
    tpu.enqueue_dma source(%dma_start3A_966 : memref<1x224x224xf32, #tpu.memory_space<vmem_shared>>) target(%dma_start3A_961 : memref<1x224x224xf32, #tpu.memory_space<hbm>>) target_semaphore(%arg9 : memref<!tpu.dma_semaphore, #tpu.memory_space<semaphore_mem>>)
    %add3A_967 = arith.constant 20 : i32
    %add3A_968 = arith.addi %mul3A_2, %add3A_967 : i32
    %dma_wait3A_969 = arith.constant 0 : i32
    %dma_wait3A_970 = arith.constant 0 : i32
    %dma_wait3A_971 = arith.constant 0 : i32
    %dma_wait3A_972 = tpu.memref_slice %arg4[%add3A_968, %dma_wait3A_970, %dma_wait3A_971] : memref<1536x224x224xf32, #tpu.memory_space<hbm>> -> memref<1x224x224xf32, #tpu.memory_space<hbm>>
    %dma_wait3A_973 = arith.constant 0 : i32
    %dma_wait3A_974 = arith.constant 0 : i32
    %dma_wait3A_975 = arith.constant 0 : i32
    %dma_wait3A_976 = tpu.memref_slice %arg6[%arg1, %dma_wait3A_969, %dma_wait3A_973, %dma_wait3A_974, %dma_wait3A_975] : memref<16x2x1x224x224xf32, #tpu.memory_space<vmem_shared>> -> memref<1x1x1x224x224xf32, #tpu.memory_space<vmem_shared>>
    %dma_wait3A_977 = tpu.memref_squeeze %dma_wait3A_976 : memref<1x1x1x224x224xf32, #tpu.memory_space<vmem_shared>> -> memref<1x224x224xf32, #tpu.memory_space<vmem_shared>>
    tpu.wait_dma2 semaphore(%arg9 : memref<!tpu.dma_semaphore, #tpu.memory_space<semaphore_mem>>) src(%dma_wait3A_977 : memref<1x224x224xf32, #tpu.memory_space<vmem_shared>>) dst(%dma_wait3A_972 : memref<1x224x224xf32, #tpu.memory_space<hbm>>)
    %get3A_978 = arith.constant 16 : index
    %get3A_979 = tpu.vector_load %arg5[%get3A_978] {strides = array<i32>} : memref<48xi32, #tpu.memory_space<vmem>>, vector<16xi32>,
    %get3A_980 = vector.shape_cast %get3A_979 : vector<16xi32> to vector<16xi32>
    %slice3A_981 = vector.extract_strided_slice %get3A_980 {offsets = [6], sizes = [1], strides = [1]} : vector<16xi32> to vector<1xi32>
    %squeeze3A_982 = vector.extract %slice3A_981[0] : i32 from vector<1xi32>
    %dma_start3A_983 = arith.constant 0 : i32
    %dma_start3A_984 = arith.constant 0 : i32
    %dma_start3A_985 = arith.constant 0 : i32
    %dma_start3A_986 = arith.constant 0 : i32
    %dma_start3A_987 = tpu.memref_slice %arg6[%arg1, %dma_start3A_983, %dma_start3A_984, %dma_start3A_985, %dma_start3A_986] : memref<16x2x1x224x224xf32, #tpu.memory_space<vmem_shared>> -> memref<1x1x1x224x224xf32, #tpu.memory_space<vmem_shared>>
    %dma_start3A_988 = tpu.memref_squeeze %dma_start3A_987 : memref<1x1x1x224x224xf32, #tpu.memory_space<vmem_shared>> -> memref<1x224x224xf32, #tpu.memory_space<vmem_shared>>
    %dma_start3A_989 = arith.constant 0 : i32
    %dma_start3A_990 = arith.constant 0 : i32
    %dma_start3A_991 = tpu.memref_slice %arg2[%squeeze3A_982, %dma_start3A_989, %dma_start3A_990] : memref<1536x224x224xf32, #tpu.memory_space<hbm>> -> memref<1x224x224xf32, #tpu.memory_space<hbm>>
    tpu.enqueue_dma source(%dma_start3A_991 : memref<1x224x224xf32, #tpu.memory_space<hbm>>) target(%dma_start3A_988 : memref<1x224x224xf32, #tpu.memory_space<vmem_shared>>) target_semaphore(%arg7 : memref<!tpu.dma_semaphore, #tpu.memory_space<semaphore_mem>>)
    %dma_wait3A_992 = arith.constant 1 : i32
    %dma_wait3A_993 = arith.constant 0 : i32
    %dma_wait3A_994 = arith.constant 0 : i32
    %dma_wait3A_995 = arith.constant 0 : i32
    %dma_wait3A_996 = tpu.memref_slice %arg6[%arg1, %dma_wait3A_992, %dma_wait3A_993, %dma_wait3A_994, %dma_wait3A_995] : memref<16x2x1x224x224xf32, #tpu.memory_space<vmem_shared>> -> memref<1x1x1x224x224xf32, #tpu.memory_space<vmem_shared>>
    %dma_wait3A_997 = tpu.memref_squeeze %dma_wait3A_996 : memref<1x1x1x224x224xf32, #tpu.memory_space<vmem_shared>> -> memref<1x224x224xf32, #tpu.memory_space<vmem_shared>>
    %dma_wait3A_998 = arith.constant 0 : i32
    %dma_wait3A_999 = arith.constant 0 : i32
    %dma_wait3A_1000 = arith.constant 0 : i32
    %dma_wait3A_1001 = tpu.memref_slice %arg2[%dma_wait3A_998, %dma_wait3A_999, %dma_wait3A_1000] : memref<1536x224x224xf32, #tpu.memory_space<hbm>> -> memref<1x224x224xf32, #tpu.memory_space<hbm>>
    tpu.wait_dma2 semaphore(%arg8 : memref<!tpu.dma_semaphore, #tpu.memory_space<semaphore_mem>>) src(%dma_wait3A_1001 : memref<1x224x224xf32, #tpu.memory_space<hbm>>) dst(%dma_wait3A_997 : memref<1x224x224xf32, #tpu.memory_space<vmem_shared>>)
    %add3A_1002 = arith.constant 21 : i32
    %add3A_1003 = arith.addi %mul3A_2, %add3A_1002 : i32
    %dma_start3A_1004 = arith.constant 1 : i32
    %dma_start3A_1005 = arith.constant 0 : i32
    %dma_start3A_1006 = arith.constant 0 : i32
    %dma_start3A_1007 = tpu.memref_slice %arg4[%add3A_1003, %dma_start3A_1005, %dma_start3A_1006] : memref<1536x224x224xf32, #tpu.memory_space<hbm>> -> memref<1x224x224xf32, #tpu.memory_space<hbm>>
    %dma_start3A_1008 = arith.constant 0 : i32
    %dma_start3A_1009 = arith.constant 0 : i32
    %dma_start3A_1010 = arith.constant 0 : i32
    %dma_start3A_1011 = tpu.memref_slice %arg6[%arg1, %dma_start3A_1004, %dma_start3A_1008, %dma_start3A_1009, %dma_start3A_1010] : memref<16x2x1x224x224xf32, #tpu.memory_space<vmem_shared>> -> memref<1x1x1x224x224xf32, #tpu.memory_space<vmem_shared>>
    %dma_start3A_1012 = tpu.memref_squeeze %dma_start3A_1011 : memref<1x1x1x224x224xf32, #tpu.memory_space<vmem_shared>> -> memref<1x224x224xf32, #tpu.memory_space<vmem_shared>>
    tpu.enqueue_dma source(%dma_start3A_1012 : memref<1x224x224xf32, #tpu.memory_space<vmem_shared>>) target(%dma_start3A_1007 : memref<1x224x224xf32, #tpu.memory_space<hbm>>) target_semaphore(%arg10 : memref<!tpu.dma_semaphore, #tpu.memory_space<semaphore_mem>>)
    %add3A_1013 = arith.constant 21 : i32
    %add3A_1014 = arith.addi %mul3A_2, %add3A_1013 : i32
    %dma_wait3A_1015 = arith.constant 1 : i32
    %dma_wait3A_1016 = arith.constant 0 : i32
    %dma_wait3A_1017 = arith.constant 0 : i32
    %dma_wait3A_1018 = tpu.memref_slice %arg4[%add3A_1014, %dma_wait3A_1016, %dma_wait3A_1017] : memref<1536x224x224xf32, #tpu.memory_space<hbm>> -> memref<1x224x224xf32, #tpu.memory_space<hbm>>
    %dma_wait3A_1019 = arith.constant 0 : i32
    %dma_wait3A_1020 = arith.constant 0 : i32
    %dma_wait3A_1021 = arith.constant 0 : i32
    %dma_wait3A_1022 = tpu.memref_slice %arg6[%arg1, %dma_wait3A_1015, %dma_wait3A_1019, %dma_wait3A_1020, %dma_wait3A_1021] : memref<16x2x1x224x224xf32, #tpu.memory_space<vmem_shared>> -> memref<1x1x1x224x224xf32, #tpu.memory_space<vmem_shared>>
    %dma_wait3A_1023 = tpu.memref_squeeze %dma_wait3A_1022 : memref<1x1x1x224x224xf32, #tpu.memory_space<vmem_shared>> -> memref<1x224x224xf32, #tpu.memory_space<vmem_shared>>
    tpu.wait_dma2 semaphore(%arg10 : memref<!tpu.dma_semaphore, #tpu.memory_space<semaphore_mem>>) src(%dma_wait3A_1023 : memref<1x224x224xf32, #tpu.memory_space<vmem_shared>>) dst(%dma_wait3A_1018 : memref<1x224x224xf32, #tpu.memory_space<hbm>>)
    %get3A_1024 = arith.constant 16 : index
    %get3A_1025 = tpu.vector_load %arg5[%get3A_1024] {strides = array<i32>} : memref<48xi32, #tpu.memory_space<vmem>>, vector<16xi32>,
    %get3A_1026 = vector.shape_cast %get3A_1025 : vector<16xi32> to vector<16xi32>
    %slice3A_1027 = vector.extract_strided_slice %get3A_1026 {offsets = [7], sizes = [1], strides = [1]} : vector<16xi32> to vector<1xi32>
    %squeeze3A_1028 = vector.extract %slice3A_1027[0] : i32 from vector<1xi32>
    %dma_start3A_1029 = arith.constant 1 : i32
    %dma_start3A_1030 = arith.constant 0 : i32
    %dma_start3A_1031 = arith.constant 0 : i32
    %dma_start3A_1032 = arith.constant 0 : i32
    %dma_start3A_1033 = tpu.memref_slice %arg6[%arg1, %dma_start3A_1029, %dma_start3A_1030, %dma_start3A_1031, %dma_start3A_1032] : memref<16x2x1x224x224xf32, #tpu.memory_space<vmem_shared>> -> memref<1x1x1x224x224xf32, #tpu.memory_space<vmem_shared>>
    %dma_start3A_1034 = tpu.memref_squeeze %dma_start3A_1033 : memref<1x1x1x224x224xf32, #tpu.memory_space<vmem_shared>> -> memref<1x224x224xf32, #tpu.memory_space<vmem_shared>>
    %dma_start3A_1035 = arith.constant 0 : i32
    %dma_start3A_1036 = arith.constant 0 : i32
    %dma_start3A_1037 = tpu.memref_slice %arg2[%squeeze3A_1028, %dma_start3A_1035, %dma_start3A_1036] : memref<1536x224x224xf32, #tpu.memory_space<hbm>> -> memref<1x224x224xf32, #tpu.memory_space<hbm>>
    tpu.enqueue_dma source(%dma_start3A_1037 : memref<1x224x224xf32, #tpu.memory_space<hbm>>) target(%dma_start3A_1034 : memref<1x224x224xf32, #tpu.memory_space<vmem_shared>>) target_semaphore(%arg8 : memref<!tpu.dma_semaphore, #tpu.memory_space<semaphore_mem>>)
    %dma_wait3A_1038 = arith.constant 0 : i32
    %dma_wait3A_1039 = arith.constant 0 : i32
    %dma_wait3A_1040 = arith.constant 0 : i32
    %dma_wait3A_1041 = arith.constant 0 : i32
    %dma_wait3A_1042 = tpu.memref_slice %arg6[%arg1, %dma_wait3A_1038, %dma_wait3A_1039, %dma_wait3A_1040, %dma_wait3A_1041] : memref<16x2x1x224x224xf32, #tpu.memory_space<vmem_shared>> -> memref<1x1x1x224x224xf32, #tpu.memory_space<vmem_shared>>
    %dma_wait3A_1043 = tpu.memref_squeeze %dma_wait3A_1042 : memref<1x1x1x224x224xf32, #tpu.memory_space<vmem_shared>> -> memref<1x224x224xf32, #tpu.memory_space<vmem_shared>>
    %dma_wait3A_1044 = arith.constant 0 : i32
    %dma_wait3A_1045 = arith.constant 0 : i32
    %dma_wait3A_1046 = arith.constant 0 : i32
    %dma_wait3A_1047 = tpu.memref_slice %arg2[%dma_wait3A_1044, %dma_wait3A_1045, %dma_wait3A_1046] : memref<1536x224x224xf32, #tpu.memory_space<hbm>> -> memref<1x224x224xf32, #tpu.memory_space<hbm>>
    tpu.wait_dma2 semaphore(%arg7 : memref<!tpu.dma_semaphore, #tpu.memory_space<semaphore_mem>>) src(%dma_wait3A_1047 : memref<1x224x224xf32, #tpu.memory_space<hbm>>) dst(%dma_wait3A_1043 : memref<1x224x224xf32, #tpu.memory_space<vmem_shared>>)
    %add3A_1048 = arith.constant 22 : i32
    %add3A_1049 = arith.addi %mul3A_2, %add3A_1048 : i32
    %dma_start3A_1050 = arith.constant 0 : i32
    %dma_start3A_1051 = arith.constant 0 : i32
    %dma_start3A_1052 = arith.constant 0 : i32
    %dma_start3A_1053 = tpu.memref_slice %arg4[%add3A_1049, %dma_start3A_1051, %dma_start3A_1052] : memref<1536x224x224xf32, #tpu.memory_space<hbm>> -> memref<1x224x224xf32, #tpu.memory_space<hbm>>
    %dma_start3A_1054 = arith.constant 0 : i32
    %dma_start3A_1055 = arith.constant 0 : i32
    %dma_start3A_1056 = arith.constant 0 : i32
    %dma_start3A_1057 = tpu.memref_slice %arg6[%arg1, %dma_start3A_1050, %dma_start3A_1054, %dma_start3A_1055, %dma_start3A_1056] : memref<16x2x1x224x224xf32, #tpu.memory_space<vmem_shared>> -> memref<1x1x1x224x224xf32, #tpu.memory_space<vmem_shared>>
    %dma_start3A_1058 = tpu.memref_squeeze %dma_start3A_1057 : memref<1x1x1x224x224xf32, #tpu.memory_space<vmem_shared>> -> memref<1x224x224xf32, #tpu.memory_space<vmem_shared>>
    tpu.enqueue_dma source(%dma_start3A_1058 : memref<1x224x224xf32, #tpu.memory_space<vmem_shared>>) target(%dma_start3A_1053 : memref<1x224x224xf32, #tpu.memory_space<hbm>>) target_semaphore(%arg9 : memref<!tpu.dma_semaphore, #tpu.memory_space<semaphore_mem>>)
    %add3A_1059 = arith.constant 22 : i32
    %add3A_1060 = arith.addi %mul3A_2, %add3A_1059 : i32
    %dma_wait3A_1061 = arith.constant 0 : i32
    %dma_wait3A_1062 = arith.constant 0 : i32
    %dma_wait3A_1063 = arith.constant 0 : i32
    %dma_wait3A_1064 = tpu.memref_slice %arg4[%add3A_1060, %dma_wait3A_1062, %dma_wait3A_1063] : memref<1536x224x224xf32, #tpu.memory_space<hbm>> -> memref<1x224x224xf32, #tpu.memory_space<hbm>>
    %dma_wait3A_1065 = arith.constant 0 : i32
    %dma_wait3A_1066 = arith.constant 0 : i32
    %dma_wait3A_1067 = arith.constant 0 : i32
    %dma_wait3A_1068 = tpu.memref_slice %arg6[%arg1, %dma_wait3A_1061, %dma_wait3A_1065, %dma_wait3A_1066, %dma_wait3A_1067] : memref<16x2x1x224x224xf32, #tpu.memory_space<vmem_shared>> -> memref<1x1x1x224x224xf32, #tpu.memory_space<vmem_shared>>
    %dma_wait3A_1069 = tpu.memref_squeeze %dma_wait3A_1068 : memref<1x1x1x224x224xf32, #tpu.memory_space<vmem_shared>> -> memref<1x224x224xf32, #tpu.memory_space<vmem_shared>>
    tpu.wait_dma2 semaphore(%arg9 : memref<!tpu.dma_semaphore, #tpu.memory_space<semaphore_mem>>) src(%dma_wait3A_1069 : memref<1x224x224xf32, #tpu.memory_space<vmem_shared>>) dst(%dma_wait3A_1064 : memref<1x224x224xf32, #tpu.memory_space<hbm>>)
    %get3A_1070 = arith.constant 16 : index
    %get3A_1071 = tpu.vector_load %arg5[%get3A_1070] {strides = array<i32>} : memref<48xi32, #tpu.memory_space<vmem>>, vector<16xi32>,
    %get3A_1072 = vector.shape_cast %get3A_1071 : vector<16xi32> to vector<16xi32>
    %slice3A_1073 = vector.extract_strided_slice %get3A_1072 {offsets = [8], sizes = [1], strides = [1]} : vector<16xi32> to vector<1xi32>
    %squeeze3A_1074 = vector.extract %slice3A_1073[0] : i32 from vector<1xi32>
    %dma_start3A_1075 = arith.constant 0 : i32
    %dma_start3A_1076 = arith.constant 0 : i32
    %dma_start3A_1077 = arith.constant 0 : i32
    %dma_start3A_1078 = arith.constant 0 : i32
    %dma_start3A_1079 = tpu.memref_slice %arg6[%arg1, %dma_start3A_1075, %dma_start3A_1076, %dma_start3A_1077, %dma_start3A_1078] : memref<16x2x1x224x224xf32, #tpu.memory_space<vmem_shared>> -> memref<1x1x1x224x224xf32, #tpu.memory_space<vmem_shared>>
    %dma_start3A_1080 = tpu.memref_squeeze %dma_start3A_1079 : memref<1x1x1x224x224xf32, #tpu.memory_space<vmem_shared>> -> memref<1x224x224xf32, #tpu.memory_space<vmem_shared>>
    %dma_start3A_1081 = arith.constant 0 : i32
    %dma_start3A_1082 = arith.constant 0 : i32
    %dma_start3A_1083 = tpu.memref_slice %arg2[%squeeze3A_1074, %dma_start3A_1081, %dma_start3A_1082] : memref<1536x224x224xf32, #tpu.memory_space<hbm>> -> memref<1x224x224xf32, #tpu.memory_space<hbm>>
    tpu.enqueue_dma source(%dma_start3A_1083 : memref<1x224x224xf32, #tpu.memory_space<hbm>>) target(%dma_start3A_1080 : memref<1x224x224xf32, #tpu.memory_space<vmem_shared>>) target_semaphore(%arg7 : memref<!tpu.dma_semaphore, #tpu.memory_space<semaphore_mem>>)
    %dma_wait3A_1084 = arith.constant 1 : i32
    %dma_wait3A_1085 = arith.constant 0 : i32
    %dma_wait3A_1086 = arith.constant 0 : i32
    %dma_wait3A_1087 = arith.constant 0 : i32
    %dma_wait3A_1088 = tpu.memref_slice %arg6[%arg1, %dma_wait3A_1084, %dma_wait3A_1085, %dma_wait3A_1086, %dma_wait3A_1087] : memref<16x2x1x224x224xf32, #tpu.memory_space<vmem_shared>> -> memref<1x1x1x224x224xf32, #tpu.memory_space<vmem_shared>>
    %dma_wait3A_1089 = tpu.memref_squeeze %dma_wait3A_1088 : memref<1x1x1x224x224xf32, #tpu.memory_space<vmem_shared>> -> memref<1x224x224xf32, #tpu.memory_space<vmem_shared>>
    %dma_wait3A_1090 = arith.constant 0 : i32
    %dma_wait3A_1091 = arith.constant 0 : i32
    %dma_wait3A_1092 = arith.constant 0 : i32
    %dma_wait3A_1093 = tpu.memref_slice %arg2[%dma_wait3A_1090, %dma_wait3A_1091, %dma_wait3A_1092] : memref<1536x224x224xf32, #tpu.memory_space<hbm>> -> memref<1x224x224xf32, #tpu.memory_space<hbm>>
    tpu.wait_dma2 semaphore(%arg8 : memref<!tpu.dma_semaphore, #tpu.memory_space<semaphore_mem>>) src(%dma_wait3A_1093 : memref<1x224x224xf32, #tpu.memory_space<hbm>>) dst(%dma_wait3A_1089 : memref<1x224x224xf32, #tpu.memory_space<vmem_shared>>)
    %add3A_1094 = arith.constant 23 : i32
    %add3A_1095 = arith.addi %mul3A_2, %add3A_1094 : i32
    %dma_start3A_1096 = arith.constant 1 : i32
    %dma_start3A_1097 = arith.constant 0 : i32
    %dma_start3A_1098 = arith.constant 0 : i32
    %dma_start3A_1099 = tpu.memref_slice %arg4[%add3A_1095, %dma_start3A_1097, %dma_start3A_1098] : memref<1536x224x224xf32, #tpu.memory_space<hbm>> -> memref<1x224x224xf32, #tpu.memory_space<hbm>>
    %dma_start3A_1100 = arith.constant 0 : i32
    %dma_start3A_1101 = arith.constant 0 : i32
    %dma_start3A_1102 = arith.constant 0 : i32
    %dma_start3A_1103 = tpu.memref_slice %arg6[%arg1, %dma_start3A_1096, %dma_start3A_1100, %dma_start3A_1101, %dma_start3A_1102] : memref<16x2x1x224x224xf32, #tpu.memory_space<vmem_shared>> -> memref<1x1x1x224x224xf32, #tpu.memory_space<vmem_shared>>
    %dma_start3A_1104 = tpu.memref_squeeze %dma_start3A_1103 : memref<1x1x1x224x224xf32, #tpu.memory_space<vmem_shared>> -> memref<1x224x224xf32, #tpu.memory_space<vmem_shared>>
    tpu.enqueue_dma source(%dma_start3A_1104 : memref<1x224x224xf32, #tpu.memory_space<vmem_shared>>) target(%dma_start3A_1099 : memref<1x224x224xf32, #tpu.memory_space<hbm>>) target_semaphore(%arg10 : memref<!tpu.dma_semaphore, #tpu.memory_space<semaphore_mem>>)
    %add3A_1105 = arith.constant 23 : i32
    %add3A_1106 = arith.addi %mul3A_2, %add3A_1105 : i32
    %dma_wait3A_1107 = arith.constant 1 : i32
    %dma_wait3A_1108 = arith.constant 0 : i32
    %dma_wait3A_1109 = arith.constant 0 : i32
    %dma_wait3A_1110 = tpu.memref_slice %arg4[%add3A_1106, %dma_wait3A_1108, %dma_wait3A_1109] : memref<1536x224x224xf32, #tpu.memory_space<hbm>> -> memref<1x224x224xf32, #tpu.memory_space<hbm>>
    %dma_wait3A_1111 = arith.constant 0 : i32
    %dma_wait3A_1112 = arith.constant 0 : i32
    %dma_wait3A_1113 = arith.constant 0 : i32
    %dma_wait3A_1114 = tpu.memref_slice %arg6[%arg1, %dma_wait3A_1107, %dma_wait3A_1111, %dma_wait3A_1112, %dma_wait3A_1113] : memref<16x2x1x224x224xf32, #tpu.memory_space<vmem_shared>> -> memref<1x1x1x224x224xf32, #tpu.memory_space<vmem_shared>>
    %dma_wait3A_1115 = tpu.memref_squeeze %dma_wait3A_1114 : memref<1x1x1x224x224xf32, #tpu.memory_space<vmem_shared>> -> memref<1x224x224xf32, #tpu.memory_space<vmem_shared>>
    tpu.wait_dma2 semaphore(%arg10 : memref<!tpu.dma_semaphore, #tpu.memory_space<semaphore_mem>>) src(%dma_wait3A_1115 : memref<1x224x224xf32, #tpu.memory_space<vmem_shared>>) dst(%dma_wait3A_1110 : memref<1x224x224xf32, #tpu.memory_space<hbm>>)
    %get3A_1116 = arith.constant 16 : index
    %get3A_1117 = tpu.vector_load %arg5[%get3A_1116] {strides = array<i32>} : memref<48xi32, #tpu.memory_space<vmem>>, vector<16xi32>,
    %get3A_1118 = vector.shape_cast %get3A_1117 : vector<16xi32> to vector<16xi32>
    %slice3A_1119 = vector.extract_strided_slice %get3A_1118 {offsets = [9], sizes = [1], strides = [1]} : vector<16xi32> to vector<1xi32>
    %squeeze3A_1120 = vector.extract %slice3A_1119[0] : i32 from vector<1xi32>
    %dma_start3A_1121 = arith.constant 1 : i32
    %dma_start3A_1122 = arith.constant 0 : i32
    %dma_start3A_1123 = arith.constant 0 : i32
    %dma_start3A_1124 = arith.constant 0 : i32
    %dma_start3A_1125 = tpu.memref_slice %arg6[%arg1, %dma_start3A_1121, %dma_start3A_1122, %dma_start3A_1123, %dma_start3A_1124] : memref<16x2x1x224x224xf32, #tpu.memory_space<vmem_shared>> -> memref<1x1x1x224x224xf32, #tpu.memory_space<vmem_shared>>
    %dma_start3A_1126 = tpu.memref_squeeze %dma_start3A_1125 : memref<1x1x1x224x224xf32, #tpu.memory_space<vmem_shared>> -> memref<1x224x224xf32, #tpu.memory_space<vmem_shared>>
    %dma_start3A_1127 = arith.constant 0 : i32
    %dma_start3A_1128 = arith.constant 0 : i32
    %dma_start3A_1129 = tpu.memref_slice %arg2[%squeeze3A_1120, %dma_start3A_1127, %dma_start3A_1128] : memref<1536x224x224xf32, #tpu.memory_space<hbm>> -> memref<1x224x224xf32, #tpu.memory_space<hbm>>
    tpu.enqueue_dma source(%dma_start3A_1129 : memref<1x224x224xf32, #tpu.memory_space<hbm>>) target(%dma_start3A_1126 : memref<1x224x224xf32, #tpu.memory_space<vmem_shared>>) target_semaphore(%arg8 : memref<!tpu.dma_semaphore, #tpu.memory_space<semaphore_mem>>)
    %dma_wait3A_1130 = arith.constant 0 : i32
    %dma_wait3A_1131 = arith.constant 0 : i32
    %dma_wait3A_1132 = arith.constant 0 : i32
    %dma_wait3A_1133 = arith.constant 0 : i32
    %dma_wait3A_1134 = tpu.memref_slice %arg6[%arg1, %dma_wait3A_1130, %dma_wait3A_1131, %dma_wait3A_1132, %dma_wait3A_1133] : memref<16x2x1x224x224xf32, #tpu.memory_space<vmem_shared>> -> memref<1x1x1x224x224xf32, #tpu.memory_space<vmem_shared>>
    %dma_wait3A_1135 = tpu.memref_squeeze %dma_wait3A_1134 : memref<1x1x1x224x224xf32, #tpu.memory_space<vmem_shared>> -> memref<1x224x224xf32, #tpu.memory_space<vmem_shared>>
    %dma_wait3A_1136 = arith.constant 0 : i32
    %dma_wait3A_1137 = arith.constant 0 : i32
    %dma_wait3A_1138 = arith.constant 0 : i32
    %dma_wait3A_1139 = tpu.memref_slice %arg2[%dma_wait3A_1136, %dma_wait3A_1137, %dma_wait3A_1138] : memref<1536x224x224xf32, #tpu.memory_space<hbm>> -> memref<1x224x224xf32, #tpu.memory_space<hbm>>
    tpu.wait_dma2 semaphore(%arg7 : memref<!tpu.dma_semaphore, #tpu.memory_space<semaphore_mem>>) src(%dma_wait3A_1139 : memref<1x224x224xf32, #tpu.memory_space<hbm>>) dst(%dma_wait3A_1135 : memref<1x224x224xf32, #tpu.memory_space<vmem_shared>>)
    %add3A_1140 = arith.constant 24 : i32
    %add3A_1141 = arith.addi %mul3A_2, %add3A_1140 : i32
    %dma_start3A_1142 = arith.constant 0 : i32
    %dma_start3A_1143 = arith.constant 0 : i32
    %dma_start3A_1144 = arith.constant 0 : i32
    %dma_start3A_1145 = tpu.memref_slice %arg4[%add3A_1141, %dma_start3A_1143, %dma_start3A_1144] : memref<1536x224x224xf32, #tpu.memory_space<hbm>> -> memref<1x224x224xf32, #tpu.memory_space<hbm>>
    %dma_start3A_1146 = arith.constant 0 : i32
    %dma_start3A_1147 = arith.constant 0 : i32
    %dma_start3A_1148 = arith.constant 0 : i32
    %dma_start3A_1149 = tpu.memref_slice %arg6[%arg1, %dma_start3A_1142, %dma_start3A_1146, %dma_start3A_1147, %dma_start3A_1148] : memref<16x2x1x224x224xf32, #tpu.memory_space<vmem_shared>> -> memref<1x1x1x224x224xf32, #tpu.memory_space<vmem_shared>>
    %dma_start3A_1150 = tpu.memref_squeeze %dma_start3A_1149 : memref<1x1x1x224x224xf32, #tpu.memory_space<vmem_shared>> -> memref<1x224x224xf32, #tpu.memory_space<vmem_shared>>
    tpu.enqueue_dma source(%dma_start3A_1150 : memref<1x224x224xf32, #tpu.memory_space<vmem_shared>>) target(%dma_start3A_1145 : memref<1x224x224xf32, #tpu.memory_space<hbm>>) target_semaphore(%arg9 : memref<!tpu.dma_semaphore, #tpu.memory_space<semaphore_mem>>)
    %add3A_1151 = arith.constant 24 : i32
    %add3A_1152 = arith.addi %mul3A_2, %add3A_1151 : i32
    %dma_wait3A_1153 = arith.constant 0 : i32
    %dma_wait3A_1154 = arith.constant 0 : i32
    %dma_wait3A_1155 = arith.constant 0 : i32
    %dma_wait3A_1156 = tpu.memref_slice %arg4[%add3A_1152, %dma_wait3A_1154, %dma_wait3A_1155] : memref<1536x224x224xf32, #tpu.memory_space<hbm>> -> memref<1x224x224xf32, #tpu.memory_space<hbm>>
    %dma_wait3A_1157 = arith.constant 0 : i32
    %dma_wait3A_1158 = arith.constant 0 : i32
    %dma_wait3A_1159 = arith.constant 0 : i32
    %dma_wait3A_1160 = tpu.memref_slice %arg6[%arg1, %dma_wait3A_1153, %dma_wait3A_1157, %dma_wait3A_1158, %dma_wait3A_1159] : memref<16x2x1x224x224xf32, #tpu.memory_space<vmem_shared>> -> memref<1x1x1x224x224xf32, #tpu.memory_space<vmem_shared>>
    %dma_wait3A_1161 = tpu.memref_squeeze %dma_wait3A_1160 : memref<1x1x1x224x224xf32, #tpu.memory_space<vmem_shared>> -> memref<1x224x224xf32, #tpu.memory_space<vmem_shared>>
    tpu.wait_dma2 semaphore(%arg9 : memref<!tpu.dma_semaphore, #tpu.memory_space<semaphore_mem>>) src(%dma_wait3A_1161 : memref<1x224x224xf32, #tpu.memory_space<vmem_shared>>) dst(%dma_wait3A_1156 : memref<1x224x224xf32, #tpu.memory_space<hbm>>)
    %get3A_1162 = arith.constant 16 : index
    %get3A_1163 = tpu.vector_load %arg5[%get3A_1162] {strides = array<i32>} : memref<48xi32, #tpu.memory_space<vmem>>, vector<16xi32>,
    %get3A_1164 = vector.shape_cast %get3A_1163 : vector<16xi32> to vector<16xi32>
    %slice3A_1165 = vector.extract_strided_slice %get3A_1164 {offsets = [10], sizes = [1], strides = [1]} : vector<16xi32> to vector<1xi32>
    %squeeze3A_1166 = vector.extract %slice3A_1165[0] : i32 from vector<1xi32>
    %dma_start3A_1167 = arith.constant 0 : i32
    %dma_start3A_1168 = arith.constant 0 : i32
    %dma_start3A_1169 = arith.constant 0 : i32
    %dma_start3A_1170 = arith.constant 0 : i32
    %dma_start3A_1171 = tpu.memref_slice %arg6[%arg1, %dma_start3A_1167, %dma_start3A_1168, %dma_start3A_1169, %dma_start3A_1170] : memref<16x2x1x224x224xf32, #tpu.memory_space<vmem_shared>> -> memref<1x1x1x224x224xf32, #tpu.memory_space<vmem_shared>>
    %dma_start3A_1172 = tpu.memref_squeeze %dma_start3A_1171 : memref<1x1x1x224x224xf32, #tpu.memory_space<vmem_shared>> -> memref<1x224x224xf32, #tpu.memory_space<vmem_shared>>
    %dma_start3A_1173 = arith.constant 0 : i32
    %dma_start3A_1174 = arith.constant 0 : i32
    %dma_start3A_1175 = tpu.memref_slice %arg2[%squeeze3A_1166, %dma_start3A_1173, %dma_start3A_1174] : memref<1536x224x224xf32, #tpu.memory_space<hbm>> -> memref<1x224x224xf32, #tpu.memory_space<hbm>>
    tpu.enqueue_dma source(%dma_start3A_1175 : memref<1x224x224xf32, #tpu.memory_space<hbm>>) target(%dma_start3A_1172 : memref<1x224x224xf32, #tpu.memory_space<vmem_shared>>) target_semaphore(%arg7 : memref<!tpu.dma_semaphore, #tpu.memory_space<semaphore_mem>>)
    %dma_wait3A_1176 = arith.constant 1 : i32
    %dma_wait3A_1177 = arith.constant 0 : i32
    %dma_wait3A_1178 = arith.constant 0 : i32
    %dma_wait3A_1179 = arith.constant 0 : i32
    %dma_wait3A_1180 = tpu.memref_slice %arg6[%arg1, %dma_wait3A_1176, %dma_wait3A_1177, %dma_wait3A_1178, %dma_wait3A_1179] : memref<16x2x1x224x224xf32, #tpu.memory_space<vmem_shared>> -> memref<1x1x1x224x224xf32, #tpu.memory_space<vmem_shared>>
    %dma_wait3A_1181 = tpu.memref_squeeze %dma_wait3A_1180 : memref<1x1x1x224x224xf32, #tpu.memory_space<vmem_shared>> -> memref<1x224x224xf32, #tpu.memory_space<vmem_shared>>
    %dma_wait3A_1182 = arith.constant 0 : i32
    %dma_wait3A_1183 = arith.constant 0 : i32
    %dma_wait3A_1184 = arith.constant 0 : i32
    %dma_wait3A_1185 = tpu.memref_slice %arg2[%dma_wait3A_1182, %dma_wait3A_1183, %dma_wait3A_1184] : memref<1536x224x224xf32, #tpu.memory_space<hbm>> -> memref<1x224x224xf32, #tpu.memory_space<hbm>>
    tpu.wait_dma2 semaphore(%arg8 : memref<!tpu.dma_semaphore, #tpu.memory_space<semaphore_mem>>) src(%dma_wait3A_1185 : memref<1x224x224xf32, #tpu.memory_space<hbm>>) dst(%dma_wait3A_1181 : memref<1x224x224xf32, #tpu.memory_space<vmem_shared>>)
    %add3A_1186 = arith.constant 25 : i32
    %add3A_1187 = arith.addi %mul3A_2, %add3A_1186 : i32
    %dma_start3A_1188 = arith.constant 1 : i32
    %dma_start3A_1189 = arith.constant 0 : i32
    %dma_start3A_1190 = arith.constant 0 : i32
    %dma_start3A_1191 = tpu.memref_slice %arg4[%add3A_1187, %dma_start3A_1189, %dma_start3A_1190] : memref<1536x224x224xf32, #tpu.memory_space<hbm>> -> memref<1x224x224xf32, #tpu.memory_space<hbm>>
    %dma_start3A_1192 = arith.constant 0 : i32
    %dma_start3A_1193 = arith.constant 0 : i32
    %dma_start3A_1194 = arith.constant 0 : i32
    %dma_start3A_1195 = tpu.memref_slice %arg6[%arg1, %dma_start3A_1188, %dma_start3A_1192, %dma_start3A_1193, %dma_start3A_1194] : memref<16x2x1x224x224xf32, #tpu.memory_space<vmem_shared>> -> memref<1x1x1x224x224xf32, #tpu.memory_space<vmem_shared>>
    %dma_start3A_1196 = tpu.memref_squeeze %dma_start3A_1195 : memref<1x1x1x224x224xf32, #tpu.memory_space<vmem_shared>> -> memref<1x224x224xf32, #tpu.memory_space<vmem_shared>>
    tpu.enqueue_dma source(%dma_start3A_1196 : memref<1x224x224xf32, #tpu.memory_space<vmem_shared>>) target(%dma_start3A_1191 : memref<1x224x224xf32, #tpu.memory_space<hbm>>) target_semaphore(%arg10 : memref<!tpu.dma_semaphore, #tpu.memory_space<semaphore_mem>>)
    %add3A_1197 = arith.constant 25 : i32
    %add3A_1198 = arith.addi %mul3A_2, %add3A_1197 : i32
    %dma_wait3A_1199 = arith.constant 1 : i32
    %dma_wait3A_1200 = arith.constant 0 : i32
    %dma_wait3A_1201 = arith.constant 0 : i32
    %dma_wait3A_1202 = tpu.memref_slice %arg4[%add3A_1198, %dma_wait3A_1200, %dma_wait3A_1201] : memref<1536x224x224xf32, #tpu.memory_space<hbm>> -> memref<1x224x224xf32, #tpu.memory_space<hbm>>
    %dma_wait3A_1203 = arith.constant 0 : i32
    %dma_wait3A_1204 = arith.constant 0 : i32
    %dma_wait3A_1205 = arith.constant 0 : i32
    %dma_wait3A_1206 = tpu.memref_slice %arg6[%arg1, %dma_wait3A_1199, %dma_wait3A_1203, %dma_wait3A_1204, %dma_wait3A_1205] : memref<16x2x1x224x224xf32, #tpu.memory_space<vmem_shared>> -> memref<1x1x1x224x224xf32, #tpu.memory_space<vmem_shared>>
    %dma_wait3A_1207 = tpu.memref_squeeze %dma_wait3A_1206 : memref<1x1x1x224x224xf32, #tpu.memory_space<vmem_shared>> -> memref<1x224x224xf32, #tpu.memory_space<vmem_shared>>
    tpu.wait_dma2 semaphore(%arg10 : memref<!tpu.dma_semaphore, #tpu.memory_space<semaphore_mem>>) src(%dma_wait3A_1207 : memref<1x224x224xf32, #tpu.memory_space<vmem_shared>>) dst(%dma_wait3A_1202 : memref<1x224x224xf32, #tpu.memory_space<hbm>>)
    %get3A_1208 = arith.constant 16 : index
    %get3A_1209 = tpu.vector_load %arg5[%get3A_1208] {strides = array<i32>} : memref<48xi32, #tpu.memory_space<vmem>>, vector<16xi32>,
    %get3A_1210 = vector.shape_cast %get3A_1209 : vector<16xi32> to vector<16xi32>
    %slice3A_1211 = vector.extract_strided_slice %get3A_1210 {offsets = [11], sizes = [1], strides = [1]} : vector<16xi32> to vector<1xi32>
    %squeeze3A_1212 = vector.extract %slice3A_1211[0] : i32 from vector<1xi32>
    %dma_start3A_1213 = arith.constant 1 : i32
    %dma_start3A_1214 = arith.constant 0 : i32
    %dma_start3A_1215 = arith.constant 0 : i32
    %dma_start3A_1216 = arith.constant 0 : i32
    %dma_start3A_1217 = tpu.memref_slice %arg6[%arg1, %dma_start3A_1213, %dma_start3A_1214, %dma_start3A_1215, %dma_start3A_1216] : memref<16x2x1x224x224xf32, #tpu.memory_space<vmem_shared>> -> memref<1x1x1x224x224xf32, #tpu.memory_space<vmem_shared>>
    %dma_start3A_1218 = tpu.memref_squeeze %dma_start3A_1217 : memref<1x1x1x224x224xf32, #tpu.memory_space<vmem_shared>> -> memref<1x224x224xf32, #tpu.memory_space<vmem_shared>>
    %dma_start3A_1219 = arith.constant 0 : i32
    %dma_start3A_1220 = arith.constant 0 : i32
    %dma_start3A_1221 = tpu.memref_slice %arg2[%squeeze3A_1212, %dma_start3A_1219, %dma_start3A_1220] : memref<1536x224x224xf32, #tpu.memory_space<hbm>> -> memref<1x224x224xf32, #tpu.memory_space<hbm>>
    tpu.enqueue_dma source(%dma_start3A_1221 : memref<1x224x224xf32, #tpu.memory_space<hbm>>) target(%dma_start3A_1218 : memref<1x224x224xf32, #tpu.memory_space<vmem_shared>>) target_semaphore(%arg8 : memref<!tpu.dma_semaphore, #tpu.memory_space<semaphore_mem>>)
    %dma_wait3A_1222 = arith.constant 0 : i32
    %dma_wait3A_1223 = arith.constant 0 : i32
    %dma_wait3A_1224 = arith.constant 0 : i32
    %dma_wait3A_1225 = arith.constant 0 : i32
    %dma_wait3A_1226 = tpu.memref_slice %arg6[%arg1, %dma_wait3A_1222, %dma_wait3A_1223, %dma_wait3A_1224, %dma_wait3A_1225] : memref<16x2x1x224x224xf32, #tpu.memory_space<vmem_shared>> -> memref<1x1x1x224x224xf32, #tpu.memory_space<vmem_shared>>
    %dma_wait3A_1227 = tpu.memref_squeeze %dma_wait3A_1226 : memref<1x1x1x224x224xf32, #tpu.memory_space<vmem_shared>> -> memref<1x224x224xf32, #tpu.memory_space<vmem_shared>>
    %dma_wait3A_1228 = arith.constant 0 : i32
    %dma_wait3A_1229 = arith.constant 0 : i32
    %dma_wait3A_1230 = arith.constant 0 : i32
    %dma_wait3A_1231 = tpu.memref_slice %arg2[%dma_wait3A_1228, %dma_wait3A_1229, %dma_wait3A_1230] : memref<1536x224x224xf32, #tpu.memory_space<hbm>> -> memref<1x224x224xf32, #tpu.memory_space<hbm>>
    tpu.wait_dma2 semaphore(%arg7 : memref<!tpu.dma_semaphore, #tpu.memory_space<semaphore_mem>>) src(%dma_wait3A_1231 : memref<1x224x224xf32, #tpu.memory_space<hbm>>) dst(%dma_wait3A_1227 : memref<1x224x224xf32, #tpu.memory_space<vmem_shared>>)
    %add3A_1232 = arith.constant 26 : i32
    %add3A_1233 = arith.addi %mul3A_2, %add3A_1232 : i32
    %dma_start3A_1234 = arith.constant 0 : i32
    %dma_start3A_1235 = arith.constant 0 : i32
    %dma_start3A_1236 = arith.constant 0 : i32
    %dma_start3A_1237 = tpu.memref_slice %arg4[%add3A_1233, %dma_start3A_1235, %dma_start3A_1236] : memref<1536x224x224xf32, #tpu.memory_space<hbm>> -> memref<1x224x224xf32, #tpu.memory_space<hbm>>
    %dma_start3A_1238 = arith.constant 0 : i32
    %dma_start3A_1239 = arith.constant 0 : i32
    %dma_start3A_1240 = arith.constant 0 : i32
    %dma_start3A_1241 = tpu.memref_slice %arg6[%arg1, %dma_start3A_1234, %dma_start3A_1238, %dma_start3A_1239, %dma_start3A_1240] : memref<16x2x1x224x224xf32, #tpu.memory_space<vmem_shared>> -> memref<1x1x1x224x224xf32, #tpu.memory_space<vmem_shared>>
    %dma_start3A_1242 = tpu.memref_squeeze %dma_start3A_1241 : memref<1x1x1x224x224xf32, #tpu.memory_space<vmem_shared>> -> memref<1x224x224xf32, #tpu.memory_space<vmem_shared>>
    tpu.enqueue_dma source(%dma_start3A_1242 : memref<1x224x224xf32, #tpu.memory_space<vmem_shared>>) target(%dma_start3A_1237 : memref<1x224x224xf32, #tpu.memory_space<hbm>>) target_semaphore(%arg9 : memref<!tpu.dma_semaphore, #tpu.memory_space<semaphore_mem>>)
    %add3A_1243 = arith.constant 26 : i32
    %add3A_1244 = arith.addi %mul3A_2, %add3A_1243 : i32
    %dma_wait3A_1245 = arith.constant 0 : i32
    %dma_wait3A_1246 = arith.constant 0 : i32
    %dma_wait3A_1247 = arith.constant 0 : i32
    %dma_wait3A_1248 = tpu.memref_slice %arg4[%add3A_1244, %dma_wait3A_1246, %dma_wait3A_1247] : memref<1536x224x224xf32, #tpu.memory_space<hbm>> -> memref<1x224x224xf32, #tpu.memory_space<hbm>>
    %dma_wait3A_1249 = arith.constant 0 : i32
    %dma_wait3A_1250 = arith.constant 0 : i32
    %dma_wait3A_1251 = arith.constant 0 : i32
    %dma_wait3A_1252 = tpu.memref_slice %arg6[%arg1, %dma_wait3A_1245, %dma_wait3A_1249, %dma_wait3A_1250, %dma_wait3A_1251] : memref<16x2x1x224x224xf32, #tpu.memory_space<vmem_shared>> -> memref<1x1x1x224x224xf32, #tpu.memory_space<vmem_shared>>
    %dma_wait3A_1253 = tpu.memref_squeeze %dma_wait3A_1252 : memref<1x1x1x224x224xf32, #tpu.memory_space<vmem_shared>> -> memref<1x224x224xf32, #tpu.memory_space<vmem_shared>>
    tpu.wait_dma2 semaphore(%arg9 : memref<!tpu.dma_semaphore, #tpu.memory_space<semaphore_mem>>) src(%dma_wait3A_1253 : memref<1x224x224xf32, #tpu.memory_space<vmem_shared>>) dst(%dma_wait3A_1248 : memref<1x224x224xf32, #tpu.memory_space<hbm>>)
    %get3A_1254 = arith.constant 16 : index
    %get3A_1255 = tpu.vector_load %arg5[%get3A_1254] {strides = array<i32>} : memref<48xi32, #tpu.memory_space<vmem>>, vector<16xi32>,
    %get3A_1256 = vector.shape_cast %get3A_1255 : vector<16xi32> to vector<16xi32>
    %slice3A_1257 = vector.extract_strided_slice %get3A_1256 {offsets = [12], sizes = [1], strides = [1]} : vector<16xi32> to vector<1xi32>
    %squeeze3A_1258 = vector.extract %slice3A_1257[0] : i32 from vector<1xi32>
    %dma_start3A_1259 = arith.constant 0 : i32
    %dma_start3A_1260 = arith.constant 0 : i32
    %dma_start3A_1261 = arith.constant 0 : i32
    %dma_start3A_1262 = arith.constant 0 : i32
    %dma_start3A_1263 = tpu.memref_slice %arg6[%arg1, %dma_start3A_1259, %dma_start3A_1260, %dma_start3A_1261, %dma_start3A_1262] : memref<16x2x1x224x224xf32, #tpu.memory_space<vmem_shared>> -> memref<1x1x1x224x224xf32, #tpu.memory_space<vmem_shared>>
    %dma_start3A_1264 = tpu.memref_squeeze %dma_start3A_1263 : memref<1x1x1x224x224xf32, #tpu.memory_space<vmem_shared>> -> memref<1x224x224xf32, #tpu.memory_space<vmem_shared>>
    %dma_start3A_1265 = arith.constant 0 : i32
    %dma_start3A_1266 = arith.constant 0 : i32
    %dma_start3A_1267 = tpu.memref_slice %arg2[%squeeze3A_1258, %dma_start3A_1265, %dma_start3A_1266] : memref<1536x224x224xf32, #tpu.memory_space<hbm>> -> memref<1x224x224xf32, #tpu.memory_space<hbm>>
    tpu.enqueue_dma source(%dma_start3A_1267 : memref<1x224x224xf32, #tpu.memory_space<hbm>>) target(%dma_start3A_1264 : memref<1x224x224xf32, #tpu.memory_space<vmem_shared>>) target_semaphore(%arg7 : memref<!tpu.dma_semaphore, #tpu.memory_space<semaphore_mem>>)
    %dma_wait3A_1268 = arith.constant 1 : i32
    %dma_wait3A_1269 = arith.constant 0 : i32
    %dma_wait3A_1270 = arith.constant 0 : i32
    %dma_wait3A_1271 = arith.constant 0 : i32
    %dma_wait3A_1272 = tpu.memref_slice %arg6[%arg1, %dma_wait3A_1268, %dma_wait3A_1269, %dma_wait3A_1270, %dma_wait3A_1271] : memref<16x2x1x224x224xf32, #tpu.memory_space<vmem_shared>> -> memref<1x1x1x224x224xf32, #tpu.memory_space<vmem_shared>>
    %dma_wait3A_1273 = tpu.memref_squeeze %dma_wait3A_1272 : memref<1x1x1x224x224xf32, #tpu.memory_space<vmem_shared>> -> memref<1x224x224xf32, #tpu.memory_space<vmem_shared>>
    %dma_wait3A_1274 = arith.constant 0 : i32
    %dma_wait3A_1275 = arith.constant 0 : i32
    %dma_wait3A_1276 = arith.constant 0 : i32
    %dma_wait3A_1277 = tpu.memref_slice %arg2[%dma_wait3A_1274, %dma_wait3A_1275, %dma_wait3A_1276] : memref<1536x224x224xf32, #tpu.memory_space<hbm>> -> memref<1x224x224xf32, #tpu.memory_space<hbm>>
    tpu.wait_dma2 semaphore(%arg8 : memref<!tpu.dma_semaphore, #tpu.memory_space<semaphore_mem>>) src(%dma_wait3A_1277 : memref<1x224x224xf32, #tpu.memory_space<hbm>>) dst(%dma_wait3A_1273 : memref<1x224x224xf32, #tpu.memory_space<vmem_shared>>)
    %add3A_1278 = arith.constant 27 : i32
    %add3A_1279 = arith.addi %mul3A_2, %add3A_1278 : i32
    %dma_start3A_1280 = arith.constant 1 : i32
    %dma_start3A_1281 = arith.constant 0 : i32
    %dma_start3A_1282 = arith.constant 0 : i32
    %dma_start3A_1283 = tpu.memref_slice %arg4[%add3A_1279, %dma_start3A_1281, %dma_start3A_1282] : memref<1536x224x224xf32, #tpu.memory_space<hbm>> -> memref<1x224x224xf32, #tpu.memory_space<hbm>>
    %dma_start3A_1284 = arith.constant 0 : i32
    %dma_start3A_1285 = arith.constant 0 : i32
    %dma_start3A_1286 = arith.constant 0 : i32
    %dma_start3A_1287 = tpu.memref_slice %arg6[%arg1, %dma_start3A_1280, %dma_start3A_1284, %dma_start3A_1285, %dma_start3A_1286] : memref<16x2x1x224x224xf32, #tpu.memory_space<vmem_shared>> -> memref<1x1x1x224x224xf32, #tpu.memory_space<vmem_shared>>
    %dma_start3A_1288 = tpu.memref_squeeze %dma_start3A_1287 : memref<1x1x1x224x224xf32, #tpu.memory_space<vmem_shared>> -> memref<1x224x224xf32, #tpu.memory_space<vmem_shared>>
    tpu.enqueue_dma source(%dma_start3A_1288 : memref<1x224x224xf32, #tpu.memory_space<vmem_shared>>) target(%dma_start3A_1283 : memref<1x224x224xf32, #tpu.memory_space<hbm>>) target_semaphore(%arg10 : memref<!tpu.dma_semaphore, #tpu.memory_space<semaphore_mem>>)
    %add3A_1289 = arith.constant 27 : i32
    %add3A_1290 = arith.addi %mul3A_2, %add3A_1289 : i32
    %dma_wait3A_1291 = arith.constant 1 : i32
    %dma_wait3A_1292 = arith.constant 0 : i32
    %dma_wait3A_1293 = arith.constant 0 : i32
    %dma_wait3A_1294 = tpu.memref_slice %arg4[%add3A_1290, %dma_wait3A_1292, %dma_wait3A_1293] : memref<1536x224x224xf32, #tpu.memory_space<hbm>> -> memref<1x224x224xf32, #tpu.memory_space<hbm>>
    %dma_wait3A_1295 = arith.constant 0 : i32
    %dma_wait3A_1296 = arith.constant 0 : i32
    %dma_wait3A_1297 = arith.constant 0 : i32
    %dma_wait3A_1298 = tpu.memref_slice %arg6[%arg1, %dma_wait3A_1291, %dma_wait3A_1295, %dma_wait3A_1296, %dma_wait3A_1297] : memref<16x2x1x224x224xf32, #tpu.memory_space<vmem_shared>> -> memref<1x1x1x224x224xf32, #tpu.memory_space<vmem_shared>>
    %dma_wait3A_1299 = tpu.memref_squeeze %dma_wait3A_1298 : memref<1x1x1x224x224xf32, #tpu.memory_space<vmem_shared>> -> memref<1x224x224xf32, #tpu.memory_space<vmem_shared>>
    tpu.wait_dma2 semaphore(%arg10 : memref<!tpu.dma_semaphore, #tpu.memory_space<semaphore_mem>>) src(%dma_wait3A_1299 : memref<1x224x224xf32, #tpu.memory_space<vmem_shared>>) dst(%dma_wait3A_1294 : memref<1x224x224xf32, #tpu.memory_space<hbm>>)
    %get3A_1300 = arith.constant 16 : index
    %get3A_1301 = tpu.vector_load %arg5[%get3A_1300] {strides = array<i32>} : memref<48xi32, #tpu.memory_space<vmem>>, vector<16xi32>,
    %get3A_1302 = vector.shape_cast %get3A_1301 : vector<16xi32> to vector<16xi32>
    %slice3A_1303 = vector.extract_strided_slice %get3A_1302 {offsets = [13], sizes = [1], strides = [1]} : vector<16xi32> to vector<1xi32>
    %squeeze3A_1304 = vector.extract %slice3A_1303[0] : i32 from vector<1xi32>
    %dma_start3A_1305 = arith.constant 1 : i32
    %dma_start3A_1306 = arith.constant 0 : i32
    %dma_start3A_1307 = arith.constant 0 : i32
    %dma_start3A_1308 = arith.constant 0 : i32
    %dma_start3A_1309 = tpu.memref_slice %arg6[%arg1, %dma_start3A_1305, %dma_start3A_1306, %dma_start3A_1307, %dma_start3A_1308] : memref<16x2x1x224x224xf32, #tpu.memory_space<vmem_shared>> -> memref<1x1x1x224x224xf32, #tpu.memory_space<vmem_shared>>
    %dma_start3A_1310 = tpu.memref_squeeze %dma_start3A_1309 : memref<1x1x1x224x224xf32, #tpu.memory_space<vmem_shared>> -> memref<1x224x224xf32, #tpu.memory_space<vmem_shared>>
    %dma_start3A_1311 = arith.constant 0 : i32
    %dma_start3A_1312 = arith.constant 0 : i32
    %dma_start3A_1313 = tpu.memref_slice %arg2[%squeeze3A_1304, %dma_start3A_1311, %dma_start3A_1312] : memref<1536x224x224xf32, #tpu.memory_space<hbm>> -> memref<1x224x224xf32, #tpu.memory_space<hbm>>
    tpu.enqueue_dma source(%dma_start3A_1313 : memref<1x224x224xf32, #tpu.memory_space<hbm>>) target(%dma_start3A_1310 : memref<1x224x224xf32, #tpu.memory_space<vmem_shared>>) target_semaphore(%arg8 : memref<!tpu.dma_semaphore, #tpu.memory_space<semaphore_mem>>)
    %dma_wait3A_1314 = arith.constant 0 : i32
    %dma_wait3A_1315 = arith.constant 0 : i32
    %dma_wait3A_1316 = arith.constant 0 : i32
    %dma_wait3A_1317 = arith.constant 0 : i32
    %dma_wait3A_1318 = tpu.memref_slice %arg6[%arg1, %dma_wait3A_1314, %dma_wait3A_1315, %dma_wait3A_1316, %dma_wait3A_1317] : memref<16x2x1x224x224xf32, #tpu.memory_space<vmem_shared>> -> memref<1x1x1x224x224xf32, #tpu.memory_space<vmem_shared>>
    %dma_wait3A_1319 = tpu.memref_squeeze %dma_wait3A_1318 : memref<1x1x1x224x224xf32, #tpu.memory_space<vmem_shared>> -> memref<1x224x224xf32, #tpu.memory_space<vmem_shared>>
    %dma_wait3A_1320 = arith.constant 0 : i32
    %dma_wait3A_1321 = arith.constant 0 : i32
    %dma_wait3A_1322 = arith.constant 0 : i32
    %dma_wait3A_1323 = tpu.memref_slice %arg2[%dma_wait3A_1320, %dma_wait3A_1321, %dma_wait3A_1322] : memref<1536x224x224xf32, #tpu.memory_space<hbm>> -> memref<1x224x224xf32, #tpu.memory_space<hbm>>
    tpu.wait_dma2 semaphore(%arg7 : memref<!tpu.dma_semaphore, #tpu.memory_space<semaphore_mem>>) src(%dma_wait3A_1323 : memref<1x224x224xf32, #tpu.memory_space<hbm>>) dst(%dma_wait3A_1319 : memref<1x224x224xf32, #tpu.memory_space<vmem_shared>>)
    %add3A_1324 = arith.constant 28 : i32
    %add3A_1325 = arith.addi %mul3A_2, %add3A_1324 : i32
    %dma_start3A_1326 = arith.constant 0 : i32
    %dma_start3A_1327 = arith.constant 0 : i32
    %dma_start3A_1328 = arith.constant 0 : i32
    %dma_start3A_1329 = tpu.memref_slice %arg4[%add3A_1325, %dma_start3A_1327, %dma_start3A_1328] : memref<1536x224x224xf32, #tpu.memory_space<hbm>> -> memref<1x224x224xf32, #tpu.memory_space<hbm>>
    %dma_start3A_1330 = arith.constant 0 : i32
    %dma_start3A_1331 = arith.constant 0 : i32
    %dma_start3A_1332 = arith.constant 0 : i32
    %dma_start3A_1333 = tpu.memref_slice %arg6[%arg1, %dma_start3A_1326, %dma_start3A_1330, %dma_start3A_1331, %dma_start3A_1332] : memref<16x2x1x224x224xf32, #tpu.memory_space<vmem_shared>> -> memref<1x1x1x224x224xf32, #tpu.memory_space<vmem_shared>>
    %dma_start3A_1334 = tpu.memref_squeeze %dma_start3A_1333 : memref<1x1x1x224x224xf32, #tpu.memory_space<vmem_shared>> -> memref<1x224x224xf32, #tpu.memory_space<vmem_shared>>
    tpu.enqueue_dma source(%dma_start3A_1334 : memref<1x224x224xf32, #tpu.memory_space<vmem_shared>>) target(%dma_start3A_1329 : memref<1x224x224xf32, #tpu.memory_space<hbm>>) target_semaphore(%arg9 : memref<!tpu.dma_semaphore, #tpu.memory_space<semaphore_mem>>)
    %add3A_1335 = arith.constant 28 : i32
    %add3A_1336 = arith.addi %mul3A_2, %add3A_1335 : i32
    %dma_wait3A_1337 = arith.constant 0 : i32
    %dma_wait3A_1338 = arith.constant 0 : i32
    %dma_wait3A_1339 = arith.constant 0 : i32
    %dma_wait3A_1340 = tpu.memref_slice %arg4[%add3A_1336, %dma_wait3A_1338, %dma_wait3A_1339] : memref<1536x224x224xf32, #tpu.memory_space<hbm>> -> memref<1x224x224xf32, #tpu.memory_space<hbm>>
    %dma_wait3A_1341 = arith.constant 0 : i32
    %dma_wait3A_1342 = arith.constant 0 : i32
    %dma_wait3A_1343 = arith.constant 0 : i32
    %dma_wait3A_1344 = tpu.memref_slice %arg6[%arg1, %dma_wait3A_1337, %dma_wait3A_1341, %dma_wait3A_1342, %dma_wait3A_1343] : memref<16x2x1x224x224xf32, #tpu.memory_space<vmem_shared>> -> memref<1x1x1x224x224xf32, #tpu.memory_space<vmem_shared>>
    %dma_wait3A_1345 = tpu.memref_squeeze %dma_wait3A_1344 : memref<1x1x1x224x224xf32, #tpu.memory_space<vmem_shared>> -> memref<1x224x224xf32, #tpu.memory_space<vmem_shared>>
    tpu.wait_dma2 semaphore(%arg9 : memref<!tpu.dma_semaphore, #tpu.memory_space<semaphore_mem>>) src(%dma_wait3A_1345 : memref<1x224x224xf32, #tpu.memory_space<vmem_shared>>) dst(%dma_wait3A_1340 : memref<1x224x224xf32, #tpu.memory_space<hbm>>)
    %get3A_1346 = arith.constant 16 : index
    %get3A_1347 = tpu.vector_load %arg5[%get3A_1346] {strides = array<i32>} : memref<48xi32, #tpu.memory_space<vmem>>, vector<16xi32>,
    %get3A_1348 = vector.shape_cast %get3A_1347 : vector<16xi32> to vector<16xi32>
    %slice3A_1349 = vector.extract_strided_slice %get3A_1348 {offsets = [14], sizes = [1], strides = [1]} : vector<16xi32> to vector<1xi32>
    %squeeze3A_1350 = vector.extract %slice3A_1349[0] : i32 from vector<1xi32>
    %dma_start3A_1351 = arith.constant 0 : i32
    %dma_start3A_1352 = arith.constant 0 : i32
    %dma_start3A_1353 = arith.constant 0 : i32
    %dma_start3A_1354 = arith.constant 0 : i32
    %dma_start3A_1355 = tpu.memref_slice %arg6[%arg1, %dma_start3A_1351, %dma_start3A_1352, %dma_start3A_1353, %dma_start3A_1354] : memref<16x2x1x224x224xf32, #tpu.memory_space<vmem_shared>> -> memref<1x1x1x224x224xf32, #tpu.memory_space<vmem_shared>>
    %dma_start3A_1356 = tpu.memref_squeeze %dma_start3A_1355 : memref<1x1x1x224x224xf32, #tpu.memory_space<vmem_shared>> -> memref<1x224x224xf32, #tpu.memory_space<vmem_shared>>
    %dma_start3A_1357 = arith.constant 0 : i32
    %dma_start3A_1358 = arith.constant 0 : i32
    %dma_start3A_1359 = tpu.memref_slice %arg2[%squeeze3A_1350, %dma_start3A_1357, %dma_start3A_1358] : memref<1536x224x224xf32, #tpu.memory_space<hbm>> -> memref<1x224x224xf32, #tpu.memory_space<hbm>>
    tpu.enqueue_dma source(%dma_start3A_1359 : memref<1x224x224xf32, #tpu.memory_space<hbm>>) target(%dma_start3A_1356 : memref<1x224x224xf32, #tpu.memory_space<vmem_shared>>) target_semaphore(%arg7 : memref<!tpu.dma_semaphore, #tpu.memory_space<semaphore_mem>>)
    %dma_wait3A_1360 = arith.constant 1 : i32
    %dma_wait3A_1361 = arith.constant 0 : i32
    %dma_wait3A_1362 = arith.constant 0 : i32
    %dma_wait3A_1363 = arith.constant 0 : i32
    %dma_wait3A_1364 = tpu.memref_slice %arg6[%arg1, %dma_wait3A_1360, %dma_wait3A_1361, %dma_wait3A_1362, %dma_wait3A_1363] : memref<16x2x1x224x224xf32, #tpu.memory_space<vmem_shared>> -> memref<1x1x1x224x224xf32, #tpu.memory_space<vmem_shared>>
    %dma_wait3A_1365 = tpu.memref_squeeze %dma_wait3A_1364 : memref<1x1x1x224x224xf32, #tpu.memory_space<vmem_shared>> -> memref<1x224x224xf32, #tpu.memory_space<vmem_shared>>
    %dma_wait3A_1366 = arith.constant 0 : i32
    %dma_wait3A_1367 = arith.constant 0 : i32
    %dma_wait3A_1368 = arith.constant 0 : i32
    %dma_wait3A_1369 = tpu.memref_slice %arg2[%dma_wait3A_1366, %dma_wait3A_1367, %dma_wait3A_1368] : memref<1536x224x224xf32, #tpu.memory_space<hbm>> -> memref<1x224x224xf32, #tpu.memory_space<hbm>>
    tpu.wait_dma2 semaphore(%arg8 : memref<!tpu.dma_semaphore, #tpu.memory_space<semaphore_mem>>) src(%dma_wait3A_1369 : memref<1x224x224xf32, #tpu.memory_space<hbm>>) dst(%dma_wait3A_1365 : memref<1x224x224xf32, #tpu.memory_space<vmem_shared>>)
    %add3A_1370 = arith.constant 29 : i32
    %add3A_1371 = arith.addi %mul3A_2, %add3A_1370 : i32
    %dma_start3A_1372 = arith.constant 1 : i32
    %dma_start3A_1373 = arith.constant 0 : i32
    %dma_start3A_1374 = arith.constant 0 : i32
    %dma_start3A_1375 = tpu.memref_slice %arg4[%add3A_1371, %dma_start3A_1373, %dma_start3A_1374] : memref<1536x224x224xf32, #tpu.memory_space<hbm>> -> memref<1x224x224xf32, #tpu.memory_space<hbm>>
    %dma_start3A_1376 = arith.constant 0 : i32
    %dma_start3A_1377 = arith.constant 0 : i32
    %dma_start3A_1378 = arith.constant 0 : i32
    %dma_start3A_1379 = tpu.memref_slice %arg6[%arg1, %dma_start3A_1372, %dma_start3A_1376, %dma_start3A_1377, %dma_start3A_1378] : memref<16x2x1x224x224xf32, #tpu.memory_space<vmem_shared>> -> memref<1x1x1x224x224xf32, #tpu.memory_space<vmem_shared>>
    %dma_start3A_1380 = tpu.memref_squeeze %dma_start3A_1379 : memref<1x1x1x224x224xf32, #tpu.memory_space<vmem_shared>> -> memref<1x224x224xf32, #tpu.memory_space<vmem_shared>>
    tpu.enqueue_dma source(%dma_start3A_1380 : memref<1x224x224xf32, #tpu.memory_space<vmem_shared>>) target(%dma_start3A_1375 : memref<1x224x224xf32, #tpu.memory_space<hbm>>) target_semaphore(%arg10 : memref<!tpu.dma_semaphore, #tpu.memory_space<semaphore_mem>>)
    %add3A_1381 = arith.constant 29 : i32
    %add3A_1382 = arith.addi %mul3A_2, %add3A_1381 : i32
    %dma_wait3A_1383 = arith.constant 1 : i32
    %dma_wait3A_1384 = arith.constant 0 : i32
    %dma_wait3A_1385 = arith.constant 0 : i32
    %dma_wait3A_1386 = tpu.memref_slice %arg4[%add3A_1382, %dma_wait3A_1384, %dma_wait3A_1385] : memref<1536x224x224xf32, #tpu.memory_space<hbm>> -> memref<1x224x224xf32, #tpu.memory_space<hbm>>
    %dma_wait3A_1387 = arith.constant 0 : i32
    %dma_wait3A_1388 = arith.constant 0 : i32
    %dma_wait3A_1389 = arith.constant 0 : i32
    %dma_wait3A_1390 = tpu.memref_slice %arg6[%arg1, %dma_wait3A_1383, %dma_wait3A_1387, %dma_wait3A_1388, %dma_wait3A_1389] : memref<16x2x1x224x224xf32, #tpu.memory_space<vmem_shared>> -> memref<1x1x1x224x224xf32, #tpu.memory_space<vmem_shared>>
    %dma_wait3A_1391 = tpu.memref_squeeze %dma_wait3A_1390 : memref<1x1x1x224x224xf32, #tpu.memory_space<vmem_shared>> -> memref<1x224x224xf32, #tpu.memory_space<vmem_shared>>
    tpu.wait_dma2 semaphore(%arg10 : memref<!tpu.dma_semaphore, #tpu.memory_space<semaphore_mem>>) src(%dma_wait3A_1391 : memref<1x224x224xf32, #tpu.memory_space<vmem_shared>>) dst(%dma_wait3A_1386 : memref<1x224x224xf32, #tpu.memory_space<hbm>>)
    %get3A_1392 = arith.constant 16 : index
    %get3A_1393 = tpu.vector_load %arg5[%get3A_1392] {strides = array<i32>} : memref<48xi32, #tpu.memory_space<vmem>>, vector<16xi32>,
    %get3A_1394 = vector.shape_cast %get3A_1393 : vector<16xi32> to vector<16xi32>
    %slice3A_1395 = vector.extract_strided_slice %get3A_1394 {offsets = [15], sizes = [1], strides = [1]} : vector<16xi32> to vector<1xi32>
    %squeeze3A_1396 = vector.extract %slice3A_1395[0] : i32 from vector<1xi32>
    %dma_start3A_1397 = arith.constant 1 : i32
    %dma_start3A_1398 = arith.constant 0 : i32
    %dma_start3A_1399 = arith.constant 0 : i32
    %dma_start3A_1400 = arith.constant 0 : i32
    %dma_start3A_1401 = tpu.memref_slice %arg6[%arg1, %dma_start3A_1397, %dma_start3A_1398, %dma_start3A_1399, %dma_start3A_1400] : memref<16x2x1x224x224xf32, #tpu.memory_space<vmem_shared>> -> memref<1x1x1x224x224xf32, #tpu.memory_space<vmem_shared>>
    %dma_start3A_1402 = tpu.memref_squeeze %dma_start3A_1401 : memref<1x1x1x224x224xf32, #tpu.memory_space<vmem_shared>> -> memref<1x224x224xf32, #tpu.memory_space<vmem_shared>>
    %dma_start3A_1403 = arith.constant 0 : i32
    %dma_start3A_1404 = arith.constant 0 : i32
    %dma_start3A_1405 = tpu.memref_slice %arg2[%squeeze3A_1396, %dma_start3A_1403, %dma_start3A_1404] : memref<1536x224x224xf32, #tpu.memory_space<hbm>> -> memref<1x224x224xf32, #tpu.memory_space<hbm>>
    tpu.enqueue_dma source(%dma_start3A_1405 : memref<1x224x224xf32, #tpu.memory_space<hbm>>) target(%dma_start3A_1402 : memref<1x224x224xf32, #tpu.memory_space<vmem_shared>>) target_semaphore(%arg8 : memref<!tpu.dma_semaphore, #tpu.memory_space<semaphore_mem>>)
    %dma_wait3A_1406 = arith.constant 0 : i32
    %dma_wait3A_1407 = arith.constant 0 : i32
    %dma_wait3A_1408 = arith.constant 0 : i32
    %dma_wait3A_1409 = arith.constant 0 : i32
    %dma_wait3A_1410 = tpu.memref_slice %arg6[%arg1, %dma_wait3A_1406, %dma_wait3A_1407, %dma_wait3A_1408, %dma_wait3A_1409] : memref<16x2x1x224x224xf32, #tpu.memory_space<vmem_shared>> -> memref<1x1x1x224x224xf32, #tpu.memory_space<vmem_shared>>
    %dma_wait3A_1411 = tpu.memref_squeeze %dma_wait3A_1410 : memref<1x1x1x224x224xf32, #tpu.memory_space<vmem_shared>> -> memref<1x224x224xf32, #tpu.memory_space<vmem_shared>>
    %dma_wait3A_1412 = arith.constant 0 : i32
    %dma_wait3A_1413 = arith.constant 0 : i32
    %dma_wait3A_1414 = arith.constant 0 : i32
    %dma_wait3A_1415 = tpu.memref_slice %arg2[%dma_wait3A_1412, %dma_wait3A_1413, %dma_wait3A_1414] : memref<1536x224x224xf32, #tpu.memory_space<hbm>> -> memref<1x224x224xf32, #tpu.memory_space<hbm>>
    tpu.wait_dma2 semaphore(%arg7 : memref<!tpu.dma_semaphore, #tpu.memory_space<semaphore_mem>>) src(%dma_wait3A_1415 : memref<1x224x224xf32, #tpu.memory_space<hbm>>) dst(%dma_wait3A_1411 : memref<1x224x224xf32, #tpu.memory_space<vmem_shared>>)
    %add3A_1416 = arith.constant 30 : i32
    %add3A_1417 = arith.addi %mul3A_2, %add3A_1416 : i32
    %dma_start3A_1418 = arith.constant 0 : i32
    %dma_start3A_1419 = arith.constant 0 : i32
    %dma_start3A_1420 = arith.constant 0 : i32
    %dma_start3A_1421 = tpu.memref_slice %arg4[%add3A_1417, %dma_start3A_1419, %dma_start3A_1420] : memref<1536x224x224xf32, #tpu.memory_space<hbm>> -> memref<1x224x224xf32, #tpu.memory_space<hbm>>
    %dma_start3A_1422 = arith.constant 0 : i32
    %dma_start3A_1423 = arith.constant 0 : i32
    %dma_start3A_1424 = arith.constant 0 : i32
    %dma_start3A_1425 = tpu.memref_slice %arg6[%arg1, %dma_start3A_1418, %dma_start3A_1422, %dma_start3A_1423, %dma_start3A_1424] : memref<16x2x1x224x224xf32, #tpu.memory_space<vmem_shared>> -> memref<1x1x1x224x224xf32, #tpu.memory_space<vmem_shared>>
    %dma_start3A_1426 = tpu.memref_squeeze %dma_start3A_1425 : memref<1x1x1x224x224xf32, #tpu.memory_space<vmem_shared>> -> memref<1x224x224xf32, #tpu.memory_space<vmem_shared>>
    tpu.enqueue_dma source(%dma_start3A_1426 : memref<1x224x224xf32, #tpu.memory_space<vmem_shared>>) target(%dma_start3A_1421 : memref<1x224x224xf32, #tpu.memory_space<hbm>>) target_semaphore(%arg9 : memref<!tpu.dma_semaphore, #tpu.memory_space<semaphore_mem>>)
    %add3A_1427 = arith.constant 30 : i32
    %add3A_1428 = arith.addi %mul3A_2, %add3A_1427 : i32
    %dma_wait3A_1429 = arith.constant 0 : i32
    %dma_wait3A_1430 = arith.constant 0 : i32
    %dma_wait3A_1431 = arith.constant 0 : i32
    %dma_wait3A_1432 = tpu.memref_slice %arg4[%add3A_1428, %dma_wait3A_1430, %dma_wait3A_1431] : memref<1536x224x224xf32, #tpu.memory_space<hbm>> -> memref<1x224x224xf32, #tpu.memory_space<hbm>>
    %dma_wait3A_1433 = arith.constant 0 : i32
    %dma_wait3A_1434 = arith.constant 0 : i32
    %dma_wait3A_1435 = arith.constant 0 : i32
    %dma_wait3A_1436 = tpu.memref_slice %arg6[%arg1, %dma_wait3A_1429, %dma_wait3A_1433, %dma_wait3A_1434, %dma_wait3A_1435] : memref<16x2x1x224x224xf32, #tpu.memory_space<vmem_shared>> -> memref<1x1x1x224x224xf32, #tpu.memory_space<vmem_shared>>
    %dma_wait3A_1437 = tpu.memref_squeeze %dma_wait3A_1436 : memref<1x1x1x224x224xf32, #tpu.memory_space<vmem_shared>> -> memref<1x224x224xf32, #tpu.memory_space<vmem_shared>>
    tpu.wait_dma2 semaphore(%arg9 : memref<!tpu.dma_semaphore, #tpu.memory_space<semaphore_mem>>) src(%dma_wait3A_1437 : memref<1x224x224xf32, #tpu.memory_space<vmem_shared>>) dst(%dma_wait3A_1432 : memref<1x224x224xf32, #tpu.memory_space<hbm>>)
    %get3A_1438 = arith.constant 32 : index
    %get3A_1439 = tpu.vector_load %arg5[%get3A_1438] {strides = array<i32>} : memref<48xi32, #tpu.memory_space<vmem>>, vector<16xi32>,
    %get3A_1440 = vector.shape_cast %get3A_1439 : vector<16xi32> to vector<16xi32>
    %slice3A_1441 = vector.extract_strided_slice %get3A_1440 {offsets = [0], sizes = [1], strides = [1]} : vector<16xi32> to vector<1xi32>
    %squeeze3A_1442 = vector.extract %slice3A_1441[0] : i32 from vector<1xi32>
    %dma_start3A_1443 = arith.constant 0 : i32
    %dma_start3A_1444 = arith.constant 0 : i32
    %dma_start3A_1445 = arith.constant 0 : i32
    %dma_start3A_1446 = arith.constant 0 : i32
    %dma_start3A_1447 = tpu.memref_slice %arg6[%arg1, %dma_start3A_1443, %dma_start3A_1444, %dma_start3A_1445, %dma_start3A_1446] : memref<16x2x1x224x224xf32, #tpu.memory_space<vmem_shared>> -> memref<1x1x1x224x224xf32, #tpu.memory_space<vmem_shared>>
    %dma_start3A_1448 = tpu.memref_squeeze %dma_start3A_1447 : memref<1x1x1x224x224xf32, #tpu.memory_space<vmem_shared>> -> memref<1x224x224xf32, #tpu.memory_space<vmem_shared>>
    %dma_start3A_1449 = arith.constant 0 : i32
    %dma_start3A_1450 = arith.constant 0 : i32
    %dma_start3A_1451 = tpu.memref_slice %arg2[%squeeze3A_1442, %dma_start3A_1449, %dma_start3A_1450] : memref<1536x224x224xf32, #tpu.memory_space<hbm>> -> memref<1x224x224xf32, #tpu.memory_space<hbm>>
    tpu.enqueue_dma source(%dma_start3A_1451 : memref<1x224x224xf32, #tpu.memory_space<hbm>>) target(%dma_start3A_1448 : memref<1x224x224xf32, #tpu.memory_space<vmem_shared>>) target_semaphore(%arg7 : memref<!tpu.dma_semaphore, #tpu.memory_space<semaphore_mem>>)
    %dma_wait3A_1452 = arith.constant 1 : i32
    %dma_wait3A_1453 = arith.constant 0 : i32
    %dma_wait3A_1454 = arith.constant 0 : i32
    %dma_wait3A_1455 = arith.constant 0 : i32
    %dma_wait3A_1456 = tpu.memref_slice %arg6[%arg1, %dma_wait3A_1452, %dma_wait3A_1453, %dma_wait3A_1454, %dma_wait3A_1455] : memref<16x2x1x224x224xf32, #tpu.memory_space<vmem_shared>> -> memref<1x1x1x224x224xf32, #tpu.memory_space<vmem_shared>>
    %dma_wait3A_1457 = tpu.memref_squeeze %dma_wait3A_1456 : memref<1x1x1x224x224xf32, #tpu.memory_space<vmem_shared>> -> memref<1x224x224xf32, #tpu.memory_space<vmem_shared>>
    %dma_wait3A_1458 = arith.constant 0 : i32
    %dma_wait3A_1459 = arith.constant 0 : i32
    %dma_wait3A_1460 = arith.constant 0 : i32
    %dma_wait3A_1461 = tpu.memref_slice %arg2[%dma_wait3A_1458, %dma_wait3A_1459, %dma_wait3A_1460] : memref<1536x224x224xf32, #tpu.memory_space<hbm>> -> memref<1x224x224xf32, #tpu.memory_space<hbm>>
    tpu.wait_dma2 semaphore(%arg8 : memref<!tpu.dma_semaphore, #tpu.memory_space<semaphore_mem>>) src(%dma_wait3A_1461 : memref<1x224x224xf32, #tpu.memory_space<hbm>>) dst(%dma_wait3A_1457 : memref<1x224x224xf32, #tpu.memory_space<vmem_shared>>)
    %add3A_1462 = arith.constant 31 : i32
    %add3A_1463 = arith.addi %mul3A_2, %add3A_1462 : i32
    %dma_start3A_1464 = arith.constant 1 : i32
    %dma_start3A_1465 = arith.constant 0 : i32
    %dma_start3A_1466 = arith.constant 0 : i32
    %dma_start3A_1467 = tpu.memref_slice %arg4[%add3A_1463, %dma_start3A_1465, %dma_start3A_1466] : memref<1536x224x224xf32, #tpu.memory_space<hbm>> -> memref<1x224x224xf32, #tpu.memory_space<hbm>>
    %dma_start3A_1468 = arith.constant 0 : i32
    %dma_start3A_1469 = arith.constant 0 : i32
    %dma_start3A_1470 = arith.constant 0 : i32
    %dma_start3A_1471 = tpu.memref_slice %arg6[%arg1, %dma_start3A_1464, %dma_start3A_1468, %dma_start3A_1469, %dma_start3A_1470] : memref<16x2x1x224x224xf32, #tpu.memory_space<vmem_shared>> -> memref<1x1x1x224x224xf32, #tpu.memory_space<vmem_shared>>
    %dma_start3A_1472 = tpu.memref_squeeze %dma_start3A_1471 : memref<1x1x1x224x224xf32, #tpu.memory_space<vmem_shared>> -> memref<1x224x224xf32, #tpu.memory_space<vmem_shared>>
    tpu.enqueue_dma source(%dma_start3A_1472 : memref<1x224x224xf32, #tpu.memory_space<vmem_shared>>) target(%dma_start3A_1467 : memref<1x224x224xf32, #tpu.memory_space<hbm>>) target_semaphore(%arg10 : memref<!tpu.dma_semaphore, #tpu.memory_space<semaphore_mem>>)
    %add3A_1473 = arith.constant 31 : i32
    %add3A_1474 = arith.addi %mul3A_2, %add3A_1473 : i32
    %dma_wait3A_1475 = arith.constant 1 : i32
    %dma_wait3A_1476 = arith.constant 0 : i32
    %dma_wait3A_1477 = arith.constant 0 : i32
    %dma_wait3A_1478 = tpu.memref_slice %arg4[%add3A_1474, %dma_wait3A_1476, %dma_wait3A_1477] : memref<1536x224x224xf32, #tpu.memory_space<hbm>> -> memref<1x224x224xf32, #tpu.memory_space<hbm>>
    %dma_wait3A_1479 = arith.constant 0 : i32
    %dma_wait3A_1480 = arith.constant 0 : i32
    %dma_wait3A_1481 = arith.constant 0 : i32
    %dma_wait3A_1482 = tpu.memref_slice %arg6[%arg1, %dma_wait3A_1475, %dma_wait3A_1479, %dma_wait3A_1480, %dma_wait3A_1481] : memref<16x2x1x224x224xf32, #tpu.memory_space<vmem_shared>> -> memref<1x1x1x224x224xf32, #tpu.memory_space<vmem_shared>>
    %dma_wait3A_1483 = tpu.memref_squeeze %dma_wait3A_1482 : memref<1x1x1x224x224xf32, #tpu.memory_space<vmem_shared>> -> memref<1x224x224xf32, #tpu.memory_space<vmem_shared>>
    tpu.wait_dma2 semaphore(%arg10 : memref<!tpu.dma_semaphore, #tpu.memory_space<semaphore_mem>>) src(%dma_wait3A_1483 : memref<1x224x224xf32, #tpu.memory_space<vmem_shared>>) dst(%dma_wait3A_1478 : memref<1x224x224xf32, #tpu.memory_space<hbm>>)
    %get3A_1484 = arith.constant 32 : index
    %get3A_1485 = tpu.vector_load %arg5[%get3A_1484] {strides = array<i32>} : memref<48xi32, #tpu.memory_space<vmem>>, vector<16xi32>,
    %get3A_1486 = vector.shape_cast %get3A_1485 : vector<16xi32> to vector<16xi32>
    %slice3A_1487 = vector.extract_strided_slice %get3A_1486 {offsets = [1], sizes = [1], strides = [1]} : vector<16xi32> to vector<1xi32>
    %squeeze3A_1488 = vector.extract %slice3A_1487[0] : i32 from vector<1xi32>
    %dma_start3A_1489 = arith.constant 1 : i32
    %dma_start3A_1490 = arith.constant 0 : i32
    %dma_start3A_1491 = arith.constant 0 : i32
    %dma_start3A_1492 = arith.constant 0 : i32
    %dma_start3A_1493 = tpu.memref_slice %arg6[%arg1, %dma_start3A_1489, %dma_start3A_1490, %dma_start3A_1491, %dma_start3A_1492] : memref<16x2x1x224x224xf32, #tpu.memory_space<vmem_shared>> -> memref<1x1x1x224x224xf32, #tpu.memory_space<vmem_shared>>
    %dma_start3A_1494 = tpu.memref_squeeze %dma_start3A_1493 : memref<1x1x1x224x224xf32, #tpu.memory_space<vmem_shared>> -> memref<1x224x224xf32, #tpu.memory_space<vmem_shared>>
    %dma_start3A_1495 = arith.constant 0 : i32
    %dma_start3A_1496 = arith.constant 0 : i32
    %dma_start3A_1497 = tpu.memref_slice %arg2[%squeeze3A_1488, %dma_start3A_1495, %dma_start3A_1496] : memref<1536x224x224xf32, #tpu.memory_space<hbm>> -> memref<1x224x224xf32, #tpu.memory_space<hbm>>
    tpu.enqueue_dma source(%dma_start3A_1497 : memref<1x224x224xf32, #tpu.memory_space<hbm>>) target(%dma_start3A_1494 : memref<1x224x224xf32, #tpu.memory_space<vmem_shared>>) target_semaphore(%arg8 : memref<!tpu.dma_semaphore, #tpu.memory_space<semaphore_mem>>)
    %dma_wait3A_1498 = arith.constant 0 : i32
    %dma_wait3A_1499 = arith.constant 0 : i32
    %dma_wait3A_1500 = arith.constant 0 : i32
    %dma_wait3A_1501 = arith.constant 0 : i32
    %dma_wait3A_1502 = tpu.memref_slice %arg6[%arg1, %dma_wait3A_1498, %dma_wait3A_1499, %dma_wait3A_1500, %dma_wait3A_1501] : memref<16x2x1x224x224xf32, #tpu.memory_space<vmem_shared>> -> memref<1x1x1x224x224xf32, #tpu.memory_space<vmem_shared>>
    %dma_wait3A_1503 = tpu.memref_squeeze %dma_wait3A_1502 : memref<1x1x1x224x224xf32, #tpu.memory_space<vmem_shared>> -> memref<1x224x224xf32, #tpu.memory_space<vmem_shared>>
    %dma_wait3A_1504 = arith.constant 0 : i32
    %dma_wait3A_1505 = arith.constant 0 : i32
    %dma_wait3A_1506 = arith.constant 0 : i32
    %dma_wait3A_1507 = tpu.memref_slice %arg2[%dma_wait3A_1504, %dma_wait3A_1505, %dma_wait3A_1506] : memref<1536x224x224xf32, #tpu.memory_space<hbm>> -> memref<1x224x224xf32, #tpu.memory_space<hbm>>
    tpu.wait_dma2 semaphore(%arg7 : memref<!tpu.dma_semaphore, #tpu.memory_space<semaphore_mem>>) src(%dma_wait3A_1507 : memref<1x224x224xf32, #tpu.memory_space<hbm>>) dst(%dma_wait3A_1503 : memref<1x224x224xf32, #tpu.memory_space<vmem_shared>>)
    %add3A_1508 = arith.constant 32 : i32
    %add3A_1509 = arith.addi %mul3A_2, %add3A_1508 : i32
    %dma_start3A_1510 = arith.constant 0 : i32
    %dma_start3A_1511 = arith.constant 0 : i32
    %dma_start3A_1512 = arith.constant 0 : i32
    %dma_start3A_1513 = tpu.memref_slice %arg4[%add3A_1509, %dma_start3A_1511, %dma_start3A_1512] : memref<1536x224x224xf32, #tpu.memory_space<hbm>> -> memref<1x224x224xf32, #tpu.memory_space<hbm>>
    %dma_start3A_1514 = arith.constant 0 : i32
    %dma_start3A_1515 = arith.constant 0 : i32
    %dma_start3A_1516 = arith.constant 0 : i32
    %dma_start3A_1517 = tpu.memref_slice %arg6[%arg1, %dma_start3A_1510, %dma_start3A_1514, %dma_start3A_1515, %dma_start3A_1516] : memref<16x2x1x224x224xf32, #tpu.memory_space<vmem_shared>> -> memref<1x1x1x224x224xf32, #tpu.memory_space<vmem_shared>>
    %dma_start3A_1518 = tpu.memref_squeeze %dma_start3A_1517 : memref<1x1x1x224x224xf32, #tpu.memory_space<vmem_shared>> -> memref<1x224x224xf32, #tpu.memory_space<vmem_shared>>
    tpu.enqueue_dma source(%dma_start3A_1518 : memref<1x224x224xf32, #tpu.memory_space<vmem_shared>>) target(%dma_start3A_1513 : memref<1x224x224xf32, #tpu.memory_space<hbm>>) target_semaphore(%arg9 : memref<!tpu.dma_semaphore, #tpu.memory_space<semaphore_mem>>)
    %add3A_1519 = arith.constant 32 : i32
    %add3A_1520 = arith.addi %mul3A_2, %add3A_1519 : i32
    %dma_wait3A_1521 = arith.constant 0 : i32
    %dma_wait3A_1522 = arith.constant 0 : i32
    %dma_wait3A_1523 = arith.constant 0 : i32
    %dma_wait3A_1524 = tpu.memref_slice %arg4[%add3A_1520, %dma_wait3A_1522, %dma_wait3A_1523] : memref<1536x224x224xf32, #tpu.memory_space<hbm>> -> memref<1x224x224xf32, #tpu.memory_space<hbm>>
    %dma_wait3A_1525 = arith.constant 0 : i32
    %dma_wait3A_1526 = arith.constant 0 : i32
    %dma_wait3A_1527 = arith.constant 0 : i32
    %dma_wait3A_1528 = tpu.memref_slice %arg6[%arg1, %dma_wait3A_1521, %dma_wait3A_1525, %dma_wait3A_1526, %dma_wait3A_1527] : memref<16x2x1x224x224xf32, #tpu.memory_space<vmem_shared>> -> memref<1x1x1x224x224xf32, #tpu.memory_space<vmem_shared>>
    %dma_wait3A_1529 = tpu.memref_squeeze %dma_wait3A_1528 : memref<1x1x1x224x224xf32, #tpu.memory_space<vmem_shared>> -> memref<1x224x224xf32, #tpu.memory_space<vmem_shared>>
    tpu.wait_dma2 semaphore(%arg9 : memref<!tpu.dma_semaphore, #tpu.memory_space<semaphore_mem>>) src(%dma_wait3A_1529 : memref<1x224x224xf32, #tpu.memory_space<vmem_shared>>) dst(%dma_wait3A_1524 : memref<1x224x224xf32, #tpu.memory_space<hbm>>)
    %get3A_1530 = arith.constant 32 : index
    %get3A_1531 = tpu.vector_load %arg5[%get3A_1530] {strides = array<i32>} : memref<48xi32, #tpu.memory_space<vmem>>, vector<16xi32>,
    %get3A_1532 = vector.shape_cast %get3A_1531 : vector<16xi32> to vector<16xi32>
    %slice3A_1533 = vector.extract_strided_slice %get3A_1532 {offsets = [2], sizes = [1], strides = [1]} : vector<16xi32> to vector<1xi32>
    %squeeze3A_1534 = vector.extract %slice3A_1533[0] : i32 from vector<1xi32>
    %dma_start3A_1535 = arith.constant 0 : i32
    %dma_start3A_1536 = arith.constant 0 : i32
    %dma_start3A_1537 = arith.constant 0 : i32
    %dma_start3A_1538 = arith.constant 0 : i32
    %dma_start3A_1539 = tpu.memref_slice %arg6[%arg1, %dma_start3A_1535, %dma_start3A_1536, %dma_start3A_1537, %dma_start3A_1538] : memref<16x2x1x224x224xf32, #tpu.memory_space<vmem_shared>> -> memref<1x1x1x224x224xf32, #tpu.memory_space<vmem_shared>>
    %dma_start3A_1540 = tpu.memref_squeeze %dma_start3A_1539 : memref<1x1x1x224x224xf32, #tpu.memory_space<vmem_shared>> -> memref<1x224x224xf32, #tpu.memory_space<vmem_shared>>
    %dma_start3A_1541 = arith.constant 0 : i32
    %dma_start3A_1542 = arith.constant 0 : i32
    %dma_start3A_1543 = tpu.memref_slice %arg2[%squeeze3A_1534, %dma_start3A_1541, %dma_start3A_1542] : memref<1536x224x224xf32, #tpu.memory_space<hbm>> -> memref<1x224x224xf32, #tpu.memory_space<hbm>>
    tpu.enqueue_dma source(%dma_start3A_1543 : memref<1x224x224xf32, #tpu.memory_space<hbm>>) target(%dma_start3A_1540 : memref<1x224x224xf32, #tpu.memory_space<vmem_shared>>) target_semaphore(%arg7 : memref<!tpu.dma_semaphore, #tpu.memory_space<semaphore_mem>>)
    %dma_wait3A_1544 = arith.constant 1 : i32
    %dma_wait3A_1545 = arith.constant 0 : i32
    %dma_wait3A_1546 = arith.constant 0 : i32
    %dma_wait3A_1547 = arith.constant 0 : i32
    %dma_wait3A_1548 = tpu.memref_slice %arg6[%arg1, %dma_wait3A_1544, %dma_wait3A_1545, %dma_wait3A_1546, %dma_wait3A_1547] : memref<16x2x1x224x224xf32, #tpu.memory_space<vmem_shared>> -> memref<1x1x1x224x224xf32, #tpu.memory_space<vmem_shared>>
    %dma_wait3A_1549 = tpu.memref_squeeze %dma_wait3A_1548 : memref<1x1x1x224x224xf32, #tpu.memory_space<vmem_shared>> -> memref<1x224x224xf32, #tpu.memory_space<vmem_shared>>
    %dma_wait3A_1550 = arith.constant 0 : i32
    %dma_wait3A_1551 = arith.constant 0 : i32
    %dma_wait3A_1552 = arith.constant 0 : i32
    %dma_wait3A_1553 = tpu.memref_slice %arg2[%dma_wait3A_1550, %dma_wait3A_1551, %dma_wait3A_1552] : memref<1536x224x224xf32, #tpu.memory_space<hbm>> -> memref<1x224x224xf32, #tpu.memory_space<hbm>>
    tpu.wait_dma2 semaphore(%arg8 : memref<!tpu.dma_semaphore, #tpu.memory_space<semaphore_mem>>) src(%dma_wait3A_1553 : memref<1x224x224xf32, #tpu.memory_space<hbm>>) dst(%dma_wait3A_1549 : memref<1x224x224xf32, #tpu.memory_space<vmem_shared>>)
    %add3A_1554 = arith.constant 33 : i32
    %add3A_1555 = arith.addi %mul3A_2, %add3A_1554 : i32
    %dma_start3A_1556 = arith.constant 1 : i32
    %dma_start3A_1557 = arith.constant 0 : i32
    %dma_start3A_1558 = arith.constant 0 : i32
    %dma_start3A_1559 = tpu.memref_slice %arg4[%add3A_1555, %dma_start3A_1557, %dma_start3A_1558] : memref<1536x224x224xf32, #tpu.memory_space<hbm>> -> memref<1x224x224xf32, #tpu.memory_space<hbm>>
    %dma_start3A_1560 = arith.constant 0 : i32
    %dma_start3A_1561 = arith.constant 0 : i32
    %dma_start3A_1562 = arith.constant 0 : i32
    %dma_start3A_1563 = tpu.memref_slice %arg6[%arg1, %dma_start3A_1556, %dma_start3A_1560, %dma_start3A_1561, %dma_start3A_1562] : memref<16x2x1x224x224xf32, #tpu.memory_space<vmem_shared>> -> memref<1x1x1x224x224xf32, #tpu.memory_space<vmem_shared>>
    %dma_start3A_1564 = tpu.memref_squeeze %dma_start3A_1563 : memref<1x1x1x224x224xf32, #tpu.memory_space<vmem_shared>> -> memref<1x224x224xf32, #tpu.memory_space<vmem_shared>>
    tpu.enqueue_dma source(%dma_start3A_1564 : memref<1x224x224xf32, #tpu.memory_space<vmem_shared>>) target(%dma_start3A_1559 : memref<1x224x224xf32, #tpu.memory_space<hbm>>) target_semaphore(%arg10 : memref<!tpu.dma_semaphore, #tpu.memory_space<semaphore_mem>>)
    %add3A_1565 = arith.constant 33 : i32
    %add3A_1566 = arith.addi %mul3A_2, %add3A_1565 : i32
    %dma_wait3A_1567 = arith.constant 1 : i32
    %dma_wait3A_1568 = arith.constant 0 : i32
    %dma_wait3A_1569 = arith.constant 0 : i32
    %dma_wait3A_1570 = tpu.memref_slice %arg4[%add3A_1566, %dma_wait3A_1568, %dma_wait3A_1569] : memref<1536x224x224xf32, #tpu.memory_space<hbm>> -> memref<1x224x224xf32, #tpu.memory_space<hbm>>
    %dma_wait3A_1571 = arith.constant 0 : i32
    %dma_wait3A_1572 = arith.constant 0 : i32
    %dma_wait3A_1573 = arith.constant 0 : i32
    %dma_wait3A_1574 = tpu.memref_slice %arg6[%arg1, %dma_wait3A_1567, %dma_wait3A_1571, %dma_wait3A_1572, %dma_wait3A_1573] : memref<16x2x1x224x224xf32, #tpu.memory_space<vmem_shared>> -> memref<1x1x1x224x224xf32, #tpu.memory_space<vmem_shared>>
    %dma_wait3A_1575 = tpu.memref_squeeze %dma_wait3A_1574 : memref<1x1x1x224x224xf32, #tpu.memory_space<vmem_shared>> -> memref<1x224x224xf32, #tpu.memory_space<vmem_shared>>
    tpu.wait_dma2 semaphore(%arg10 : memref<!tpu.dma_semaphore, #tpu.memory_space<semaphore_mem>>) src(%dma_wait3A_1575 : memref<1x224x224xf32, #tpu.memory_space<vmem_shared>>) dst(%dma_wait3A_1570 : memref<1x224x224xf32, #tpu.memory_space<hbm>>)
    %get3A_1576 = arith.constant 32 : index
    %get3A_1577 = tpu.vector_load %arg5[%get3A_1576] {strides = array<i32>} : memref<48xi32, #tpu.memory_space<vmem>>, vector<16xi32>,
    %get3A_1578 = vector.shape_cast %get3A_1577 : vector<16xi32> to vector<16xi32>
    %slice3A_1579 = vector.extract_strided_slice %get3A_1578 {offsets = [3], sizes = [1], strides = [1]} : vector<16xi32> to vector<1xi32>
    %squeeze3A_1580 = vector.extract %slice3A_1579[0] : i32 from vector<1xi32>
    %dma_start3A_1581 = arith.constant 1 : i32
    %dma_start3A_1582 = arith.constant 0 : i32
    %dma_start3A_1583 = arith.constant 0 : i32
    %dma_start3A_1584 = arith.constant 0 : i32
    %dma_start3A_1585 = tpu.memref_slice %arg6[%arg1, %dma_start3A_1581, %dma_start3A_1582, %dma_start3A_1583, %dma_start3A_1584] : memref<16x2x1x224x224xf32, #tpu.memory_space<vmem_shared>> -> memref<1x1x1x224x224xf32, #tpu.memory_space<vmem_shared>>
    %dma_start3A_1586 = tpu.memref_squeeze %dma_start3A_1585 : memref<1x1x1x224x224xf32, #tpu.memory_space<vmem_shared>> -> memref<1x224x224xf32, #tpu.memory_space<vmem_shared>>
    %dma_start3A_1587 = arith.constant 0 : i32
    %dma_start3A_1588 = arith.constant 0 : i32
    %dma_start3A_1589 = tpu.memref_slice %arg2[%squeeze3A_1580, %dma_start3A_1587, %dma_start3A_1588] : memref<1536x224x224xf32, #tpu.memory_space<hbm>> -> memref<1x224x224xf32, #tpu.memory_space<hbm>>
    tpu.enqueue_dma source(%dma_start3A_1589 : memref<1x224x224xf32, #tpu.memory_space<hbm>>) target(%dma_start3A_1586 : memref<1x224x224xf32, #tpu.memory_space<vmem_shared>>) target_semaphore(%arg8 : memref<!tpu.dma_semaphore, #tpu.memory_space<semaphore_mem>>)
    %dma_wait3A_1590 = arith.constant 0 : i32
    %dma_wait3A_1591 = arith.constant 0 : i32
    %dma_wait3A_1592 = arith.constant 0 : i32
    %dma_wait3A_1593 = arith.constant 0 : i32
    %dma_wait3A_1594 = tpu.memref_slice %arg6[%arg1, %dma_wait3A_1590, %dma_wait3A_1591, %dma_wait3A_1592, %dma_wait3A_1593] : memref<16x2x1x224x224xf32, #tpu.memory_space<vmem_shared>> -> memref<1x1x1x224x224xf32, #tpu.memory_space<vmem_shared>>
    %dma_wait3A_1595 = tpu.memref_squeeze %dma_wait3A_1594 : memref<1x1x1x224x224xf32, #tpu.memory_space<vmem_shared>> -> memref<1x224x224xf32, #tpu.memory_space<vmem_shared>>
    %dma_wait3A_1596 = arith.constant 0 : i32
    %dma_wait3A_1597 = arith.constant 0 : i32
    %dma_wait3A_1598 = arith.constant 0 : i32
    %dma_wait3A_1599 = tpu.memref_slice %arg2[%dma_wait3A_1596, %dma_wait3A_1597, %dma_wait3A_1598] : memref<1536x224x224xf32, #tpu.memory_space<hbm>> -> memref<1x224x224xf32, #tpu.memory_space<hbm>>
    tpu.wait_dma2 semaphore(%arg7 : memref<!tpu.dma_semaphore, #tpu.memory_space<semaphore_mem>>) src(%dma_wait3A_1599 : memref<1x224x224xf32, #tpu.memory_space<hbm>>) dst(%dma_wait3A_1595 : memref<1x224x224xf32, #tpu.memory_space<vmem_shared>>)
    %add3A_1600 = arith.constant 34 : i32
    %add3A_1601 = arith.addi %mul3A_2, %add3A_1600 : i32
    %dma_start3A_1602 = arith.constant 0 : i32
    %dma_start3A_1603 = arith.constant 0 : i32
    %dma_start3A_1604 = arith.constant 0 : i32
    %dma_start3A_1605 = tpu.memref_slice %arg4[%add3A_1601, %dma_start3A_1603, %dma_start3A_1604] : memref<1536x224x224xf32, #tpu.memory_space<hbm>> -> memref<1x224x224xf32, #tpu.memory_space<hbm>>
    %dma_start3A_1606 = arith.constant 0 : i32
    %dma_start3A_1607 = arith.constant 0 : i32
    %dma_start3A_1608 = arith.constant 0 : i32
    %dma_start3A_1609 = tpu.memref_slice %arg6[%arg1, %dma_start3A_1602, %dma_start3A_1606, %dma_start3A_1607, %dma_start3A_1608] : memref<16x2x1x224x224xf32, #tpu.memory_space<vmem_shared>> -> memref<1x1x1x224x224xf32, #tpu.memory_space<vmem_shared>>
    %dma_start3A_1610 = tpu.memref_squeeze %dma_start3A_1609 : memref<1x1x1x224x224xf32, #tpu.memory_space<vmem_shared>> -> memref<1x224x224xf32, #tpu.memory_space<vmem_shared>>
    tpu.enqueue_dma source(%dma_start3A_1610 : memref<1x224x224xf32, #tpu.memory_space<vmem_shared>>) target(%dma_start3A_1605 : memref<1x224x224xf32, #tpu.memory_space<hbm>>) target_semaphore(%arg9 : memref<!tpu.dma_semaphore, #tpu.memory_space<semaphore_mem>>)
    %add3A_1611 = arith.constant 34 : i32
    %add3A_1612 = arith.addi %mul3A_2, %add3A_1611 : i32
    %dma_wait3A_1613 = arith.constant 0 : i32
    %dma_wait3A_1614 = arith.constant 0 : i32
    %dma_wait3A_1615 = arith.constant 0 : i32
    %dma_wait3A_1616 = tpu.memref_slice %arg4[%add3A_1612, %dma_wait3A_1614, %dma_wait3A_1615] : memref<1536x224x224xf32, #tpu.memory_space<hbm>> -> memref<1x224x224xf32, #tpu.memory_space<hbm>>
    %dma_wait3A_1617 = arith.constant 0 : i32
    %dma_wait3A_1618 = arith.constant 0 : i32
    %dma_wait3A_1619 = arith.constant 0 : i32
    %dma_wait3A_1620 = tpu.memref_slice %arg6[%arg1, %dma_wait3A_1613, %dma_wait3A_1617, %dma_wait3A_1618, %dma_wait3A_1619] : memref<16x2x1x224x224xf32, #tpu.memory_space<vmem_shared>> -> memref<1x1x1x224x224xf32, #tpu.memory_space<vmem_shared>>
    %dma_wait3A_1621 = tpu.memref_squeeze %dma_wait3A_1620 : memref<1x1x1x224x224xf32, #tpu.memory_space<vmem_shared>> -> memref<1x224x224xf32, #tpu.memory_space<vmem_shared>>
    tpu.wait_dma2 semaphore(%arg9 : memref<!tpu.dma_semaphore, #tpu.memory_space<semaphore_mem>>) src(%dma_wait3A_1621 : memref<1x224x224xf32, #tpu.memory_space<vmem_shared>>) dst(%dma_wait3A_1616 : memref<1x224x224xf32, #tpu.memory_space<hbm>>)
    %get3A_1622 = arith.constant 32 : index
    %get3A_1623 = tpu.vector_load %arg5[%get3A_1622] {strides = array<i32>} : memref<48xi32, #tpu.memory_space<vmem>>, vector<16xi32>,
    %get3A_1624 = vector.shape_cast %get3A_1623 : vector<16xi32> to vector<16xi32>
    %slice3A_1625 = vector.extract_strided_slice %get3A_1624 {offsets = [4], sizes = [1], strides = [1]} : vector<16xi32> to vector<1xi32>
    %squeeze3A_1626 = vector.extract %slice3A_1625[0] : i32 from vector<1xi32>
    %dma_start3A_1627 = arith.constant 0 : i32
    %dma_start3A_1628 = arith.constant 0 : i32
    %dma_start3A_1629 = arith.constant 0 : i32
    %dma_start3A_1630 = arith.constant 0 : i32
    %dma_start3A_1631 = tpu.memref_slice %arg6[%arg1, %dma_start3A_1627, %dma_start3A_1628, %dma_start3A_1629, %dma_start3A_1630] : memref<16x2x1x224x224xf32, #tpu.memory_space<vmem_shared>> -> memref<1x1x1x224x224xf32, #tpu.memory_space<vmem_shared>>
    %dma_start3A_1632 = tpu.memref_squeeze %dma_start3A_1631 : memref<1x1x1x224x224xf32, #tpu.memory_space<vmem_shared>> -> memref<1x224x224xf32, #tpu.memory_space<vmem_shared>>
    %dma_start3A_1633 = arith.constant 0 : i32
    %dma_start3A_1634 = arith.constant 0 : i32
    %dma_start3A_1635 = tpu.memref_slice %arg2[%squeeze3A_1626, %dma_start3A_1633, %dma_start3A_1634] : memref<1536x224x224xf32, #tpu.memory_space<hbm>> -> memref<1x224x224xf32, #tpu.memory_space<hbm>>
    tpu.enqueue_dma source(%dma_start3A_1635 : memref<1x224x224xf32, #tpu.memory_space<hbm>>) target(%dma_start3A_1632 : memref<1x224x224xf32, #tpu.memory_space<vmem_shared>>) target_semaphore(%arg7 : memref<!tpu.dma_semaphore, #tpu.memory_space<semaphore_mem>>)
    %dma_wait3A_1636 = arith.constant 1 : i32
    %dma_wait3A_1637 = arith.constant 0 : i32
    %dma_wait3A_1638 = arith.constant 0 : i32
    %dma_wait3A_1639 = arith.constant 0 : i32
    %dma_wait3A_1640 = tpu.memref_slice %arg6[%arg1, %dma_wait3A_1636, %dma_wait3A_1637, %dma_wait3A_1638, %dma_wait3A_1639] : memref<16x2x1x224x224xf32, #tpu.memory_space<vmem_shared>> -> memref<1x1x1x224x224xf32, #tpu.memory_space<vmem_shared>>
    %dma_wait3A_1641 = tpu.memref_squeeze %dma_wait3A_1640 : memref<1x1x1x224x224xf32, #tpu.memory_space<vmem_shared>> -> memref<1x224x224xf32, #tpu.memory_space<vmem_shared>>
    %dma_wait3A_1642 = arith.constant 0 : i32
    %dma_wait3A_1643 = arith.constant 0 : i32
    %dma_wait3A_1644 = arith.constant 0 : i32
    %dma_wait3A_1645 = tpu.memref_slice %arg2[%dma_wait3A_1642, %dma_wait3A_1643, %dma_wait3A_1644] : memref<1536x224x224xf32, #tpu.memory_space<hbm>> -> memref<1x224x224xf32, #tpu.memory_space<hbm>>
    tpu.wait_dma2 semaphore(%arg8 : memref<!tpu.dma_semaphore, #tpu.memory_space<semaphore_mem>>) src(%dma_wait3A_1645 : memref<1x224x224xf32, #tpu.memory_space<hbm>>) dst(%dma_wait3A_1641 : memref<1x224x224xf32, #tpu.memory_space<vmem_shared>>)
    %add3A_1646 = arith.constant 35 : i32
    %add3A_1647 = arith.addi %mul3A_2, %add3A_1646 : i32
    %dma_start3A_1648 = arith.constant 1 : i32
    %dma_start3A_1649 = arith.constant 0 : i32
    %dma_start3A_1650 = arith.constant 0 : i32
    %dma_start3A_1651 = tpu.memref_slice %arg4[%add3A_1647, %dma_start3A_1649, %dma_start3A_1650] : memref<1536x224x224xf32, #tpu.memory_space<hbm>> -> memref<1x224x224xf32, #tpu.memory_space<hbm>>
    %dma_start3A_1652 = arith.constant 0 : i32
    %dma_start3A_1653 = arith.constant 0 : i32
    %dma_start3A_1654 = arith.constant 0 : i32
    %dma_start3A_1655 = tpu.memref_slice %arg6[%arg1, %dma_start3A_1648, %dma_start3A_1652, %dma_start3A_1653, %dma_start3A_1654] : memref<16x2x1x224x224xf32, #tpu.memory_space<vmem_shared>> -> memref<1x1x1x224x224xf32, #tpu.memory_space<vmem_shared>>
    %dma_start3A_1656 = tpu.memref_squeeze %dma_start3A_1655 : memref<1x1x1x224x224xf32, #tpu.memory_space<vmem_shared>> -> memref<1x224x224xf32, #tpu.memory_space<vmem_shared>>
    tpu.enqueue_dma source(%dma_start3A_1656 : memref<1x224x224xf32, #tpu.memory_space<vmem_shared>>) target(%dma_start3A_1651 : memref<1x224x224xf32, #tpu.memory_space<hbm>>) target_semaphore(%arg10 : memref<!tpu.dma_semaphore, #tpu.memory_space<semaphore_mem>>)
    %add3A_1657 = arith.constant 35 : i32
    %add3A_1658 = arith.addi %mul3A_2, %add3A_1657 : i32
    %dma_wait3A_1659 = arith.constant 1 : i32
    %dma_wait3A_1660 = arith.constant 0 : i32
    %dma_wait3A_1661 = arith.constant 0 : i32
    %dma_wait3A_1662 = tpu.memref_slice %arg4[%add3A_1658, %dma_wait3A_1660, %dma_wait3A_1661] : memref<1536x224x224xf32, #tpu.memory_space<hbm>> -> memref<1x224x224xf32, #tpu.memory_space<hbm>>
    %dma_wait3A_1663 = arith.constant 0 : i32
    %dma_wait3A_1664 = arith.constant 0 : i32
    %dma_wait3A_1665 = arith.constant 0 : i32
    %dma_wait3A_1666 = tpu.memref_slice %arg6[%arg1, %dma_wait3A_1659, %dma_wait3A_1663, %dma_wait3A_1664, %dma_wait3A_1665] : memref<16x2x1x224x224xf32, #tpu.memory_space<vmem_shared>> -> memref<1x1x1x224x224xf32, #tpu.memory_space<vmem_shared>>
    %dma_wait3A_1667 = tpu.memref_squeeze %dma_wait3A_1666 : memref<1x1x1x224x224xf32, #tpu.memory_space<vmem_shared>> -> memref<1x224x224xf32, #tpu.memory_space<vmem_shared>>
    tpu.wait_dma2 semaphore(%arg10 : memref<!tpu.dma_semaphore, #tpu.memory_space<semaphore_mem>>) src(%dma_wait3A_1667 : memref<1x224x224xf32, #tpu.memory_space<vmem_shared>>) dst(%dma_wait3A_1662 : memref<1x224x224xf32, #tpu.memory_space<hbm>>)
    %get3A_1668 = arith.constant 32 : index
    %get3A_1669 = tpu.vector_load %arg5[%get3A_1668] {strides = array<i32>} : memref<48xi32, #tpu.memory_space<vmem>>, vector<16xi32>,
    %get3A_1670 = vector.shape_cast %get3A_1669 : vector<16xi32> to vector<16xi32>
    %slice3A_1671 = vector.extract_strided_slice %get3A_1670 {offsets = [5], sizes = [1], strides = [1]} : vector<16xi32> to vector<1xi32>
    %squeeze3A_1672 = vector.extract %slice3A_1671[0] : i32 from vector<1xi32>
    %dma_start3A_1673 = arith.constant 1 : i32
    %dma_start3A_1674 = arith.constant 0 : i32
    %dma_start3A_1675 = arith.constant 0 : i32
    %dma_start3A_1676 = arith.constant 0 : i32
    %dma_start3A_1677 = tpu.memref_slice %arg6[%arg1, %dma_start3A_1673, %dma_start3A_1674, %dma_start3A_1675, %dma_start3A_1676] : memref<16x2x1x224x224xf32, #tpu.memory_space<vmem_shared>> -> memref<1x1x1x224x224xf32, #tpu.memory_space<vmem_shared>>
    %dma_start3A_1678 = tpu.memref_squeeze %dma_start3A_1677 : memref<1x1x1x224x224xf32, #tpu.memory_space<vmem_shared>> -> memref<1x224x224xf32, #tpu.memory_space<vmem_shared>>
    %dma_start3A_1679 = arith.constant 0 : i32
    %dma_start3A_1680 = arith.constant 0 : i32
    %dma_start3A_1681 = tpu.memref_slice %arg2[%squeeze3A_1672, %dma_start3A_1679, %dma_start3A_1680] : memref<1536x224x224xf32, #tpu.memory_space<hbm>> -> memref<1x224x224xf32, #tpu.memory_space<hbm>>
    tpu.enqueue_dma source(%dma_start3A_1681 : memref<1x224x224xf32, #tpu.memory_space<hbm>>) target(%dma_start3A_1678 : memref<1x224x224xf32, #tpu.memory_space<vmem_shared>>) target_semaphore(%arg8 : memref<!tpu.dma_semaphore, #tpu.memory_space<semaphore_mem>>)
    %dma_wait3A_1682 = arith.constant 0 : i32
    %dma_wait3A_1683 = arith.constant 0 : i32
    %dma_wait3A_1684 = arith.constant 0 : i32
    %dma_wait3A_1685 = arith.constant 0 : i32
    %dma_wait3A_1686 = tpu.memref_slice %arg6[%arg1, %dma_wait3A_1682, %dma_wait3A_1683, %dma_wait3A_1684, %dma_wait3A_1685] : memref<16x2x1x224x224xf32, #tpu.memory_space<vmem_shared>> -> memref<1x1x1x224x224xf32, #tpu.memory_space<vmem_shared>>
    %dma_wait3A_1687 = tpu.memref_squeeze %dma_wait3A_1686 : memref<1x1x1x224x224xf32, #tpu.memory_space<vmem_shared>> -> memref<1x224x224xf32, #tpu.memory_space<vmem_shared>>
    %dma_wait3A_1688 = arith.constant 0 : i32
    %dma_wait3A_1689 = arith.constant 0 : i32
    %dma_wait3A_1690 = arith.constant 0 : i32
    %dma_wait3A_1691 = tpu.memref_slice %arg2[%dma_wait3A_1688, %dma_wait3A_1689, %dma_wait3A_1690] : memref<1536x224x224xf32, #tpu.memory_space<hbm>> -> memref<1x224x224xf32, #tpu.memory_space<hbm>>
    tpu.wait_dma2 semaphore(%arg7 : memref<!tpu.dma_semaphore, #tpu.memory_space<semaphore_mem>>) src(%dma_wait3A_1691 : memref<1x224x224xf32, #tpu.memory_space<hbm>>) dst(%dma_wait3A_1687 : memref<1x224x224xf32, #tpu.memory_space<vmem_shared>>)
    %add3A_1692 = arith.constant 36 : i32
    %add3A_1693 = arith.addi %mul3A_2, %add3A_1692 : i32
    %dma_start3A_1694 = arith.constant 0 : i32
    %dma_start3A_1695 = arith.constant 0 : i32
    %dma_start3A_1696 = arith.constant 0 : i32
    %dma_start3A_1697 = tpu.memref_slice %arg4[%add3A_1693, %dma_start3A_1695, %dma_start3A_1696] : memref<1536x224x224xf32, #tpu.memory_space<hbm>> -> memref<1x224x224xf32, #tpu.memory_space<hbm>>
    %dma_start3A_1698 = arith.constant 0 : i32
    %dma_start3A_1699 = arith.constant 0 : i32
    %dma_start3A_1700 = arith.constant 0 : i32
    %dma_start3A_1701 = tpu.memref_slice %arg6[%arg1, %dma_start3A_1694, %dma_start3A_1698, %dma_start3A_1699, %dma_start3A_1700] : memref<16x2x1x224x224xf32, #tpu.memory_space<vmem_shared>> -> memref<1x1x1x224x224xf32, #tpu.memory_space<vmem_shared>>
    %dma_start3A_1702 = tpu.memref_squeeze %dma_start3A_1701 : memref<1x1x1x224x224xf32, #tpu.memory_space<vmem_shared>> -> memref<1x224x224xf32, #tpu.memory_space<vmem_shared>>
    tpu.enqueue_dma source(%dma_start3A_1702 : memref<1x224x224xf32, #tpu.memory_space<vmem_shared>>) target(%dma_start3A_1697 : memref<1x224x224xf32, #tpu.memory_space<hbm>>) target_semaphore(%arg9 : memref<!tpu.dma_semaphore, #tpu.memory_space<semaphore_mem>>)
    %add3A_1703 = arith.constant 36 : i32
    %add3A_1704 = arith.addi %mul3A_2, %add3A_1703 : i32
    %dma_wait3A_1705 = arith.constant 0 : i32
    %dma_wait3A_1706 = arith.constant 0 : i32
    %dma_wait3A_1707 = arith.constant 0 : i32
    %dma_wait3A_1708 = tpu.memref_slice %arg4[%add3A_1704, %dma_wait3A_1706, %dma_wait3A_1707] : memref<1536x224x224xf32, #tpu.memory_space<hbm>> -> memref<1x224x224xf32, #tpu.memory_space<hbm>>
    %dma_wait3A_1709 = arith.constant 0 : i32
    %dma_wait3A_1710 = arith.constant 0 : i32
    %dma_wait3A_1711 = arith.constant 0 : i32
    %dma_wait3A_1712 = tpu.memref_slice %arg6[%arg1, %dma_wait3A_1705, %dma_wait3A_1709, %dma_wait3A_1710, %dma_wait3A_1711] : memref<16x2x1x224x224xf32, #tpu.memory_space<vmem_shared>> -> memref<1x1x1x224x224xf32, #tpu.memory_space<vmem_shared>>
    %dma_wait3A_1713 = tpu.memref_squeeze %dma_wait3A_1712 : memref<1x1x1x224x224xf32, #tpu.memory_space<vmem_shared>> -> memref<1x224x224xf32, #tpu.memory_space<vmem_shared>>
    tpu.wait_dma2 semaphore(%arg9 : memref<!tpu.dma_semaphore, #tpu.memory_space<semaphore_mem>>) src(%dma_wait3A_1713 : memref<1x224x224xf32, #tpu.memory_space<vmem_shared>>) dst(%dma_wait3A_1708 : memref<1x224x224xf32, #tpu.memory_space<hbm>>)
    %get3A_1714 = arith.constant 32 : index
    %get3A_1715 = tpu.vector_load %arg5[%get3A_1714] {strides = array<i32>} : memref<48xi32, #tpu.memory_space<vmem>>, vector<16xi32>,
    %get3A_1716 = vector.shape_cast %get3A_1715 : vector<16xi32> to vector<16xi32>
    %slice3A_1717 = vector.extract_strided_slice %get3A_1716 {offsets = [6], sizes = [1], strides = [1]} : vector<16xi32> to vector<1xi32>
    %squeeze3A_1718 = vector.extract %slice3A_1717[0] : i32 from vector<1xi32>
    %dma_start3A_1719 = arith.constant 0 : i32
    %dma_start3A_1720 = arith.constant 0 : i32
    %dma_start3A_1721 = arith.constant 0 : i32
    %dma_start3A_1722 = arith.constant 0 : i32
    %dma_start3A_1723 = tpu.memref_slice %arg6[%arg1, %dma_start3A_1719, %dma_start3A_1720, %dma_start3A_1721, %dma_start3A_1722] : memref<16x2x1x224x224xf32, #tpu.memory_space<vmem_shared>> -> memref<1x1x1x224x224xf32, #tpu.memory_space<vmem_shared>>
    %dma_start3A_1724 = tpu.memref_squeeze %dma_start3A_1723 : memref<1x1x1x224x224xf32, #tpu.memory_space<vmem_shared>> -> memref<1x224x224xf32, #tpu.memory_space<vmem_shared>>
    %dma_start3A_1725 = arith.constant 0 : i32
    %dma_start3A_1726 = arith.constant 0 : i32
    %dma_start3A_1727 = tpu.memref_slice %arg2[%squeeze3A_1718, %dma_start3A_1725, %dma_start3A_1726] : memref<1536x224x224xf32, #tpu.memory_space<hbm>> -> memref<1x224x224xf32, #tpu.memory_space<hbm>>
    tpu.enqueue_dma source(%dma_start3A_1727 : memref<1x224x224xf32, #tpu.memory_space<hbm>>) target(%dma_start3A_1724 : memref<1x224x224xf32, #tpu.memory_space<vmem_shared>>) target_semaphore(%arg7 : memref<!tpu.dma_semaphore, #tpu.memory_space<semaphore_mem>>)
    %dma_wait3A_1728 = arith.constant 1 : i32
    %dma_wait3A_1729 = arith.constant 0 : i32
    %dma_wait3A_1730 = arith.constant 0 : i32
    %dma_wait3A_1731 = arith.constant 0 : i32
    %dma_wait3A_1732 = tpu.memref_slice %arg6[%arg1, %dma_wait3A_1728, %dma_wait3A_1729, %dma_wait3A_1730, %dma_wait3A_1731] : memref<16x2x1x224x224xf32, #tpu.memory_space<vmem_shared>> -> memref<1x1x1x224x224xf32, #tpu.memory_space<vmem_shared>>
    %dma_wait3A_1733 = tpu.memref_squeeze %dma_wait3A_1732 : memref<1x1x1x224x224xf32, #tpu.memory_space<vmem_shared>> -> memref<1x224x224xf32, #tpu.memory_space<vmem_shared>>
    %dma_wait3A_1734 = arith.constant 0 : i32
    %dma_wait3A_1735 = arith.constant 0 : i32
    %dma_wait3A_1736 = arith.constant 0 : i32
    %dma_wait3A_1737 = tpu.memref_slice %arg2[%dma_wait3A_1734, %dma_wait3A_1735, %dma_wait3A_1736] : memref<1536x224x224xf32, #tpu.memory_space<hbm>> -> memref<1x224x224xf32, #tpu.memory_space<hbm>>
    tpu.wait_dma2 semaphore(%arg8 : memref<!tpu.dma_semaphore, #tpu.memory_space<semaphore_mem>>) src(%dma_wait3A_1737 : memref<1x224x224xf32, #tpu.memory_space<hbm>>) dst(%dma_wait3A_1733 : memref<1x224x224xf32, #tpu.memory_space<vmem_shared>>)
    %add3A_1738 = arith.constant 37 : i32
    %add3A_1739 = arith.addi %mul3A_2, %add3A_1738 : i32
    %dma_start3A_1740 = arith.constant 1 : i32
    %dma_start3A_1741 = arith.constant 0 : i32
    %dma_start3A_1742 = arith.constant 0 : i32
    %dma_start3A_1743 = tpu.memref_slice %arg4[%add3A_1739, %dma_start3A_1741, %dma_start3A_1742] : memref<1536x224x224xf32, #tpu.memory_space<hbm>> -> memref<1x224x224xf32, #tpu.memory_space<hbm>>
    %dma_start3A_1744 = arith.constant 0 : i32
    %dma_start3A_1745 = arith.constant 0 : i32
    %dma_start3A_1746 = arith.constant 0 : i32
    %dma_start3A_1747 = tpu.memref_slice %arg6[%arg1, %dma_start3A_1740, %dma_start3A_1744, %dma_start3A_1745, %dma_start3A_1746] : memref<16x2x1x224x224xf32, #tpu.memory_space<vmem_shared>> -> memref<1x1x1x224x224xf32, #tpu.memory_space<vmem_shared>>
    %dma_start3A_1748 = tpu.memref_squeeze %dma_start3A_1747 : memref<1x1x1x224x224xf32, #tpu.memory_space<vmem_shared>> -> memref<1x224x224xf32, #tpu.memory_space<vmem_shared>>
    tpu.enqueue_dma source(%dma_start3A_1748 : memref<1x224x224xf32, #tpu.memory_space<vmem_shared>>) target(%dma_start3A_1743 : memref<1x224x224xf32, #tpu.memory_space<hbm>>) target_semaphore(%arg10 : memref<!tpu.dma_semaphore, #tpu.memory_space<semaphore_mem>>)
    %add3A_1749 = arith.constant 37 : i32
    %add3A_1750 = arith.addi %mul3A_2, %add3A_1749 : i32
    %dma_wait3A_1751 = arith.constant 1 : i32
    %dma_wait3A_1752 = arith.constant 0 : i32
    %dma_wait3A_1753 = arith.constant 0 : i32
    %dma_wait3A_1754 = tpu.memref_slice %arg4[%add3A_1750, %dma_wait3A_1752, %dma_wait3A_1753] : memref<1536x224x224xf32, #tpu.memory_space<hbm>> -> memref<1x224x224xf32, #tpu.memory_space<hbm>>
    %dma_wait3A_1755 = arith.constant 0 : i32
    %dma_wait3A_1756 = arith.constant 0 : i32
    %dma_wait3A_1757 = arith.constant 0 : i32
    %dma_wait3A_1758 = tpu.memref_slice %arg6[%arg1, %dma_wait3A_1751, %dma_wait3A_1755, %dma_wait3A_1756, %dma_wait3A_1757] : memref<16x2x1x224x224xf32, #tpu.memory_space<vmem_shared>> -> memref<1x1x1x224x224xf32, #tpu.memory_space<vmem_shared>>
    %dma_wait3A_1759 = tpu.memref_squeeze %dma_wait3A_1758 : memref<1x1x1x224x224xf32, #tpu.memory_space<vmem_shared>> -> memref<1x224x224xf32, #tpu.memory_space<vmem_shared>>
    tpu.wait_dma2 semaphore(%arg10 : memref<!tpu.dma_semaphore, #tpu.memory_space<semaphore_mem>>) src(%dma_wait3A_1759 : memref<1x224x224xf32, #tpu.memory_space<vmem_shared>>) dst(%dma_wait3A_1754 : memref<1x224x224xf32, #tpu.memory_space<hbm>>)
    %get3A_1760 = arith.constant 32 : index
    %get3A_1761 = tpu.vector_load %arg5[%get3A_1760] {strides = array<i32>} : memref<48xi32, #tpu.memory_space<vmem>>, vector<16xi32>,
    %get3A_1762 = vector.shape_cast %get3A_1761 : vector<16xi32> to vector<16xi32>
    %slice3A_1763 = vector.extract_strided_slice %get3A_1762 {offsets = [7], sizes = [1], strides = [1]} : vector<16xi32> to vector<1xi32>
    %squeeze3A_1764 = vector.extract %slice3A_1763[0] : i32 from vector<1xi32>
    %dma_start3A_1765 = arith.constant 1 : i32
    %dma_start3A_1766 = arith.constant 0 : i32
    %dma_start3A_1767 = arith.constant 0 : i32
    %dma_start3A_1768 = arith.constant 0 : i32
    %dma_start3A_1769 = tpu.memref_slice %arg6[%arg1, %dma_start3A_1765, %dma_start3A_1766, %dma_start3A_1767, %dma_start3A_1768] : memref<16x2x1x224x224xf32, #tpu.memory_space<vmem_shared>> -> memref<1x1x1x224x224xf32, #tpu.memory_space<vmem_shared>>
    %dma_start3A_1770 = tpu.memref_squeeze %dma_start3A_1769 : memref<1x1x1x224x224xf32, #tpu.memory_space<vmem_shared>> -> memref<1x224x224xf32, #tpu.memory_space<vmem_shared>>
    %dma_start3A_1771 = arith.constant 0 : i32
    %dma_start3A_1772 = arith.constant 0 : i32
    %dma_start3A_1773 = tpu.memref_slice %arg2[%squeeze3A_1764, %dma_start3A_1771, %dma_start3A_1772] : memref<1536x224x224xf32, #tpu.memory_space<hbm>> -> memref<1x224x224xf32, #tpu.memory_space<hbm>>
    tpu.enqueue_dma source(%dma_start3A_1773 : memref<1x224x224xf32, #tpu.memory_space<hbm>>) target(%dma_start3A_1770 : memref<1x224x224xf32, #tpu.memory_space<vmem_shared>>) target_semaphore(%arg8 : memref<!tpu.dma_semaphore, #tpu.memory_space<semaphore_mem>>)
    %dma_wait3A_1774 = arith.constant 0 : i32
    %dma_wait3A_1775 = arith.constant 0 : i32
    %dma_wait3A_1776 = arith.constant 0 : i32
    %dma_wait3A_1777 = arith.constant 0 : i32
    %dma_wait3A_1778 = tpu.memref_slice %arg6[%arg1, %dma_wait3A_1774, %dma_wait3A_1775, %dma_wait3A_1776, %dma_wait3A_1777] : memref<16x2x1x224x224xf32, #tpu.memory_space<vmem_shared>> -> memref<1x1x1x224x224xf32, #tpu.memory_space<vmem_shared>>
    %dma_wait3A_1779 = tpu.memref_squeeze %dma_wait3A_1778 : memref<1x1x1x224x224xf32, #tpu.memory_space<vmem_shared>> -> memref<1x224x224xf32, #tpu.memory_space<vmem_shared>>
    %dma_wait3A_1780 = arith.constant 0 : i32
    %dma_wait3A_1781 = arith.constant 0 : i32
    %dma_wait3A_1782 = arith.constant 0 : i32
    %dma_wait3A_1783 = tpu.memref_slice %arg2[%dma_wait3A_1780, %dma_wait3A_1781, %dma_wait3A_1782] : memref<1536x224x224xf32, #tpu.memory_space<hbm>> -> memref<1x224x224xf32, #tpu.memory_space<hbm>>
    tpu.wait_dma2 semaphore(%arg7 : memref<!tpu.dma_semaphore, #tpu.memory_space<semaphore_mem>>) src(%dma_wait3A_1783 : memref<1x224x224xf32, #tpu.memory_space<hbm>>) dst(%dma_wait3A_1779 : memref<1x224x224xf32, #tpu.memory_space<vmem_shared>>)
    %add3A_1784 = arith.constant 38 : i32
    %add3A_1785 = arith.addi %mul3A_2, %add3A_1784 : i32
    %dma_start3A_1786 = arith.constant 0 : i32
    %dma_start3A_1787 = arith.constant 0 : i32
    %dma_start3A_1788 = arith.constant 0 : i32
    %dma_start3A_1789 = tpu.memref_slice %arg4[%add3A_1785, %dma_start3A_1787, %dma_start3A_1788] : memref<1536x224x224xf32, #tpu.memory_space<hbm>> -> memref<1x224x224xf32, #tpu.memory_space<hbm>>
    %dma_start3A_1790 = arith.constant 0 : i32
    %dma_start3A_1791 = arith.constant 0 : i32
    %dma_start3A_1792 = arith.constant 0 : i32
    %dma_start3A_1793 = tpu.memref_slice %arg6[%arg1, %dma_start3A_1786, %dma_start3A_1790, %dma_start3A_1791, %dma_start3A_1792] : memref<16x2x1x224x224xf32, #tpu.memory_space<vmem_shared>> -> memref<1x1x1x224x224xf32, #tpu.memory_space<vmem_shared>>
    %dma_start3A_1794 = tpu.memref_squeeze %dma_start3A_1793 : memref<1x1x1x224x224xf32, #tpu.memory_space<vmem_shared>> -> memref<1x224x224xf32, #tpu.memory_space<vmem_shared>>
    tpu.enqueue_dma source(%dma_start3A_1794 : memref<1x224x224xf32, #tpu.memory_space<vmem_shared>>) target(%dma_start3A_1789 : memref<1x224x224xf32, #tpu.memory_space<hbm>>) target_semaphore(%arg9 : memref<!tpu.dma_semaphore, #tpu.memory_space<semaphore_mem>>)
    %add3A_1795 = arith.constant 38 : i32
    %add3A_1796 = arith.addi %mul3A_2, %add3A_1795 : i32
    %dma_wait3A_1797 = arith.constant 0 : i32
    %dma_wait3A_1798 = arith.constant 0 : i32
    %dma_wait3A_1799 = arith.constant 0 : i32
    %dma_wait3A_1800 = tpu.memref_slice %arg4[%add3A_1796, %dma_wait3A_1798, %dma_wait3A_1799] : memref<1536x224x224xf32, #tpu.memory_space<hbm>> -> memref<1x224x224xf32, #tpu.memory_space<hbm>>
    %dma_wait3A_1801 = arith.constant 0 : i32
    %dma_wait3A_1802 = arith.constant 0 : i32
    %dma_wait3A_1803 = arith.constant 0 : i32
    %dma_wait3A_1804 = tpu.memref_slice %arg6[%arg1, %dma_wait3A_1797, %dma_wait3A_1801, %dma_wait3A_1802, %dma_wait3A_1803] : memref<16x2x1x224x224xf32, #tpu.memory_space<vmem_shared>> -> memref<1x1x1x224x224xf32, #tpu.memory_space<vmem_shared>>
    %dma_wait3A_1805 = tpu.memref_squeeze %dma_wait3A_1804 : memref<1x1x1x224x224xf32, #tpu.memory_space<vmem_shared>> -> memref<1x224x224xf32, #tpu.memory_space<vmem_shared>>
    tpu.wait_dma2 semaphore(%arg9 : memref<!tpu.dma_semaphore, #tpu.memory_space<semaphore_mem>>) src(%dma_wait3A_1805 : memref<1x224x224xf32, #tpu.memory_space<vmem_shared>>) dst(%dma_wait3A_1800 : memref<1x224x224xf32, #tpu.memory_space<hbm>>)
    %get3A_1806 = arith.constant 32 : index
    %get3A_1807 = tpu.vector_load %arg5[%get3A_1806] {strides = array<i32>} : memref<48xi32, #tpu.memory_space<vmem>>, vector<16xi32>,
    %get3A_1808 = vector.shape_cast %get3A_1807 : vector<16xi32> to vector<16xi32>
    %slice3A_1809 = vector.extract_strided_slice %get3A_1808 {offsets = [8], sizes = [1], strides = [1]} : vector<16xi32> to vector<1xi32>
    %squeeze3A_1810 = vector.extract %slice3A_1809[0] : i32 from vector<1xi32>
    %dma_start3A_1811 = arith.constant 0 : i32
    %dma_start3A_1812 = arith.constant 0 : i32
    %dma_start3A_1813 = arith.constant 0 : i32
    %dma_start3A_1814 = arith.constant 0 : i32
    %dma_start3A_1815 = tpu.memref_slice %arg6[%arg1, %dma_start3A_1811, %dma_start3A_1812, %dma_start3A_1813, %dma_start3A_1814] : memref<16x2x1x224x224xf32, #tpu.memory_space<vmem_shared>> -> memref<1x1x1x224x224xf32, #tpu.memory_space<vmem_shared>>
    %dma_start3A_1816 = tpu.memref_squeeze %dma_start3A_1815 : memref<1x1x1x224x224xf32, #tpu.memory_space<vmem_shared>> -> memref<1x224x224xf32, #tpu.memory_space<vmem_shared>>
    %dma_start3A_1817 = arith.constant 0 : i32
    %dma_start3A_1818 = arith.constant 0 : i32
    %dma_start3A_1819 = tpu.memref_slice %arg2[%squeeze3A_1810, %dma_start3A_1817, %dma_start3A_1818] : memref<1536x224x224xf32, #tpu.memory_space<hbm>> -> memref<1x224x224xf32, #tpu.memory_space<hbm>>
    tpu.enqueue_dma source(%dma_start3A_1819 : memref<1x224x224xf32, #tpu.memory_space<hbm>>) target(%dma_start3A_1816 : memref<1x224x224xf32, #tpu.memory_space<vmem_shared>>) target_semaphore(%arg7 : memref<!tpu.dma_semaphore, #tpu.memory_space<semaphore_mem>>)
    %dma_wait3A_1820 = arith.constant 1 : i32
    %dma_wait3A_1821 = arith.constant 0 : i32
    %dma_wait3A_1822 = arith.constant 0 : i32
    %dma_wait3A_1823 = arith.constant 0 : i32
    %dma_wait3A_1824 = tpu.memref_slice %arg6[%arg1, %dma_wait3A_1820, %dma_wait3A_1821, %dma_wait3A_1822, %dma_wait3A_1823] : memref<16x2x1x224x224xf32, #tpu.memory_space<vmem_shared>> -> memref<1x1x1x224x224xf32, #tpu.memory_space<vmem_shared>>
    %dma_wait3A_1825 = tpu.memref_squeeze %dma_wait3A_1824 : memref<1x1x1x224x224xf32, #tpu.memory_space<vmem_shared>> -> memref<1x224x224xf32, #tpu.memory_space<vmem_shared>>
    %dma_wait3A_1826 = arith.constant 0 : i32
    %dma_wait3A_1827 = arith.constant 0 : i32
    %dma_wait3A_1828 = arith.constant 0 : i32
    %dma_wait3A_1829 = tpu.memref_slice %arg2[%dma_wait3A_1826, %dma_wait3A_1827, %dma_wait3A_1828] : memref<1536x224x224xf32, #tpu.memory_space<hbm>> -> memref<1x224x224xf32, #tpu.memory_space<hbm>>
    tpu.wait_dma2 semaphore(%arg8 : memref<!tpu.dma_semaphore, #tpu.memory_space<semaphore_mem>>) src(%dma_wait3A_1829 : memref<1x224x224xf32, #tpu.memory_space<hbm>>) dst(%dma_wait3A_1825 : memref<1x224x224xf32, #tpu.memory_space<vmem_shared>>)
    %add3A_1830 = arith.constant 39 : i32
    %add3A_1831 = arith.addi %mul3A_2, %add3A_1830 : i32
    %dma_start3A_1832 = arith.constant 1 : i32
    %dma_start3A_1833 = arith.constant 0 : i32
    %dma_start3A_1834 = arith.constant 0 : i32
    %dma_start3A_1835 = tpu.memref_slice %arg4[%add3A_1831, %dma_start3A_1833, %dma_start3A_1834] : memref<1536x224x224xf32, #tpu.memory_space<hbm>> -> memref<1x224x224xf32, #tpu.memory_space<hbm>>
    %dma_start3A_1836 = arith.constant 0 : i32
    %dma_start3A_1837 = arith.constant 0 : i32
    %dma_start3A_1838 = arith.constant 0 : i32
    %dma_start3A_1839 = tpu.memref_slice %arg6[%arg1, %dma_start3A_1832, %dma_start3A_1836, %dma_start3A_1837, %dma_start3A_1838] : memref<16x2x1x224x224xf32, #tpu.memory_space<vmem_shared>> -> memref<1x1x1x224x224xf32, #tpu.memory_space<vmem_shared>>
    %dma_start3A_1840 = tpu.memref_squeeze %dma_start3A_1839 : memref<1x1x1x224x224xf32, #tpu.memory_space<vmem_shared>> -> memref<1x224x224xf32, #tpu.memory_space<vmem_shared>>
    tpu.enqueue_dma source(%dma_start3A_1840 : memref<1x224x224xf32, #tpu.memory_space<vmem_shared>>) target(%dma_start3A_1835 : memref<1x224x224xf32, #tpu.memory_space<hbm>>) target_semaphore(%arg10 : memref<!tpu.dma_semaphore, #tpu.memory_space<semaphore_mem>>)
    %add3A_1841 = arith.constant 39 : i32
    %add3A_1842 = arith.addi %mul3A_2, %add3A_1841 : i32
    %dma_wait3A_1843 = arith.constant 1 : i32
    %dma_wait3A_1844 = arith.constant 0 : i32
    %dma_wait3A_1845 = arith.constant 0 : i32
    %dma_wait3A_1846 = tpu.memref_slice %arg4[%add3A_1842, %dma_wait3A_1844, %dma_wait3A_1845] : memref<1536x224x224xf32, #tpu.memory_space<hbm>> -> memref<1x224x224xf32, #tpu.memory_space<hbm>>
    %dma_wait3A_1847 = arith.constant 0 : i32
    %dma_wait3A_1848 = arith.constant 0 : i32
    %dma_wait3A_1849 = arith.constant 0 : i32
    %dma_wait3A_1850 = tpu.memref_slice %arg6[%arg1, %dma_wait3A_1843, %dma_wait3A_1847, %dma_wait3A_1848, %dma_wait3A_1849] : memref<16x2x1x224x224xf32, #tpu.memory_space<vmem_shared>> -> memref<1x1x1x224x224xf32, #tpu.memory_space<vmem_shared>>
    %dma_wait3A_1851 = tpu.memref_squeeze %dma_wait3A_1850 : memref<1x1x1x224x224xf32, #tpu.memory_space<vmem_shared>> -> memref<1x224x224xf32, #tpu.memory_space<vmem_shared>>
    tpu.wait_dma2 semaphore(%arg10 : memref<!tpu.dma_semaphore, #tpu.memory_space<semaphore_mem>>) src(%dma_wait3A_1851 : memref<1x224x224xf32, #tpu.memory_space<vmem_shared>>) dst(%dma_wait3A_1846 : memref<1x224x224xf32, #tpu.memory_space<hbm>>)
    %get3A_1852 = arith.constant 32 : index
    %get3A_1853 = tpu.vector_load %arg5[%get3A_1852] {strides = array<i32>} : memref<48xi32, #tpu.memory_space<vmem>>, vector<16xi32>,
    %get3A_1854 = vector.shape_cast %get3A_1853 : vector<16xi32> to vector<16xi32>
    %slice3A_1855 = vector.extract_strided_slice %get3A_1854 {offsets = [9], sizes = [1], strides = [1]} : vector<16xi32> to vector<1xi32>
    %squeeze3A_1856 = vector.extract %slice3A_1855[0] : i32 from vector<1xi32>
    %dma_start3A_1857 = arith.constant 1 : i32
    %dma_start3A_1858 = arith.constant 0 : i32
    %dma_start3A_1859 = arith.constant 0 : i32
    %dma_start3A_1860 = arith.constant 0 : i32
    %dma_start3A_1861 = tpu.memref_slice %arg6[%arg1, %dma_start3A_1857, %dma_start3A_1858, %dma_start3A_1859, %dma_start3A_1860] : memref<16x2x1x224x224xf32, #tpu.memory_space<vmem_shared>> -> memref<1x1x1x224x224xf32, #tpu.memory_space<vmem_shared>>
    %dma_start3A_1862 = tpu.memref_squeeze %dma_start3A_1861 : memref<1x1x1x224x224xf32, #tpu.memory_space<vmem_shared>> -> memref<1x224x224xf32, #tpu.memory_space<vmem_shared>>
    %dma_start3A_1863 = arith.constant 0 : i32
    %dma_start3A_1864 = arith.constant 0 : i32
    %dma_start3A_1865 = tpu.memref_slice %arg2[%squeeze3A_1856, %dma_start3A_1863, %dma_start3A_1864] : memref<1536x224x224xf32, #tpu.memory_space<hbm>> -> memref<1x224x224xf32, #tpu.memory_space<hbm>>
    tpu.enqueue_dma source(%dma_start3A_1865 : memref<1x224x224xf32, #tpu.memory_space<hbm>>) target(%dma_start3A_1862 : memref<1x224x224xf32, #tpu.memory_space<vmem_shared>>) target_semaphore(%arg8 : memref<!tpu.dma_semaphore, #tpu.memory_space<semaphore_mem>>)
    %dma_wait3A_1866 = arith.constant 0 : i32
    %dma_wait3A_1867 = arith.constant 0 : i32
    %dma_wait3A_1868 = arith.constant 0 : i32
    %dma_wait3A_1869 = arith.constant 0 : i32
    %dma_wait3A_1870 = tpu.memref_slice %arg6[%arg1, %dma_wait3A_1866, %dma_wait3A_1867, %dma_wait3A_1868, %dma_wait3A_1869] : memref<16x2x1x224x224xf32, #tpu.memory_space<vmem_shared>> -> memref<1x1x1x224x224xf32, #tpu.memory_space<vmem_shared>>
    %dma_wait3A_1871 = tpu.memref_squeeze %dma_wait3A_1870 : memref<1x1x1x224x224xf32, #tpu.memory_space<vmem_shared>> -> memref<1x224x224xf32, #tpu.memory_space<vmem_shared>>
    %dma_wait3A_1872 = arith.constant 0 : i32
    %dma_wait3A_1873 = arith.constant 0 : i32
    %dma_wait3A_1874 = arith.constant 0 : i32
    %dma_wait3A_1875 = tpu.memref_slice %arg2[%dma_wait3A_1872, %dma_wait3A_1873, %dma_wait3A_1874] : memref<1536x224x224xf32, #tpu.memory_space<hbm>> -> memref<1x224x224xf32, #tpu.memory_space<hbm>>
    tpu.wait_dma2 semaphore(%arg7 : memref<!tpu.dma_semaphore, #tpu.memory_space<semaphore_mem>>) src(%dma_wait3A_1875 : memref<1x224x224xf32, #tpu.memory_space<hbm>>) dst(%dma_wait3A_1871 : memref<1x224x224xf32, #tpu.memory_space<vmem_shared>>)
    %add3A_1876 = arith.constant 40 : i32
    %add3A_1877 = arith.addi %mul3A_2, %add3A_1876 : i32
    %dma_start3A_1878 = arith.constant 0 : i32
    %dma_start3A_1879 = arith.constant 0 : i32
    %dma_start3A_1880 = arith.constant 0 : i32
    %dma_start3A_1881 = tpu.memref_slice %arg4[%add3A_1877, %dma_start3A_1879, %dma_start3A_1880] : memref<1536x224x224xf32, #tpu.memory_space<hbm>> -> memref<1x224x224xf32, #tpu.memory_space<hbm>>
    %dma_start3A_1882 = arith.constant 0 : i32
    %dma_start3A_1883 = arith.constant 0 : i32
    %dma_start3A_1884 = arith.constant 0 : i32
    %dma_start3A_1885 = tpu.memref_slice %arg6[%arg1, %dma_start3A_1878, %dma_start3A_1882, %dma_start3A_1883, %dma_start3A_1884] : memref<16x2x1x224x224xf32, #tpu.memory_space<vmem_shared>> -> memref<1x1x1x224x224xf32, #tpu.memory_space<vmem_shared>>
    %dma_start3A_1886 = tpu.memref_squeeze %dma_start3A_1885 : memref<1x1x1x224x224xf32, #tpu.memory_space<vmem_shared>> -> memref<1x224x224xf32, #tpu.memory_space<vmem_shared>>
    tpu.enqueue_dma source(%dma_start3A_1886 : memref<1x224x224xf32, #tpu.memory_space<vmem_shared>>) target(%dma_start3A_1881 : memref<1x224x224xf32, #tpu.memory_space<hbm>>) target_semaphore(%arg9 : memref<!tpu.dma_semaphore, #tpu.memory_space<semaphore_mem>>)
    %add3A_1887 = arith.constant 40 : i32
    %add3A_1888 = arith.addi %mul3A_2, %add3A_1887 : i32
    %dma_wait3A_1889 = arith.constant 0 : i32
    %dma_wait3A_1890 = arith.constant 0 : i32
    %dma_wait3A_1891 = arith.constant 0 : i32
    %dma_wait3A_1892 = tpu.memref_slice %arg4[%add3A_1888, %dma_wait3A_1890, %dma_wait3A_1891] : memref<1536x224x224xf32, #tpu.memory_space<hbm>> -> memref<1x224x224xf32, #tpu.memory_space<hbm>>
    %dma_wait3A_1893 = arith.constant 0 : i32
    %dma_wait3A_1894 = arith.constant 0 : i32
    %dma_wait3A_1895 = arith.constant 0 : i32
    %dma_wait3A_1896 = tpu.memref_slice %arg6[%arg1, %dma_wait3A_1889, %dma_wait3A_1893, %dma_wait3A_1894, %dma_wait3A_1895] : memref<16x2x1x224x224xf32, #tpu.memory_space<vmem_shared>> -> memref<1x1x1x224x224xf32, #tpu.memory_space<vmem_shared>>
    %dma_wait3A_1897 = tpu.memref_squeeze %dma_wait3A_1896 : memref<1x1x1x224x224xf32, #tpu.memory_space<vmem_shared>> -> memref<1x224x224xf32, #tpu.memory_space<vmem_shared>>
    tpu.wait_dma2 semaphore(%arg9 : memref<!tpu.dma_semaphore, #tpu.memory_space<semaphore_mem>>) src(%dma_wait3A_1897 : memref<1x224x224xf32, #tpu.memory_space<vmem_shared>>) dst(%dma_wait3A_1892 : memref<1x224x224xf32, #tpu.memory_space<hbm>>)
    %get3A_1898 = arith.constant 32 : index
    %get3A_1899 = tpu.vector_load %arg5[%get3A_1898] {strides = array<i32>} : memref<48xi32, #tpu.memory_space<vmem>>, vector<16xi32>,
    %get3A_1900 = vector.shape_cast %get3A_1899 : vector<16xi32> to vector<16xi32>
    %slice3A_1901 = vector.extract_strided_slice %get3A_1900 {offsets = [10], sizes = [1], strides = [1]} : vector<16xi32> to vector<1xi32>
    %squeeze3A_1902 = vector.extract %slice3A_1901[0] : i32 from vector<1xi32>
    %dma_start3A_1903 = arith.constant 0 : i32
    %dma_start3A_1904 = arith.constant 0 : i32
    %dma_start3A_1905 = arith.constant 0 : i32
    %dma_start3A_1906 = arith.constant 0 : i32
    %dma_start3A_1907 = tpu.memref_slice %arg6[%arg1, %dma_start3A_1903, %dma_start3A_1904, %dma_start3A_1905, %dma_start3A_1906] : memref<16x2x1x224x224xf32, #tpu.memory_space<vmem_shared>> -> memref<1x1x1x224x224xf32, #tpu.memory_space<vmem_shared>>
    %dma_start3A_1908 = tpu.memref_squeeze %dma_start3A_1907 : memref<1x1x1x224x224xf32, #tpu.memory_space<vmem_shared>> -> memref<1x224x224xf32, #tpu.memory_space<vmem_shared>>
    %dma_start3A_1909 = arith.constant 0 : i32
    %dma_start3A_1910 = arith.constant 0 : i32
    %dma_start3A_1911 = tpu.memref_slice %arg2[%squeeze3A_1902, %dma_start3A_1909, %dma_start3A_1910] : memref<1536x224x224xf32, #tpu.memory_space<hbm>> -> memref<1x224x224xf32, #tpu.memory_space<hbm>>
    tpu.enqueue_dma source(%dma_start3A_1911 : memref<1x224x224xf32, #tpu.memory_space<hbm>>) target(%dma_start3A_1908 : memref<1x224x224xf32, #tpu.memory_space<vmem_shared>>) target_semaphore(%arg7 : memref<!tpu.dma_semaphore, #tpu.memory_space<semaphore_mem>>)
    %dma_wait3A_1912 = arith.constant 1 : i32
    %dma_wait3A_1913 = arith.constant 0 : i32
    %dma_wait3A_1914 = arith.constant 0 : i32
    %dma_wait3A_1915 = arith.constant 0 : i32
    %dma_wait3A_1916 = tpu.memref_slice %arg6[%arg1, %dma_wait3A_1912, %dma_wait3A_1913, %dma_wait3A_1914, %dma_wait3A_1915] : memref<16x2x1x224x224xf32, #tpu.memory_space<vmem_shared>> -> memref<1x1x1x224x224xf32, #tpu.memory_space<vmem_shared>>
    %dma_wait3A_1917 = tpu.memref_squeeze %dma_wait3A_1916 : memref<1x1x1x224x224xf32, #tpu.memory_space<vmem_shared>> -> memref<1x224x224xf32, #tpu.memory_space<vmem_shared>>
    %dma_wait3A_1918 = arith.constant 0 : i32
    %dma_wait3A_1919 = arith.constant 0 : i32
    %dma_wait3A_1920 = arith.constant 0 : i32
    %dma_wait3A_1921 = tpu.memref_slice %arg2[%dma_wait3A_1918, %dma_wait3A_1919, %dma_wait3A_1920] : memref<1536x224x224xf32, #tpu.memory_space<hbm>> -> memref<1x224x224xf32, #tpu.memory_space<hbm>>
    tpu.wait_dma2 semaphore(%arg8 : memref<!tpu.dma_semaphore, #tpu.memory_space<semaphore_mem>>) src(%dma_wait3A_1921 : memref<1x224x224xf32, #tpu.memory_space<hbm>>) dst(%dma_wait3A_1917 : memref<1x224x224xf32, #tpu.memory_space<vmem_shared>>)
    %add3A_1922 = arith.constant 41 : i32
    %add3A_1923 = arith.addi %mul3A_2, %add3A_1922 : i32
    %dma_start3A_1924 = arith.constant 1 : i32
    %dma_start3A_1925 = arith.constant 0 : i32
    %dma_start3A_1926 = arith.constant 0 : i32
    %dma_start3A_1927 = tpu.memref_slice %arg4[%add3A_1923, %dma_start3A_1925, %dma_start3A_1926] : memref<1536x224x224xf32, #tpu.memory_space<hbm>> -> memref<1x224x224xf32, #tpu.memory_space<hbm>>
    %dma_start3A_1928 = arith.constant 0 : i32
    %dma_start3A_1929 = arith.constant 0 : i32
    %dma_start3A_1930 = arith.constant 0 : i32
    %dma_start3A_1931 = tpu.memref_slice %arg6[%arg1, %dma_start3A_1924, %dma_start3A_1928, %dma_start3A_1929, %dma_start3A_1930] : memref<16x2x1x224x224xf32, #tpu.memory_space<vmem_shared>> -> memref<1x1x1x224x224xf32, #tpu.memory_space<vmem_shared>>
    %dma_start3A_1932 = tpu.memref_squeeze %dma_start3A_1931 : memref<1x1x1x224x224xf32, #tpu.memory_space<vmem_shared>> -> memref<1x224x224xf32, #tpu.memory_space<vmem_shared>>
    tpu.enqueue_dma source(%dma_start3A_1932 : memref<1x224x224xf32, #tpu.memory_space<vmem_shared>>) target(%dma_start3A_1927 : memref<1x224x224xf32, #tpu.memory_space<hbm>>) target_semaphore(%arg10 : memref<!tpu.dma_semaphore, #tpu.memory_space<semaphore_mem>>)
    %add3A_1933 = arith.constant 41 : i32
    %add3A_1934 = arith.addi %mul3A_2, %add3A_1933 : i32
    %dma_wait3A_1935 = arith.constant 1 : i32
    %dma_wait3A_1936 = arith.constant 0 : i32
    %dma_wait3A_1937 = arith.constant 0 : i32
    %dma_wait3A_1938 = tpu.memref_slice %arg4[%add3A_1934, %dma_wait3A_1936, %dma_wait3A_1937] : memref<1536x224x224xf32, #tpu.memory_space<hbm>> -> memref<1x224x224xf32, #tpu.memory_space<hbm>>
    %dma_wait3A_1939 = arith.constant 0 : i32
    %dma_wait3A_1940 = arith.constant 0 : i32
    %dma_wait3A_1941 = arith.constant 0 : i32
    %dma_wait3A_1942 = tpu.memref_slice %arg6[%arg1, %dma_wait3A_1935, %dma_wait3A_1939, %dma_wait3A_1940, %dma_wait3A_1941] : memref<16x2x1x224x224xf32, #tpu.memory_space<vmem_shared>> -> memref<1x1x1x224x224xf32, #tpu.memory_space<vmem_shared>>
    %dma_wait3A_1943 = tpu.memref_squeeze %dma_wait3A_1942 : memref<1x1x1x224x224xf32, #tpu.memory_space<vmem_shared>> -> memref<1x224x224xf32, #tpu.memory_space<vmem_shared>>
    tpu.wait_dma2 semaphore(%arg10 : memref<!tpu.dma_semaphore, #tpu.memory_space<semaphore_mem>>) src(%dma_wait3A_1943 : memref<1x224x224xf32, #tpu.memory_space<vmem_shared>>) dst(%dma_wait3A_1938 : memref<1x224x224xf32, #tpu.memory_space<hbm>>)
    %get3A_1944 = arith.constant 32 : index
    %get3A_1945 = tpu.vector_load %arg5[%get3A_1944] {strides = array<i32>} : memref<48xi32, #tpu.memory_space<vmem>>, vector<16xi32>,
    %get3A_1946 = vector.shape_cast %get3A_1945 : vector<16xi32> to vector<16xi32>
    %slice3A_1947 = vector.extract_strided_slice %get3A_1946 {offsets = [11], sizes = [1], strides = [1]} : vector<16xi32> to vector<1xi32>
    %squeeze3A_1948 = vector.extract %slice3A_1947[0] : i32 from vector<1xi32>
    %dma_start3A_1949 = arith.constant 1 : i32
    %dma_start3A_1950 = arith.constant 0 : i32
    %dma_start3A_1951 = arith.constant 0 : i32
    %dma_start3A_1952 = arith.constant 0 : i32
    %dma_start3A_1953 = tpu.memref_slice %arg6[%arg1, %dma_start3A_1949, %dma_start3A_1950, %dma_start3A_1951, %dma_start3A_1952] : memref<16x2x1x224x224xf32, #tpu.memory_space<vmem_shared>> -> memref<1x1x1x224x224xf32, #tpu.memory_space<vmem_shared>>
    %dma_start3A_1954 = tpu.memref_squeeze %dma_start3A_1953 : memref<1x1x1x224x224xf32, #tpu.memory_space<vmem_shared>> -> memref<1x224x224xf32, #tpu.memory_space<vmem_shared>>
    %dma_start3A_1955 = arith.constant 0 : i32
    %dma_start3A_1956 = arith.constant 0 : i32
    %dma_start3A_1957 = tpu.memref_slice %arg2[%squeeze3A_1948, %dma_start3A_1955, %dma_start3A_1956] : memref<1536x224x224xf32, #tpu.memory_space<hbm>> -> memref<1x224x224xf32, #tpu.memory_space<hbm>>
    tpu.enqueue_dma source(%dma_start3A_1957 : memref<1x224x224xf32, #tpu.memory_space<hbm>>) target(%dma_start3A_1954 : memref<1x224x224xf32, #tpu.memory_space<vmem_shared>>) target_semaphore(%arg8 : memref<!tpu.dma_semaphore, #tpu.memory_space<semaphore_mem>>)
    %dma_wait3A_1958 = arith.constant 0 : i32
    %dma_wait3A_1959 = arith.constant 0 : i32
    %dma_wait3A_1960 = arith.constant 0 : i32
    %dma_wait3A_1961 = arith.constant 0 : i32
    %dma_wait3A_1962 = tpu.memref_slice %arg6[%arg1, %dma_wait3A_1958, %dma_wait3A_1959, %dma_wait3A_1960, %dma_wait3A_1961] : memref<16x2x1x224x224xf32, #tpu.memory_space<vmem_shared>> -> memref<1x1x1x224x224xf32, #tpu.memory_space<vmem_shared>>
    %dma_wait3A_1963 = tpu.memref_squeeze %dma_wait3A_1962 : memref<1x1x1x224x224xf32, #tpu.memory_space<vmem_shared>> -> memref<1x224x224xf32, #tpu.memory_space<vmem_shared>>
    %dma_wait3A_1964 = arith.constant 0 : i32
    %dma_wait3A_1965 = arith.constant 0 : i32
    %dma_wait3A_1966 = arith.constant 0 : i32
    %dma_wait3A_1967 = tpu.memref_slice %arg2[%dma_wait3A_1964, %dma_wait3A_1965, %dma_wait3A_1966] : memref<1536x224x224xf32, #tpu.memory_space<hbm>> -> memref<1x224x224xf32, #tpu.memory_space<hbm>>
    tpu.wait_dma2 semaphore(%arg7 : memref<!tpu.dma_semaphore, #tpu.memory_space<semaphore_mem>>) src(%dma_wait3A_1967 : memref<1x224x224xf32, #tpu.memory_space<hbm>>) dst(%dma_wait3A_1963 : memref<1x224x224xf32, #tpu.memory_space<vmem_shared>>)
    %add3A_1968 = arith.constant 42 : i32
    %add3A_1969 = arith.addi %mul3A_2, %add3A_1968 : i32
    %dma_start3A_1970 = arith.constant 0 : i32
    %dma_start3A_1971 = arith.constant 0 : i32
    %dma_start3A_1972 = arith.constant 0 : i32
    %dma_start3A_1973 = tpu.memref_slice %arg4[%add3A_1969, %dma_start3A_1971, %dma_start3A_1972] : memref<1536x224x224xf32, #tpu.memory_space<hbm>> -> memref<1x224x224xf32, #tpu.memory_space<hbm>>
    %dma_start3A_1974 = arith.constant 0 : i32
    %dma_start3A_1975 = arith.constant 0 : i32
    %dma_start3A_1976 = arith.constant 0 : i32
    %dma_start3A_1977 = tpu.memref_slice %arg6[%arg1, %dma_start3A_1970, %dma_start3A_1974, %dma_start3A_1975, %dma_start3A_1976] : memref<16x2x1x224x224xf32, #tpu.memory_space<vmem_shared>> -> memref<1x1x1x224x224xf32, #tpu.memory_space<vmem_shared>>
    %dma_start3A_1978 = tpu.memref_squeeze %dma_start3A_1977 : memref<1x1x1x224x224xf32, #tpu.memory_space<vmem_shared>> -> memref<1x224x224xf32, #tpu.memory_space<vmem_shared>>
    tpu.enqueue_dma source(%dma_start3A_1978 : memref<1x224x224xf32, #tpu.memory_space<vmem_shared>>) target(%dma_start3A_1973 : memref<1x224x224xf32, #tpu.memory_space<hbm>>) target_semaphore(%arg9 : memref<!tpu.dma_semaphore, #tpu.memory_space<semaphore_mem>>)
    %add3A_1979 = arith.constant 42 : i32
    %add3A_1980 = arith.addi %mul3A_2, %add3A_1979 : i32
    %dma_wait3A_1981 = arith.constant 0 : i32
    %dma_wait3A_1982 = arith.constant 0 : i32
    %dma_wait3A_1983 = arith.constant 0 : i32
    %dma_wait3A_1984 = tpu.memref_slice %arg4[%add3A_1980, %dma_wait3A_1982, %dma_wait3A_1983] : memref<1536x224x224xf32, #tpu.memory_space<hbm>> -> memref<1x224x224xf32, #tpu.memory_space<hbm>>
    %dma_wait3A_1985 = arith.constant 0 : i32
    %dma_wait3A_1986 = arith.constant 0 : i32
    %dma_wait3A_1987 = arith.constant 0 : i32
    %dma_wait3A_1988 = tpu.memref_slice %arg6[%arg1, %dma_wait3A_1981, %dma_wait3A_1985, %dma_wait3A_1986, %dma_wait3A_1987] : memref<16x2x1x224x224xf32, #tpu.memory_space<vmem_shared>> -> memref<1x1x1x224x224xf32, #tpu.memory_space<vmem_shared>>
    %dma_wait3A_1989 = tpu.memref_squeeze %dma_wait3A_1988 : memref<1x1x1x224x224xf32, #tpu.memory_space<vmem_shared>> -> memref<1x224x224xf32, #tpu.memory_space<vmem_shared>>
    tpu.wait_dma2 semaphore(%arg9 : memref<!tpu.dma_semaphore, #tpu.memory_space<semaphore_mem>>) src(%dma_wait3A_1989 : memref<1x224x224xf32, #tpu.memory_space<vmem_shared>>) dst(%dma_wait3A_1984 : memref<1x224x224xf32, #tpu.memory_space<hbm>>)
    %get3A_1990 = arith.constant 32 : index
    %get3A_1991 = tpu.vector_load %arg5[%get3A_1990] {strides = array<i32>} : memref<48xi32, #tpu.memory_space<vmem>>, vector<16xi32>,
    %get3A_1992 = vector.shape_cast %get3A_1991 : vector<16xi32> to vector<16xi32>
    %slice3A_1993 = vector.extract_strided_slice %get3A_1992 {offsets = [12], sizes = [1], strides = [1]} : vector<16xi32> to vector<1xi32>
    %squeeze3A_1994 = vector.extract %slice3A_1993[0] : i32 from vector<1xi32>
    %dma_start3A_1995 = arith.constant 0 : i32
    %dma_start3A_1996 = arith.constant 0 : i32
    %dma_start3A_1997 = arith.constant 0 : i32
    %dma_start3A_1998 = arith.constant 0 : i32
    %dma_start3A_1999 = tpu.memref_slice %arg6[%arg1, %dma_start3A_1995, %dma_start3A_1996, %dma_start3A_1997, %dma_start3A_1998] : memref<16x2x1x224x224xf32, #tpu.memory_space<vmem_shared>> -> memref<1x1x1x224x224xf32, #tpu.memory_space<vmem_shared>>
    %dma_start3A_2000 = tpu.memref_squeeze %dma_start3A_1999 : memref<1x1x1x224x224xf32, #tpu.memory_space<vmem_shared>> -> memref<1x224x224xf32, #tpu.memory_space<vmem_shared>>
    %dma_start3A_2001 = arith.constant 0 : i32
    %dma_start3A_2002 = arith.constant 0 : i32
    %dma_start3A_2003 = tpu.memref_slice %arg2[%squeeze3A_1994, %dma_start3A_2001, %dma_start3A_2002] : memref<1536x224x224xf32, #tpu.memory_space<hbm>> -> memref<1x224x224xf32, #tpu.memory_space<hbm>>
    tpu.enqueue_dma source(%dma_start3A_2003 : memref<1x224x224xf32, #tpu.memory_space<hbm>>) target(%dma_start3A_2000 : memref<1x224x224xf32, #tpu.memory_space<vmem_shared>>) target_semaphore(%arg7 : memref<!tpu.dma_semaphore, #tpu.memory_space<semaphore_mem>>)
    %dma_wait3A_2004 = arith.constant 1 : i32
    %dma_wait3A_2005 = arith.constant 0 : i32
    %dma_wait3A_2006 = arith.constant 0 : i32
    %dma_wait3A_2007 = arith.constant 0 : i32
    %dma_wait3A_2008 = tpu.memref_slice %arg6[%arg1, %dma_wait3A_2004, %dma_wait3A_2005, %dma_wait3A_2006, %dma_wait3A_2007] : memref<16x2x1x224x224xf32, #tpu.memory_space<vmem_shared>> -> memref<1x1x1x224x224xf32, #tpu.memory_space<vmem_shared>>
    %dma_wait3A_2009 = tpu.memref_squeeze %dma_wait3A_2008 : memref<1x1x1x224x224xf32, #tpu.memory_space<vmem_shared>> -> memref<1x224x224xf32, #tpu.memory_space<vmem_shared>>
    %dma_wait3A_2010 = arith.constant 0 : i32
    %dma_wait3A_2011 = arith.constant 0 : i32
    %dma_wait3A_2012 = arith.constant 0 : i32
    %dma_wait3A_2013 = tpu.memref_slice %arg2[%dma_wait3A_2010, %dma_wait3A_2011, %dma_wait3A_2012] : memref<1536x224x224xf32, #tpu.memory_space<hbm>> -> memref<1x224x224xf32, #tpu.memory_space<hbm>>
    tpu.wait_dma2 semaphore(%arg8 : memref<!tpu.dma_semaphore, #tpu.memory_space<semaphore_mem>>) src(%dma_wait3A_2013 : memref<1x224x224xf32, #tpu.memory_space<hbm>>) dst(%dma_wait3A_2009 : memref<1x224x224xf32, #tpu.memory_space<vmem_shared>>)
    %add3A_2014 = arith.constant 43 : i32
    %add3A_2015 = arith.addi %mul3A_2, %add3A_2014 : i32
    %dma_start3A_2016 = arith.constant 1 : i32
    %dma_start3A_2017 = arith.constant 0 : i32
    %dma_start3A_2018 = arith.constant 0 : i32
    %dma_start3A_2019 = tpu.memref_slice %arg4[%add3A_2015, %dma_start3A_2017, %dma_start3A_2018] : memref<1536x224x224xf32, #tpu.memory_space<hbm>> -> memref<1x224x224xf32, #tpu.memory_space<hbm>>
    %dma_start3A_2020 = arith.constant 0 : i32
    %dma_start3A_2021 = arith.constant 0 : i32
    %dma_start3A_2022 = arith.constant 0 : i32
    %dma_start3A_2023 = tpu.memref_slice %arg6[%arg1, %dma_start3A_2016, %dma_start3A_2020, %dma_start3A_2021, %dma_start3A_2022] : memref<16x2x1x224x224xf32, #tpu.memory_space<vmem_shared>> -> memref<1x1x1x224x224xf32, #tpu.memory_space<vmem_shared>>
    %dma_start3A_2024 = tpu.memref_squeeze %dma_start3A_2023 : memref<1x1x1x224x224xf32, #tpu.memory_space<vmem_shared>> -> memref<1x224x224xf32, #tpu.memory_space<vmem_shared>>
    tpu.enqueue_dma source(%dma_start3A_2024 : memref<1x224x224xf32, #tpu.memory_space<vmem_shared>>) target(%dma_start3A_2019 : memref<1x224x224xf32, #tpu.memory_space<hbm>>) target_semaphore(%arg10 : memref<!tpu.dma_semaphore, #tpu.memory_space<semaphore_mem>>)
    %add3A_2025 = arith.constant 43 : i32
    %add3A_2026 = arith.addi %mul3A_2, %add3A_2025 : i32
    %dma_wait3A_2027 = arith.constant 1 : i32
    %dma_wait3A_2028 = arith.constant 0 : i32
    %dma_wait3A_2029 = arith.constant 0 : i32
    %dma_wait3A_2030 = tpu.memref_slice %arg4[%add3A_2026, %dma_wait3A_2028, %dma_wait3A_2029] : memref<1536x224x224xf32, #tpu.memory_space<hbm>> -> memref<1x224x224xf32, #tpu.memory_space<hbm>>
    %dma_wait3A_2031 = arith.constant 0 : i32
    %dma_wait3A_2032 = arith.constant 0 : i32
    %dma_wait3A_2033 = arith.constant 0 : i32
    %dma_wait3A_2034 = tpu.memref_slice %arg6[%arg1, %dma_wait3A_2027, %dma_wait3A_2031, %dma_wait3A_2032, %dma_wait3A_2033] : memref<16x2x1x224x224xf32, #tpu.memory_space<vmem_shared>> -> memref<1x1x1x224x224xf32, #tpu.memory_space<vmem_shared>>
    %dma_wait3A_2035 = tpu.memref_squeeze %dma_wait3A_2034 : memref<1x1x1x224x224xf32, #tpu.memory_space<vmem_shared>> -> memref<1x224x224xf32, #tpu.memory_space<vmem_shared>>
    tpu.wait_dma2 semaphore(%arg10 : memref<!tpu.dma_semaphore, #tpu.memory_space<semaphore_mem>>) src(%dma_wait3A_2035 : memref<1x224x224xf32, #tpu.memory_space<vmem_shared>>) dst(%dma_wait3A_2030 : memref<1x224x224xf32, #tpu.memory_space<hbm>>)
    %get3A_2036 = arith.constant 32 : index
    %get3A_2037 = tpu.vector_load %arg5[%get3A_2036] {strides = array<i32>} : memref<48xi32, #tpu.memory_space<vmem>>, vector<16xi32>,
    %get3A_2038 = vector.shape_cast %get3A_2037 : vector<16xi32> to vector<16xi32>
    %slice3A_2039 = vector.extract_strided_slice %get3A_2038 {offsets = [13], sizes = [1], strides = [1]} : vector<16xi32> to vector<1xi32>
    %squeeze3A_2040 = vector.extract %slice3A_2039[0] : i32 from vector<1xi32>
    %dma_start3A_2041 = arith.constant 1 : i32
    %dma_start3A_2042 = arith.constant 0 : i32
    %dma_start3A_2043 = arith.constant 0 : i32
    %dma_start3A_2044 = arith.constant 0 : i32
    %dma_start3A_2045 = tpu.memref_slice %arg6[%arg1, %dma_start3A_2041, %dma_start3A_2042, %dma_start3A_2043, %dma_start3A_2044] : memref<16x2x1x224x224xf32, #tpu.memory_space<vmem_shared>> -> memref<1x1x1x224x224xf32, #tpu.memory_space<vmem_shared>>
    %dma_start3A_2046 = tpu.memref_squeeze %dma_start3A_2045 : memref<1x1x1x224x224xf32, #tpu.memory_space<vmem_shared>> -> memref<1x224x224xf32, #tpu.memory_space<vmem_shared>>
    %dma_start3A_2047 = arith.constant 0 : i32
    %dma_start3A_2048 = arith.constant 0 : i32
    %dma_start3A_2049 = tpu.memref_slice %arg2[%squeeze3A_2040, %dma_start3A_2047, %dma_start3A_2048] : memref<1536x224x224xf32, #tpu.memory_space<hbm>> -> memref<1x224x224xf32, #tpu.memory_space<hbm>>
    tpu.enqueue_dma source(%dma_start3A_2049 : memref<1x224x224xf32, #tpu.memory_space<hbm>>) target(%dma_start3A_2046 : memref<1x224x224xf32, #tpu.memory_space<vmem_shared>>) target_semaphore(%arg8 : memref<!tpu.dma_semaphore, #tpu.memory_space<semaphore_mem>>)
    %dma_wait3A_2050 = arith.constant 0 : i32
    %dma_wait3A_2051 = arith.constant 0 : i32
    %dma_wait3A_2052 = arith.constant 0 : i32
    %dma_wait3A_2053 = arith.constant 0 : i32
    %dma_wait3A_2054 = tpu.memref_slice %arg6[%arg1, %dma_wait3A_2050, %dma_wait3A_2051, %dma_wait3A_2052, %dma_wait3A_2053] : memref<16x2x1x224x224xf32, #tpu.memory_space<vmem_shared>> -> memref<1x1x1x224x224xf32, #tpu.memory_space<vmem_shared>>
    %dma_wait3A_2055 = tpu.memref_squeeze %dma_wait3A_2054 : memref<1x1x1x224x224xf32, #tpu.memory_space<vmem_shared>> -> memref<1x224x224xf32, #tpu.memory_space<vmem_shared>>
    %dma_wait3A_2056 = arith.constant 0 : i32
    %dma_wait3A_2057 = arith.constant 0 : i32
    %dma_wait3A_2058 = arith.constant 0 : i32
    %dma_wait3A_2059 = tpu.memref_slice %arg2[%dma_wait3A_2056, %dma_wait3A_2057, %dma_wait3A_2058] : memref<1536x224x224xf32, #tpu.memory_space<hbm>> -> memref<1x224x224xf32, #tpu.memory_space<hbm>>
    tpu.wait_dma2 semaphore(%arg7 : memref<!tpu.dma_semaphore, #tpu.memory_space<semaphore_mem>>) src(%dma_wait3A_2059 : memref<1x224x224xf32, #tpu.memory_space<hbm>>) dst(%dma_wait3A_2055 : memref<1x224x224xf32, #tpu.memory_space<vmem_shared>>)
    %add3A_2060 = arith.constant 44 : i32
    %add3A_2061 = arith.addi %mul3A_2, %add3A_2060 : i32
    %dma_start3A_2062 = arith.constant 0 : i32
    %dma_start3A_2063 = arith.constant 0 : i32
    %dma_start3A_2064 = arith.constant 0 : i32
    %dma_start3A_2065 = tpu.memref_slice %arg4[%add3A_2061, %dma_start3A_2063, %dma_start3A_2064] : memref<1536x224x224xf32, #tpu.memory_space<hbm>> -> memref<1x224x224xf32, #tpu.memory_space<hbm>>
    %dma_start3A_2066 = arith.constant 0 : i32
    %dma_start3A_2067 = arith.constant 0 : i32
    %dma_start3A_2068 = arith.constant 0 : i32
    %dma_start3A_2069 = tpu.memref_slice %arg6[%arg1, %dma_start3A_2062, %dma_start3A_2066, %dma_start3A_2067, %dma_start3A_2068] : memref<16x2x1x224x224xf32, #tpu.memory_space<vmem_shared>> -> memref<1x1x1x224x224xf32, #tpu.memory_space<vmem_shared>>
    %dma_start3A_2070 = tpu.memref_squeeze %dma_start3A_2069 : memref<1x1x1x224x224xf32, #tpu.memory_space<vmem_shared>> -> memref<1x224x224xf32, #tpu.memory_space<vmem_shared>>
    tpu.enqueue_dma source(%dma_start3A_2070 : memref<1x224x224xf32, #tpu.memory_space<vmem_shared>>) target(%dma_start3A_2065 : memref<1x224x224xf32, #tpu.memory_space<hbm>>) target_semaphore(%arg9 : memref<!tpu.dma_semaphore, #tpu.memory_space<semaphore_mem>>)
    %add3A_2071 = arith.constant 44 : i32
    %add3A_2072 = arith.addi %mul3A_2, %add3A_2071 : i32
    %dma_wait3A_2073 = arith.constant 0 : i32
    %dma_wait3A_2074 = arith.constant 0 : i32
    %dma_wait3A_2075 = arith.constant 0 : i32
    %dma_wait3A_2076 = tpu.memref_slice %arg4[%add3A_2072, %dma_wait3A_2074, %dma_wait3A_2075] : memref<1536x224x224xf32, #tpu.memory_space<hbm>> -> memref<1x224x224xf32, #tpu.memory_space<hbm>>
    %dma_wait3A_2077 = arith.constant 0 : i32
    %dma_wait3A_2078 = arith.constant 0 : i32
    %dma_wait3A_2079 = arith.constant 0 : i32
    %dma_wait3A_2080 = tpu.memref_slice %arg6[%arg1, %dma_wait3A_2073, %dma_wait3A_2077, %dma_wait3A_2078, %dma_wait3A_2079] : memref<16x2x1x224x224xf32, #tpu.memory_space<vmem_shared>> -> memref<1x1x1x224x224xf32, #tpu.memory_space<vmem_shared>>
    %dma_wait3A_2081 = tpu.memref_squeeze %dma_wait3A_2080 : memref<1x1x1x224x224xf32, #tpu.memory_space<vmem_shared>> -> memref<1x224x224xf32, #tpu.memory_space<vmem_shared>>
    tpu.wait_dma2 semaphore(%arg9 : memref<!tpu.dma_semaphore, #tpu.memory_space<semaphore_mem>>) src(%dma_wait3A_2081 : memref<1x224x224xf32, #tpu.memory_space<vmem_shared>>) dst(%dma_wait3A_2076 : memref<1x224x224xf32, #tpu.memory_space<hbm>>)
    %get3A_2082 = arith.constant 32 : index
    %get3A_2083 = tpu.vector_load %arg5[%get3A_2082] {strides = array<i32>} : memref<48xi32, #tpu.memory_space<vmem>>, vector<16xi32>,
    %get3A_2084 = vector.shape_cast %get3A_2083 : vector<16xi32> to vector<16xi32>
    %slice3A_2085 = vector.extract_strided_slice %get3A_2084 {offsets = [14], sizes = [1], strides = [1]} : vector<16xi32> to vector<1xi32>
    %squeeze3A_2086 = vector.extract %slice3A_2085[0] : i32 from vector<1xi32>
    %dma_start3A_2087 = arith.constant 0 : i32
    %dma_start3A_2088 = arith.constant 0 : i32
    %dma_start3A_2089 = arith.constant 0 : i32
    %dma_start3A_2090 = arith.constant 0 : i32
    %dma_start3A_2091 = tpu.memref_slice %arg6[%arg1, %dma_start3A_2087, %dma_start3A_2088, %dma_start3A_2089, %dma_start3A_2090] : memref<16x2x1x224x224xf32, #tpu.memory_space<vmem_shared>> -> memref<1x1x1x224x224xf32, #tpu.memory_space<vmem_shared>>
    %dma_start3A_2092 = tpu.memref_squeeze %dma_start3A_2091 : memref<1x1x1x224x224xf32, #tpu.memory_space<vmem_shared>> -> memref<1x224x224xf32, #tpu.memory_space<vmem_shared>>
    %dma_start3A_2093 = arith.constant 0 : i32
    %dma_start3A_2094 = arith.constant 0 : i32
    %dma_start3A_2095 = tpu.memref_slice %arg2[%squeeze3A_2086, %dma_start3A_2093, %dma_start3A_2094] : memref<1536x224x224xf32, #tpu.memory_space<hbm>> -> memref<1x224x224xf32, #tpu.memory_space<hbm>>
    tpu.enqueue_dma source(%dma_start3A_2095 : memref<1x224x224xf32, #tpu.memory_space<hbm>>) target(%dma_start3A_2092 : memref<1x224x224xf32, #tpu.memory_space<vmem_shared>>) target_semaphore(%arg7 : memref<!tpu.dma_semaphore, #tpu.memory_space<semaphore_mem>>)
    %dma_wait3A_2096 = arith.constant 1 : i32
    %dma_wait3A_2097 = arith.constant 0 : i32
    %dma_wait3A_2098 = arith.constant 0 : i32
    %dma_wait3A_2099 = arith.constant 0 : i32
    %dma_wait3A_2100 = tpu.memref_slice %arg6[%arg1, %dma_wait3A_2096, %dma_wait3A_2097, %dma_wait3A_2098, %dma_wait3A_2099] : memref<16x2x1x224x224xf32, #tpu.memory_space<vmem_shared>> -> memref<1x1x1x224x224xf32, #tpu.memory_space<vmem_shared>>
    %dma_wait3A_2101 = tpu.memref_squeeze %dma_wait3A_2100 : memref<1x1x1x224x224xf32, #tpu.memory_space<vmem_shared>> -> memref<1x224x224xf32, #tpu.memory_space<vmem_shared>>
    %dma_wait3A_2102 = arith.constant 0 : i32
    %dma_wait3A_2103 = arith.constant 0 : i32
    %dma_wait3A_2104 = arith.constant 0 : i32
    %dma_wait3A_2105 = tpu.memref_slice %arg2[%dma_wait3A_2102, %dma_wait3A_2103, %dma_wait3A_2104] : memref<1536x224x224xf32, #tpu.memory_space<hbm>> -> memref<1x224x224xf32, #tpu.memory_space<hbm>>
    tpu.wait_dma2 semaphore(%arg8 : memref<!tpu.dma_semaphore, #tpu.memory_space<semaphore_mem>>) src(%dma_wait3A_2105 : memref<1x224x224xf32, #tpu.memory_space<hbm>>) dst(%dma_wait3A_2101 : memref<1x224x224xf32, #tpu.memory_space<vmem_shared>>)
    %add3A_2106 = arith.constant 45 : i32
    %add3A_2107 = arith.addi %mul3A_2, %add3A_2106 : i32
    %dma_start3A_2108 = arith.constant 1 : i32
    %dma_start3A_2109 = arith.constant 0 : i32
    %dma_start3A_2110 = arith.constant 0 : i32
    %dma_start3A_2111 = tpu.memref_slice %arg4[%add3A_2107, %dma_start3A_2109, %dma_start3A_2110] : memref<1536x224x224xf32, #tpu.memory_space<hbm>> -> memref<1x224x224xf32, #tpu.memory_space<hbm>>
    %dma_start3A_2112 = arith.constant 0 : i32
    %dma_start3A_2113 = arith.constant 0 : i32
    %dma_start3A_2114 = arith.constant 0 : i32
    %dma_start3A_2115 = tpu.memref_slice %arg6[%arg1, %dma_start3A_2108, %dma_start3A_2112, %dma_start3A_2113, %dma_start3A_2114] : memref<16x2x1x224x224xf32, #tpu.memory_space<vmem_shared>> -> memref<1x1x1x224x224xf32, #tpu.memory_space<vmem_shared>>
    %dma_start3A_2116 = tpu.memref_squeeze %dma_start3A_2115 : memref<1x1x1x224x224xf32, #tpu.memory_space<vmem_shared>> -> memref<1x224x224xf32, #tpu.memory_space<vmem_shared>>
    tpu.enqueue_dma source(%dma_start3A_2116 : memref<1x224x224xf32, #tpu.memory_space<vmem_shared>>) target(%dma_start3A_2111 : memref<1x224x224xf32, #tpu.memory_space<hbm>>) target_semaphore(%arg10 : memref<!tpu.dma_semaphore, #tpu.memory_space<semaphore_mem>>)
    %add3A_2117 = arith.constant 45 : i32
    %add3A_2118 = arith.addi %mul3A_2, %add3A_2117 : i32
    %dma_wait3A_2119 = arith.constant 1 : i32
    %dma_wait3A_2120 = arith.constant 0 : i32
    %dma_wait3A_2121 = arith.constant 0 : i32
    %dma_wait3A_2122 = tpu.memref_slice %arg4[%add3A_2118, %dma_wait3A_2120, %dma_wait3A_2121] : memref<1536x224x224xf32, #tpu.memory_space<hbm>> -> memref<1x224x224xf32, #tpu.memory_space<hbm>>
    %dma_wait3A_2123 = arith.constant 0 : i32
    %dma_wait3A_2124 = arith.constant 0 : i32
    %dma_wait3A_2125 = arith.constant 0 : i32
    %dma_wait3A_2126 = tpu.memref_slice %arg6[%arg1, %dma_wait3A_2119, %dma_wait3A_2123, %dma_wait3A_2124, %dma_wait3A_2125] : memref<16x2x1x224x224xf32, #tpu.memory_space<vmem_shared>> -> memref<1x1x1x224x224xf32, #tpu.memory_space<vmem_shared>>
    %dma_wait3A_2127 = tpu.memref_squeeze %dma_wait3A_2126 : memref<1x1x1x224x224xf32, #tpu.memory_space<vmem_shared>> -> memref<1x224x224xf32, #tpu.memory_space<vmem_shared>>
    tpu.wait_dma2 semaphore(%arg10 : memref<!tpu.dma_semaphore, #tpu.memory_space<semaphore_mem>>) src(%dma_wait3A_2127 : memref<1x224x224xf32, #tpu.memory_space<vmem_shared>>) dst(%dma_wait3A_2122 : memref<1x224x224xf32, #tpu.memory_space<hbm>>)
    %get3A_2128 = arith.constant 32 : index
    %get3A_2129 = tpu.vector_load %arg5[%get3A_2128] {strides = array<i32>} : memref<48xi32, #tpu.memory_space<vmem>>, vector<16xi32>,
    %get3A_2130 = vector.shape_cast %get3A_2129 : vector<16xi32> to vector<16xi32>
    %slice3A_2131 = vector.extract_strided_slice %get3A_2130 {offsets = [15], sizes = [1], strides = [1]} : vector<16xi32> to vector<1xi32>
    %squeeze3A_2132 = vector.extract %slice3A_2131[0] : i32 from vector<1xi32>
    %dma_start3A_2133 = arith.constant 1 : i32
    %dma_start3A_2134 = arith.constant 0 : i32
    %dma_start3A_2135 = arith.constant 0 : i32
    %dma_start3A_2136 = arith.constant 0 : i32
    %dma_start3A_2137 = tpu.memref_slice %arg6[%arg1, %dma_start3A_2133, %dma_start3A_2134, %dma_start3A_2135, %dma_start3A_2136] : memref<16x2x1x224x224xf32, #tpu.memory_space<vmem_shared>> -> memref<1x1x1x224x224xf32, #tpu.memory_space<vmem_shared>>
    %dma_start3A_2138 = tpu.memref_squeeze %dma_start3A_2137 : memref<1x1x1x224x224xf32, #tpu.memory_space<vmem_shared>> -> memref<1x224x224xf32, #tpu.memory_space<vmem_shared>>
    %dma_start3A_2139 = arith.constant 0 : i32
    %dma_start3A_2140 = arith.constant 0 : i32
    %dma_start3A_2141 = tpu.memref_slice %arg2[%squeeze3A_2132, %dma_start3A_2139, %dma_start3A_2140] : memref<1536x224x224xf32, #tpu.memory_space<hbm>> -> memref<1x224x224xf32, #tpu.memory_space<hbm>>
    tpu.enqueue_dma source(%dma_start3A_2141 : memref<1x224x224xf32, #tpu.memory_space<hbm>>) target(%dma_start3A_2138 : memref<1x224x224xf32, #tpu.memory_space<vmem_shared>>) target_semaphore(%arg8 : memref<!tpu.dma_semaphore, #tpu.memory_space<semaphore_mem>>)
    %dma_wait3A_2142 = arith.constant 0 : i32
    %dma_wait3A_2143 = arith.constant 0 : i32
    %dma_wait3A_2144 = arith.constant 0 : i32
    %dma_wait3A_2145 = arith.constant 0 : i32
    %dma_wait3A_2146 = tpu.memref_slice %arg6[%arg1, %dma_wait3A_2142, %dma_wait3A_2143, %dma_wait3A_2144, %dma_wait3A_2145] : memref<16x2x1x224x224xf32, #tpu.memory_space<vmem_shared>> -> memref<1x1x1x224x224xf32, #tpu.memory_space<vmem_shared>>
    %dma_wait3A_2147 = tpu.memref_squeeze %dma_wait3A_2146 : memref<1x1x1x224x224xf32, #tpu.memory_space<vmem_shared>> -> memref<1x224x224xf32, #tpu.memory_space<vmem_shared>>
    %dma_wait3A_2148 = arith.constant 0 : i32
    %dma_wait3A_2149 = arith.constant 0 : i32
    %dma_wait3A_2150 = arith.constant 0 : i32
    %dma_wait3A_2151 = tpu.memref_slice %arg2[%dma_wait3A_2148, %dma_wait3A_2149, %dma_wait3A_2150] : memref<1536x224x224xf32, #tpu.memory_space<hbm>> -> memref<1x224x224xf32, #tpu.memory_space<hbm>>
    tpu.wait_dma2 semaphore(%arg7 : memref<!tpu.dma_semaphore, #tpu.memory_space<semaphore_mem>>) src(%dma_wait3A_2151 : memref<1x224x224xf32, #tpu.memory_space<hbm>>) dst(%dma_wait3A_2147 : memref<1x224x224xf32, #tpu.memory_space<vmem_shared>>)
    %add3A_2152 = arith.constant 46 : i32
    %add3A_2153 = arith.addi %mul3A_2, %add3A_2152 : i32
    %dma_start3A_2154 = arith.constant 0 : i32
    %dma_start3A_2155 = arith.constant 0 : i32
    %dma_start3A_2156 = arith.constant 0 : i32
    %dma_start3A_2157 = tpu.memref_slice %arg4[%add3A_2153, %dma_start3A_2155, %dma_start3A_2156] : memref<1536x224x224xf32, #tpu.memory_space<hbm>> -> memref<1x224x224xf32, #tpu.memory_space<hbm>>
    %dma_start3A_2158 = arith.constant 0 : i32
    %dma_start3A_2159 = arith.constant 0 : i32
    %dma_start3A_2160 = arith.constant 0 : i32
    %dma_start3A_2161 = tpu.memref_slice %arg6[%arg1, %dma_start3A_2154, %dma_start3A_2158, %dma_start3A_2159, %dma_start3A_2160] : memref<16x2x1x224x224xf32, #tpu.memory_space<vmem_shared>> -> memref<1x1x1x224x224xf32, #tpu.memory_space<vmem_shared>>
    %dma_start3A_2162 = tpu.memref_squeeze %dma_start3A_2161 : memref<1x1x1x224x224xf32, #tpu.memory_space<vmem_shared>> -> memref<1x224x224xf32, #tpu.memory_space<vmem_shared>>
    tpu.enqueue_dma source(%dma_start3A_2162 : memref<1x224x224xf32, #tpu.memory_space<vmem_shared>>) target(%dma_start3A_2157 : memref<1x224x224xf32, #tpu.memory_space<hbm>>) target_semaphore(%arg9 : memref<!tpu.dma_semaphore, #tpu.memory_space<semaphore_mem>>)
    %dma_wait3A_2163 = arith.constant 1 : i32
    %dma_wait3A_2164 = arith.constant 0 : i32
    %dma_wait3A_2165 = arith.constant 0 : i32
    %dma_wait3A_2166 = arith.constant 0 : i32
    %dma_wait3A_2167 = tpu.memref_slice %arg6[%arg1, %dma_wait3A_2163, %dma_wait3A_2164, %dma_wait3A_2165, %dma_wait3A_2166] : memref<16x2x1x224x224xf32, #tpu.memory_space<vmem_shared>> -> memref<1x1x1x224x224xf32, #tpu.memory_space<vmem_shared>>
    %dma_wait3A_2168 = tpu.memref_squeeze %dma_wait3A_2167 : memref<1x1x1x224x224xf32, #tpu.memory_space<vmem_shared>> -> memref<1x224x224xf32, #tpu.memory_space<vmem_shared>>
    %dma_wait3A_2169 = arith.constant 0 : i32
    %dma_wait3A_2170 = arith.constant 0 : i32
    %dma_wait3A_2171 = arith.constant 0 : i32
    %dma_wait3A_2172 = tpu.memref_slice %arg2[%dma_wait3A_2169, %dma_wait3A_2170, %dma_wait3A_2171] : memref<1536x224x224xf32, #tpu.memory_space<hbm>> -> memref<1x224x224xf32, #tpu.memory_space<hbm>>
    tpu.wait_dma2 semaphore(%arg8 : memref<!tpu.dma_semaphore, #tpu.memory_space<semaphore_mem>>) src(%dma_wait3A_2172 : memref<1x224x224xf32, #tpu.memory_space<hbm>>) dst(%dma_wait3A_2168 : memref<1x224x224xf32, #tpu.memory_space<vmem_shared>>)
    %add3A_2173 = arith.constant 47 : i32
    %add3A_2174 = arith.addi %mul3A_2, %add3A_2173 : i32
    %dma_start3A_2175 = arith.constant 1 : i32
    %dma_start3A_2176 = arith.constant 0 : i32
    %dma_start3A_2177 = arith.constant 0 : i32
    %dma_start3A_2178 = tpu.memref_slice %arg4[%add3A_2174, %dma_start3A_2176, %dma_start3A_2177] : memref<1536x224x224xf32, #tpu.memory_space<hbm>> -> memref<1x224x224xf32, #tpu.memory_space<hbm>>
    %dma_start3A_2179 = arith.constant 0 : i32
    %dma_start3A_2180 = arith.constant 0 : i32
    %dma_start3A_2181 = arith.constant 0 : i32
    %dma_start3A_2182 = tpu.memref_slice %arg6[%arg1, %dma_start3A_2175, %dma_start3A_2179, %dma_start3A_2180, %dma_start3A_2181] : memref<16x2x1x224x224xf32, #tpu.memory_space<vmem_shared>> -> memref<1x1x1x224x224xf32, #tpu.memory_space<vmem_shared>>
    %dma_start3A_2183 = tpu.memref_squeeze %dma_start3A_2182 : memref<1x1x1x224x224xf32, #tpu.memory_space<vmem_shared>> -> memref<1x224x224xf32, #tpu.memory_space<vmem_shared>>
    tpu.enqueue_dma source(%dma_start3A_2183 : memref<1x224x224xf32, #tpu.memory_space<vmem_shared>>) target(%dma_start3A_2178 : memref<1x224x224xf32, #tpu.memory_space<hbm>>) target_semaphore(%arg10 : memref<!tpu.dma_semaphore, #tpu.memory_space<semaphore_mem>>)
    %add3A_2184 = arith.constant 46 : i32
    %add3A_2185 = arith.addi %mul3A_2, %add3A_2184 : i32
    %dma_wait3A_2186 = arith.constant 0 : i32
    %dma_wait3A_2187 = arith.constant 0 : i32
    %dma_wait3A_2188 = arith.constant 0 : i32
    %dma_wait3A_2189 = tpu.memref_slice %arg4[%add3A_2185, %dma_wait3A_2187, %dma_wait3A_2188] : memref<1536x224x224xf32, #tpu.memory_space<hbm>> -> memref<1x224x224xf32, #tpu.memory_space<hbm>>
    %dma_wait3A_2190 = arith.constant 0 : i32
    %dma_wait3A_2191 = arith.constant 0 : i32
    %dma_wait3A_2192 = arith.constant 0 : i32
    %dma_wait3A_2193 = tpu.memref_slice %arg6[%arg1, %dma_wait3A_2186, %dma_wait3A_2190, %dma_wait3A_2191, %dma_wait3A_2192] : memref<16x2x1x224x224xf32, #tpu.memory_space<vmem_shared>> -> memref<1x1x1x224x224xf32, #tpu.memory_space<vmem_shared>>
    %dma_wait3A_2194 = tpu.memref_squeeze %dma_wait3A_2193 : memref<1x1x1x224x224xf32, #tpu.memory_space<vmem_shared>> -> memref<1x224x224xf32, #tpu.memory_space<vmem_shared>>
    tpu.wait_dma2 semaphore(%arg9 : memref<!tpu.dma_semaphore, #tpu.memory_space<semaphore_mem>>) src(%dma_wait3A_2194 : memref<1x224x224xf32, #tpu.memory_space<vmem_shared>>) dst(%dma_wait3A_2189 : memref<1x224x224xf32, #tpu.memory_space<hbm>>)
    %add3A_2195 = arith.constant 47 : i32
    %add3A_2196 = arith.addi %mul3A_2, %add3A_2195 : i32
    %dma_wait3A_2197 = arith.constant 1 : i32
    %dma_wait3A_2198 = arith.constant 0 : i32
    %dma_wait3A_2199 = arith.constant 0 : i32
    %dma_wait3A_2200 = tpu.memref_slice %arg4[%add3A_2196, %dma_wait3A_2198, %dma_wait3A_2199] : memref<1536x224x224xf32, #tpu.memory_space<hbm>> -> memref<1x224x224xf32, #tpu.memory_space<hbm>>
    %dma_wait3A_2201 = arith.constant 0 : i32
    %dma_wait3A_2202 = arith.constant 0 : i32
    %dma_wait3A_2203 = arith.constant 0 : i32
    %dma_wait3A_2204 = tpu.memref_slice %arg6[%arg1, %dma_wait3A_2197, %dma_wait3A_2201, %dma_wait3A_2202, %dma_wait3A_2203] : memref<16x2x1x224x224xf32, #tpu.memory_space<vmem_shared>> -> memref<1x1x1x224x224xf32, #tpu.memory_space<vmem_shared>>
    %dma_wait3A_2205 = tpu.memref_squeeze %dma_wait3A_2204 : memref<1x1x1x224x224xf32, #tpu.memory_space<vmem_shared>> -> memref<1x224x224xf32, #tpu.memory_space<vmem_shared>>
    tpu.wait_dma2 semaphore(%arg10 : memref<!tpu.dma_semaphore, #tpu.memory_space<semaphore_mem>>) src(%dma_wait3A_2205 : memref<1x224x224xf32, #tpu.memory_space<vmem_shared>>) dst(%dma_wait3A_2200 : memref<1x224x224xf32, #tpu.memory_space<hbm>>)
    return
  }
}

</mosaic_0001>

<sc_bundles>
// kernel: kernel.3.cloned.1.call-start
scs
__scs_entry_jumppad:
0x0: {  	(pc) =	sbr.rel $0x88, $3  }
0x1: {  	(tag) =	ssettag $0x0;
	lr =	simm.s32 $0x1  }
0x2: {  	[smem:$0x3F9F] =	sst lr;
	_ =	strace $0xD0000000  }
0x3: {  	_ = 	snop  }
0x4: {  	_ = 	snop  }
0x5: {  	_ = 	snop  }
0x6: {  	_ = 	snop  }
0x7: {  	_ = 	snop  }
__scs_overlays_trampoline_lowered:
0x8: {  	[smem:$0x3FAE] =	sst s0  }
0x9: {  	[smem:$0x3FAF] =	sst s1  }
0xa: {  	[smem:$0x3FB0] =	sst s2  }
0xb: {  	[smem:$0x3FB1] =	sst s3  }
0xc: {  	[smem:$0x3FB2] =	sst s4  }
0xd: {  	[smem:$0x3FB3] =	sst s5  }
0xe: {  	[smem:$0x3FB4] =	sst s6  }
0xf: {  	[smem:$0x3FB5] =	sst s7  }
0x10: {  	[smem:$0x3FB6] =	sst s8  }
0x11: {  	[smem:$0x3FB7] =	sst s9;
	s0 =	simm.s32 @!p0 $0x0  }
0x12: {  	s1 =	sld [smem:$0x3F9D];
	s0 =	simm.s32 @p0 $0x1  }
0x13: {  	[smem:$0x3FB8] =	sst s0;
	s0 =	simm.s32 @!p1 $0x0  }
0x14: {  	s2 =	sld [smem:$0x3F9C];
	s0 =	simm.s32 @p1 $0x1  }
0x15: {  	[smem:$0x3FB9] =	sst s0;
	s0 =	simm.s32 @!p2 $0x0  }
0x16: {  	s3 =	sld [smem:$0x3FDB];
	s0 =	simm.s32 @p2 $0x1  }
0x17: {  	s4 =	simm.s32 $0x1BF5;
	[smem:$0x3FBB] =	sst s0  }
0x18: {  	s0 =	sld [smem:$0x3F9E];
	_ =	swait.ge [sflag:s4], $0x0  }
0x19: {  	s7 =	sld [smem:$0x3F9F]  }
0x1a: {  	s8 =	sadd.s32 $0xFFFFE003, lr  }
0x1b: {  	s9 =	sadd.s32 $0xFFFFFEF7, lr;
	s5 =	simm.s32 $0xFFFFFFFF;
	p2 =	slt.u32 s8, $0xFFFFF086  }
0x1c: {  	p1 =	slt.u32 s9, $0xF7A;
	s5 =	simm.s32 @!p2 $0x0  }
0x1d: {  	s5 =	simm.s32 @p1 $0x1;
	p0 =	seq.s32 s7, s2  }
0x1e: {  	s7 =	smul.u32 @!p0 $0xF7A, s2;
	p2 =	seq.s32 @!p0 s5, $0x0  }
0x1f: {  	s9 =	smul.u32 $0xF7A, s1;
	s8 =	simm.s32 @!p0 $0x1BF5;
	p2 =	por !p2, p0  }
0x20: {  	[sflag:s8] =	ssyncset.s32 @!p0 $0xFFFFF086;
	s6 =	sadd.s32 @!p0 s3, s7;
	s7 =	simm.s32 @!p0 $0x108  }
0x21: {  	s3 =	sadd.s32 s3, s9;
	s6 =	sadd.s32 @!p0 $0x88, s6;
	s7 =	simm.s32 @p2 $0x1082  }
0x22: {  	[simem:s7], [sflag:s8] =	dma.local @!p0 [hbm:s6], $0xF7A  }
0x23: {  	s9 =	sor.u32 $0xD0000000, s2;
	s6 =	simm.s32 $0x108;
	_ =	swait.ge @!p0 [sflag:s8], $0x0  }
0x24: {  	s3 =	sadd.s32 $0x88, s3;
	s6 =	simm.s32 @!p1 $0x1082;
	[sflag:s4] =	ssyncset.s32 $0xFFFFF086  }
0x25: {  	[simem:s6], [sflag:s4] =	dma.local [hbm:s3], $0xF7A  }
0x26: {  	[smem:$0x3F9F] =	sst s1;
	(tag) =	ssettag s2;
	_ =	strace s9  }
0x27: {  	s1 =	sld [smem:$0x3FAF]  }
0x28: {  	s2 =	sld [smem:$0x3FB0]  }
0x29: {  	s4 =	sld [smem:$0x3FB2]  }
0x2a: {  	p0 =	seq.s32 s5, $0x0;
	s5 =	sld [smem:$0x3FB3]  }
0x2b: {  	s6 =	sld [smem:$0x3FB4]  }
0x2c: {  	s7 =	sld [smem:$0x3FB5]  }
0x2d: {  	s3 =	simm.s32 $0x108;
	s8 =	sld [smem:$0x3FB6]  }
0x2e: {  	s3 =	simm.s32 @!p0 $0x1082;
	s9 =	sld [smem:$0x3FB7]  }
0x2f: {  	lr =	sadd.s32 s0, s3;
	s0 =	sld [smem:$0x3FAE]  }
0x30: {  	s3 =	sld [smem:$0x3FB1]  }
0x31: {  	[smem:$0x3FBA] =	sst s10  }
0x32: {  	s10 =	sld [smem:$0x3FB8];
	_ =	sdelay $0x3  }
0x33: {  	p0 =	seq.s32 s10, $0x1;
	s10 =	sld [smem:$0x3FBA];
	_ =	sdelay $0x3  }
0x34: {  	[smem:$0x3FBA] =	sst s10  }
0x35: {  	s10 =	sld [smem:$0x3FB9];
	_ =	sdelay $0x3  }
0x36: {  	p1 =	seq.s32 s10, $0x1;
	s10 =	sld [smem:$0x3FBA];
	_ =	sdelay $0x3  }
0x37: {  	[smem:$0x3FBA] =	sst s10  }
0x38: {  	s10 =	sld [smem:$0x3FBB]  }
0x39: {  	_ = 	snop;
	(pc) =	sbr.ind lr, $3  }
0x3a: {  	_ = 	snop  }
0x3b: {  	_ = 	snop  }
0x3c: {  	p2 =	seq.s32 s10, $0x1;
	s10 =	sld [smem:$0x3FBA]  }
0x3d: {  	_ =	shalt  }
0x3e: {  	_ =	shalt  }
0x3f: {  	_ =	shalt  }
0x40: {  	_ =	shalt  }
0x41: {  	_ =	shalt  }
0x42: {  	_ =	shalt  }
0x43: {  	_ =	shalt  }
0x44: {  	_ =	shalt  }
0x45: {  	_ =	shalt  }
0x46: {  	_ =	shalt  }
0x47: {  	_ =	shalt  }
0x48: {  	_ =	shalt  }
0x49: {  	_ =	shalt  }
0x4a: {  	_ =	shalt  }
0x4b: {  	_ =	shalt  }
0x4c: {  	_ =	shalt  }
0x4d: {  	_ =	shalt  }
0x4e: {  	_ =	shalt  }
0x4f: {  	_ =	shalt  }
0x50: {  	_ =	shalt  }
0x51: {  	_ =	shalt  }
0x52: {  	_ =	shalt  }
0x53: {  	_ =	shalt  }
0x54: {  	_ =	shalt  }
0x55: {  	_ =	shalt  }
0x56: {  	_ =	shalt  }
0x57: {  	_ =	shalt  }
0x58: {  	_ =	shalt  }
0x59: {  	_ =	shalt  }
0x5a: {  	_ =	shalt  }
0x5b: {  	_ =	shalt  }
0x5c: {  	_ =	shalt  }
0x5d: {  	_ =	shalt  }
0x5e: {  	_ =	shalt  }
0x5f: {  	_ =	shalt  }
0x60: {  	_ =	shalt  }
0x61: {  	_ =	shalt  }
0x62: {  	_ =	shalt  }
0x63: {  	_ =	shalt  }
0x64: {  	_ =	shalt  }
0x65: {  	_ =	shalt  }
0x66: {  	_ =	shalt  }
0x67: {  	_ =	shalt  }
0x68: {  	_ =	shalt  }
0x69: {  	_ =	shalt  }
0x6a: {  	_ =	shalt  }
0x6b: {  	_ =	shalt  }
0x6c: {  	_ =	shalt  }
0x6d: {  	_ =	shalt  }
0x6e: {  	_ =	shalt  }
0x6f: {  	_ =	shalt  }
0x70: {  	_ =	shalt  }
0x71: {  	_ =	shalt  }
0x72: {  	_ =	shalt  }
0x73: {  	_ =	shalt  }
0x74: {  	_ =	shalt  }
0x75: {  	_ =	shalt  }
0x76: {  	_ =	shalt  }
0x77: {  	_ =	shalt  }
0x78: {  	_ =	shalt  }
0x79: {  	_ =	shalt  }
0x7a: {  	_ =	shalt  }
0x7b: {  	_ =	shalt  }
0x7c: {  	_ =	shalt  }
0x7d: {  	_ =	shalt  }
0x7e: {  	_ =	shalt  }
0x7f: {  	_ =	shalt  }
0x80: {  	_ =	shalt  }
0x81: {  	_ =	shalt  }
0x82: {  	_ =	shalt  }
0x83: {  	_ =	shalt  }
0x84: {  	_ =	shalt  }
0x85: {  	_ =	shalt  }
0x86: {  	_ =	shalt  }
0x87: {  	_ =	shalt  }
.Lfunc_end0:
.L_simem_size_0:
called_computation_lowered:
.L_overlay_start_0:
0x88: {  	s2 =	sld [smem:$0x3FD9]  }
0x89: {  	s3 =	sld [smem:$0x3FFE];
	_ =	sdelay $0x1  }
0x8a: {  	s1 =	srdreg.scid  }
0x8b: {  	s0 =	sand.u32 $0x1, s1  }
0x8c: {  	s17 =	sshll.u32 s0, $0xA;
	s2 =	sadd.s32 s3, s2  }
0x8d: {  	s2 =	sadd.s32 s2, s17  }
0x8e: {  	[smem:$0x3FC6] =	sst s2  }
0x8f: {  	_ = 	snop  }
0x90: {  	s2 =	sld [smem:$0x3FC9]  }
0x91: {  	s18 =	sld [smem:$0x3FD0];
	(tm) =	ssettm $0x1  }
0x92: {  	s4 =	sld [smem:$0x3FFB];
	_ =	sdelay $0x3  }
0x93: {  	_ =	strace s4  }
0x94: {  	s4 =	sld [smem:$0x3FFC];
	_ =	sdelay $0x3  }
0x95: {  	_ =	strace s4  }
0x96: {  	s4 =	sld [smem:$0x3FFD];
	_ =	sdelay $0x3  }
0x97: {  	_ =	strace s4  }
0x98: {  	_ =	strace $0x8FFFFFFF  }
0x99: {  	s19 =	sld [smem:$0x3FDB];
	_ =	sdelay $0x1  }
0x9a: {  	s5 =	simm.s32 $_scs_section_size  }
0x9b: {  	s6 =	simm.s32 $_size__tile_overlayer_lowered;
	s7 =	simm.s32 $_tile_overlayer_lowered  }
0x9c: {  	s22 =	simm.s32 $0x1BFF;
	s21 =	sshll.u32 s7, $0x1;
	s4 =	sadd.s32 s5, s19  }
0x9d: {  	s8 =	simm.s32 $0x0;
	s20 =	sshll.u32 s6, $0x1;
	s6 =	sadd.s32 s21, s4  }
0x9e: {  	[timem:s8], [sflag:s22] =	dma.local [hbm:s6], s20  }
0x9f: {  	_ =	swait.ge [sflag:s22], s20  }
0xa0: {  	s5 =	ssub.s32 $0x0, s20;
	[sflag:s22] =	ssyncset.done $0x0  }
0xa1: {  	[sflag:s22] =	ssyncadd.s32 s5;
	_ =	sdelay $0x1  }
0xa2: {  	s23 =	simm.s32 $0x1B8B  }
0xa3: {  	_ =	swait.ge [sflag:s23], $0x1  }
0xa4: {  	[sflag:s23] =	ssyncset.done $0x0  }
0xa5: {  	s25 =	simm.s32 $0x1B8E;
	s24 =	sld [smem:$0x3FFE];
	[sflag:s23] =	ssyncadd.s32 $0xFFFFFFFF  }
0xa6: {  	s26 =	simm.s32 $execute0_lowered;
	[smem:$0x3FD2] =	sst s25  }
0xa7: {  	s6 =	sshll.u32 s26, $0x1;
	_ =	strace $0x80000046;
	[dreg:$0x1] =	wrdreg $0xFFFFFFFF  }
0xa8: {  	s28 =	simm.s32 $_size_execute0_lowered;
	s4 =	sadd.s32 s4, s6;
	[dreg:$0x0] =	wrdreg $0x0  }
0xa9: {  	s6 =	sshll.u32 s28, $0x1;
	[dreg:$0x2] =	wrdreg s4  }
0xaa: {  	[dreg:$0x3] =	wrdreg s6  }
0xab: {  	[dreg:$0x4] =	wrdreg $0xC0  }
0xac: {  	_ =	task [dreg:s8], $0x5FFFF  }
0xad: {  	[dreg:$0x1] =	wrdreg $0xFFFFFFFF  }
0xae: {  	[dreg:$0x0] =	wrdreg $0x60  }
0xaf: {  	[dreg:$0x2] =	wrdreg s2  }
0xb0: {  	[dreg:$0x3] =	wrdreg s24  }
0xb1: {  	[dreg:$0x4] =	wrdreg s18  }
0xb2: {  	[dreg:$0x5] =	wrdreg $0x800  }
0xb3: {  	[dreg:$0x6] =	wrdreg $0x9  }
0xb4: {  	_ =	task.clear_ibuf [dreg:s8], $0x7FFFF;
	_ =	strace $0x90000046  }
0xb5: {  	s29 =	simm.s32 $0x9;
	_ =	strace $0x80000048  }
0xb6: {  	_ =	swait.ge [sflag:s29], $0x1  }
0xb7: {  	[sflag:s29] =	ssyncadd.s32 $0xFFFFFFFF  }
0xb8: {  	_ =	strace $0x90000048  }
0xb9: {  	_ =	sfence  }
0xba: {  	s30 =	sld [smem:$0x0];
	_ =	sdelay $0x2  }
0xbb: {  	s31 =	sshll.u32 s1, $0xD;
	s1 =	sshrl.u32 s1, $0x2  }
0xbc: {  	s3 =	sand.u32 $0x4000, s31;
	s1 =	sadd.s32 s1, s30  }
0xbd: {  	s0 =	sor.u32 s3, s0;
	s1 =	sshll.u32 s1, $0x11  }
0xbe: {  	s0 =	sor.u32 s1, s0  }
0xbf: {  	s0 =	sadd.s32 $0x8F2B, s0  }
0xc0: {  	[sflag:s0] =	ssyncadd.remote.s32 $0x1  }
0xc1: {  	_ =	sfence.sel $0xFFFF  }
0xc2: {  	[dreg:$0x0] =	wrdreg $0xFFFFFFFF;
	(pc) =	sbr.abs _section_cstart, $3  }
0xc3: {  	[dreg:$0x1] =	wrdreg $0xFFFFFFFF  }
0xc4: {  	_ =	task.clear_ibuf [dreg:s8], $0x2FFFF;
	_ =	strace $0x9FFFFFFF  }
0xc5: {  	(tm) =	ssettm $0x7FFFFFFF  }
tec
execute0_lowered:
.L_overlay_start_1:
0x0: {  	(tag) =	ssettag $0x1  }
0x1: {  	s2 =	rddreg [dreg:$0x0]  }
0x2: {  	s1 =	srdreg.scid;
	s0 =	stileid.u32  }
0x3: {  	s5 =	rddreg [dreg:$0x1];
	s4 =	sand.u32 $0x1, s1;
	s25 =	sshll.u32 s0, $0x1  }
0x4: {  	s6 =	rddreg [dreg:$0x2];
	s7 =	sor.u32 s4, s25  }
0x5: {  	s3 =	rddreg [dreg:$0x3];
	s8 =	smul.u32 $0x6, s7  }
0x6: {  	s9 =	simm.s32 $0x0;
	s1 =	rddreg [dreg:$0x4];
	s10 =	smul.u32 $0x54000, s7  }
0x7: {  	[smem:$0x7FF] =	sst s9;
	s7 =	smul.u32 $0x2A0000, s7;
	s5 =	sadd.s32 s8, s5  }
0x8: {  	_ =	strace $0x80000047;
	s8 =	sadd.s32 s6, s10;
	s5 =	sadd.s32 $0x400, s5  }
0x9: {  	s7 =	sshrl.u32 s7, $0x3;
	s26 =	sadd.s32 $0x1C00, s8;
	[dreg:$0x5] =	wrdreg s5  }
0xa: {  	s10 =	sadd.s32 $0x3800, s8;
	[dreg:$0x6] =	wrdreg s26;
	s5 =	sadd.s32 s6, s7  }
0xb: {  	[dreg:$0x7] =	wrdreg s10;
	s6 =	sadd.s32 $0x5400, s5  }
0xc: {  	s28 =	sadd.s32 $0x7000, s5;
	[dreg:$0x8] =	wrdreg s6  }
0xd: {  	s29 =	sadd.s32 $0x8C00, s5;
	[dreg:$0x9] =	wrdreg s28  }
0xe: {  	s30 =	sadd.s32 $0xA800, s5;
	[dreg:$0xa] =	wrdreg s29  }
0xf: {  	s31 =	sadd.s32 $0xC400, s5;
	[dreg:$0xb] =	wrdreg s30  }
0x10: {  	s7 =	sadd.s32 $0xE000, s5;
	[dreg:$0xc] =	wrdreg s31  }
0x11: {  	s10 =	sadd.s32 $0xFC00, s5;
	[dreg:$0xd] =	wrdreg s7  }
0x12: {  	s11 =	sadd.s32 $0x11800, s5;
	[dreg:$0xe] =	wrdreg s10  }
0x13: {  	s12 =	sadd.s32 $0x13400, s5;
	[dreg:$0xf] =	wrdreg s11  }
0x14: {  	s13 =	sadd.s32 $0x15000, s5;
	[dreg:$0x10] =	wrdreg s12  }
0x15: {  	s14 =	sadd.s32 $0x16C00, s5;
	[dreg:$0x11] =	wrdreg s13  }
0x16: {  	s15 =	sadd.s32 $0x18800, s5;
	[dreg:$0x12] =	wrdreg s14  }
0x17: {  	s16 =	sadd.s32 $0x1A400, s5;
	[dreg:$0x13] =	wrdreg s15  }
0x18: {  	s17 =	sadd.s32 $0x1C000, s5;
	[dreg:$0x14] =	wrdreg s16  }
0x19: {  	s18 =	sadd.s32 $0x1DC00, s5;
	[dreg:$0x15] =	wrdreg s17  }
0x1a: {  	s19 =	sadd.s32 $0x1F800, s5;
	[dreg:$0x16] =	wrdreg s18  }
0x1b: {  	s20 =	sadd.s32 $0x21400, s5;
	[dreg:$0x17] =	wrdreg s19  }
0x1c: {  	s21 =	sadd.s32 $0x23000, s5;
	[dreg:$0x18] =	wrdreg s20  }
0x1d: {  	s22 =	sadd.s32 $0x24C00, s5;
	[dreg:$0x19] =	wrdreg s21  }
0x1e: {  	s23 =	sadd.s32 $0x26800, s5;
	[dreg:$0x1a] =	wrdreg s22  }
0x1f: {  	s24 =	sadd.s32 $0x28400, s5;
	[dreg:$0x1b] =	wrdreg s23  }
0x20: {  	s25 =	sadd.s32 $0x2A000, s5;
	[dreg:$0x1c] =	wrdreg s24  }
0x21: {  	s26 =	sadd.s32 $0x2BC00, s5;
	[dreg:$0x1d] =	wrdreg s25  }
0x22: {  	[dreg:$0x1e] =	wrdreg s26;
	s28 =	sadd.s32 $0x2D800, s5  }
0x23: {  	s29 =	sadd.s32 $0x2F400, s5;
	[dreg:$0x1f] =	wrdreg s28  }
0x24: {  	s30 =	sadd.s32 $0x31000, s5;
	[smem:$0x7E9] =	sst s29  }
0x25: {  	s31 =	sadd.s32 $0x32C00, s5;
	[smem:$0x7EA] =	sst s30  }
0x26: {  	s7 =	sadd.s32 $0x34800, s5;
	[smem:$0x7EB] =	sst s31  }
0x27: {  	s10 =	sadd.s32 $0x36400, s5;
	[smem:$0x7EC] =	sst s7  }
0x28: {  	s11 =	sadd.s32 $0x38000, s5;
	[smem:$0x7ED] =	sst s10  }
0x29: {  	s12 =	sadd.s32 $0x39C00, s5;
	[smem:$0x7EE] =	sst s11  }
0x2a: {  	s13 =	sadd.s32 $0x3B800, s5;
	[smem:$0x7EF] =	sst s12  }
0x2b: {  	s14 =	sadd.s32 $0x3D400, s5;
	[smem:$0x7F0] =	sst s13  }
0x2c: {  	s15 =	sadd.s32 $0x3F000, s5;
	[smem:$0x7F1] =	sst s14  }
0x2d: {  	s16 =	sadd.s32 $0x40C00, s5;
	[smem:$0x7F2] =	sst s15  }
0x2e: {  	p0 =	por $0x0, $0x0;
	s17 =	sadd.s32 $0x42800, s5;
	[smem:$0x7F3] =	sst s16  }
0x2f: {  	s4 =	ssub.s32 $0x2, s4;
	s18 =	sadd.s32 $0x44400, s5;
	[smem:$0x7F4] =	sst s17  }
0x30: {  	s19 =	sadd.s32 $0x46000, s5;
	s20 =	sadd.s32 $0x47C00, s5;
	[smem:$0x7F5] =	sst s18  }
0x31: {  	s21 =	sadd.s32 $0x49800, s5;
	s22 =	sshrl.u32 s4, $0x1;
	[smem:$0x7F6] =	sst s19  }
0x32: {  	s23 =	sadd.s32 $0x4B400, s5;
	s24 =	smul.u32 $0x70000, s0;
	[smem:$0x7F7] =	sst s20  }
0x33: {  	s25 =	sadd.s32 $0x4D000, s5;
	[smem:$0x7F8] =	sst s21;
	s4 =	ssub.s32 s4, s22  }
0x34: {  	s26 =	sadd.s32 $0x4EC00, s5;
	[smem:$0x7F9] =	sst s23;
	s12 =	smax.u32 s4, $0x1  }
0x35: {  	s6 =	simm.s32 $0x2;
	[smem:$0x7FA] =	sst s25;
	p1 =	sne.s32 s12, $0x1  }
.Ltmp0:
0x36: {  	[smem:$0x7FB] =	sst s26;
	s29 =	sadd.s32 $0x50800, s5;
	(pc) =	sbr.rel @!p1 .LBB2_3-.Ltmp0, $4  }
0x37: {  	s30 =	sadd.s32 $0x52400, s5;
	s11 =	simm.s32 $0x5;
	s28 =	sshrl.u32 s24, $0x2  }
0x38: {  	s7 =	simm.s32 $0x1;
	[smem:$0x7FC] =	sst s29;
	s10 =	sadd.s32 s28, s3  }
0x39: {  	[smem:$0x7FD] =	sst s30;
	s4 =	simm.s32 $0x4;
	s31 =	sadd.s32 $0xE000, s10  }
0x3a: {  	s3 =	simm.s32 $0x3;
	s17 =	sadd.s32 $0xFFFFFFFF, s12;
	s5 =	sshrl.u32 s31, $0x3  }
0x3b: {  	s12 =	rddreg [dreg:$0x5]  }
0x3c: {  	[tilespmem:s9], [sflag:$0x5] =	stream.linear.gather [hbm4b:s12+s9], $0x30, $0x38;
	[tilespmem:$0x18880] =	vst v63  }
0x3d: {  	_ =	swait.ge [sflag:s11], $0x30  }
0x3e: {  	[sflag:s11] =	ssyncset.done $0x0  }
0x3f: {  	[sflag:s11] =	ssyncadd.s32 $0xFFFFFFD0  }
0x40: {  	v0 =	vld [tilespmem:$0x0];
	_ =	sdelay $0x4  }
0x41: {  	v0 =	vmul.u32 $0xE000, v0;
	_ =	sdelay $0x1  }
0x42: {  	v0 =	vshrl.u32 v0, $0x3  }
0x43: {  	v0 =	vadd.s32 s2, v0  }
0x44: {  	(v2sf) =	vpush v0, $0x0;
	_ =	sdelay $0x1  }
0x45: {  	(v2sf) =	vpush v0, $0x1;
	_ =	sdelay $0x8  }
0x46: {  	(v2sf) =	vpush v0, $0x2;
	_ =	sdelay $0x2  }
0x47: {  	s16 =	sshll.u32 s0, $0x6  }
0x48: {  	s12 =	sshrl.u32 s10, $0x3;
	s13 =	sor.u32 $0x1C01, s16;
	s14 =	spop (v2sf)  }
0x49: {  	[spmem:s12], [sflag:s13] =	dma.local [hbm:s14], $0x1C00  }
0x4a: {  	s14 =	sor.u32 $0x1C02, s16;
	s15 =	spop (v2sf)  }
0x4b: {  	[spmem:s5], [sflag:s14] =	dma.local [hbm:s15], $0x1C00  }
0x4c: {  	(v2sf) =	vpush v0, $0x3  }
0x4d: {  	_ =	swait.ge [sflag:s7], $0x1C00  }
0x4e: {  	[sflag:s7] =	ssyncset.done $0x0  }
0x4f: {  	s15 =	sor.u32 $0x1C03, s16;
	[sflag:s7] =	ssyncadd.s32 $0xFFFFE400  }
0x50: {  	[hbm:s8], [sflag:s15] =	dma.local [spmem:s12], $0x1C00  }
0x51: {  	_ =	swait.ge [sflag:s3], $0x1C00  }
0x52: {  	[sflag:s3] =	ssyncset.done $0x0  }
0x53: {  	s18 =	spop (v2sf);
	[sflag:s3] =	ssyncadd.s32 $0xFFFFE400  }
0x54: {  	[spmem:s12], [sflag:s13] =	dma.local [hbm:s18], $0x1C00  }
0x55: {  	_ =	swait.ge [sflag:s6], $0x1C00  }
0x56: {  	(v2sf) =	vpush v0, $0x4;
	[sflag:s6] =	ssyncset.done $0x0  }
0x57: {  	s16 =	sor.u32 $0x1C04, s16;
	s23 =	rddreg [dreg:$0x6];
	[sflag:s6] =	ssyncadd.s32 $0xFFFFE400  }
0x58: {  	[hbm:s23], [sflag:s16] =	dma.local [spmem:s5], $0x1C00  }
0x59: {  	_ =	swait.ge [sflag:s4], $0x1C00  }
0x5a: {  	[sflag:s4] =	ssyncset.done $0x0  }
0x5b: {  	s24 =	spop (v2sf);
	[sflag:s4] =	ssyncadd.s32 $0xFFFFE400  }
0x5c: {  	[spmem:s5], [sflag:s14] =	dma.local [hbm:s24], $0x1C00  }
0x5d: {  	_ =	swait.ge [sflag:s7], $0x1C00  }
0x5e: {  	(v2sf) =	vpush v0, $0x5;
	_ =	sdelay $0x1  }
0x5f: {  	[sflag:s7] =	ssyncset.done $0x0  }
0x60: {  	s25 =	rddreg [dreg:$0x7];
	[sflag:s7] =	ssyncadd.s32 $0xFFFFE400  }
0x61: {  	[hbm:s25], [sflag:s15] =	dma.local [spmem:s12], $0x1C00  }
0x62: {  	_ =	swait.ge [sflag:s3], $0x1C00  }
0x63: {  	[sflag:s3] =	ssyncset.done $0x0  }
0x64: {  	[sflag:s3] =	ssyncadd.s32 $0xFFFFE400;
	s26 =	spop (v2sf)  }
0x65: {  	[spmem:s12], [sflag:s13] =	dma.local [hbm:s26], $0x1C00  }
0x66: {  	_ =	swait.ge [sflag:s6], $0x1C00  }
0x67: {  	(v2sf) =	vpush v0, $0x6;
	[sflag:s6] =	ssyncset.done $0x0  }
0x68: {  	s28 =	rddreg [dreg:$0x8];
	[sflag:s6] =	ssyncadd.s32 $0xFFFFE400  }
0x69: {  	[hbm:s28], [sflag:s16] =	dma.local [spmem:s5], $0x1C00  }
0x6a: {  	_ =	swait.ge [sflag:s4], $0x1C00  }
0x6b: {  	[sflag:s4] =	ssyncset.done $0x0  }
0x6c: {  	s29 =	spop (v2sf);
	[sflag:s4] =	ssyncadd.s32 $0xFFFFE400  }
0x6d: {  	[spmem:s5], [sflag:s14] =	dma.local [hbm:s29], $0x1C00  }
0x6e: {  	_ =	swait.ge [sflag:s7], $0x1C00  }
0x6f: {  	(v2sf) =	vpush v0, $0x7;
	_ =	sdelay $0x1  }
0x70: {  	[sflag:s7] =	ssyncset.done $0x0  }
0x71: {  	s30 =	rddreg [dreg:$0x9];
	[sflag:s7] =	ssyncadd.s32 $0xFFFFE400  }
0x72: {  	[hbm:s30], [sflag:s15] =	dma.local [spmem:s12], $0x1C00  }
0x73: {  	_ =	swait.ge [sflag:s3], $0x1C00  }
0x74: {  	[sflag:s3] =	ssyncset.done $0x0  }
0x75: {  	[sflag:s3] =	ssyncadd.s32 $0xFFFFE400;
	s31 =	spop (v2sf)  }
0x76: {  	[spmem:s12], [sflag:s13] =	dma.local [hbm:s31], $0x1C00  }
0x77: {  	_ =	swait.ge [sflag:s6], $0x1C00  }
0x78: {  	(v2sf) =	vpush v0, $0x8;
	[sflag:s6] =	ssyncset.done $0x0  }
0x79: {  	s19 =	rddreg [dreg:$0xa];
	[sflag:s6] =	ssyncadd.s32 $0xFFFFE400  }
0x7a: {  	[hbm:s19], [sflag:s16] =	dma.local [spmem:s5], $0x1C00  }
0x7b: {  	_ =	swait.ge [sflag:s4], $0x1C00  }
0x7c: {  	[sflag:s4] =	ssyncset.done $0x0  }
0x7d: {  	s20 =	spop (v2sf);
	[sflag:s4] =	ssyncadd.s32 $0xFFFFE400  }
0x7e: {  	[spmem:s5], [sflag:s14] =	dma.local [hbm:s20], $0x1C00  }
0x7f: {  	_ =	swait.ge [sflag:s7], $0x1C00  }
0x80: {  	(v2sf) =	vpush v0, $0x9;
	_ =	sdelay $0x1  }
0x81: {  	[sflag:s7] =	ssyncset.done $0x0  }
0x82: {  	s21 =	rddreg [dreg:$0xb];
	[sflag:s7] =	ssyncadd.s32 $0xFFFFE400  }
0x83: {  	[hbm:s21], [sflag:s15] =	dma.local [spmem:s12], $0x1C00  }
0x84: {  	_ =	swait.ge [sflag:s3], $0x1C00  }
0x85: {  	[sflag:s3] =	ssyncset.done $0x0  }
0x86: {  	[sflag:s3] =	ssyncadd.s32 $0xFFFFE400;
	s22 =	spop (v2sf)  }
0x87: {  	[spmem:s12], [sflag:s13] =	dma.local [hbm:s22], $0x1C00  }
0x88: {  	_ =	swait.ge [sflag:s6], $0x1C00  }
0x89: {  	(v2sf) =	vpush v0, $0xA;
	[sflag:s6] =	ssyncset.done $0x0  }
0x8a: {  	s23 =	rddreg [dreg:$0xc];
	[sflag:s6] =	ssyncadd.s32 $0xFFFFE400  }
0x8b: {  	[hbm:s23], [sflag:s16] =	dma.local [spmem:s5], $0x1C00  }
0x8c: {  	_ =	swait.ge [sflag:s4], $0x1C00  }
0x8d: {  	[sflag:s4] =	ssyncset.done $0x0  }
0x8e: {  	s24 =	spop (v2sf);
	[sflag:s4] =	ssyncadd.s32 $0xFFFFE400  }
0x8f: {  	[spmem:s5], [sflag:s14] =	dma.local [hbm:s24], $0x1C00  }
0x90: {  	_ =	swait.ge [sflag:s7], $0x1C00  }
0x91: {  	(v2sf) =	vpush v0, $0xB;
	_ =	sdelay $0x1  }
0x92: {  	[sflag:s7] =	ssyncset.done $0x0  }
0x93: {  	s25 =	rddreg [dreg:$0xd];
	[sflag:s7] =	ssyncadd.s32 $0xFFFFE400  }
0x94: {  	[hbm:s25], [sflag:s15] =	dma.local [spmem:s12], $0x1C00  }
0x95: {  	_ =	swait.ge [sflag:s3], $0x1C00  }
0x96: {  	[sflag:s3] =	ssyncset.done $0x0  }
0x97: {  	[sflag:s3] =	ssyncadd.s32 $0xFFFFE400;
	s26 =	spop (v2sf)  }
0x98: {  	[spmem:s12], [sflag:s13] =	dma.local [hbm:s26], $0x1C00  }
0x99: {  	_ =	swait.ge [sflag:s6], $0x1C00  }
0x9a: {  	(v2sf) =	vpush v0, $0xC;
	[sflag:s6] =	ssyncset.done $0x0  }
0x9b: {  	s28 =	rddreg [dreg:$0xe];
	[sflag:s6] =	ssyncadd.s32 $0xFFFFE400  }
0x9c: {  	[hbm:s28], [sflag:s16] =	dma.local [spmem:s5], $0x1C00  }
0x9d: {  	_ =	swait.ge [sflag:s4], $0x1C00  }
0x9e: {  	[sflag:s4] =	ssyncset.done $0x0  }
0x9f: {  	s29 =	spop (v2sf);
	[sflag:s4] =	ssyncadd.s32 $0xFFFFE400  }
0xa0: {  	[spmem:s5], [sflag:s14] =	dma.local [hbm:s29], $0x1C00  }
0xa1: {  	_ =	swait.ge [sflag:s7], $0x1C00  }
0xa2: {  	(v2sf) =	vpush v0, $0xD;
	_ =	sdelay $0x1  }
0xa3: {  	[sflag:s7] =	ssyncset.done $0x0  }
0xa4: {  	s30 =	rddreg [dreg:$0xf];
	[sflag:s7] =	ssyncadd.s32 $0xFFFFE400  }
0xa5: {  	[hbm:s30], [sflag:s15] =	dma.local [spmem:s12], $0x1C00  }
0xa6: {  	_ =	swait.ge [sflag:s3], $0x1C00  }
0xa7: {  	[sflag:s3] =	ssyncset.done $0x0  }
0xa8: {  	[sflag:s3] =	ssyncadd.s32 $0xFFFFE400;
	s31 =	spop (v2sf)  }
0xa9: {  	[spmem:s12], [sflag:s13] =	dma.local [hbm:s31], $0x1C00  }
0xaa: {  	_ =	swait.ge [sflag:s6], $0x1C00  }
0xab: {  	[sflag:s6] =	ssyncset.done $0x0  }
0xac: {  	s19 =	rddreg [dreg:$0x10];
	[sflag:s6] =	ssyncadd.s32 $0xFFFFE400  }
0xad: {  	[hbm:s19], [sflag:s16] =	dma.local [spmem:s5], $0x1C00  }
0xae: {  	_ =	swait.ge [sflag:s4], $0x1C00  }
0xaf: {  	[sflag:s4] =	ssyncset.done $0x0  }
0xb0: {  	s20 =	spop (v2sf);
	[sflag:s4] =	ssyncadd.s32 $0xFFFFE400  }
0xb1: {  	[spmem:s5], [sflag:s14] =	dma.local [hbm:s20], $0x1C00  }
0xb2: {  	_ =	swait.ge [sflag:s7], $0x1C00  }
0xb3: {  	[sflag:s7] =	ssyncset.done $0x0  }
0xb4: {  	s21 =	rddreg [dreg:$0x11];
	[sflag:s7] =	ssyncadd.s32 $0xFFFFE400  }
0xb5: {  	[hbm:s21], [sflag:s15] =	dma.local [spmem:s12], $0x1C00  }
0xb6: {  	_ =	swait.ge [sflag:s3], $0x1C00  }
0xb7: {  	[sflag:s3] =	ssyncset.done $0x0  }
0xb8: {  	[sflag:s3] =	ssyncadd.s32 $0xFFFFE400  }
0xb9: {  	v59 =	vld [tilespmem:$0x0];
	_ =	sdelay $0x4  }
0xba: {  	v0 =	vmul.u32 $0xE000, v59;
	_ =	sdelay $0x1  }
0xbb: {  	v0 =	vshrl.u32 v0, $0x3  }
0xbc: {  	v0 =	vadd.s32 s2, v0  }
0xbd: {  	(v2sf) =	vpush v0, $0xE;
	_ =	sdelay $0x7  }
0xbe: {  	(v2sf) =	vpush v0, $0xF;
	_ =	sdelay $0x6  }
0xbf: {  	s22 =	spop (v2sf)  }
0xc0: {  	[spmem:s12], [sflag:s13] =	dma.local [hbm:s22], $0x1C00  }
0xc1: {  	_ =	swait.ge [sflag:s6], $0x1C00  }
0xc2: {  	[sflag:s6] =	ssyncset.done $0x0  }
0xc3: {  	s23 =	rddreg [dreg:$0x12];
	[sflag:s6] =	ssyncadd.s32 $0xFFFFE400  }
0xc4: {  	[hbm:s23], [sflag:s16] =	dma.local [spmem:s5], $0x1C00  }
0xc5: {  	_ =	swait.ge [sflag:s4], $0x1C00  }
0xc6: {  	[sflag:s4] =	ssyncset.done $0x0  }
0xc7: {  	s24 =	spop (v2sf);
	[sflag:s4] =	ssyncadd.s32 $0xFFFFE400  }
0xc8: {  	[spmem:s5], [sflag:s14] =	dma.local [hbm:s24], $0x1C00  }
0xc9: {  	_ =	swait.ge [sflag:s7], $0x1C00  }
0xca: {  	[sflag:s7] =	ssyncset.done $0x0  }
0xcb: {  	s25 =	rddreg [dreg:$0x13];
	[sflag:s7] =	ssyncadd.s32 $0xFFFFE400  }
0xcc: {  	[hbm:s25], [sflag:s15] =	dma.local [spmem:s12], $0x1C00  }
0xcd: {  	_ =	swait.ge [sflag:s3], $0x1C00  }
0xce: {  	[sflag:s3] =	ssyncset.done $0x0  }
0xcf: {  	[sflag:s3] =	ssyncadd.s32 $0xFFFFE400  }
0xd0: {  	v60 =	vld [tilespmem:$0x10];
	_ =	sdelay $0x4  }
0xd1: {  	v0 =	vmul.u32 $0xE000, v60;
	_ =	sdelay $0x1  }
0xd2: {  	v0 =	vshrl.u32 v0, $0x3  }
0xd3: {  	v0 =	vadd.s32 s2, v0  }
0xd4: {  	(v2sf) =	vpush v0, $0x0;
	_ =	sdelay $0x9  }
0xd5: {  	(v2sf) =	vpush v0, $0x1;
	_ =	sdelay $0x4  }
0xd6: {  	s26 =	spop (v2sf)  }
0xd7: {  	[spmem:s12], [sflag:s13] =	dma.local [hbm:s26], $0x1C00  }
0xd8: {  	_ =	swait.ge [sflag:s6], $0x1C00  }
0xd9: {  	(v2sf) =	vpush v0, $0x2;
	_ =	sdelay $0x1  }
0xda: {  	[sflag:s6] =	ssyncset.done $0x0  }
0xdb: {  	s28 =	rddreg [dreg:$0x14];
	[sflag:s6] =	ssyncadd.s32 $0xFFFFE400  }
0xdc: {  	[hbm:s28], [sflag:s16] =	dma.local [spmem:s5], $0x1C00  }
0xdd: {  	_ =	swait.ge [sflag:s4], $0x1C00  }
0xde: {  	[sflag:s4] =	ssyncset.done $0x0  }
0xdf: {  	s29 =	spop (v2sf);
	[sflag:s4] =	ssyncadd.s32 $0xFFFFE400  }
0xe0: {  	[spmem:s5], [sflag:s14] =	dma.local [hbm:s29], $0x1C00  }
0xe1: {  	_ =	swait.ge [sflag:s7], $0x1C00  }
0xe2: {  	(v2sf) =	vpush v0, $0x3;
	[sflag:s7] =	ssyncset.done $0x0  }
0xe3: {  	s30 =	rddreg [dreg:$0x15];
	[sflag:s7] =	ssyncadd.s32 $0xFFFFE400  }
0xe4: {  	[hbm:s30], [sflag:s15] =	dma.local [spmem:s12], $0x1C00  }
0xe5: {  	_ =	swait.ge [sflag:s3], $0x1C00  }
0xe6: {  	[sflag:s3] =	ssyncset.done $0x0  }
0xe7: {  	[sflag:s3] =	ssyncadd.s32 $0xFFFFE400;
	s31 =	spop (v2sf)  }
0xe8: {  	[spmem:s12], [sflag:s13] =	dma.local [hbm:s31], $0x1C00  }
0xe9: {  	_ =	swait.ge [sflag:s6], $0x1C00  }
0xea: {  	(v2sf) =	vpush v0, $0x4;
	_ =	sdelay $0x1  }
0xeb: {  	[sflag:s6] =	ssyncset.done $0x0  }
0xec: {  	s19 =	rddreg [dreg:$0x16];
	[sflag:s6] =	ssyncadd.s32 $0xFFFFE400  }
0xed: {  	[hbm:s19], [sflag:s16] =	dma.local [spmem:s5], $0x1C00  }
0xee: {  	_ =	swait.ge [sflag:s4], $0x1C00  }
0xef: {  	[sflag:s4] =	ssyncset.done $0x0  }
0xf0: {  	s20 =	spop (v2sf);
	[sflag:s4] =	ssyncadd.s32 $0xFFFFE400  }
0xf1: {  	[spmem:s5], [sflag:s14] =	dma.local [hbm:s20], $0x1C00  }
0xf2: {  	_ =	swait.ge [sflag:s7], $0x1C00  }
0xf3: {  	(v2sf) =	vpush v0, $0x5;
	[sflag:s7] =	ssyncset.done $0x0  }
0xf4: {  	s21 =	rddreg [dreg:$0x17];
	[sflag:s7] =	ssyncadd.s32 $0xFFFFE400  }
0xf5: {  	[hbm:s21], [sflag:s15] =	dma.local [spmem:s12], $0x1C00  }
0xf6: {  	_ =	swait.ge [sflag:s3], $0x1C00  }
0xf7: {  	[sflag:s3] =	ssyncset.done $0x0  }
0xf8: {  	[sflag:s3] =	ssyncadd.s32 $0xFFFFE400;
	s22 =	spop (v2sf)  }
0xf9: {  	[spmem:s12], [sflag:s13] =	dma.local [hbm:s22], $0x1C00  }
0xfa: {  	_ =	swait.ge [sflag:s6], $0x1C00  }
0xfb: {  	(v2sf) =	vpush v0, $0x6;
	_ =	sdelay $0x1  }
0xfc: {  	[sflag:s6] =	ssyncset.done $0x0  }
0xfd: {  	s23 =	rddreg [dreg:$0x18];
	[sflag:s6] =	ssyncadd.s32 $0xFFFFE400  }
0xfe: {  	[hbm:s23], [sflag:s16] =	dma.local [spmem:s5], $0x1C00  }
0xff: {  	_ =	swait.ge [sflag:s4], $0x1C00  }
0x100: {  	[sflag:s4] =	ssyncset.done $0x0  }
0x101: {  	s24 =	spop (v2sf);
	[sflag:s4] =	ssyncadd.s32 $0xFFFFE400  }
0x102: {  	[spmem:s5], [sflag:s14] =	dma.local [hbm:s24], $0x1C00  }
0x103: {  	_ =	swait.ge [sflag:s7], $0x1C00  }
0x104: {  	(v2sf) =	vpush v0, $0x7;
	[sflag:s7] =	ssyncset.done $0x0  }
0x105: {  	s25 =	rddreg [dreg:$0x19];
	[sflag:s7] =	ssyncadd.s32 $0xFFFFE400  }
0x106: {  	[hbm:s25], [sflag:s15] =	dma.local [spmem:s12], $0x1C00  }
0x107: {  	_ =	swait.ge [sflag:s3], $0x1C00  }
0x108: {  	[sflag:s3] =	ssyncset.done $0x0  }
0x109: {  	[sflag:s3] =	ssyncadd.s32 $0xFFFFE400;
	s26 =	spop (v2sf)  }
0x10a: {  	[spmem:s12], [sflag:s13] =	dma.local [hbm:s26], $0x1C00  }
0x10b: {  	_ =	swait.ge [sflag:s6], $0x1C00  }
0x10c: {  	(v2sf) =	vpush v0, $0x8;
	_ =	sdelay $0x1  }
0x10d: {  	[sflag:s6] =	ssyncset.done $0x0  }
0x10e: {  	s28 =	rddreg [dreg:$0x1a];
	[sflag:s6] =	ssyncadd.s32 $0xFFFFE400  }
0x10f: {  	[hbm:s28], [sflag:s16] =	dma.local [spmem:s5], $0x1C00  }
0x110: {  	_ =	swait.ge [sflag:s4], $0x1C00  }
0x111: {  	[sflag:s4] =	ssyncset.done $0x0  }
0x112: {  	s29 =	spop (v2sf);
	[sflag:s4] =	ssyncadd.s32 $0xFFFFE400  }
0x113: {  	[spmem:s5], [sflag:s14] =	dma.local [hbm:s29], $0x1C00  }
0x114: {  	_ =	swait.ge [sflag:s7], $0x1C00  }
0x115: {  	(v2sf) =	vpush v0, $0x9;
	[sflag:s7] =	ssyncset.done $0x0  }
0x116: {  	s30 =	rddreg [dreg:$0x1b];
	[sflag:s7] =	ssyncadd.s32 $0xFFFFE400  }
0x117: {  	[hbm:s30], [sflag:s15] =	dma.local [spmem:s12], $0x1C00  }
0x118: {  	_ =	swait.ge [sflag:s3], $0x1C00  }
0x119: {  	[sflag:s3] =	ssyncset.done $0x0  }
0x11a: {  	[sflag:s3] =	ssyncadd.s32 $0xFFFFE400;
	s31 =	spop (v2sf)  }
0x11b: {  	[spmem:s12], [sflag:s13] =	dma.local [hbm:s31], $0x1C00  }
0x11c: {  	_ =	swait.ge [sflag:s6], $0x1C00  }
0x11d: {  	(v2sf) =	vpush v0, $0xA;
	_ =	sdelay $0x1  }
0x11e: {  	[sflag:s6] =	ssyncset.done $0x0  }
0x11f: {  	s19 =	rddreg [dreg:$0x1c];
	[sflag:s6] =	ssyncadd.s32 $0xFFFFE400  }
0x120: {  	[hbm:s19], [sflag:s16] =	dma.local [spmem:s5], $0x1C00  }
0x121: {  	_ =	swait.ge [sflag:s4], $0x1C00  }
0x122: {  	[sflag:s4] =	ssyncset.done $0x0  }
0x123: {  	s20 =	spop (v2sf);
	[sflag:s4] =	ssyncadd.s32 $0xFFFFE400  }
0x124: {  	[spmem:s5], [sflag:s14] =	dma.local [hbm:s20], $0x1C00  }
0x125: {  	_ =	swait.ge [sflag:s7], $0x1C00  }
0x126: {  	(v2sf) =	vpush v0, $0xB;
	[sflag:s7] =	ssyncset.done $0x0  }
0x127: {  	s21 =	rddreg [dreg:$0x1d];
	[sflag:s7] =	ssyncadd.s32 $0xFFFFE400  }
0x128: {  	[hbm:s21], [sflag:s15] =	dma.local [spmem:s12], $0x1C00  }
0x129: {  	_ =	swait.ge [sflag:s3], $0x1C00  }
0x12a: {  	[sflag:s3] =	ssyncset.done $0x0  }
0x12b: {  	[sflag:s3] =	ssyncadd.s32 $0xFFFFE400;
	s22 =	spop (v2sf)  }
0x12c: {  	[spmem:s12], [sflag:s13] =	dma.local [hbm:s22], $0x1C00  }
0x12d: {  	_ =	swait.ge [sflag:s6], $0x1C00  }
0x12e: {  	(v2sf) =	vpush v0, $0xC;
	_ =	sdelay $0x1  }
0x12f: {  	[sflag:s6] =	ssyncset.done $0x0  }
0x130: {  	s23 =	rddreg [dreg:$0x1e];
	[sflag:s6] =	ssyncadd.s32 $0xFFFFE400  }
0x131: {  	[hbm:s23], [sflag:s16] =	dma.local [spmem:s5], $0x1C00  }
0x132: {  	_ =	swait.ge [sflag:s4], $0x1C00  }
0x133: {  	[sflag:s4] =	ssyncset.done $0x0  }
0x134: {  	s24 =	spop (v2sf);
	[sflag:s4] =	ssyncadd.s32 $0xFFFFE400  }
0x135: {  	[spmem:s5], [sflag:s14] =	dma.local [hbm:s24], $0x1C00  }
0x136: {  	_ =	swait.ge [sflag:s7], $0x1C00  }
0x137: {  	[sflag:s7] =	ssyncset.done $0x0  }
0x138: {  	s25 =	rddreg [dreg:$0x1f];
	[sflag:s7] =	ssyncadd.s32 $0xFFFFE400  }
0x139: {  	[hbm:s25], [sflag:s15] =	dma.local [spmem:s12], $0x1C00  }
0x13a: {  	_ =	swait.ge [sflag:s3], $0x1C00  }
0x13b: {  	[sflag:s3] =	ssyncset.done $0x0  }
0x13c: {  	[sflag:s3] =	ssyncadd.s32 $0xFFFFE400;
	s26 =	spop (v2sf)  }
0x13d: {  	[spmem:s12], [sflag:s13] =	dma.local [hbm:s26], $0x1C00  }
0x13e: {  	_ =	swait.ge [sflag:s6], $0x1C00  }
0x13f: {  	s28 =	sld [smem:$0x7E9]  }
0x140: {  	[sflag:s6] =	ssyncset.done $0x0  }
0x141: {  	[sflag:s6] =	ssyncadd.s32 $0xFFFFE400  }
0x142: {  	[hbm:s28], [sflag:s16] =	dma.local [spmem:s5], $0x1C00  }
0x143: {  	_ =	swait.ge [sflag:s4], $0x1C00  }
0x144: {  	[sflag:s4] =	ssyncset.done $0x0  }
0x145: {  	[sflag:s4] =	ssyncadd.s32 $0xFFFFE400  }
0x146: {  	v61 =	vld [tilespmem:$0x10];
	_ =	sdelay $0x4  }
0x147: {  	v0 =	vmul.u32 $0xE000, v61;
	_ =	sdelay $0x1  }
0x148: {  	v0 =	vshrl.u32 v0, $0x3  }
0x149: {  	v0 =	vadd.s32 s2, v0  }
0x14a: {  	(v2sf) =	vpush v0, $0xD;
	_ =	sdelay $0x8  }
0x14b: {  	(v2sf) =	vpush v0, $0xE;
	_ =	sdelay $0x5  }
0x14c: {  	s29 =	spop (v2sf)  }
0x14d: {  	[spmem:s5], [sflag:s14] =	dma.local [hbm:s29], $0x1C00  }
0x14e: {  	_ =	swait.ge [sflag:s7], $0x1C00  }
0x14f: {  	(v2sf) =	vpush v0, $0xF;
	s30 =	sld [smem:$0x7EA]  }
0x150: {  	[sflag:s7] =	ssyncset.done $0x0  }
0x151: {  	[sflag:s7] =	ssyncadd.s32 $0xFFFFE400  }
0x152: {  	[hbm:s30], [sflag:s15] =	dma.local [spmem:s12], $0x1C00  }
0x153: {  	_ =	swait.ge [sflag:s3], $0x1C00  }
0x154: {  	[sflag:s3] =	ssyncset.done $0x0  }
0x155: {  	s31 =	spop (v2sf);
	[sflag:s3] =	ssyncadd.s32 $0xFFFFE400  }
0x156: {  	[spmem:s12], [sflag:s13] =	dma.local [hbm:s31], $0x1C00  }
0x157: {  	_ =	swait.ge [sflag:s6], $0x1C00  }
0x158: {  	s19 =	sld [smem:$0x7EB]  }
0x159: {  	[sflag:s6] =	ssyncset.done $0x0  }
0x15a: {  	[sflag:s6] =	ssyncadd.s32 $0xFFFFE400  }
0x15b: {  	[hbm:s19], [sflag:s16] =	dma.local [spmem:s5], $0x1C00  }
0x15c: {  	_ =	swait.ge [sflag:s4], $0x1C00  }
0x15d: {  	[sflag:s4] =	ssyncset.done $0x0  }
0x15e: {  	s20 =	spop (v2sf);
	[sflag:s4] =	ssyncadd.s32 $0xFFFFE400  }
0x15f: {  	[spmem:s5], [sflag:s14] =	dma.local [hbm:s20], $0x1C00  }
0x160: {  	_ =	swait.ge [sflag:s7], $0x1C00  }
0x161: {  	s21 =	sld [smem:$0x7EC]  }
0x162: {  	[sflag:s7] =	ssyncset.done $0x0  }
0x163: {  	[sflag:s7] =	ssyncadd.s32 $0xFFFFE400  }
0x164: {  	[hbm:s21], [sflag:s15] =	dma.local [spmem:s12], $0x1C00  }
0x165: {  	_ =	swait.ge [sflag:s3], $0x1C00  }
0x166: {  	[sflag:s3] =	ssyncset.done $0x0  }
0x167: {  	[sflag:s3] =	ssyncadd.s32 $0xFFFFE400  }
0x168: {  	v62 =	vld [tilespmem:$0x20];
	_ =	sdelay $0x4  }
0x169: {  	v0 =	vmul.u32 $0xE000, v62;
	_ =	sdelay $0x1  }
0x16a: {  	v0 =	vshrl.u32 v0, $0x3  }
0x16b: {  	v0 =	vadd.s32 s2, v0  }
0x16c: {  	(v2sf) =	vpush v0, $0x0;
	_ =	sdelay $0x8  }
0x16d: {  	(v2sf) =	vpush v0, $0x1;
	_ =	sdelay $0x5  }
0x16e: {  	s22 =	spop (v2sf)  }
0x16f: {  	[spmem:s12], [sflag:s13] =	dma.local [hbm:s22], $0x1C00  }
0x170: {  	_ =	swait.ge [sflag:s6], $0x1C00  }
0x171: {  	(v2sf) =	vpush v0, $0x2;
	s23 =	sld [smem:$0x7ED]  }
0x172: {  	[sflag:s6] =	ssyncset.done $0x0  }
0x173: {  	[sflag:s6] =	ssyncadd.s32 $0xFFFFE400  }
0x174: {  	[hbm:s23], [sflag:s16] =	dma.local [spmem:s5], $0x1C00  }
0x175: {  	_ =	swait.ge [sflag:s4], $0x1C00  }
0x176: {  	[sflag:s4] =	ssyncset.done $0x0  }
0x177: {  	s24 =	spop (v2sf);
	[sflag:s4] =	ssyncadd.s32 $0xFFFFE400  }
0x178: {  	[spmem:s5], [sflag:s14] =	dma.local [hbm:s24], $0x1C00  }
0x179: {  	_ =	swait.ge [sflag:s7], $0x1C00  }
0x17a: {  	(v2sf) =	vpush v0, $0x3;
	s25 =	sld [smem:$0x7EE]  }
0x17b: {  	[sflag:s7] =	ssyncset.done $0x0  }
0x17c: {  	[sflag:s7] =	ssyncadd.s32 $0xFFFFE400  }
0x17d: {  	[hbm:s25], [sflag:s15] =	dma.local [spmem:s12], $0x1C00  }
0x17e: {  	_ =	swait.ge [sflag:s3], $0x1C00  }
0x17f: {  	[sflag:s3] =	ssyncset.done $0x0  }
0x180: {  	s26 =	spop (v2sf);
	[sflag:s3] =	ssyncadd.s32 $0xFFFFE400  }
0x181: {  	[spmem:s12], [sflag:s13] =	dma.local [hbm:s26], $0x1C00  }
0x182: {  	_ =	swait.ge [sflag:s6], $0x1C00  }
0x183: {  	(v2sf) =	vpush v0, $0x4;
	s28 =	sld [smem:$0x7EF]  }
0x184: {  	[sflag:s6] =	ssyncset.done $0x0  }
0x185: {  	[sflag:s6] =	ssyncadd.s32 $0xFFFFE400  }
0x186: {  	[hbm:s28], [sflag:s16] =	dma.local [spmem:s5], $0x1C00  }
0x187: {  	_ =	swait.ge [sflag:s4], $0x1C00  }
0x188: {  	[sflag:s4] =	ssyncset.done $0x0  }
0x189: {  	s29 =	spop (v2sf);
	[sflag:s4] =	ssyncadd.s32 $0xFFFFE400  }
0x18a: {  	[spmem:s5], [sflag:s14] =	dma.local [hbm:s29], $0x1C00  }
0x18b: {  	_ =	swait.ge [sflag:s7], $0x1C00  }
0x18c: {  	(v2sf) =	vpush v0, $0x5;
	s30 =	sld [smem:$0x7F0]  }
0x18d: {  	[sflag:s7] =	ssyncset.done $0x0  }
0x18e: {  	[sflag:s7] =	ssyncadd.s32 $0xFFFFE400  }
0x18f: {  	[hbm:s30], [sflag:s15] =	dma.local [spmem:s12], $0x1C00  }
0x190: {  	_ =	swait.ge [sflag:s3], $0x1C00  }
0x191: {  	[sflag:s3] =	ssyncset.done $0x0  }
0x192: {  	s31 =	spop (v2sf);
	[sflag:s3] =	ssyncadd.s32 $0xFFFFE400  }
0x193: {  	[spmem:s12], [sflag:s13] =	dma.local [hbm:s31], $0x1C00  }
0x194: {  	_ =	swait.ge [sflag:s6], $0x1C00  }
0x195: {  	(v2sf) =	vpush v0, $0x6;
	s19 =	sld [smem:$0x7F1]  }
0x196: {  	[sflag:s6] =	ssyncset.done $0x0  }
0x197: {  	[sflag:s6] =	ssyncadd.s32 $0xFFFFE400  }
0x198: {  	[hbm:s19], [sflag:s16] =	dma.local [spmem:s5], $0x1C00  }
0x199: {  	_ =	swait.ge [sflag:s4], $0x1C00  }
0x19a: {  	[sflag:s4] =	ssyncset.done $0x0  }
0x19b: {  	s20 =	spop (v2sf);
	[sflag:s4] =	ssyncadd.s32 $0xFFFFE400  }
0x19c: {  	[spmem:s5], [sflag:s14] =	dma.local [hbm:s20], $0x1C00  }
0x19d: {  	_ =	swait.ge [sflag:s7], $0x1C00  }
0x19e: {  	(v2sf) =	vpush v0, $0x7;
	s21 =	sld [smem:$0x7F2]  }
0x19f: {  	[sflag:s7] =	ssyncset.done $0x0  }
0x1a0: {  	[sflag:s7] =	ssyncadd.s32 $0xFFFFE400  }
0x1a1: {  	[hbm:s21], [sflag:s15] =	dma.local [spmem:s12], $0x1C00  }
0x1a2: {  	_ =	swait.ge [sflag:s3], $0x1C00  }
0x1a3: {  	[sflag:s3] =	ssyncset.done $0x0  }
0x1a4: {  	s22 =	spop (v2sf);
	[sflag:s3] =	ssyncadd.s32 $0xFFFFE400  }
0x1a5: {  	[spmem:s12], [sflag:s13] =	dma.local [hbm:s22], $0x1C00  }
0x1a6: {  	_ =	swait.ge [sflag:s6], $0x1C00  }
0x1a7: {  	(v2sf) =	vpush v0, $0x8;
	s23 =	sld [smem:$0x7F3]  }
0x1a8: {  	[sflag:s6] =	ssyncset.done $0x0  }
0x1a9: {  	[sflag:s6] =	ssyncadd.s32 $0xFFFFE400  }
0x1aa: {  	[hbm:s23], [sflag:s16] =	dma.local [spmem:s5], $0x1C00  }
0x1ab: {  	_ =	swait.ge [sflag:s4], $0x1C00  }
0x1ac: {  	[sflag:s4] =	ssyncset.done $0x0  }
0x1ad: {  	s24 =	spop (v2sf);
	[sflag:s4] =	ssyncadd.s32 $0xFFFFE400  }
0x1ae: {  	[spmem:s5], [sflag:s14] =	dma.local [hbm:s24], $0x1C00  }
0x1af: {  	_ =	swait.ge [sflag:s7], $0x1C00  }
0x1b0: {  	(v2sf) =	vpush v0, $0x9;
	s25 =	sld [smem:$0x7F4]  }
0x1b1: {  	[sflag:s7] =	ssyncset.done $0x0  }
0x1b2: {  	[sflag:s7] =	ssyncadd.s32 $0xFFFFE400  }
0x1b3: {  	[hbm:s25], [sflag:s15] =	dma.local [spmem:s12], $0x1C00  }
0x1b4: {  	_ =	swait.ge [sflag:s3], $0x1C00  }
0x1b5: {  	[sflag:s3] =	ssyncset.done $0x0  }
0x1b6: {  	s26 =	spop (v2sf);
	[sflag:s3] =	ssyncadd.s32 $0xFFFFE400  }
0x1b7: {  	[spmem:s12], [sflag:s13] =	dma.local [hbm:s26], $0x1C00  }
0x1b8: {  	_ =	swait.ge [sflag:s6], $0x1C00  }
0x1b9: {  	(v2sf) =	vpush v0, $0xA;
	s28 =	sld [smem:$0x7F5]  }
0x1ba: {  	[sflag:s6] =	ssyncset.done $0x0  }
0x1bb: {  	[sflag:s6] =	ssyncadd.s32 $0xFFFFE400  }
0x1bc: {  	[hbm:s28], [sflag:s16] =	dma.local [spmem:s5], $0x1C00  }
0x1bd: {  	_ =	swait.ge [sflag:s4], $0x1C00  }
0x1be: {  	[sflag:s4] =	ssyncset.done $0x0  }
0x1bf: {  	s29 =	spop (v2sf);
	[sflag:s4] =	ssyncadd.s32 $0xFFFFE400  }
0x1c0: {  	[spmem:s5], [sflag:s14] =	dma.local [hbm:s29], $0x1C00  }
0x1c1: {  	_ =	swait.ge [sflag:s7], $0x1C00  }
0x1c2: {  	(v2sf) =	vpush v0, $0xB;
	s30 =	sld [smem:$0x7F6]  }
0x1c3: {  	[sflag:s7] =	ssyncset.done $0x0  }
0x1c4: {  	[sflag:s7] =	ssyncadd.s32 $0xFFFFE400  }
0x1c5: {  	[hbm:s30], [sflag:s15] =	dma.local [spmem:s12], $0x1C00  }
0x1c6: {  	_ =	swait.ge [sflag:s3], $0x1C00  }
0x1c7: {  	[sflag:s3] =	ssyncset.done $0x0  }
0x1c8: {  	s31 =	spop (v2sf);
	[sflag:s3] =	ssyncadd.s32 $0xFFFFE400  }
0x1c9: {  	[spmem:s12], [sflag:s13] =	dma.local [hbm:s31], $0x1C00  }
0x1ca: {  	_ =	swait.ge [sflag:s6], $0x1C00  }
0x1cb: {  	(v2sf) =	vpush v0, $0xC;
	s19 =	sld [smem:$0x7F7]  }
0x1cc: {  	[sflag:s6] =	ssyncset.done $0x0  }
0x1cd: {  	[sflag:s6] =	ssyncadd.s32 $0xFFFFE400  }
0x1ce: {  	[hbm:s19], [sflag:s16] =	dma.local [spmem:s5], $0x1C00  }
0x1cf: {  	_ =	swait.ge [sflag:s4], $0x1C00  }
0x1d0: {  	[sflag:s4] =	ssyncset.done $0x0  }
0x1d1: {  	s20 =	spop (v2sf);
	[sflag:s4] =	ssyncadd.s32 $0xFFFFE400  }
0x1d2: {  	[spmem:s5], [sflag:s14] =	dma.local [hbm:s20], $0x1C00  }
0x1d3: {  	_ =	swait.ge [sflag:s7], $0x1C00  }
0x1d4: {  	s21 =	sld [smem:$0x7F8]  }
0x1d5: {  	[sflag:s7] =	ssyncset.done $0x0  }
0x1d6: {  	[sflag:s7] =	ssyncadd.s32 $0xFFFFE400  }
0x1d7: {  	[hbm:s21], [sflag:s15] =	dma.local [spmem:s12], $0x1C00  }
0x1d8: {  	_ =	swait.ge [sflag:s3], $0x1C00  }
0x1d9: {  	[sflag:s3] =	ssyncset.done $0x0  }
0x1da: {  	s22 =	spop (v2sf);
	[sflag:s3] =	ssyncadd.s32 $0xFFFFE400  }
0x1db: {  	[spmem:s12], [sflag:s13] =	dma.local [hbm:s22], $0x1C00  }
0x1dc: {  	_ =	swait.ge [sflag:s6], $0x1C00  }
0x1dd: {  	s23 =	sld [smem:$0x7F9]  }
0x1de: {  	[sflag:s6] =	ssyncset.done $0x0  }
0x1df: {  	[sflag:s6] =	ssyncadd.s32 $0xFFFFE400  }
0x1e0: {  	[hbm:s23], [sflag:s16] =	dma.local [spmem:s5], $0x1C00  }
0x1e1: {  	_ =	swait.ge [sflag:s4], $0x1C00  }
0x1e2: {  	[sflag:s4] =	ssyncset.done $0x0  }
0x1e3: {  	[sflag:s4] =	ssyncadd.s32 $0xFFFFE400  }
0x1e4: {  	v63 =	vld [tilespmem:$0x20];
	_ =	sdelay $0x4  }
0x1e5: {  	v0 =	vmul.u32 $0xE000, v63;
	_ =	sdelay $0x1  }
0x1e6: {  	v0 =	vshrl.u32 v0, $0x3  }
0x1e7: {  	v0 =	vadd.s32 s2, v0  }
0x1e8: {  	(v2sf) =	vpush v0, $0xD;
	_ =	sdelay $0x8  }
0x1e9: {  	(v2sf) =	vpush v0, $0xE;
	_ =	sdelay $0x5  }
0x1ea: {  	s24 =	spop (v2sf)  }
0x1eb: {  	[spmem:s5], [sflag:s14] =	dma.local [hbm:s24], $0x1C00  }
0x1ec: {  	_ =	swait.ge [sflag:s7], $0x1C00  }
0x1ed: {  	(v2sf) =	vpush v0, $0xF;
	s25 =	sld [smem:$0x7FA]  }
0x1ee: {  	[sflag:s7] =	ssyncset.done $0x0  }
0x1ef: {  	[sflag:s7] =	ssyncadd.s32 $0xFFFFE400  }
0x1f0: {  	[hbm:s25], [sflag:s15] =	dma.local [spmem:s12], $0x1C00  }
0x1f1: {  	_ =	swait.ge [sflag:s3], $0x1C00  }
0x1f2: {  	[sflag:s3] =	ssyncset.done $0x0  }
0x1f3: {  	s26 =	spop (v2sf);
	[sflag:s3] =	ssyncadd.s32 $0xFFFFE400  }
0x1f4: {  	[spmem:s12], [sflag:s13] =	dma.local [hbm:s26], $0x1C00  }
0x1f5: {  	_ =	swait.ge [sflag:s6], $0x1C00  }
0x1f6: {  	s28 =	sld [smem:$0x7FB]  }
0x1f7: {  	[sflag:s6] =	ssyncset.done $0x0  }
0x1f8: {  	[sflag:s6] =	ssyncadd.s32 $0xFFFFE400  }
0x1f9: {  	[hbm:s28], [sflag:s16] =	dma.local [spmem:s5], $0x1C00  }
0x1fa: {  	_ =	swait.ge [sflag:s4], $0x1C00  }
0x1fb: {  	[sflag:s4] =	ssyncset.done $0x0  }
0x1fc: {  	s29 =	spop (v2sf);
	[sflag:s4] =	ssyncadd.s32 $0xFFFFE400  }
0x1fd: {  	[spmem:s5], [sflag:s14] =	dma.local [hbm:s29], $0x1C00  }
0x1fe: {  	_ =	swait.ge [sflag:s7], $0x1C00  }
0x1ff: {  	s30 =	sld [smem:$0x7FC]  }
0x200: {  	[sflag:s7] =	ssyncset.done $0x0  }
0x201: {  	[sflag:s7] =	ssyncadd.s32 $0xFFFFE400  }
0x202: {  	[hbm:s30], [sflag:s15] =	dma.local [spmem:s12], $0x1C00  }
0x203: {  	_ =	swait.ge [sflag:s6], $0x1C00  }
0x204: {  	s31 =	sld [smem:$0x7FD]  }
0x205: {  	[sflag:s6] =	ssyncset.done $0x0  }
0x206: {  	p1 =	sne.s32 s17, $0x1;
	[sflag:s6] =	ssyncadd.s32 $0xFFFFE400  }
0x207: {  	[hbm:s31], [sflag:s16] =	dma.local [spmem:s5], $0x1C00  }
.Ltmp1:
0x208: {  	_ = 	snop;
	(pc) =	sbr.rel @!p1 .LBB2_3-.Ltmp1, $4  }
0x209: {  	_ =	swait.ge [sflag:s3], $0x1C00  }
0x20a: {  	[sflag:s3] =	ssyncset.done $0x0  }
0x20b: {  	[sflag:s3] =	ssyncadd.s32 $0xFFFFE400  }
0x20c: {  	s17 =	sadd.s32 $0xFFFFFFFF, s17;
	p0 =	por $0x1, $0x1;
	_ =	swait.ge [sflag:s4], $0x1C00  }
.LBB2_2:
0x20d: {  	[sflag:s4] =	ssyncset.done $0x0  }
0x20e: {  	s18 =	rddreg [dreg:$0x5];
	[sflag:s4] =	ssyncadd.s32 $0xFFFFE400  }
0x20f: {  	[tilespmem:s9], [sflag:$0x5] =	stream.linear.gather [hbm4b:s18+s9], $0x30, $0x38;
	[tilespmem:$0x18880] =	vst v63  }
0x210: {  	_ =	swait.ge [sflag:s11], $0x30  }
0x211: {  	[sflag:s11] =	ssyncset.done $0x0  }
0x212: {  	[sflag:s11] =	ssyncadd.s32 $0xFFFFFFD0  }
0x213: {  	v0 =	vld [tilespmem:$0x0];
	_ =	sdelay $0x4  }
0x214: {  	v0 =	vmul.u32 $0xE000, v0;
	_ =	sdelay $0x1  }
0x215: {  	v0 =	vshrl.u32 v0, $0x3  }
0x216: {  	v0 =	vadd.s32 s2, v0  }
0x217: {  	(v2sf) =	vpush v0, $0x0;
	_ =	sdelay $0x1  }
0x218: {  	(v2sf) =	vpush v0, $0x1;
	_ =	sdelay $0x8  }
0x219: {  	(v2sf) =	vpush v0, $0x2;
	_ =	sdelay $0x3  }
0x21a: {  	s21 =	spop (v2sf)  }
0x21b: {  	[spmem:s12], [sflag:s13] =	dma.local [hbm:s21], $0x1C00  }
0x21c: {  	s18 =	spop (v2sf)  }
0x21d: {  	[spmem:s5], [sflag:s14] =	dma.local [hbm:s18], $0x1C00  }
0x21e: {  	(v2sf) =	vpush v0, $0x3  }
0x21f: {  	_ =	swait.ge [sflag:s7], $0x1C00  }
0x220: {  	[sflag:s7] =	ssyncset.done $0x0  }
0x221: {  	[sflag:s7] =	ssyncadd.s32 $0xFFFFE400  }
0x222: {  	[hbm:s8], [sflag:s15] =	dma.local [spmem:s12], $0x1C00  }
0x223: {  	_ =	swait.ge [sflag:s3], $0x1C00  }
0x224: {  	[sflag:s3] =	ssyncset.done $0x0  }
0x225: {  	s22 =	spop (v2sf);
	[sflag:s3] =	ssyncadd.s32 $0xFFFFE400  }
0x226: {  	[spmem:s12], [sflag:s13] =	dma.local [hbm:s22], $0x1C00  }
0x227: {  	_ =	swait.ge [sflag:s6], $0x1C00  }
0x228: {  	(v2sf) =	vpush v0, $0x4;
	[sflag:s6] =	ssyncset.done $0x0  }
0x229: {  	s23 =	rddreg [dreg:$0x6];
	[sflag:s6] =	ssyncadd.s32 $0xFFFFE400  }
0x22a: {  	[hbm:s23], [sflag:s16] =	dma.local [spmem:s5], $0x1C00  }
0x22b: {  	_ =	swait.ge [sflag:s4], $0x1C00  }
0x22c: {  	[sflag:s4] =	ssyncset.done $0x0  }
0x22d: {  	s24 =	spop (v2sf);
	[sflag:s4] =	ssyncadd.s32 $0xFFFFE400  }
0x22e: {  	[spmem:s5], [sflag:s14] =	dma.local [hbm:s24], $0x1C00  }
0x22f: {  	_ =	swait.ge [sflag:s7], $0x1C00  }
0x230: {  	(v2sf) =	vpush v0, $0x5;
	_ =	sdelay $0x1  }
0x231: {  	[sflag:s7] =	ssyncset.done $0x0  }
0x232: {  	s25 =	rddreg [dreg:$0x7];
	[sflag:s7] =	ssyncadd.s32 $0xFFFFE400  }
0x233: {  	[hbm:s25], [sflag:s15] =	dma.local [spmem:s12], $0x1C00  }
0x234: {  	_ =	swait.ge [sflag:s3], $0x1C00  }
0x235: {  	[sflag:s3] =	ssyncset.done $0x0  }
0x236: {  	[sflag:s3] =	ssyncadd.s32 $0xFFFFE400;
	s26 =	spop (v2sf)  }
0x237: {  	[spmem:s12], [sflag:s13] =	dma.local [hbm:s26], $0x1C00  }
0x238: {  	_ =	swait.ge [sflag:s6], $0x1C00  }
0x239: {  	(v2sf) =	vpush v0, $0x6;
	[sflag:s6] =	ssyncset.done $0x0  }
0x23a: {  	s28 =	rddreg [dreg:$0x8];
	[sflag:s6] =	ssyncadd.s32 $0xFFFFE400  }
0x23b: {  	[hbm:s28], [sflag:s16] =	dma.local [spmem:s5], $0x1C00  }
0x23c: {  	_ =	swait.ge [sflag:s4], $0x1C00  }
0x23d: {  	[sflag:s4] =	ssyncset.done $0x0  }
0x23e: {  	s29 =	spop (v2sf);
	[sflag:s4] =	ssyncadd.s32 $0xFFFFE400  }
0x23f: {  	[spmem:s5], [sflag:s14] =	dma.local [hbm:s29], $0x1C00  }
0x240: {  	_ =	swait.ge [sflag:s7], $0x1C00  }
0x241: {  	(v2sf) =	vpush v0, $0x7;
	_ =	sdelay $0x1  }
0x242: {  	[sflag:s7] =	ssyncset.done $0x0  }
0x243: {  	s30 =	rddreg [dreg:$0x9];
	[sflag:s7] =	ssyncadd.s32 $0xFFFFE400  }
0x244: {  	[hbm:s30], [sflag:s15] =	dma.local [spmem:s12], $0x1C00  }
0x245: {  	_ =	swait.ge [sflag:s3], $0x1C00  }
0x246: {  	[sflag:s3] =	ssyncset.done $0x0  }
0x247: {  	[sflag:s3] =	ssyncadd.s32 $0xFFFFE400;
	s31 =	spop (v2sf)  }
0x248: {  	[spmem:s12], [sflag:s13] =	dma.local [hbm:s31], $0x1C00  }
0x249: {  	_ =	swait.ge [sflag:s6], $0x1C00  }
0x24a: {  	(v2sf) =	vpush v0, $0x8;
	[sflag:s6] =	ssyncset.done $0x0  }
0x24b: {  	s19 =	rddreg [dreg:$0xa];
	[sflag:s6] =	ssyncadd.s32 $0xFFFFE400  }
0x24c: {  	[hbm:s19], [sflag:s16] =	dma.local [spmem:s5], $0x1C00  }
0x24d: {  	_ =	swait.ge [sflag:s4], $0x1C00  }
0x24e: {  	[sflag:s4] =	ssyncset.done $0x0  }
0x24f: {  	s20 =	spop (v2sf);
	[sflag:s4] =	ssyncadd.s32 $0xFFFFE400  }
0x250: {  	[spmem:s5], [sflag:s14] =	dma.local [hbm:s20], $0x1C00  }
0x251: {  	_ =	swait.ge [sflag:s7], $0x1C00  }
0x252: {  	(v2sf) =	vpush v0, $0x9;
	_ =	sdelay $0x1  }
0x253: {  	[sflag:s7] =	ssyncset.done $0x0  }
0x254: {  	s21 =	rddreg [dreg:$0xb];
	[sflag:s7] =	ssyncadd.s32 $0xFFFFE400  }
0x255: {  	[hbm:s21], [sflag:s15] =	dma.local [spmem:s12], $0x1C00  }
0x256: {  	_ =	swait.ge [sflag:s3], $0x1C00  }
0x257: {  	[sflag:s3] =	ssyncset.done $0x0  }
0x258: {  	[sflag:s3] =	ssyncadd.s32 $0xFFFFE400;
	s22 =	spop (v2sf)  }
0x259: {  	[spmem:s12], [sflag:s13] =	dma.local [hbm:s22], $0x1C00  }
0x25a: {  	_ =	swait.ge [sflag:s6], $0x1C00  }
0x25b: {  	(v2sf) =	vpush v0, $0xA;
	[sflag:s6] =	ssyncset.done $0x0  }
0x25c: {  	s23 =	rddreg [dreg:$0xc];
	[sflag:s6] =	ssyncadd.s32 $0xFFFFE400  }
0x25d: {  	[hbm:s23], [sflag:s16] =	dma.local [spmem:s5], $0x1C00  }
0x25e: {  	_ =	swait.ge [sflag:s4], $0x1C00  }
0x25f: {  	[sflag:s4] =	ssyncset.done $0x0  }
0x260: {  	s24 =	spop (v2sf);
	[sflag:s4] =	ssyncadd.s32 $0xFFFFE400  }
0x261: {  	[spmem:s5], [sflag:s14] =	dma.local [hbm:s24], $0x1C00  }
0x262: {  	_ =	swait.ge [sflag:s7], $0x1C00  }
0x263: {  	(v2sf) =	vpush v0, $0xB;
	_ =	sdelay $0x1  }
0x264: {  	[sflag:s7] =	ssyncset.done $0x0  }
0x265: {  	s25 =	rddreg [dreg:$0xd];
	[sflag:s7] =	ssyncadd.s32 $0xFFFFE400  }
0x266: {  	[hbm:s25], [sflag:s15] =	dma.local [spmem:s12], $0x1C00  }
0x267: {  	_ =	swait.ge [sflag:s3], $0x1C00  }
0x268: {  	[sflag:s3] =	ssyncset.done $0x0  }
0x269: {  	[sflag:s3] =	ssyncadd.s32 $0xFFFFE400;
	s26 =	spop (v2sf)  }
0x26a: {  	[spmem:s12], [sflag:s13] =	dma.local [hbm:s26], $0x1C00  }
0x26b: {  	_ =	swait.ge [sflag:s6], $0x1C00  }
0x26c: {  	(v2sf) =	vpush v0, $0xC;
	[sflag:s6] =	ssyncset.done $0x0  }
0x26d: {  	s28 =	rddreg [dreg:$0xe];
	[sflag:s6] =	ssyncadd.s32 $0xFFFFE400  }
0x26e: {  	[hbm:s28], [sflag:s16] =	dma.local [spmem:s5], $0x1C00  }
0x26f: {  	_ =	swait.ge [sflag:s4], $0x1C00  }
0x270: {  	[sflag:s4] =	ssyncset.done $0x0  }
0x271: {  	s29 =	spop (v2sf);
	[sflag:s4] =	ssyncadd.s32 $0xFFFFE400  }
0x272: {  	[spmem:s5], [sflag:s14] =	dma.local [hbm:s29], $0x1C00  }
0x273: {  	_ =	swait.ge [sflag:s7], $0x1C00  }
0x274: {  	(v2sf) =	vpush v0, $0xD;
	_ =	sdelay $0x1  }
0x275: {  	[sflag:s7] =	ssyncset.done $0x0  }
0x276: {  	s30 =	rddreg [dreg:$0xf];
	[sflag:s7] =	ssyncadd.s32 $0xFFFFE400  }
0x277: {  	[hbm:s30], [sflag:s15] =	dma.local [spmem:s12], $0x1C00  }
0x278: {  	_ =	swait.ge [sflag:s3], $0x1C00  }
0x279: {  	[sflag:s3] =	ssyncset.done $0x0  }
0x27a: {  	[sflag:s3] =	ssyncadd.s32 $0xFFFFE400;
	s31 =	spop (v2sf)  }
0x27b: {  	[spmem:s12], [sflag:s13] =	dma.local [hbm:s31], $0x1C00  }
0x27c: {  	_ =	swait.ge [sflag:s6], $0x1C00  }
0x27d: {  	[sflag:s6] =	ssyncset.done $0x0  }
0x27e: {  	s19 =	rddreg [dreg:$0x10];
	[sflag:s6] =	ssyncadd.s32 $0xFFFFE400  }
0x27f: {  	[hbm:s19], [sflag:s16] =	dma.local [spmem:s5], $0x1C00  }
0x280: {  	_ =	swait.ge [sflag:s4], $0x1C00  }
0x281: {  	[sflag:s4] =	ssyncset.done $0x0  }
0x282: {  	s20 =	spop (v2sf);
	[sflag:s4] =	ssyncadd.s32 $0xFFFFE400  }
0x283: {  	[spmem:s5], [sflag:s14] =	dma.local [hbm:s20], $0x1C00  }
0x284: {  	_ =	swait.ge [sflag:s7], $0x1C00  }
0x285: {  	[sflag:s7] =	ssyncset.done $0x0  }
0x286: {  	s21 =	rddreg [dreg:$0x11];
	[sflag:s7] =	ssyncadd.s32 $0xFFFFE400  }
0x287: {  	[hbm:s21], [sflag:s15] =	dma.local [spmem:s12], $0x1C00  }
0x288: {  	_ =	swait.ge [sflag:s3], $0x1C00  }
0x289: {  	[sflag:s3] =	ssyncset.done $0x0  }
0x28a: {  	[sflag:s3] =	ssyncadd.s32 $0xFFFFE400  }
0x28b: {  	v59 =	vld [tilespmem:$0x0];
	_ =	sdelay $0x4  }
0x28c: {  	v0 =	vmul.u32 $0xE000, v59;
	_ =	sdelay $0x1  }
0x28d: {  	v0 =	vshrl.u32 v0, $0x3  }
0x28e: {  	v0 =	vadd.s32 s2, v0  }
0x28f: {  	(v2sf) =	vpush v0, $0xE;
	_ =	sdelay $0x7  }
0x290: {  	(v2sf) =	vpush v0, $0xF;
	_ =	sdelay $0x6  }
0x291: {  	s22 =	spop (v2sf)  }
0x292: {  	[spmem:s12], [sflag:s13] =	dma.local [hbm:s22], $0x1C00  }
0x293: {  	_ =	swait.ge [sflag:s6], $0x1C00  }
0x294: {  	[sflag:s6] =	ssyncset.done $0x0  }
0x295: {  	s23 =	rddreg [dreg:$0x12];
	[sflag:s6] =	ssyncadd.s32 $0xFFFFE400  }
0x296: {  	[hbm:s23], [sflag:s16] =	dma.local [spmem:s5], $0x1C00  }
0x297: {  	_ =	swait.ge [sflag:s4], $0x1C00  }
0x298: {  	[sflag:s4] =	ssyncset.done $0x0  }
0x299: {  	s24 =	spop (v2sf);
	[sflag:s4] =	ssyncadd.s32 $0xFFFFE400  }
0x29a: {  	[spmem:s5], [sflag:s14] =	dma.local [hbm:s24], $0x1C00  }
0x29b: {  	_ =	swait.ge [sflag:s7], $0x1C00  }
0x29c: {  	[sflag:s7] =	ssyncset.done $0x0  }
0x29d: {  	s25 =	rddreg [dreg:$0x13];
	[sflag:s7] =	ssyncadd.s32 $0xFFFFE400  }
0x29e: {  	[hbm:s25], [sflag:s15] =	dma.local [spmem:s12], $0x1C00  }
0x29f: {  	_ =	swait.ge [sflag:s3], $0x1C00  }
0x2a0: {  	[sflag:s3] =	ssyncset.done $0x0  }
0x2a1: {  	[sflag:s3] =	ssyncadd.s32 $0xFFFFE400  }
0x2a2: {  	v60 =	vld [tilespmem:$0x10];
	_ =	sdelay $0x4  }
0x2a3: {  	v0 =	vmul.u32 $0xE000, v60;
	_ =	sdelay $0x1  }
0x2a4: {  	v0 =	vshrl.u32 v0, $0x3  }
0x2a5: {  	v0 =	vadd.s32 s2, v0  }
0x2a6: {  	(v2sf) =	vpush v0, $0x0;
	_ =	sdelay $0x9  }
0x2a7: {  	(v2sf) =	vpush v0, $0x1;
	_ =	sdelay $0x4  }
0x2a8: {  	s26 =	spop (v2sf)  }
0x2a9: {  	[spmem:s12], [sflag:s13] =	dma.local [hbm:s26], $0x1C00  }
0x2aa: {  	_ =	swait.ge [sflag:s6], $0x1C00  }
0x2ab: {  	(v2sf) =	vpush v0, $0x2;
	_ =	sdelay $0x1  }
0x2ac: {  	[sflag:s6] =	ssyncset.done $0x0  }
0x2ad: {  	s28 =	rddreg [dreg:$0x14];
	[sflag:s6] =	ssyncadd.s32 $0xFFFFE400  }
0x2ae: {  	[hbm:s28], [sflag:s16] =	dma.local [spmem:s5], $0x1C00  }
0x2af: {  	_ =	swait.ge [sflag:s4], $0x1C00  }
0x2b0: {  	[sflag:s4] =	ssyncset.done $0x0  }
0x2b1: {  	s29 =	spop (v2sf);
	[sflag:s4] =	ssyncadd.s32 $0xFFFFE400  }
0x2b2: {  	[spmem:s5], [sflag:s14] =	dma.local [hbm:s29], $0x1C00  }
0x2b3: {  	_ =	swait.ge [sflag:s7], $0x1C00  }
0x2b4: {  	(v2sf) =	vpush v0, $0x3;
	[sflag:s7] =	ssyncset.done $0x0  }
0x2b5: {  	s30 =	rddreg [dreg:$0x15];
	[sflag:s7] =	ssyncadd.s32 $0xFFFFE400  }
0x2b6: {  	[hbm:s30], [sflag:s15] =	dma.local [spmem:s12], $0x1C00  }
0x2b7: {  	_ =	swait.ge [sflag:s3], $0x1C00  }
0x2b8: {  	[sflag:s3] =	ssyncset.done $0x0  }
0x2b9: {  	[sflag:s3] =	ssyncadd.s32 $0xFFFFE400;
	s31 =	spop (v2sf)  }
0x2ba: {  	[spmem:s12], [sflag:s13] =	dma.local [hbm:s31], $0x1C00  }
0x2bb: {  	_ =	swait.ge [sflag:s6], $0x1C00  }
0x2bc: {  	(v2sf) =	vpush v0, $0x4;
	_ =	sdelay $0x1  }
0x2bd: {  	[sflag:s6] =	ssyncset.done $0x0  }
0x2be: {  	s19 =	rddreg [dreg:$0x16];
	[sflag:s6] =	ssyncadd.s32 $0xFFFFE400  }
0x2bf: {  	[hbm:s19], [sflag:s16] =	dma.local [spmem:s5], $0x1C00  }
0x2c0: {  	_ =	swait.ge [sflag:s4], $0x1C00  }
0x2c1: {  	[sflag:s4] =	ssyncset.done $0x0  }
0x2c2: {  	s20 =	spop (v2sf);
	[sflag:s4] =	ssyncadd.s32 $0xFFFFE400  }
0x2c3: {  	[spmem:s5], [sflag:s14] =	dma.local [hbm:s20], $0x1C00  }
0x2c4: {  	_ =	swait.ge [sflag:s7], $0x1C00  }
0x2c5: {  	(v2sf) =	vpush v0, $0x5;
	[sflag:s7] =	ssyncset.done $0x0  }
0x2c6: {  	s21 =	rddreg [dreg:$0x17];
	[sflag:s7] =	ssyncadd.s32 $0xFFFFE400  }
0x2c7: {  	[hbm:s21], [sflag:s15] =	dma.local [spmem:s12], $0x1C00  }
0x2c8: {  	_ =	swait.ge [sflag:s3], $0x1C00  }
0x2c9: {  	[sflag:s3] =	ssyncset.done $0x0  }
0x2ca: {  	[sflag:s3] =	ssyncadd.s32 $0xFFFFE400;
	s22 =	spop (v2sf)  }
0x2cb: {  	[spmem:s12], [sflag:s13] =	dma.local [hbm:s22], $0x1C00  }
0x2cc: {  	_ =	swait.ge [sflag:s6], $0x1C00  }
0x2cd: {  	(v2sf) =	vpush v0, $0x6;
	_ =	sdelay $0x1  }
0x2ce: {  	[sflag:s6] =	ssyncset.done $0x0  }
0x2cf: {  	s23 =	rddreg [dreg:$0x18];
	[sflag:s6] =	ssyncadd.s32 $0xFFFFE400  }
0x2d0: {  	[hbm:s23], [sflag:s16] =	dma.local [spmem:s5], $0x1C00  }
0x2d1: {  	_ =	swait.ge [sflag:s4], $0x1C00  }
0x2d2: {  	[sflag:s4] =	ssyncset.done $0x0  }
0x2d3: {  	s24 =	spop (v2sf);
	[sflag:s4] =	ssyncadd.s32 $0xFFFFE400  }
0x2d4: {  	[spmem:s5], [sflag:s14] =	dma.local [hbm:s24], $0x1C00  }
0x2d5: {  	_ =	swait.ge [sflag:s7], $0x1C00  }
0x2d6: {  	(v2sf) =	vpush v0, $0x7;
	[sflag:s7] =	ssyncset.done $0x0  }
0x2d7: {  	s25 =	rddreg [dreg:$0x19];
	[sflag:s7] =	ssyncadd.s32 $0xFFFFE400  }
0x2d8: {  	[hbm:s25], [sflag:s15] =	dma.local [spmem:s12], $0x1C00  }
0x2d9: {  	_ =	swait.ge [sflag:s3], $0x1C00  }
0x2da: {  	[sflag:s3] =	ssyncset.done $0x0  }
0x2db: {  	[sflag:s3] =	ssyncadd.s32 $0xFFFFE400;
	s26 =	spop (v2sf)  }
0x2dc: {  	[spmem:s12], [sflag:s13] =	dma.local [hbm:s26], $0x1C00  }
0x2dd: {  	_ =	swait.ge [sflag:s6], $0x1C00  }
0x2de: {  	(v2sf) =	vpush v0, $0x8;
	_ =	sdelay $0x1  }
0x2df: {  	[sflag:s6] =	ssyncset.done $0x0  }
0x2e0: {  	s28 =	rddreg [dreg:$0x1a];
	[sflag:s6] =	ssyncadd.s32 $0xFFFFE400  }
0x2e1: {  	[hbm:s28], [sflag:s16] =	dma.local [spmem:s5], $0x1C00  }
0x2e2: {  	_ =	swait.ge [sflag:s4], $0x1C00  }
0x2e3: {  	[sflag:s4] =	ssyncset.done $0x0  }
0x2e4: {  	s29 =	spop (v2sf);
	[sflag:s4] =	ssyncadd.s32 $0xFFFFE400  }
0x2e5: {  	[spmem:s5], [sflag:s14] =	dma.local [hbm:s29], $0x1C00  }
0x2e6: {  	_ =	swait.ge [sflag:s7], $0x1C00  }
0x2e7: {  	(v2sf) =	vpush v0, $0x9;
	[sflag:s7] =	ssyncset.done $0x0  }
0x2e8: {  	s30 =	rddreg [dreg:$0x1b];
	[sflag:s7] =	ssyncadd.s32 $0xFFFFE400  }
0x2e9: {  	[hbm:s30], [sflag:s15] =	dma.local [spmem:s12], $0x1C00  }
0x2ea: {  	_ =	swait.ge [sflag:s3], $0x1C00  }
0x2eb: {  	[sflag:s3] =	ssyncset.done $0x0  }
0x2ec: {  	[sflag:s3] =	ssyncadd.s32 $0xFFFFE400;
	s31 =	spop (v2sf)  }
0x2ed: {  	[spmem:s12], [sflag:s13] =	dma.local [hbm:s31], $0x1C00  }
0x2ee: {  	_ =	swait.ge [sflag:s6], $0x1C00  }
0x2ef: {  	(v2sf) =	vpush v0, $0xA;
	_ =	sdelay $0x1  }
0x2f0: {  	[sflag:s6] =	ssyncset.done $0x0  }
0x2f1: {  	s19 =	rddreg [dreg:$0x1c];
	[sflag:s6] =	ssyncadd.s32 $0xFFFFE400  }
0x2f2: {  	[hbm:s19], [sflag:s16] =	dma.local [spmem:s5], $0x1C00  }
0x2f3: {  	_ =	swait.ge [sflag:s4], $0x1C00  }
0x2f4: {  	[sflag:s4] =	ssyncset.done $0x0  }
0x2f5: {  	s20 =	spop (v2sf);
	[sflag:s4] =	ssyncadd.s32 $0xFFFFE400  }
0x2f6: {  	[spmem:s5], [sflag:s14] =	dma.local [hbm:s20], $0x1C00  }
0x2f7: {  	_ =	swait.ge [sflag:s7], $0x1C00  }
0x2f8: {  	(v2sf) =	vpush v0, $0xB;
	[sflag:s7] =	ssyncset.done $0x0  }
0x2f9: {  	s21 =	rddreg [dreg:$0x1d];
	[sflag:s7] =	ssyncadd.s32 $0xFFFFE400  }
0x2fa: {  	[hbm:s21], [sflag:s15] =	dma.local [spmem:s12], $0x1C00  }
0x2fb: {  	_ =	swait.ge [sflag:s3], $0x1C00  }
0x2fc: {  	[sflag:s3] =	ssyncset.done $0x0  }
0x2fd: {  	[sflag:s3] =	ssyncadd.s32 $0xFFFFE400;
	s22 =	spop (v2sf)  }
0x2fe: {  	[spmem:s12], [sflag:s13] =	dma.local [hbm:s22], $0x1C00  }
0x2ff: {  	_ =	swait.ge [sflag:s6], $0x1C00  }
0x300: {  	(v2sf) =	vpush v0, $0xC;
	_ =	sdelay $0x1  }
0x301: {  	[sflag:s6] =	ssyncset.done $0x0  }
0x302: {  	s23 =	rddreg [dreg:$0x1e];
	[sflag:s6] =	ssyncadd.s32 $0xFFFFE400  }
0x303: {  	[hbm:s23], [sflag:s16] =	dma.local [spmem:s5], $0x1C00  }
0x304: {  	_ =	swait.ge [sflag:s4], $0x1C00  }
0x305: {  	[sflag:s4] =	ssyncset.done $0x0  }
0x306: {  	s24 =	spop (v2sf);
	[sflag:s4] =	ssyncadd.s32 $0xFFFFE400  }
0x307: {  	[spmem:s5], [sflag:s14] =	dma.local [hbm:s24], $0x1C00  }
0x308: {  	_ =	swait.ge [sflag:s7], $0x1C00  }
0x309: {  	[sflag:s7] =	ssyncset.done $0x0  }
0x30a: {  	s25 =	rddreg [dreg:$0x1f];
	[sflag:s7] =	ssyncadd.s32 $0xFFFFE400  }
0x30b: {  	[hbm:s25], [sflag:s15] =	dma.local [spmem:s12], $0x1C00  }
0x30c: {  	_ =	swait.ge [sflag:s3], $0x1C00  }
0x30d: {  	[sflag:s3] =	ssyncset.done $0x0  }
0x30e: {  	[sflag:s3] =	ssyncadd.s32 $0xFFFFE400;
	s26 =	spop (v2sf)  }
0x30f: {  	[spmem:s12], [sflag:s13] =	dma.local [hbm:s26], $0x1C00  }
0x310: {  	_ =	swait.ge [sflag:s6], $0x1C00  }
0x311: {  	s28 =	sld [smem:$0x7E9]  }
0x312: {  	[sflag:s6] =	ssyncset.done $0x0  }
0x313: {  	[sflag:s6] =	ssyncadd.s32 $0xFFFFE400  }
0x314: {  	[hbm:s28], [sflag:s16] =	dma.local [spmem:s5], $0x1C00  }
0x315: {  	_ =	swait.ge [sflag:s4], $0x1C00  }
0x316: {  	[sflag:s4] =	ssyncset.done $0x0  }
0x317: {  	[sflag:s4] =	ssyncadd.s32 $0xFFFFE400  }
0x318: {  	v61 =	vld [tilespmem:$0x10];
	_ =	sdelay $0x4  }
0x319: {  	v0 =	vmul.u32 $0xE000, v61;
	_ =	sdelay $0x1  }
0x31a: {  	v0 =	vshrl.u32 v0, $0x3  }
0x31b: {  	v0 =	vadd.s32 s2, v0  }
0x31c: {  	(v2sf) =	vpush v0, $0xD;
	_ =	sdelay $0x8  }
0x31d: {  	(v2sf) =	vpush v0, $0xE;
	_ =	sdelay $0x5  }
0x31e: {  	s29 =	spop (v2sf)  }
0x31f: {  	[spmem:s5], [sflag:s14] =	dma.local [hbm:s29], $0x1C00  }
0x320: {  	_ =	swait.ge [sflag:s7], $0x1C00  }
0x321: {  	(v2sf) =	vpush v0, $0xF;
	s30 =	sld [smem:$0x7EA]  }
0x322: {  	[sflag:s7] =	ssyncset.done $0x0  }
0x323: {  	[sflag:s7] =	ssyncadd.s32 $0xFFFFE400  }
0x324: {  	[hbm:s30], [sflag:s15] =	dma.local [spmem:s12], $0x1C00  }
0x325: {  	_ =	swait.ge [sflag:s3], $0x1C00  }
0x326: {  	[sflag:s3] =	ssyncset.done $0x0  }
0x327: {  	s31 =	spop (v2sf);
	[sflag:s3] =	ssyncadd.s32 $0xFFFFE400  }
0x328: {  	[spmem:s12], [sflag:s13] =	dma.local [hbm:s31], $0x1C00  }
0x329: {  	_ =	swait.ge [sflag:s6], $0x1C00  }
0x32a: {  	s19 =	sld [smem:$0x7EB]  }
0x32b: {  	[sflag:s6] =	ssyncset.done $0x0  }
0x32c: {  	[sflag:s6] =	ssyncadd.s32 $0xFFFFE400  }
0x32d: {  	[hbm:s19], [sflag:s16] =	dma.local [spmem:s5], $0x1C00  }
0x32e: {  	_ =	swait.ge [sflag:s4], $0x1C00  }
0x32f: {  	[sflag:s4] =	ssyncset.done $0x0  }
0x330: {  	s20 =	spop (v2sf);
	[sflag:s4] =	ssyncadd.s32 $0xFFFFE400  }
0x331: {  	[spmem:s5], [sflag:s14] =	dma.local [hbm:s20], $0x1C00  }
0x332: {  	_ =	swait.ge [sflag:s7], $0x1C00  }
0x333: {  	s21 =	sld [smem:$0x7EC]  }
0x334: {  	[sflag:s7] =	ssyncset.done $0x0  }
0x335: {  	[sflag:s7] =	ssyncadd.s32 $0xFFFFE400  }
0x336: {  	[hbm:s21], [sflag:s15] =	dma.local [spmem:s12], $0x1C00  }
0x337: {  	_ =	swait.ge [sflag:s3], $0x1C00  }
0x338: {  	[sflag:s3] =	ssyncset.done $0x0  }
0x339: {  	[sflag:s3] =	ssyncadd.s32 $0xFFFFE400  }
0x33a: {  	v62 =	vld [tilespmem:$0x20];
	_ =	sdelay $0x4  }
0x33b: {  	v0 =	vmul.u32 $0xE000, v62;
	_ =	sdelay $0x1  }
0x33c: {  	v0 =	vshrl.u32 v0, $0x3  }
0x33d: {  	v0 =	vadd.s32 s2, v0  }
0x33e: {  	(v2sf) =	vpush v0, $0x0;
	_ =	sdelay $0x8  }
0x33f: {  	(v2sf) =	vpush v0, $0x1;
	_ =	sdelay $0x5  }
0x340: {  	s22 =	spop (v2sf)  }
0x341: {  	[spmem:s12], [sflag:s13] =	dma.local [hbm:s22], $0x1C00  }
0x342: {  	_ =	swait.ge [sflag:s6], $0x1C00  }
0x343: {  	(v2sf) =	vpush v0, $0x2;
	s23 =	sld [smem:$0x7ED]  }
0x344: {  	[sflag:s6] =	ssyncset.done $0x0  }
0x345: {  	[sflag:s6] =	ssyncadd.s32 $0xFFFFE400  }
0x346: {  	[hbm:s23], [sflag:s16] =	dma.local [spmem:s5], $0x1C00  }
0x347: {  	_ =	swait.ge [sflag:s4], $0x1C00  }
0x348: {  	[sflag:s4] =	ssyncset.done $0x0  }
0x349: {  	s24 =	spop (v2sf);
	[sflag:s4] =	ssyncadd.s32 $0xFFFFE400  }
0x34a: {  	[spmem:s5], [sflag:s14] =	dma.local [hbm:s24], $0x1C00  }
0x34b: {  	_ =	swait.ge [sflag:s7], $0x1C00  }
0x34c: {  	(v2sf) =	vpush v0, $0x3;
	s25 =	sld [smem:$0x7EE]  }
0x34d: {  	[sflag:s7] =	ssyncset.done $0x0  }
0x34e: {  	[sflag:s7] =	ssyncadd.s32 $0xFFFFE400  }
0x34f: {  	[hbm:s25], [sflag:s15] =	dma.local [spmem:s12], $0x1C00  }
0x350: {  	_ =	swait.ge [sflag:s3], $0x1C00  }
0x351: {  	[sflag:s3] =	ssyncset.done $0x0  }
0x352: {  	s26 =	spop (v2sf);
	[sflag:s3] =	ssyncadd.s32 $0xFFFFE400  }
0x353: {  	[spmem:s12], [sflag:s13] =	dma.local [hbm:s26], $0x1C00  }
0x354: {  	_ =	swait.ge [sflag:s6], $0x1C00  }
0x355: {  	(v2sf) =	vpush v0, $0x4;
	s28 =	sld [smem:$0x7EF]  }
0x356: {  	[sflag:s6] =	ssyncset.done $0x0  }
0x357: {  	[sflag:s6] =	ssyncadd.s32 $0xFFFFE400  }
0x358: {  	[hbm:s28], [sflag:s16] =	dma.local [spmem:s5], $0x1C00  }
0x359: {  	_ =	swait.ge [sflag:s4], $0x1C00  }
0x35a: {  	[sflag:s4] =	ssyncset.done $0x0  }
0x35b: {  	s29 =	spop (v2sf);
	[sflag:s4] =	ssyncadd.s32 $0xFFFFE400  }
0x35c: {  	[spmem:s5], [sflag:s14] =	dma.local [hbm:s29], $0x1C00  }
0x35d: {  	_ =	swait.ge [sflag:s7], $0x1C00  }
0x35e: {  	(v2sf) =	vpush v0, $0x5;
	s30 =	sld [smem:$0x7F0]  }
0x35f: {  	[sflag:s7] =	ssyncset.done $0x0  }
0x360: {  	[sflag:s7] =	ssyncadd.s32 $0xFFFFE400  }
0x361: {  	[hbm:s30], [sflag:s15] =	dma.local [spmem:s12], $0x1C00  }
0x362: {  	_ =	swait.ge [sflag:s3], $0x1C00  }
0x363: {  	[sflag:s3] =	ssyncset.done $0x0  }
0x364: {  	s31 =	spop (v2sf);
	[sflag:s3] =	ssyncadd.s32 $0xFFFFE400  }
0x365: {  	[spmem:s12], [sflag:s13] =	dma.local [hbm:s31], $0x1C00  }
0x366: {  	_ =	swait.ge [sflag:s6], $0x1C00  }
0x367: {  	(v2sf) =	vpush v0, $0x6;
	s19 =	sld [smem:$0x7F1]  }
0x368: {  	[sflag:s6] =	ssyncset.done $0x0  }
0x369: {  	[sflag:s6] =	ssyncadd.s32 $0xFFFFE400  }
0x36a: {  	[hbm:s19], [sflag:s16] =	dma.local [spmem:s5], $0x1C00  }
0x36b: {  	_ =	swait.ge [sflag:s4], $0x1C00  }
0x36c: {  	[sflag:s4] =	ssyncset.done $0x0  }
0x36d: {  	s20 =	spop (v2sf);
	[sflag:s4] =	ssyncadd.s32 $0xFFFFE400  }
0x36e: {  	[spmem:s5], [sflag:s14] =	dma.local [hbm:s20], $0x1C00  }
0x36f: {  	_ =	swait.ge [sflag:s7], $0x1C00  }
0x370: {  	(v2sf) =	vpush v0, $0x7;
	s21 =	sld [smem:$0x7F2]  }
0x371: {  	[sflag:s7] =	ssyncset.done $0x0  }
0x372: {  	[sflag:s7] =	ssyncadd.s32 $0xFFFFE400  }
0x373: {  	[hbm:s21], [sflag:s15] =	dma.local [spmem:s12], $0x1C00  }
0x374: {  	_ =	swait.ge [sflag:s3], $0x1C00  }
0x375: {  	[sflag:s3] =	ssyncset.done $0x0  }
0x376: {  	s22 =	spop (v2sf);
	[sflag:s3] =	ssyncadd.s32 $0xFFFFE400  }
0x377: {  	[spmem:s12], [sflag:s13] =	dma.local [hbm:s22], $0x1C00  }
0x378: {  	_ =	swait.ge [sflag:s6], $0x1C00  }
0x379: {  	(v2sf) =	vpush v0, $0x8;
	s23 =	sld [smem:$0x7F3]  }
0x37a: {  	[sflag:s6] =	ssyncset.done $0x0  }
0x37b: {  	[sflag:s6] =	ssyncadd.s32 $0xFFFFE400  }
0x37c: {  	[hbm:s23], [sflag:s16] =	dma.local [spmem:s5], $0x1C00  }
0x37d: {  	_ =	swait.ge [sflag:s4], $0x1C00  }
0x37e: {  	[sflag:s4] =	ssyncset.done $0x0  }
0x37f: {  	s24 =	spop (v2sf);
	[sflag:s4] =	ssyncadd.s32 $0xFFFFE400  }
0x380: {  	[spmem:s5], [sflag:s14] =	dma.local [hbm:s24], $0x1C00  }
0x381: {  	_ =	swait.ge [sflag:s7], $0x1C00  }
0x382: {  	(v2sf) =	vpush v0, $0x9;
	s25 =	sld [smem:$0x7F4]  }
0x383: {  	[sflag:s7] =	ssyncset.done $0x0  }
0x384: {  	[sflag:s7] =	ssyncadd.s32 $0xFFFFE400  }
0x385: {  	[hbm:s25], [sflag:s15] =	dma.local [spmem:s12], $0x1C00  }
0x386: {  	_ =	swait.ge [sflag:s3], $0x1C00  }
0x387: {  	[sflag:s3] =	ssyncset.done $0x0  }
0x388: {  	s26 =	spop (v2sf);
	[sflag:s3] =	ssyncadd.s32 $0xFFFFE400  }
0x389: {  	[spmem:s12], [sflag:s13] =	dma.local [hbm:s26], $0x1C00  }
0x38a: {  	_ =	swait.ge [sflag:s6], $0x1C00  }
0x38b: {  	(v2sf) =	vpush v0, $0xA;
	s28 =	sld [smem:$0x7F5]  }
0x38c: {  	[sflag:s6] =	ssyncset.done $0x0  }
0x38d: {  	[sflag:s6] =	ssyncadd.s32 $0xFFFFE400  }
0x38e: {  	[hbm:s28], [sflag:s16] =	dma.local [spmem:s5], $0x1C00  }
0x38f: {  	_ =	swait.ge [sflag:s4], $0x1C00  }
0x390: {  	[sflag:s4] =	ssyncset.done $0x0  }
0x391: {  	s29 =	spop (v2sf);
	[sflag:s4] =	ssyncadd.s32 $0xFFFFE400  }
0x392: {  	[spmem:s5], [sflag:s14] =	dma.local [hbm:s29], $0x1C00  }
0x393: {  	_ =	swait.ge [sflag:s7], $0x1C00  }
0x394: {  	(v2sf) =	vpush v0, $0xB;
	s30 =	sld [smem:$0x7F6]  }
0x395: {  	[sflag:s7] =	ssyncset.done $0x0  }
0x396: {  	[sflag:s7] =	ssyncadd.s32 $0xFFFFE400  }
0x397: {  	[hbm:s30], [sflag:s15] =	dma.local [spmem:s12], $0x1C00  }
0x398: {  	_ =	swait.ge [sflag:s3], $0x1C00  }
0x399: {  	[sflag:s3] =	ssyncset.done $0x0  }
0x39a: {  	s31 =	spop (v2sf);
	[sflag:s3] =	ssyncadd.s32 $0xFFFFE400  }
0x39b: {  	[spmem:s12], [sflag:s13] =	dma.local [hbm:s31], $0x1C00  }
0x39c: {  	_ =	swait.ge [sflag:s6], $0x1C00  }
0x39d: {  	(v2sf) =	vpush v0, $0xC;
	s19 =	sld [smem:$0x7F7]  }
0x39e: {  	[sflag:s6] =	ssyncset.done $0x0  }
0x39f: {  	[sflag:s6] =	ssyncadd.s32 $0xFFFFE400  }
0x3a0: {  	[hbm:s19], [sflag:s16] =	dma.local [spmem:s5], $0x1C00  }
0x3a1: {  	_ =	swait.ge [sflag:s4], $0x1C00  }
0x3a2: {  	[sflag:s4] =	ssyncset.done $0x0  }
0x3a3: {  	s20 =	spop (v2sf);
	[sflag:s4] =	ssyncadd.s32 $0xFFFFE400  }
0x3a4: {  	[spmem:s5], [sflag:s14] =	dma.local [hbm:s20], $0x1C00  }
0x3a5: {  	_ =	swait.ge [sflag:s7], $0x1C00  }
0x3a6: {  	s21 =	sld [smem:$0x7F8]  }
0x3a7: {  	[sflag:s7] =	ssyncset.done $0x0  }
0x3a8: {  	[sflag:s7] =	ssyncadd.s32 $0xFFFFE400  }
0x3a9: {  	[hbm:s21], [sflag:s15] =	dma.local [spmem:s12], $0x1C00  }
0x3aa: {  	_ =	swait.ge [sflag:s3], $0x1C00  }
0x3ab: {  	[sflag:s3] =	ssyncset.done $0x0  }
0x3ac: {  	s22 =	spop (v2sf);
	[sflag:s3] =	ssyncadd.s32 $0xFFFFE400  }
0x3ad: {  	[spmem:s12], [sflag:s13] =	dma.local [hbm:s22], $0x1C00  }
0x3ae: {  	_ =	swait.ge [sflag:s6], $0x1C00  }
0x3af: {  	s23 =	sld [smem:$0x7F9]  }
0x3b0: {  	[sflag:s6] =	ssyncset.done $0x0  }
0x3b1: {  	[sflag:s6] =	ssyncadd.s32 $0xFFFFE400  }
0x3b2: {  	[hbm:s23], [sflag:s16] =	dma.local [spmem:s5], $0x1C00  }
0x3b3: {  	_ =	swait.ge [sflag:s4], $0x1C00  }
0x3b4: {  	[sflag:s4] =	ssyncset.done $0x0  }
0x3b5: {  	[sflag:s4] =	ssyncadd.s32 $0xFFFFE400  }
0x3b6: {  	v63 =	vld [tilespmem:$0x20];
	_ =	sdelay $0x4  }
0x3b7: {  	v0 =	vmul.u32 $0xE000, v63;
	_ =	sdelay $0x1  }
0x3b8: {  	v0 =	vshrl.u32 v0, $0x3  }
0x3b9: {  	v0 =	vadd.s32 s2, v0  }
0x3ba: {  	(v2sf) =	vpush v0, $0xD;
	_ =	sdelay $0x8  }
0x3bb: {  	(v2sf) =	vpush v0, $0xE;
	_ =	sdelay $0x5  }
0x3bc: {  	s24 =	spop (v2sf)  }
0x3bd: {  	[spmem:s5], [sflag:s14] =	dma.local [hbm:s24], $0x1C00  }
0x3be: {  	_ =	swait.ge [sflag:s7], $0x1C00  }
0x3bf: {  	(v2sf) =	vpush v0, $0xF;
	s25 =	sld [smem:$0x7FA]  }
0x3c0: {  	[sflag:s7] =	ssyncset.done $0x0  }
0x3c1: {  	[sflag:s7] =	ssyncadd.s32 $0xFFFFE400  }
0x3c2: {  	[hbm:s25], [sflag:s15] =	dma.local [spmem:s12], $0x1C00  }
0x3c3: {  	_ =	swait.ge [sflag:s3], $0x1C00  }
0x3c4: {  	[sflag:s3] =	ssyncset.done $0x0  }
0x3c5: {  	s26 =	spop (v2sf);
	[sflag:s3] =	ssyncadd.s32 $0xFFFFE400  }
0x3c6: {  	[spmem:s12], [sflag:s13] =	dma.local [hbm:s26], $0x1C00  }
0x3c7: {  	_ =	swait.ge [sflag:s6], $0x1C00  }
0x3c8: {  	s28 =	sld [smem:$0x7FB]  }
0x3c9: {  	[sflag:s6] =	ssyncset.done $0x0  }
0x3ca: {  	[sflag:s6] =	ssyncadd.s32 $0xFFFFE400  }
0x3cb: {  	[hbm:s28], [sflag:s16] =	dma.local [spmem:s5], $0x1C00  }
0x3cc: {  	_ =	swait.ge [sflag:s4], $0x1C00  }
0x3cd: {  	[sflag:s4] =	ssyncset.done $0x0  }
0x3ce: {  	s29 =	spop (v2sf);
	[sflag:s4] =	ssyncadd.s32 $0xFFFFE400  }
0x3cf: {  	[spmem:s5], [sflag:s14] =	dma.local [hbm:s29], $0x1C00  }
0x3d0: {  	_ =	swait.ge [sflag:s7], $0x1C00  }
0x3d1: {  	s30 =	sld [smem:$0x7FC]  }
0x3d2: {  	[sflag:s7] =	ssyncset.done $0x0  }
0x3d3: {  	[sflag:s7] =	ssyncadd.s32 $0xFFFFE400  }
0x3d4: {  	[hbm:s30], [sflag:s15] =	dma.local [spmem:s12], $0x1C00  }
0x3d5: {  	_ =	swait.ge [sflag:s6], $0x1C00  }
0x3d6: {  	s31 =	sld [smem:$0x7FD]  }
0x3d7: {  	[sflag:s6] =	ssyncset.done $0x0  }
0x3d8: {  	p1 =	sne.s32 s17, $0x1;
	[sflag:s6] =	ssyncadd.s32 $0xFFFFE400  }
0x3d9: {  	[hbm:s31], [sflag:s16] =	dma.local [spmem:s5], $0x1C00  }
.Ltmp2:
0x3da: {  	_ = 	snop;
	(pc) =	sbr.rel @p1 .LBB2_2-.Ltmp2, $4  }
0x3db: {  	_ =	swait.ge [sflag:s3], $0x1C00  }
0x3dc: {  	[sflag:s3] =	ssyncset.done $0x0  }
0x3dd: {  	[sflag:s3] =	ssyncadd.s32 $0xFFFFE400  }
0x3de: {  	s17 =	sadd.s32 $0xFFFFFFFF, s17;
	_ =	swait.ge [sflag:s4], $0x1C00  }
.LBB2_3:
0x3df: {  	[sflag:s4] =	ssyncset.done @p0 $0x0  }
0x3e0: {  	s12 =	rddreg [dreg:$0x5];
	[sflag:s4] =	ssyncadd.s32 @p0 $0xFFFFE400  }
0x3e1: {  	[tilespmem:s9], [sflag:$0x5] =	stream.linear.gather [hbm4b:s12+s9], $0x30, $0x38;
	[tilespmem:$0x18880] =	vst v63  }
0x3e2: {  	_ =	swait.ge [sflag:s11], $0x30  }
0x3e3: {  	[sflag:s11] =	ssyncset.done $0x0  }
0x3e4: {  	[sflag:s11] =	ssyncadd.s32 $0xFFFFFFD0  }
0x3e5: {  	v0 =	vld [tilespmem:$0x0];
	_ =	sdelay $0x4  }
0x3e6: {  	v0 =	vmul.u32 $0xE000, v0;
	_ =	sdelay $0x1  }
0x3e7: {  	v0 =	vshrl.u32 v0, $0x3  }
0x3e8: {  	v0 =	vadd.s32 s2, v0  }
0x3e9: {  	(v2sf) =	vpush v0, $0x0;
	_ =	sdelay $0x1  }
0x3ea: {  	(v2sf) =	vpush v0, $0x1;
	_ =	sdelay $0x8  }
0x3eb: {  	(v2sf) =	vpush v0, $0x2;
	_ =	sdelay $0x2  }
0x3ec: {  	s13 =	sshll.u32 s0, $0x6  }
0x3ed: {  	s9 =	sshrl.u32 s10, $0x3;
	s12 =	sor.u32 $0x1C01, s13;
	s22 =	spop (v2sf)  }
0x3ee: {  	[spmem:s9], [sflag:s12] =	dma.local [hbm:s22], $0x1C00  }
0x3ef: {  	s10 =	sor.u32 $0x1C02, s13;
	s23 =	spop (v2sf)  }
0x3f0: {  	[spmem:s5], [sflag:s10] =	dma.local [hbm:s23], $0x1C00  }
0x3f1: {  	(v2sf) =	vpush v0, $0x3  }
0x3f2: {  	_ =	swait.ge [sflag:s7], $0x1C00  }
0x3f3: {  	[sflag:s7] =	ssyncset.done $0x0  }
0x3f4: {  	s11 =	sor.u32 $0x1C03, s13;
	[sflag:s7] =	ssyncadd.s32 $0xFFFFE400  }
0x3f5: {  	[hbm:s8], [sflag:s11] =	dma.local [spmem:s9], $0x1C00  }
0x3f6: {  	_ =	swait.ge [sflag:s3], $0x1C00  }
0x3f7: {  	[sflag:s3] =	ssyncset.done $0x0  }
0x3f8: {  	s24 =	spop (v2sf);
	[sflag:s3] =	ssyncadd.s32 $0xFFFFE400  }
0x3f9: {  	[spmem:s9], [sflag:s12] =	dma.local [hbm:s24], $0x1C00  }
0x3fa: {  	_ =	swait.ge [sflag:s6], $0x1C00  }
0x3fb: {  	(v2sf) =	vpush v0, $0x4;
	[sflag:s6] =	ssyncset.done $0x0  }
0x3fc: {  	s8 =	sor.u32 $0x1C04, s13;
	s14 =	rddreg [dreg:$0x6];
	[sflag:s6] =	ssyncadd.s32 $0xFFFFE400  }
0x3fd: {  	[hbm:s14], [sflag:s8] =	dma.local [spmem:s5], $0x1C00  }
0x3fe: {  	_ =	swait.ge [sflag:s4], $0x1C00  }
0x3ff: {  	[sflag:s4] =	ssyncset.done $0x0  }
0x400: {  	s25 =	spop (v2sf);
	[sflag:s4] =	ssyncadd.s32 $0xFFFFE400  }
0x401: {  	[spmem:s5], [sflag:s10] =	dma.local [hbm:s25], $0x1C00  }
0x402: {  	_ =	swait.ge [sflag:s7], $0x1C00  }
0x403: {  	(v2sf) =	vpush v0, $0x5;
	_ =	sdelay $0x1  }
0x404: {  	[sflag:s7] =	ssyncset.done $0x0  }
0x405: {  	s26 =	rddreg [dreg:$0x7];
	[sflag:s7] =	ssyncadd.s32 $0xFFFFE400  }
0x406: {  	[hbm:s26], [sflag:s11] =	dma.local [spmem:s9], $0x1C00  }
0x407: {  	_ =	swait.ge [sflag:s3], $0x1C00  }
0x408: {  	[sflag:s3] =	ssyncset.done $0x0  }
0x409: {  	[sflag:s3] =	ssyncadd.s32 $0xFFFFE400;
	s28 =	spop (v2sf)  }
0x40a: {  	[spmem:s9], [sflag:s12] =	dma.local [hbm:s28], $0x1C00  }
0x40b: {  	_ =	swait.ge [sflag:s6], $0x1C00  }
0x40c: {  	(v2sf) =	vpush v0, $0x6;
	[sflag:s6] =	ssyncset.done $0x0  }
0x40d: {  	s29 =	rddreg [dreg:$0x8];
	[sflag:s6] =	ssyncadd.s32 $0xFFFFE400  }
0x40e: {  	[hbm:s29], [sflag:s8] =	dma.local [spmem:s5], $0x1C00  }
0x40f: {  	_ =	swait.ge [sflag:s4], $0x1C00  }
0x410: {  	[sflag:s4] =	ssyncset.done $0x0  }
0x411: {  	s30 =	spop (v2sf);
	[sflag:s4] =	ssyncadd.s32 $0xFFFFE400  }
0x412: {  	[spmem:s5], [sflag:s10] =	dma.local [hbm:s30], $0x1C00  }
0x413: {  	_ =	swait.ge [sflag:s7], $0x1C00  }
0x414: {  	(v2sf) =	vpush v0, $0x7;
	_ =	sdelay $0x1  }
0x415: {  	[sflag:s7] =	ssyncset.done $0x0  }
0x416: {  	s31 =	rddreg [dreg:$0x9];
	[sflag:s7] =	ssyncadd.s32 $0xFFFFE400  }
0x417: {  	[hbm:s31], [sflag:s11] =	dma.local [spmem:s9], $0x1C00  }
0x418: {  	_ =	swait.ge [sflag:s3], $0x1C00  }
0x419: {  	[sflag:s3] =	ssyncset.done $0x0  }
0x41a: {  	[sflag:s3] =	ssyncadd.s32 $0xFFFFE400;
	s14 =	spop (v2sf)  }
0x41b: {  	[spmem:s9], [sflag:s12] =	dma.local [hbm:s14], $0x1C00  }
0x41c: {  	_ =	swait.ge [sflag:s6], $0x1C00  }
0x41d: {  	(v2sf) =	vpush v0, $0x8;
	[sflag:s6] =	ssyncset.done $0x0  }
0x41e: {  	s15 =	rddreg [dreg:$0xa];
	[sflag:s6] =	ssyncadd.s32 $0xFFFFE400  }
0x41f: {  	[hbm:s15], [sflag:s8] =	dma.local [spmem:s5], $0x1C00  }
0x420: {  	_ =	swait.ge [sflag:s4], $0x1C00  }
0x421: {  	[sflag:s4] =	ssyncset.done $0x0  }
0x422: {  	s16 =	spop (v2sf);
	[sflag:s4] =	ssyncadd.s32 $0xFFFFE400  }
0x423: {  	[spmem:s5], [sflag:s10] =	dma.local [hbm:s16], $0x1C00  }
0x424: {  	_ =	swait.ge [sflag:s7], $0x1C00  }
0x425: {  	(v2sf) =	vpush v0, $0x9;
	_ =	sdelay $0x1  }
0x426: {  	[sflag:s7] =	ssyncset.done $0x0  }
0x427: {  	s17 =	rddreg [dreg:$0xb];
	[sflag:s7] =	ssyncadd.s32 $0xFFFFE400  }
0x428: {  	[hbm:s17], [sflag:s11] =	dma.local [spmem:s9], $0x1C00  }
0x429: {  	_ =	swait.ge [sflag:s3], $0x1C00  }
0x42a: {  	[sflag:s3] =	ssyncset.done $0x0  }
0x42b: {  	[sflag:s3] =	ssyncadd.s32 $0xFFFFE400;
	s18 =	spop (v2sf)  }
0x42c: {  	[spmem:s9], [sflag:s12] =	dma.local [hbm:s18], $0x1C00  }
0x42d: {  	_ =	swait.ge [sflag:s6], $0x1C00  }
0x42e: {  	(v2sf) =	vpush v0, $0xA;
	[sflag:s6] =	ssyncset.done $0x0  }
0x42f: {  	s19 =	rddreg [dreg:$0xc];
	[sflag:s6] =	ssyncadd.s32 $0xFFFFE400  }
0x430: {  	[hbm:s19], [sflag:s8] =	dma.local [spmem:s5], $0x1C00  }
0x431: {  	_ =	swait.ge [sflag:s4], $0x1C00  }
0x432: {  	[sflag:s4] =	ssyncset.done $0x0  }
0x433: {  	s20 =	spop (v2sf);
	[sflag:s4] =	ssyncadd.s32 $0xFFFFE400  }
0x434: {  	[spmem:s5], [sflag:s10] =	dma.local [hbm:s20], $0x1C00  }
0x435: {  	_ =	swait.ge [sflag:s7], $0x1C00  }
0x436: {  	(v2sf) =	vpush v0, $0xB;
	_ =	sdelay $0x1  }
0x437: {  	[sflag:s7] =	ssyncset.done $0x0  }
0x438: {  	s21 =	rddreg [dreg:$0xd];
	[sflag:s7] =	ssyncadd.s32 $0xFFFFE400  }
0x439: {  	[hbm:s21], [sflag:s11] =	dma.local [spmem:s9], $0x1C00  }
0x43a: {  	_ =	swait.ge [sflag:s3], $0x1C00  }
0x43b: {  	[sflag:s3] =	ssyncset.done $0x0  }
0x43c: {  	[sflag:s3] =	ssyncadd.s32 $0xFFFFE400;
	s22 =	spop (v2sf)  }
0x43d: {  	[spmem:s9], [sflag:s12] =	dma.local [hbm:s22], $0x1C00  }
0x43e: {  	_ =	swait.ge [sflag:s6], $0x1C00  }
0x43f: {  	(v2sf) =	vpush v0, $0xC;
	[sflag:s6] =	ssyncset.done $0x0  }
0x440: {  	s23 =	rddreg [dreg:$0xe];
	[sflag:s6] =	ssyncadd.s32 $0xFFFFE400  }
0x441: {  	[hbm:s23], [sflag:s8] =	dma.local [spmem:s5], $0x1C00  }
0x442: {  	_ =	swait.ge [sflag:s4], $0x1C00  }
0x443: {  	[sflag:s4] =	ssyncset.done $0x0  }
0x444: {  	s24 =	spop (v2sf);
	[sflag:s4] =	ssyncadd.s32 $0xFFFFE400  }
0x445: {  	[spmem:s5], [sflag:s10] =	dma.local [hbm:s24], $0x1C00  }
0x446: {  	_ =	swait.ge [sflag:s7], $0x1C00  }
0x447: {  	(v2sf) =	vpush v0, $0xD;
	_ =	sdelay $0x1  }
0x448: {  	[sflag:s7] =	ssyncset.done $0x0  }
0x449: {  	s25 =	rddreg [dreg:$0xf];
	[sflag:s7] =	ssyncadd.s32 $0xFFFFE400  }
0x44a: {  	[hbm:s25], [sflag:s11] =	dma.local [spmem:s9], $0x1C00  }
0x44b: {  	_ =	swait.ge [sflag:s3], $0x1C00  }
0x44c: {  	[sflag:s3] =	ssyncset.done $0x0  }
0x44d: {  	[sflag:s3] =	ssyncadd.s32 $0xFFFFE400;
	s26 =	spop (v2sf)  }
0x44e: {  	[spmem:s9], [sflag:s12] =	dma.local [hbm:s26], $0x1C00  }
0x44f: {  	_ =	swait.ge [sflag:s6], $0x1C00  }
0x450: {  	[sflag:s6] =	ssyncset.done $0x0  }
0x451: {  	s28 =	rddreg [dreg:$0x10];
	[sflag:s6] =	ssyncadd.s32 $0xFFFFE400  }
0x452: {  	[hbm:s28], [sflag:s8] =	dma.local [spmem:s5], $0x1C00  }
0x453: {  	_ =	swait.ge [sflag:s4], $0x1C00  }
0x454: {  	[sflag:s4] =	ssyncset.done $0x0  }
0x455: {  	s29 =	spop (v2sf);
	[sflag:s4] =	ssyncadd.s32 $0xFFFFE400  }
0x456: {  	[spmem:s5], [sflag:s10] =	dma.local [hbm:s29], $0x1C00  }
0x457: {  	_ =	swait.ge [sflag:s7], $0x1C00  }
0x458: {  	[sflag:s7] =	ssyncset.done $0x0  }
0x459: {  	s30 =	rddreg [dreg:$0x11];
	[sflag:s7] =	ssyncadd.s32 $0xFFFFE400  }
0x45a: {  	[hbm:s30], [sflag:s11] =	dma.local [spmem:s9], $0x1C00  }
0x45b: {  	_ =	swait.ge [sflag:s3], $0x1C00  }
0x45c: {  	[sflag:s3] =	ssyncset.done $0x0  }
0x45d: {  	[sflag:s3] =	ssyncadd.s32 $0xFFFFE400  }
0x45e: {  	v59 =	vld [tilespmem:$0x0];
	_ =	sdelay $0x4  }
0x45f: {  	v0 =	vmul.u32 $0xE000, v59;
	_ =	sdelay $0x1  }
0x460: {  	v0 =	vshrl.u32 v0, $0x3  }
0x461: {  	v0 =	vadd.s32 s2, v0  }
0x462: {  	(v2sf) =	vpush v0, $0xE;
	_ =	sdelay $0x7  }
0x463: {  	(v2sf) =	vpush v0, $0xF;
	_ =	sdelay $0x6  }
0x464: {  	s31 =	spop (v2sf)  }
0x465: {  	[spmem:s9], [sflag:s12] =	dma.local [hbm:s31], $0x1C00  }
0x466: {  	_ =	swait.ge [sflag:s6], $0x1C00  }
0x467: {  	[sflag:s6] =	ssyncset.done $0x0  }
0x468: {  	s14 =	rddreg [dreg:$0x12];
	[sflag:s6] =	ssyncadd.s32 $0xFFFFE400  }
0x469: {  	[hbm:s14], [sflag:s8] =	dma.local [spmem:s5], $0x1C00  }
0x46a: {  	_ =	swait.ge [sflag:s4], $0x1C00  }
0x46b: {  	[sflag:s4] =	ssyncset.done $0x0  }
0x46c: {  	s15 =	spop (v2sf);
	[sflag:s4] =	ssyncadd.s32 $0xFFFFE400  }
0x46d: {  	[spmem:s5], [sflag:s10] =	dma.local [hbm:s15], $0x1C00  }
0x46e: {  	_ =	swait.ge [sflag:s7], $0x1C00  }
0x46f: {  	[sflag:s7] =	ssyncset.done $0x0  }
0x470: {  	s16 =	rddreg [dreg:$0x13];
	[sflag:s7] =	ssyncadd.s32 $0xFFFFE400  }
0x471: {  	[hbm:s16], [sflag:s11] =	dma.local [spmem:s9], $0x1C00  }
0x472: {  	_ =	swait.ge [sflag:s3], $0x1C00  }
0x473: {  	[sflag:s3] =	ssyncset.done $0x0  }
0x474: {  	[sflag:s3] =	ssyncadd.s32 $0xFFFFE400  }
0x475: {  	v60 =	vld [tilespmem:$0x10];
	_ =	sdelay $0x4  }
0x476: {  	v0 =	vmul.u32 $0xE000, v60;
	_ =	sdelay $0x1  }
0x477: {  	v0 =	vshrl.u32 v0, $0x3  }
0x478: {  	v0 =	vadd.s32 s2, v0  }
0x479: {  	(v2sf) =	vpush v0, $0x0;
	_ =	sdelay $0x9  }
0x47a: {  	(v2sf) =	vpush v0, $0x1;
	_ =	sdelay $0x4  }
0x47b: {  	s17 =	spop (v2sf)  }
0x47c: {  	[spmem:s9], [sflag:s12] =	dma.local [hbm:s17], $0x1C00  }
0x47d: {  	_ =	swait.ge [sflag:s6], $0x1C00  }
0x47e: {  	(v2sf) =	vpush v0, $0x2;
	_ =	sdelay $0x1  }
0x47f: {  	[sflag:s6] =	ssyncset.done $0x0  }
0x480: {  	s18 =	rddreg [dreg:$0x14];
	[sflag:s6] =	ssyncadd.s32 $0xFFFFE400  }
0x481: {  	[hbm:s18], [sflag:s8] =	dma.local [spmem:s5], $0x1C00  }
0x482: {  	_ =	swait.ge [sflag:s4], $0x1C00  }
0x483: {  	[sflag:s4] =	ssyncset.done $0x0  }
0x484: {  	s19 =	spop (v2sf);
	[sflag:s4] =	ssyncadd.s32 $0xFFFFE400  }
0x485: {  	[spmem:s5], [sflag:s10] =	dma.local [hbm:s19], $0x1C00  }
0x486: {  	_ =	swait.ge [sflag:s7], $0x1C00  }
0x487: {  	(v2sf) =	vpush v0, $0x3;
	[sflag:s7] =	ssyncset.done $0x0  }
0x488: {  	s20 =	rddreg [dreg:$0x15];
	[sflag:s7] =	ssyncadd.s32 $0xFFFFE400  }
0x489: {  	[hbm:s20], [sflag:s11] =	dma.local [spmem:s9], $0x1C00  }
0x48a: {  	_ =	swait.ge [sflag:s3], $0x1C00  }
0x48b: {  	[sflag:s3] =	ssyncset.done $0x0  }
0x48c: {  	[sflag:s3] =	ssyncadd.s32 $0xFFFFE400;
	s21 =	spop (v2sf)  }
0x48d: {  	[spmem:s9], [sflag:s12] =	dma.local [hbm:s21], $0x1C00  }
0x48e: {  	_ =	swait.ge [sflag:s6], $0x1C00  }
0x48f: {  	(v2sf) =	vpush v0, $0x4;
	_ =	sdelay $0x1  }
0x490: {  	[sflag:s6] =	ssyncset.done $0x0  }
0x491: {  	s22 =	rddreg [dreg:$0x16];
	[sflag:s6] =	ssyncadd.s32 $0xFFFFE400  }
0x492: {  	[hbm:s22], [sflag:s8] =	dma.local [spmem:s5], $0x1C00  }
0x493: {  	_ =	swait.ge [sflag:s4], $0x1C00  }
0x494: {  	[sflag:s4] =	ssyncset.done $0x0  }
0x495: {  	s23 =	spop (v2sf);
	[sflag:s4] =	ssyncadd.s32 $0xFFFFE400  }
0x496: {  	[spmem:s5], [sflag:s10] =	dma.local [hbm:s23], $0x1C00  }
0x497: {  	_ =	swait.ge [sflag:s7], $0x1C00  }
0x498: {  	(v2sf) =	vpush v0, $0x5;
	[sflag:s7] =	ssyncset.done $0x0  }
0x499: {  	s24 =	rddreg [dreg:$0x17];
	[sflag:s7] =	ssyncadd.s32 $0xFFFFE400  }
0x49a: {  	[hbm:s24], [sflag:s11] =	dma.local [spmem:s9], $0x1C00  }
0x49b: {  	_ =	swait.ge [sflag:s3], $0x1C00  }
0x49c: {  	[sflag:s3] =	ssyncset.done $0x0  }
0x49d: {  	[sflag:s3] =	ssyncadd.s32 $0xFFFFE400;
	s25 =	spop (v2sf)  }
0x49e: {  	[spmem:s9], [sflag:s12] =	dma.local [hbm:s25], $0x1C00  }
0x49f: {  	_ =	swait.ge [sflag:s6], $0x1C00  }
0x4a0: {  	(v2sf) =	vpush v0, $0x6;
	_ =	sdelay $0x1  }
0x4a1: {  	[sflag:s6] =	ssyncset.done $0x0  }
0x4a2: {  	s26 =	rddreg [dreg:$0x18];
	[sflag:s6] =	ssyncadd.s32 $0xFFFFE400  }
0x4a3: {  	[hbm:s26], [sflag:s8] =	dma.local [spmem:s5], $0x1C00  }
0x4a4: {  	_ =	swait.ge [sflag:s4], $0x1C00  }
0x4a5: {  	[sflag:s4] =	ssyncset.done $0x0  }
0x4a6: {  	s28 =	spop (v2sf);
	[sflag:s4] =	ssyncadd.s32 $0xFFFFE400  }
0x4a7: {  	[spmem:s5], [sflag:s10] =	dma.local [hbm:s28], $0x1C00  }
0x4a8: {  	_ =	swait.ge [sflag:s7], $0x1C00  }
0x4a9: {  	(v2sf) =	vpush v0, $0x7;
	[sflag:s7] =	ssyncset.done $0x0  }
0x4aa: {  	s29 =	rddreg [dreg:$0x19];
	[sflag:s7] =	ssyncadd.s32 $0xFFFFE400  }
0x4ab: {  	[hbm:s29], [sflag:s11] =	dma.local [spmem:s9], $0x1C00  }
0x4ac: {  	_ =	swait.ge [sflag:s3], $0x1C00  }
0x4ad: {  	[sflag:s3] =	ssyncset.done $0x0  }
0x4ae: {  	[sflag:s3] =	ssyncadd.s32 $0xFFFFE400;
	s30 =	spop (v2sf)  }
0x4af: {  	[spmem:s9], [sflag:s12] =	dma.local [hbm:s30], $0x1C00  }
0x4b0: {  	_ =	swait.ge [sflag:s6], $0x1C00  }
0x4b1: {  	(v2sf) =	vpush v0, $0x8;
	_ =	sdelay $0x1  }
0x4b2: {  	[sflag:s6] =	ssyncset.done $0x0  }
0x4b3: {  	s31 =	rddreg [dreg:$0x1a];
	[sflag:s6] =	ssyncadd.s32 $0xFFFFE400  }
0x4b4: {  	[hbm:s31], [sflag:s8] =	dma.local [spmem:s5], $0x1C00  }
0x4b5: {  	_ =	swait.ge [sflag:s4], $0x1C00  }
0x4b6: {  	[sflag:s4] =	ssyncset.done $0x0  }
0x4b7: {  	s14 =	spop (v2sf);
	[sflag:s4] =	ssyncadd.s32 $0xFFFFE400  }
0x4b8: {  	[spmem:s5], [sflag:s10] =	dma.local [hbm:s14], $0x1C00  }
0x4b9: {  	_ =	swait.ge [sflag:s7], $0x1C00  }
0x4ba: {  	(v2sf) =	vpush v0, $0x9;
	[sflag:s7] =	ssyncset.done $0x0  }
0x4bb: {  	s15 =	rddreg [dreg:$0x1b];
	[sflag:s7] =	ssyncadd.s32 $0xFFFFE400  }
0x4bc: {  	[hbm:s15], [sflag:s11] =	dma.local [spmem:s9], $0x1C00  }
0x4bd: {  	_ =	swait.ge [sflag:s3], $0x1C00  }
0x4be: {  	[sflag:s3] =	ssyncset.done $0x0  }
0x4bf: {  	[sflag:s3] =	ssyncadd.s32 $0xFFFFE400;
	s16 =	spop (v2sf)  }
0x4c0: {  	[spmem:s9], [sflag:s12] =	dma.local [hbm:s16], $0x1C00  }
0x4c1: {  	_ =	swait.ge [sflag:s6], $0x1C00  }
0x4c2: {  	(v2sf) =	vpush v0, $0xA;
	_ =	sdelay $0x1  }
0x4c3: {  	[sflag:s6] =	ssyncset.done $0x0  }
0x4c4: {  	s17 =	rddreg [dreg:$0x1c];
	[sflag:s6] =	ssyncadd.s32 $0xFFFFE400  }
0x4c5: {  	[hbm:s17], [sflag:s8] =	dma.local [spmem:s5], $0x1C00  }
0x4c6: {  	_ =	swait.ge [sflag:s4], $0x1C00  }
0x4c7: {  	[sflag:s4] =	ssyncset.done $0x0  }
0x4c8: {  	s18 =	spop (v2sf);
	[sflag:s4] =	ssyncadd.s32 $0xFFFFE400  }
0x4c9: {  	[spmem:s5], [sflag:s10] =	dma.local [hbm:s18], $0x1C00  }
0x4ca: {  	_ =	swait.ge [sflag:s7], $0x1C00  }
0x4cb: {  	(v2sf) =	vpush v0, $0xB;
	[sflag:s7] =	ssyncset.done $0x0  }
0x4cc: {  	s19 =	rddreg [dreg:$0x1d];
	[sflag:s7] =	ssyncadd.s32 $0xFFFFE400  }
0x4cd: {  	[hbm:s19], [sflag:s11] =	dma.local [spmem:s9], $0x1C00  }
0x4ce: {  	_ =	swait.ge [sflag:s3], $0x1C00  }
0x4cf: {  	[sflag:s3] =	ssyncset.done $0x0  }
0x4d0: {  	[sflag:s3] =	ssyncadd.s32 $0xFFFFE400;
	s20 =	spop (v2sf)  }
0x4d1: {  	[spmem:s9], [sflag:s12] =	dma.local [hbm:s20], $0x1C00  }
0x4d2: {  	_ =	swait.ge [sflag:s6], $0x1C00  }
0x4d3: {  	(v2sf) =	vpush v0, $0xC;
	_ =	sdelay $0x1  }
0x4d4: {  	[sflag:s6] =	ssyncset.done $0x0  }
0x4d5: {  	s21 =	rddreg [dreg:$0x1e];
	[sflag:s6] =	ssyncadd.s32 $0xFFFFE400  }
0x4d6: {  	[hbm:s21], [sflag:s8] =	dma.local [spmem:s5], $0x1C00  }
0x4d7: {  	_ =	swait.ge [sflag:s4], $0x1C00  }
0x4d8: {  	[sflag:s4] =	ssyncset.done $0x0  }
0x4d9: {  	s22 =	spop (v2sf);
	[sflag:s4] =	ssyncadd.s32 $0xFFFFE400  }
0x4da: {  	[spmem:s5], [sflag:s10] =	dma.local [hbm:s22], $0x1C00  }
0x4db: {  	_ =	swait.ge [sflag:s7], $0x1C00  }
0x4dc: {  	[sflag:s7] =	ssyncset.done $0x0  }
0x4dd: {  	s23 =	rddreg [dreg:$0x1f];
	[sflag:s7] =	ssyncadd.s32 $0xFFFFE400  }
0x4de: {  	[hbm:s23], [sflag:s11] =	dma.local [spmem:s9], $0x1C00  }
0x4df: {  	_ =	swait.ge [sflag:s3], $0x1C00  }
0x4e0: {  	[sflag:s3] =	ssyncset.done $0x0  }
0x4e1: {  	[sflag:s3] =	ssyncadd.s32 $0xFFFFE400;
	s24 =	spop (v2sf)  }
0x4e2: {  	[spmem:s9], [sflag:s12] =	dma.local [hbm:s24], $0x1C00  }
0x4e3: {  	_ =	swait.ge [sflag:s6], $0x1C00  }
0x4e4: {  	s25 =	sld [smem:$0x7E9]  }
0x4e5: {  	[sflag:s6] =	ssyncset.done $0x0  }
0x4e6: {  	[sflag:s6] =	ssyncadd.s32 $0xFFFFE400  }
0x4e7: {  	[hbm:s25], [sflag:s8] =	dma.local [spmem:s5], $0x1C00  }
0x4e8: {  	_ =	swait.ge [sflag:s4], $0x1C00  }
0x4e9: {  	[sflag:s4] =	ssyncset.done $0x0  }
0x4ea: {  	[sflag:s4] =	ssyncadd.s32 $0xFFFFE400  }
0x4eb: {  	v61 =	vld [tilespmem:$0x10];
	_ =	sdelay $0x4  }
0x4ec: {  	v0 =	vmul.u32 $0xE000, v61;
	_ =	sdelay $0x1  }
0x4ed: {  	v0 =	vshrl.u32 v0, $0x3  }
0x4ee: {  	v0 =	vadd.s32 s2, v0  }
0x4ef: {  	(v2sf) =	vpush v0, $0xD;
	_ =	sdelay $0x8  }
0x4f0: {  	(v2sf) =	vpush v0, $0xE;
	_ =	sdelay $0x5  }
0x4f1: {  	s26 =	spop (v2sf)  }
0x4f2: {  	[spmem:s5], [sflag:s10] =	dma.local [hbm:s26], $0x1C00  }
0x4f3: {  	_ =	swait.ge [sflag:s7], $0x1C00  }
0x4f4: {  	(v2sf) =	vpush v0, $0xF;
	s28 =	sld [smem:$0x7EA]  }
0x4f5: {  	[sflag:s7] =	ssyncset.done $0x0  }
0x4f6: {  	[sflag:s7] =	ssyncadd.s32 $0xFFFFE400  }
0x4f7: {  	[hbm:s28], [sflag:s11] =	dma.local [spmem:s9], $0x1C00  }
0x4f8: {  	_ =	swait.ge [sflag:s3], $0x1C00  }
0x4f9: {  	[sflag:s3] =	ssyncset.done $0x0  }
0x4fa: {  	s29 =	spop (v2sf);
	[sflag:s3] =	ssyncadd.s32 $0xFFFFE400  }
0x4fb: {  	[spmem:s9], [sflag:s12] =	dma.local [hbm:s29], $0x1C00  }
0x4fc: {  	_ =	swait.ge [sflag:s6], $0x1C00  }
0x4fd: {  	s30 =	sld [smem:$0x7EB]  }
0x4fe: {  	[sflag:s6] =	ssyncset.done $0x0  }
0x4ff: {  	[sflag:s6] =	ssyncadd.s32 $0xFFFFE400  }
0x500: {  	[hbm:s30], [sflag:s8] =	dma.local [spmem:s5], $0x1C00  }
0x501: {  	_ =	swait.ge [sflag:s4], $0x1C00  }
0x502: {  	[sflag:s4] =	ssyncset.done $0x0  }
0x503: {  	s31 =	spop (v2sf);
	[sflag:s4] =	ssyncadd.s32 $0xFFFFE400  }
0x504: {  	[spmem:s5], [sflag:s10] =	dma.local [hbm:s31], $0x1C00  }
0x505: {  	_ =	swait.ge [sflag:s7], $0x1C00  }
0x506: {  	s14 =	sld [smem:$0x7EC]  }
0x507: {  	[sflag:s7] =	ssyncset.done $0x0  }
0x508: {  	[sflag:s7] =	ssyncadd.s32 $0xFFFFE400  }
0x509: {  	[hbm:s14], [sflag:s11] =	dma.local [spmem:s9], $0x1C00  }
0x50a: {  	_ =	swait.ge [sflag:s3], $0x1C00  }
0x50b: {  	[sflag:s3] =	ssyncset.done $0x0  }
0x50c: {  	[sflag:s3] =	ssyncadd.s32 $0xFFFFE400  }
0x50d: {  	v62 =	vld [tilespmem:$0x20];
	_ =	sdelay $0x4  }
0x50e: {  	v0 =	vmul.u32 $0xE000, v62;
	_ =	sdelay $0x1  }
0x50f: {  	v0 =	vshrl.u32 v0, $0x3  }
0x510: {  	v0 =	vadd.s32 s2, v0  }
0x511: {  	(v2sf) =	vpush v0, $0x0;
	_ =	sdelay $0x8  }
0x512: {  	(v2sf) =	vpush v0, $0x1;
	_ =	sdelay $0x5  }
0x513: {  	s15 =	spop (v2sf)  }
0x514: {  	[spmem:s9], [sflag:s12] =	dma.local [hbm:s15], $0x1C00  }
0x515: {  	_ =	swait.ge [sflag:s6], $0x1C00  }
0x516: {  	(v2sf) =	vpush v0, $0x2;
	s16 =	sld [smem:$0x7ED]  }
0x517: {  	[sflag:s6] =	ssyncset.done $0x0  }
0x518: {  	[sflag:s6] =	ssyncadd.s32 $0xFFFFE400  }
0x519: {  	[hbm:s16], [sflag:s8] =	dma.local [spmem:s5], $0x1C00  }
0x51a: {  	_ =	swait.ge [sflag:s4], $0x1C00  }
0x51b: {  	[sflag:s4] =	ssyncset.done $0x0  }
0x51c: {  	s17 =	spop (v2sf);
	[sflag:s4] =	ssyncadd.s32 $0xFFFFE400  }
0x51d: {  	[spmem:s5], [sflag:s10] =	dma.local [hbm:s17], $0x1C00  }
0x51e: {  	_ =	swait.ge [sflag:s7], $0x1C00  }
0x51f: {  	(v2sf) =	vpush v0, $0x3;
	s18 =	sld [smem:$0x7EE]  }
0x520: {  	[sflag:s7] =	ssyncset.done $0x0  }
0x521: {  	[sflag:s7] =	ssyncadd.s32 $0xFFFFE400  }
0x522: {  	[hbm:s18], [sflag:s11] =	dma.local [spmem:s9], $0x1C00  }
0x523: {  	_ =	swait.ge [sflag:s3], $0x1C00  }
0x524: {  	[sflag:s3] =	ssyncset.done $0x0  }
0x525: {  	s19 =	spop (v2sf);
	[sflag:s3] =	ssyncadd.s32 $0xFFFFE400  }
0x526: {  	[spmem:s9], [sflag:s12] =	dma.local [hbm:s19], $0x1C00  }
0x527: {  	_ =	swait.ge [sflag:s6], $0x1C00  }
0x528: {  	(v2sf) =	vpush v0, $0x4;
	s20 =	sld [smem:$0x7EF]  }
0x529: {  	[sflag:s6] =	ssyncset.done $0x0  }
0x52a: {  	[sflag:s6] =	ssyncadd.s32 $0xFFFFE400  }
0x52b: {  	[hbm:s20], [sflag:s8] =	dma.local [spmem:s5], $0x1C00  }
0x52c: {  	_ =	swait.ge [sflag:s4], $0x1C00  }
0x52d: {  	[sflag:s4] =	ssyncset.done $0x0  }
0x52e: {  	s21 =	spop (v2sf);
	[sflag:s4] =	ssyncadd.s32 $0xFFFFE400  }
0x52f: {  	[spmem:s5], [sflag:s10] =	dma.local [hbm:s21], $0x1C00  }
0x530: {  	_ =	swait.ge [sflag:s7], $0x1C00  }
0x531: {  	(v2sf) =	vpush v0, $0x5;
	s22 =	sld [smem:$0x7F0]  }
0x532: {  	[sflag:s7] =	ssyncset.done $0x0  }
0x533: {  	[sflag:s7] =	ssyncadd.s32 $0xFFFFE400  }
0x534: {  	[hbm:s22], [sflag:s11] =	dma.local [spmem:s9], $0x1C00  }
0x535: {  	_ =	swait.ge [sflag:s3], $0x1C00  }
0x536: {  	[sflag:s3] =	ssyncset.done $0x0  }
0x537: {  	s23 =	spop (v2sf);
	[sflag:s3] =	ssyncadd.s32 $0xFFFFE400  }
0x538: {  	[spmem:s9], [sflag:s12] =	dma.local [hbm:s23], $0x1C00  }
0x539: {  	_ =	swait.ge [sflag:s6], $0x1C00  }
0x53a: {  	(v2sf) =	vpush v0, $0x6;
	s24 =	sld [smem:$0x7F1]  }
0x53b: {  	[sflag:s6] =	ssyncset.done $0x0  }
0x53c: {  	[sflag:s6] =	ssyncadd.s32 $0xFFFFE400  }
0x53d: {  	[hbm:s24], [sflag:s8] =	dma.local [spmem:s5], $0x1C00  }
0x53e: {  	_ =	swait.ge [sflag:s4], $0x1C00  }
0x53f: {  	[sflag:s4] =	ssyncset.done $0x0  }
0x540: {  	s25 =	spop (v2sf);
	[sflag:s4] =	ssyncadd.s32 $0xFFFFE400  }
0x541: {  	[spmem:s5], [sflag:s10] =	dma.local [hbm:s25], $0x1C00  }
0x542: {  	_ =	swait.ge [sflag:s7], $0x1C00  }
0x543: {  	(v2sf) =	vpush v0, $0x7;
	s26 =	sld [smem:$0x7F2]  }
0x544: {  	[sflag:s7] =	ssyncset.done $0x0  }
0x545: {  	[sflag:s7] =	ssyncadd.s32 $0xFFFFE400  }
0x546: {  	[hbm:s26], [sflag:s11] =	dma.local [spmem:s9], $0x1C00  }
0x547: {  	_ =	swait.ge [sflag:s3], $0x1C00  }
0x548: {  	[sflag:s3] =	ssyncset.done $0x0  }
0x549: {  	s28 =	spop (v2sf);
	[sflag:s3] =	ssyncadd.s32 $0xFFFFE400  }
0x54a: {  	[spmem:s9], [sflag:s12] =	dma.local [hbm:s28], $0x1C00  }
0x54b: {  	_ =	swait.ge [sflag:s6], $0x1C00  }
0x54c: {  	(v2sf) =	vpush v0, $0x8;
	s29 =	sld [smem:$0x7F3]  }
0x54d: {  	[sflag:s6] =	ssyncset.done $0x0  }
0x54e: {  	[sflag:s6] =	ssyncadd.s32 $0xFFFFE400  }
0x54f: {  	[hbm:s29], [sflag:s8] =	dma.local [spmem:s5], $0x1C00  }
0x550: {  	_ =	swait.ge [sflag:s4], $0x1C00  }
0x551: {  	[sflag:s4] =	ssyncset.done $0x0  }
0x552: {  	s30 =	spop (v2sf);
	[sflag:s4] =	ssyncadd.s32 $0xFFFFE400  }
0x553: {  	[spmem:s5], [sflag:s10] =	dma.local [hbm:s30], $0x1C00  }
0x554: {  	_ =	swait.ge [sflag:s7], $0x1C00  }
0x555: {  	(v2sf) =	vpush v0, $0x9;
	s31 =	sld [smem:$0x7F4]  }
0x556: {  	[sflag:s7] =	ssyncset.done $0x0  }
0x557: {  	[sflag:s7] =	ssyncadd.s32 $0xFFFFE400  }
0x558: {  	[hbm:s31], [sflag:s11] =	dma.local [spmem:s9], $0x1C00  }
0x559: {  	_ =	swait.ge [sflag:s3], $0x1C00  }
0x55a: {  	[sflag:s3] =	ssyncset.done $0x0  }
0x55b: {  	s14 =	spop (v2sf);
	[sflag:s3] =	ssyncadd.s32 $0xFFFFE400  }
0x55c: {  	[spmem:s9], [sflag:s12] =	dma.local [hbm:s14], $0x1C00  }
0x55d: {  	_ =	swait.ge [sflag:s6], $0x1C00  }
0x55e: {  	(v2sf) =	vpush v0, $0xA;
	s15 =	sld [smem:$0x7F5]  }
0x55f: {  	[sflag:s6] =	ssyncset.done $0x0  }
0x560: {  	[sflag:s6] =	ssyncadd.s32 $0xFFFFE400  }
0x561: {  	[hbm:s15], [sflag:s8] =	dma.local [spmem:s5], $0x1C00  }
0x562: {  	_ =	swait.ge [sflag:s4], $0x1C00  }
0x563: {  	[sflag:s4] =	ssyncset.done $0x0  }
0x564: {  	s16 =	spop (v2sf);
	[sflag:s4] =	ssyncadd.s32 $0xFFFFE400  }
0x565: {  	[spmem:s5], [sflag:s10] =	dma.local [hbm:s16], $0x1C00  }
0x566: {  	_ =	swait.ge [sflag:s7], $0x1C00  }
0x567: {  	(v2sf) =	vpush v0, $0xB;
	s17 =	sld [smem:$0x7F6]  }
0x568: {  	[sflag:s7] =	ssyncset.done $0x0  }
0x569: {  	[sflag:s7] =	ssyncadd.s32 $0xFFFFE400  }
0x56a: {  	[hbm:s17], [sflag:s11] =	dma.local [spmem:s9], $0x1C00  }
0x56b: {  	_ =	swait.ge [sflag:s3], $0x1C00  }
0x56c: {  	[sflag:s3] =	ssyncset.done $0x0  }
0x56d: {  	s18 =	spop (v2sf);
	[sflag:s3] =	ssyncadd.s32 $0xFFFFE400  }
0x56e: {  	[spmem:s9], [sflag:s12] =	dma.local [hbm:s18], $0x1C00  }
0x56f: {  	_ =	swait.ge [sflag:s6], $0x1C00  }
0x570: {  	(v2sf) =	vpush v0, $0xC;
	s19 =	sld [smem:$0x7F7]  }
0x571: {  	[sflag:s6] =	ssyncset.done $0x0  }
0x572: {  	[sflag:s6] =	ssyncadd.s32 $0xFFFFE400  }
0x573: {  	[hbm:s19], [sflag:s8] =	dma.local [spmem:s5], $0x1C00  }
0x574: {  	_ =	swait.ge [sflag:s4], $0x1C00  }
0x575: {  	[sflag:s4] =	ssyncset.done $0x0  }
0x576: {  	s20 =	spop (v2sf);
	[sflag:s4] =	ssyncadd.s32 $0xFFFFE400  }
0x577: {  	[spmem:s5], [sflag:s10] =	dma.local [hbm:s20], $0x1C00  }
0x578: {  	_ =	swait.ge [sflag:s7], $0x1C00  }
0x579: {  	s21 =	sld [smem:$0x7F8]  }
0x57a: {  	[sflag:s7] =	ssyncset.done $0x0  }
0x57b: {  	[sflag:s7] =	ssyncadd.s32 $0xFFFFE400  }
0x57c: {  	[hbm:s21], [sflag:s11] =	dma.local [spmem:s9], $0x1C00  }
0x57d: {  	_ =	swait.ge [sflag:s3], $0x1C00  }
0x57e: {  	[sflag:s3] =	ssyncset.done $0x0  }
0x57f: {  	s22 =	spop (v2sf);
	[sflag:s3] =	ssyncadd.s32 $0xFFFFE400  }
0x580: {  	[spmem:s9], [sflag:s12] =	dma.local [hbm:s22], $0x1C00  }
0x581: {  	_ =	swait.ge [sflag:s6], $0x1C00  }
0x582: {  	s23 =	sld [smem:$0x7F9]  }
0x583: {  	[sflag:s6] =	ssyncset.done $0x0  }
0x584: {  	[sflag:s6] =	ssyncadd.s32 $0xFFFFE400  }
0x585: {  	[hbm:s23], [sflag:s8] =	dma.local [spmem:s5], $0x1C00  }
0x586: {  	_ =	swait.ge [sflag:s4], $0x1C00  }
0x587: {  	[sflag:s4] =	ssyncset.done $0x0  }
0x588: {  	[sflag:s4] =	ssyncadd.s32 $0xFFFFE400  }
0x589: {  	v63 =	vld [tilespmem:$0x20];
	_ =	sdelay $0x4  }
0x58a: {  	v0 =	vmul.u32 $0xE000, v63;
	_ =	sdelay $0x1  }
0x58b: {  	v0 =	vshrl.u32 v0, $0x3  }
0x58c: {  	v0 =	vadd.s32 s2, v0  }
0x58d: {  	(v2sf) =	vpush v0, $0xD;
	_ =	sdelay $0x8  }
0x58e: {  	(v2sf) =	vpush v0, $0xE;
	_ =	sdelay $0x5  }
0x58f: {  	s24 =	spop (v2sf)  }
0x590: {  	[spmem:s5], [sflag:s10] =	dma.local [hbm:s24], $0x1C00  }
0x591: {  	_ =	swait.ge [sflag:s7], $0x1C00  }
0x592: {  	(v2sf) =	vpush v0, $0xF;
	s25 =	sld [smem:$0x7FA]  }
0x593: {  	[sflag:s7] =	ssyncset.done $0x0  }
0x594: {  	[sflag:s7] =	ssyncadd.s32 $0xFFFFE400  }
0x595: {  	[hbm:s25], [sflag:s11] =	dma.local [spmem:s9], $0x1C00  }
0x596: {  	_ =	swait.ge [sflag:s3], $0x1C00  }
0x597: {  	[sflag:s3] =	ssyncset.done $0x0  }
0x598: {  	s26 =	spop (v2sf);
	[sflag:s3] =	ssyncadd.s32 $0xFFFFE400  }
0x599: {  	[spmem:s9], [sflag:s12] =	dma.local [hbm:s26], $0x1C00  }
0x59a: {  	_ =	swait.ge [sflag:s6], $0x1C00  }
0x59b: {  	s28 =	sld [smem:$0x7FB]  }
0x59c: {  	[sflag:s6] =	ssyncset.done $0x0  }
0x59d: {  	[sflag:s6] =	ssyncadd.s32 $0xFFFFE400  }
0x59e: {  	[hbm:s28], [sflag:s8] =	dma.local [spmem:s5], $0x1C00  }
0x59f: {  	_ =	swait.ge [sflag:s4], $0x1C00  }
0x5a0: {  	[sflag:s4] =	ssyncset.done $0x0  }
0x5a1: {  	s29 =	spop (v2sf);
	[sflag:s4] =	ssyncadd.s32 $0xFFFFE400  }
0x5a2: {  	[spmem:s5], [sflag:s10] =	dma.local [hbm:s29], $0x1C00  }
0x5a3: {  	_ =	swait.ge [sflag:s7], $0x1C00  }
0x5a4: {  	s30 =	sld [smem:$0x7FC]  }
0x5a5: {  	[sflag:s7] =	ssyncset.done $0x0  }
0x5a6: {  	[sflag:s7] =	ssyncadd.s32 $0xFFFFE400  }
0x5a7: {  	[hbm:s30], [sflag:s11] =	dma.local [spmem:s9], $0x1C00  }
0x5a8: {  	_ =	swait.ge [sflag:s6], $0x1C00  }
0x5a9: {  	s31 =	sld [smem:$0x7FD]  }
0x5aa: {  	[sflag:s6] =	ssyncset.done $0x0  }
0x5ab: {  	[sflag:s6] =	ssyncadd.s32 $0xFFFFE400  }
0x5ac: {  	[hbm:s31], [sflag:s8] =	dma.local [spmem:s5], $0x1C00  }
0x5ad: {  	_ =	swait.ge [sflag:s3], $0x1C00  }
0x5ae: {  	[sflag:s3] =	ssyncset.done $0x0  }
0x5af: {  	[sflag:s3] =	ssyncadd.s32 $0xFFFFE400  }
0x5b0: {  	_ =	swait.ge [sflag:s4], $0x1C00  }
0x5b1: {  	[sflag:s4] =	ssyncset.done $0x0  }
0x5b2: {  	[sflag:s4] =	ssyncadd.s32 $0xFFFFE400  }
0x5b3: {  	_ =	sfence.sel $0x180000  }
0x5b4: {  	[bflag:$0x0] =	sbarrier.arrive $0xFFFF  }
0x5b5: {  	p0 =	sne.s32 s0, $0x0;
	_ =	strace $0x90000047  }
0x5b6: {  	s0 =	sadd.s32 @!p0 $0x100000, s1;
	[bflag:$0x2] =	sbarrier.arrive $0xFFFF  }
0x5b7: {  	[sflag:s0] =	ssyncadd.tile.s32 @!p0 $0x1;
	_ =	shalt  }
.Lfunc_end2:
_tile_overlayer_lowered:
.L_overlay_start_2:
0x5b8: {  	(tag) =	ssettag $0x2  }
0x5b9: {  	s0 =	rddreg [dreg:$0x0];
	s2 =	stileid.u32  }
0x5ba: {  	s1 =	rddreg [dreg:$0x1];
	p0 =	sne.s32 s2, $0x0  }
0x5bb: {  	s3 =	rddreg [dreg:$0x2];
	[bflag:$0x3] =	sbarrier.arrive $0xFFFF;
	s2 =	simm.s32 @!p0 $0x1C05  }
0x5bc: {  	[timem:s3], [sflag:s2] =	dma.local @!p0 [hbm:s0], s1  }
0x5bd: {  	s0 =	simm.s32 @!p0 $0x5  }
0x5be: {  	_ =	swait.ge @!p0 [sflag:s0], s1  }
0x5bf: {  	s1 =	ssub.s32 @!p0 $0x0, s1;
	[sflag:s0] =	ssyncset.done @!p0 $0x0  }
0x5c0: {  	[sflag:s0] =	ssyncadd.s32 @!p0 s1  }
0x5c1: {  	[bflag:$0x3] =	sbarrier.arrive $0xFFFF  }
0x5c2: {  	_ =	shalt  }

</sc_bundles>
